<compile_context>
chip_gen: v7x
topology: tpu7x:2x2x1
jax: 0.10.2.dev20260603
libtpu: 0.0.44.dev20260713+nightly
codegen_flags: <defaults>
</compile_context>

<pallas_src>
import functools

import jax
import jax.numpy as jnp
from jax import lax
from jax.experimental import pallas as pl
from jax.experimental.pallas import tpu as pltpu
from jax.experimental.pallas import tpu_sc as plsc

_NC = 2
_NS = 16
_NW = _NC * _NS

_B = 16384
_D = 64
_BPW = _B // _NW
_CHUNK = 64
_NCHUNK = _BPW // _CHUNK


def _fire_chunk(tab_ref, idx_v, obuf_v, sem, j):
    copies = []
    for g in range(_CHUNK // 16):
        v = idx_v[pl.ds(j * _CHUNK + g * 16, 16)]
        for k in range(16):
            copies.append(pltpu.async_copy(
                tab_ref.at[pl.ds(v[k], 1), :],
                obuf_v.at[pl.ds(g * 16 + k, 1), :], sem))
    return copies


def _gather_body(user_hbm, item_hbm, utab_hbm, itab_hbm, ue_out, ie_out,
                 uidx_v, iidx_v, ubuf_v, ibuf_v, usem, isem):
    wid = lax.axis_index("s") * _NC + lax.axis_index("c")
    base = wid * _BPW
    pltpu.sync_copy(user_hbm.at[pl.ds(base, _BPW)], uidx_v)
    pltpu.sync_copy(item_hbm.at[pl.ds(base, _BPW)], iidx_v)

    def chunk_body(j, _):
        ucopies = _fire_chunk(utab_hbm, uidx_v, ubuf_v, usem, j)
        icopies = _fire_chunk(itab_hbm, iidx_v, ibuf_v, isem, j)
        for c in ucopies:
            c.wait()
        pltpu.sync_copy(ubuf_v,
                        ue_out.at[pl.ds(base + j * _CHUNK, _CHUNK)])
        for c in icopies:
            c.wait()
        pltpu.sync_copy(ibuf_v,
                        ie_out.at[pl.ds(base + j * _CHUNK, _CHUNK)])
        return ()

    lax.fori_loop(0, _NCHUNK, chunk_body, ())


def _sc_gather():
    return pl.kernel(
        _gather_body,
        mesh=plsc.VectorSubcoreMesh(core_axis_name="c", subcore_axis_name="s"),
        out_type=[
            jax.ShapeDtypeStruct((_B, _D), jnp.float32),
            jax.ShapeDtypeStruct((_B, _D), jnp.float32),
        ],
        scratch_types=[
            pltpu.VMEM((_BPW,), jnp.int32),
            pltpu.VMEM((_BPW,), jnp.int32),
            pltpu.VMEM((_CHUNK, _D), jnp.float32),
            pltpu.VMEM((_CHUNK, _D), jnp.float32),
            pltpu.SemaphoreType.DMA,
            pltpu.SemaphoreType.DMA,
        ],
    )


def _mlp_body(ue, ie, w1a, w1b, b1, w2, b2, w3, b3, out):
    dot = functools.partial(jnp.dot, preferred_element_type=jnp.float32)
    x = dot(ue[...], w1a[...]) + dot(ie[...], w1b[...]) + b1[...]
    x = jnp.maximum(x, 0.0)
    h = jnp.maximum(dot(x, w2[...]) + b2[...], 0.0)
    out[...] = dot(h, w3[...]) + b3[...]


def kernel(user, item, user_table, item_table, W1, b1, W2, b2, W3, b3):
    user = jnp.asarray(user, jnp.int32)
    item = jnp.asarray(item, jnp.int32)
    ue, ie = _sc_gather()(user, item, user_table, item_table)

    bs = 2048
    grid = (_B // bs,)
    full = lambda r, c: pl.BlockSpec((r, c), lambda i: (0, 0))
    out = pl.pallas_call(
        _mlp_body,
        grid=grid,
        in_specs=[
            pl.BlockSpec((bs, _D), lambda i: (i, 0)),
            pl.BlockSpec((bs, _D), lambda i: (i, 0)),
            full(_D, 64), full(_D, 64), full(1, 64),
            full(64, 32), full(1, 32),
            full(32, 1), full(1, 1),
        ],
        out_specs=pl.BlockSpec((bs, 1), lambda i: (i, 0)),
        out_shape=jax.ShapeDtypeStruct((_B, 1), jnp.float32),
    )(ue, ie, W1[:_D], W1[_D:], b1.reshape(1, 64),
      W2, b2.reshape(1, 32), W3, b3.reshape(1, 1))
    return out

# --- scband reference (transcript-rebuilt; emitter-appended) ---
"""Pipeline reference for scband-ncf-29729763623662 (READ-ONLY COPY).

The authoritative reference and input builder live on the scoring server;
editing this copy changes nothing except your own understanding.
"""

import jax, jax.numpy as jnp
import numpy as np

NUM_USERS = 1000000
NUM_ITEMS = 1000000
HIDDEN = 64
BATCH = 16384

def setup_inputs(seed: int = 0) -> dict:
    key = jax.random.key(seed)
    ks = jax.random.split(key, 10)
    user = jax.random.randint(ks[0], (BATCH,), 0, NUM_USERS, dtype=jnp.int64 if jax.config.jax_enable_x64 else jnp.int32)
    item = jax.random.randint(ks[1], (BATCH,), 0, NUM_ITEMS, dtype=jnp.int64 if jax.config.jax_enable_x64 else jnp.int32)
    user_table = jax.random.normal(ks[2], (NUM_USERS, HIDDEN), dtype=jnp.float32)
    item_table = jax.random.normal(ks[3], (NUM_ITEMS, HIDDEN), dtype=jnp.float32)
    W1 = jax.random.normal(ks[4], (HIDDEN * 2, 64), dtype=jnp.float32) * (1.0 / np.sqrt(HIDDEN * 2))
    b1 = jnp.zeros((64,), dtype=jnp.float32)
    W2 = jax.random.normal(ks[5], (64, 32), dtype=jnp.float32) * (1.0 / np.sqrt(64))
    b2 = jnp.zeros((32,), dtype=jnp.float32)
    W3 = jax.random.normal(ks[6], (32, 1), dtype=jnp.float32) * (1.0 / np.sqrt(32))
    b3 = jnp.zeros((1,), dtype=jnp.float32)
    return {"user": user, "item": item, "user_table": user_table, "item_table": item_table,
            "W1": W1, "b1": b1, "W2": W2, "b2": b2, "W3": W3, "b3": b3}

def reference(user, item, user_table, item_table, W1, b1, W2, b2, W3, b3):
    # Embedding lookups (gather)
    ue = jnp.take(user_table, user, axis=0)
    ie = jnp.take(item_table, item, axis=0)
    interaction = jnp.concatenate([ue, ie], axis=-1)
    # Dropout is identity in eval mode
    x = jax.nn.relu(interaction @ W1 + b1)
    x = jax.nn.relu(x @ W2 + b2)
    out = x @ W3 + b3
    return out

if __name__ == "__main__":
    import jax
    _d = setup_inputs()
    print(jax.jit(kernel)(*tuple(_d.values())))

</pallas_src>

<mosaic_0001>
#map = affine_map<(d0, d1) -> (0)>
#map1 = affine_map<(d0, d1) -> (0, 0)>
module attributes {stable_mosaic.version = 14 : i64} {
  func.func @_gather_body(%arg0: i32, %arg1: i32, %arg2: memref<16384xi32, #tpu.memory_space<hbm>>, %arg3: memref<16384xi32, #tpu.memory_space<hbm>>, %arg4: memref<1000000x64xf32, #tpu.memory_space<hbm>>, %arg5: memref<1000000x64xf32, #tpu.memory_space<hbm>>, %arg6: memref<16384x64xf32, #tpu.memory_space<hbm>>, %arg7: memref<16384x64xf32, #tpu.memory_space<hbm>>, %arg8: memref<512xi32, #tpu.memory_space<vmem>>, %arg9: memref<512xi32, #tpu.memory_space<vmem>>, %arg10: memref<64x64xf32, #tpu.memory_space<vmem>>, %arg11: memref<64x64xf32, #tpu.memory_space<vmem>>, %arg12: memref<!tpu.dma_semaphore, #tpu.memory_space<semaphore_mem>>, %arg13: memref<!tpu.dma_semaphore, #tpu.memory_space<semaphore_mem>>) attributes {dimension_semantics = [#tpu.dimension_semantics<core_parallel>, #tpu.dimension_semantics<subcore_parallel>], iteration_bounds = array<i64: 2, 16>, scalar_prefetch = 0 : i64, scratch_operands = 6 : i64, tpu.core_type = #tpu.core_type<sc_vector_subcore>, window_params = [{transform_indices = #map}, {transform_indices = #map}, {transform_indices = #map1}, {transform_indices = #map1}, {transform_indices = #map1}, {transform_indices = #map1}]} {
    %mul3A = arith.constant 2 : i32
    %mul3A_0 = arith.muli %arg1, %mul3A : i32
    %add3A = arith.addi %mul3A_0, %arg0 : i32
    %mul3A_1 = arith.constant 512 : i32
    %mul3A_2 = arith.muli %add3A, %mul3A_1 : i32
    "tpu.region"() ({
      %run_scoped3A = tpu.sem_alloc : memref<!tpu.dma_semaphore, #tpu.memory_space<semaphore_mem>>
      %dma_start3A = tpu.memref_slice %arg2[%mul3A_2] : memref<16384xi32, #tpu.memory_space<hbm>> -> memref<512xi32, #tpu.memory_space<hbm>>
      %dma_start3A_7 = tpu.memref_slice %arg2[%mul3A_2] : memref<16384xi32, #tpu.memory_space<hbm>> -> memref<512xi32, #tpu.memory_space<hbm>>
      tpu.enqueue_dma source(%dma_start3A_7 : memref<512xi32, #tpu.memory_space<hbm>>) target(%arg8 : memref<512xi32, #tpu.memory_space<vmem>>) target_semaphore(%run_scoped3A : memref<!tpu.dma_semaphore, #tpu.memory_space<semaphore_mem>>)
      %dma_wait3A = tpu.memref_slice %arg2[%mul3A_2] : memref<16384xi32, #tpu.memory_space<hbm>> -> memref<512xi32, #tpu.memory_space<hbm>>
      %dma_wait3A_8 = tpu.memref_slice %arg2[%mul3A_2] : memref<16384xi32, #tpu.memory_space<hbm>> -> memref<512xi32, #tpu.memory_space<hbm>>
      tpu.wait_dma2 semaphore(%run_scoped3A : memref<!tpu.dma_semaphore, #tpu.memory_space<semaphore_mem>>) src(%dma_wait3A_8 : memref<512xi32, #tpu.memory_space<hbm>>) dst(%arg8 : memref<512xi32, #tpu.memory_space<vmem>>)
      tpu.yield
    }) : () -> ()
    "tpu.region"() ({
      %run_scoped3A = tpu.sem_alloc : memref<!tpu.dma_semaphore, #tpu.memory_space<semaphore_mem>>
      %dma_start3A = tpu.memref_slice %arg3[%mul3A_2] : memref<16384xi32, #tpu.memory_space<hbm>> -> memref<512xi32, #tpu.memory_space<hbm>>
      %dma_start3A_7 = tpu.memref_slice %arg3[%mul3A_2] : memref<16384xi32, #tpu.memory_space<hbm>> -> memref<512xi32, #tpu.memory_space<hbm>>
      tpu.enqueue_dma source(%dma_start3A_7 : memref<512xi32, #tpu.memory_space<hbm>>) target(%arg9 : memref<512xi32, #tpu.memory_space<vmem>>) target_semaphore(%run_scoped3A : memref<!tpu.dma_semaphore, #tpu.memory_space<semaphore_mem>>)
      %dma_wait3A = tpu.memref_slice %arg3[%mul3A_2] : memref<16384xi32, #tpu.memory_space<hbm>> -> memref<512xi32, #tpu.memory_space<hbm>>
      %dma_wait3A_8 = tpu.memref_slice %arg3[%mul3A_2] : memref<16384xi32, #tpu.memory_space<hbm>> -> memref<512xi32, #tpu.memory_space<hbm>>
      tpu.wait_dma2 semaphore(%run_scoped3A : memref<!tpu.dma_semaphore, #tpu.memory_space<semaphore_mem>>) src(%dma_wait3A_8 : memref<512xi32, #tpu.memory_space<hbm>>) dst(%arg9 : memref<512xi32, #tpu.memory_space<vmem>>)
      tpu.yield
    }) : () -> ()
    %scan3A = arith.constant 0 : i32
    %scan3A_3 = arith.constant 8 : i32
    %scan3A_4 = arith.addi %scan3A, %scan3A_3 : i32
    %scan3A_5 = arith.constant 1 : i32
    scf.for %scan3A_7 = %scan3A to %scan3A_4 step %scan3A_5  : i32 {
      %mul3A_8 = arith.constant 64 : i32
      %mul3A_9 = arith.muli %scan3A_7, %mul3A_8 : i32
      %add3A_10 = arith.constant 0 : i32
      %add3A_11 = arith.addi %mul3A_9, %add3A_10 : i32
      %get3A = arith.index_cast %add3A_11 : i32 to index
      %get3A_12 = tpu.vector_load %arg8[%get3A] {strides = array<i32>} : memref<512xi32, #tpu.memory_space<vmem>>, vector<16xi32>,
      %get3A_13 = vector.shape_cast %get3A_12 : vector<16xi32> to vector<16xi32>
      %slice3A = vector.extract_strided_slice %get3A_13 {offsets = [0], sizes = [1], strides = [1]} : vector<16xi32> to vector<1xi32>
      %squeeze3A = vector.extract %slice3A[0] : i32 from vector<1xi32>
      %dma_start3A = arith.constant 0 : i32
      %dma_start3A_14 = arith.constant 0 : i32
      %dma_start3A_15 = tpu.memref_slice %arg10[%dma_start3A, %dma_start3A_14] : memref<64x64xf32, #tpu.memory_space<vmem>> -> memref<1x64xf32, #tpu.memory_space<vmem>>
      %dma_start3A_16 = arith.constant 0 : i32
      %dma_start3A_17 = tpu.memref_slice %arg4[%squeeze3A, %dma_start3A_16] : memref<1000000x64xf32, #tpu.memory_space<hbm>> -> memref<1x64xf32, #tpu.memory_space<hbm>>
      %dma_start3A_18 = arith.constant 0 : i32
      %dma_start3A_19 = arith.constant 0 : i32
      %dma_start3A_20 = tpu.memref_slice %arg10[%dma_start3A_18, %dma_start3A_19] : memref<64x64xf32, #tpu.memory_space<vmem>> -> memref<1x64xf32, #tpu.memory_space<vmem>>
      %dma_start3A_21 = arith.constant 0 : i32
      %dma_start3A_22 = tpu.memref_slice %arg4[%squeeze3A, %dma_start3A_21] : memref<1000000x64xf32, #tpu.memory_space<hbm>> -> memref<1x64xf32, #tpu.memory_space<hbm>>
      tpu.enqueue_dma source(%dma_start3A_22 : memref<1x64xf32, #tpu.memory_space<hbm>>) target(%dma_start3A_20 : memref<1x64xf32, #tpu.memory_space<vmem>>) target_semaphore(%arg12 : memref<!tpu.dma_semaphore, #tpu.memory_space<semaphore_mem>>)
      %slice3A_23 = vector.extract_strided_slice %get3A_13 {offsets = [1], sizes = [1], strides = [1]} : vector<16xi32> to vector<1xi32>
      %squeeze3A_24 = vector.extract %slice3A_23[0] : i32 from vector<1xi32>
      %dma_start3A_25 = arith.constant 1 : i32
      %dma_start3A_26 = arith.constant 0 : i32
      %dma_start3A_27 = tpu.memref_slice %arg10[%dma_start3A_25, %dma_start3A_26] : memref<64x64xf32, #tpu.memory_space<vmem>> -> memref<1x64xf32, #tpu.memory_space<vmem>>
      %dma_start3A_28 = arith.constant 0 : i32
      %dma_start3A_29 = tpu.memref_slice %arg4[%squeeze3A_24, %dma_start3A_28] : memref<1000000x64xf32, #tpu.memory_space<hbm>> -> memref<1x64xf32, #tpu.memory_space<hbm>>
      %dma_start3A_30 = arith.constant 1 : i32
      %dma_start3A_31 = arith.constant 0 : i32
      %dma_start3A_32 = tpu.memref_slice %arg10[%dma_start3A_30, %dma_start3A_31] : memref<64x64xf32, #tpu.memory_space<vmem>> -> memref<1x64xf32, #tpu.memory_space<vmem>>
      %dma_start3A_33 = arith.constant 0 : i32
      %dma_start3A_34 = tpu.memref_slice %arg4[%squeeze3A_24, %dma_start3A_33] : memref<1000000x64xf32, #tpu.memory_space<hbm>> -> memref<1x64xf32, #tpu.memory_space<hbm>>
      tpu.enqueue_dma source(%dma_start3A_34 : memref<1x64xf32, #tpu.memory_space<hbm>>) target(%dma_start3A_32 : memref<1x64xf32, #tpu.memory_space<vmem>>) target_semaphore(%arg12 : memref<!tpu.dma_semaphore, #tpu.memory_space<semaphore_mem>>)
      %slice3A_35 = vector.extract_strided_slice %get3A_13 {offsets = [2], sizes = [1], strides = [1]} : vector<16xi32> to vector<1xi32>
      %squeeze3A_36 = vector.extract %slice3A_35[0] : i32 from vector<1xi32>
      %dma_start3A_37 = arith.constant 2 : i32
      %dma_start3A_38 = arith.constant 0 : i32
      %dma_start3A_39 = tpu.memref_slice %arg10[%dma_start3A_37, %dma_start3A_38] : memref<64x64xf32, #tpu.memory_space<vmem>> -> memref<1x64xf32, #tpu.memory_space<vmem>>
      %dma_start3A_40 = arith.constant 0 : i32
      %dma_start3A_41 = tpu.memref_slice %arg4[%squeeze3A_36, %dma_start3A_40] : memref<1000000x64xf32, #tpu.memory_space<hbm>> -> memref<1x64xf32, #tpu.memory_space<hbm>>
      %dma_start3A_42 = arith.constant 2 : i32
      %dma_start3A_43 = arith.constant 0 : i32
      %dma_start3A_44 = tpu.memref_slice %arg10[%dma_start3A_42, %dma_start3A_43] : memref<64x64xf32, #tpu.memory_space<vmem>> -> memref<1x64xf32, #tpu.memory_space<vmem>>
      %dma_start3A_45 = arith.constant 0 : i32
      %dma_start3A_46 = tpu.memref_slice %arg4[%squeeze3A_36, %dma_start3A_45] : memref<1000000x64xf32, #tpu.memory_space<hbm>> -> memref<1x64xf32, #tpu.memory_space<hbm>>
      tpu.enqueue_dma source(%dma_start3A_46 : memref<1x64xf32, #tpu.memory_space<hbm>>) target(%dma_start3A_44 : memref<1x64xf32, #tpu.memory_space<vmem>>) target_semaphore(%arg12 : memref<!tpu.dma_semaphore, #tpu.memory_space<semaphore_mem>>)
      %slice3A_47 = vector.extract_strided_slice %get3A_13 {offsets = [3], sizes = [1], strides = [1]} : vector<16xi32> to vector<1xi32>
      %squeeze3A_48 = vector.extract %slice3A_47[0] : i32 from vector<1xi32>
      %dma_start3A_49 = arith.constant 3 : i32
      %dma_start3A_50 = arith.constant 0 : i32
      %dma_start3A_51 = tpu.memref_slice %arg10[%dma_start3A_49, %dma_start3A_50] : memref<64x64xf32, #tpu.memory_space<vmem>> -> memref<1x64xf32, #tpu.memory_space<vmem>>
      %dma_start3A_52 = arith.constant 0 : i32
      %dma_start3A_53 = tpu.memref_slice %arg4[%squeeze3A_48, %dma_start3A_52] : memref<1000000x64xf32, #tpu.memory_space<hbm>> -> memref<1x64xf32, #tpu.memory_space<hbm>>
      %dma_start3A_54 = arith.constant 3 : i32
      %dma_start3A_55 = arith.constant 0 : i32
      %dma_start3A_56 = tpu.memref_slice %arg10[%dma_start3A_54, %dma_start3A_55] : memref<64x64xf32, #tpu.memory_space<vmem>> -> memref<1x64xf32, #tpu.memory_space<vmem>>
      %dma_start3A_57 = arith.constant 0 : i32
      %dma_start3A_58 = tpu.memref_slice %arg4[%squeeze3A_48, %dma_start3A_57] : memref<1000000x64xf32, #tpu.memory_space<hbm>> -> memref<1x64xf32, #tpu.memory_space<hbm>>
      tpu.enqueue_dma source(%dma_start3A_58 : memref<1x64xf32, #tpu.memory_space<hbm>>) target(%dma_start3A_56 : memref<1x64xf32, #tpu.memory_space<vmem>>) target_semaphore(%arg12 : memref<!tpu.dma_semaphore, #tpu.memory_space<semaphore_mem>>)
      %slice3A_59 = vector.extract_strided_slice %get3A_13 {offsets = [4], sizes = [1], strides = [1]} : vector<16xi32> to vector<1xi32>
      %squeeze3A_60 = vector.extract %slice3A_59[0] : i32 from vector<1xi32>
      %dma_start3A_61 = arith.constant 4 : i32
      %dma_start3A_62 = arith.constant 0 : i32
      %dma_start3A_63 = tpu.memref_slice %arg10[%dma_start3A_61, %dma_start3A_62] : memref<64x64xf32, #tpu.memory_space<vmem>> -> memref<1x64xf32, #tpu.memory_space<vmem>>
      %dma_start3A_64 = arith.constant 0 : i32
      %dma_start3A_65 = tpu.memref_slice %arg4[%squeeze3A_60, %dma_start3A_64] : memref<1000000x64xf32, #tpu.memory_space<hbm>> -> memref<1x64xf32, #tpu.memory_space<hbm>>
      %dma_start3A_66 = arith.constant 4 : i32
      %dma_start3A_67 = arith.constant 0 : i32
      %dma_start3A_68 = tpu.memref_slice %arg10[%dma_start3A_66, %dma_start3A_67] : memref<64x64xf32, #tpu.memory_space<vmem>> -> memref<1x64xf32, #tpu.memory_space<vmem>>
      %dma_start3A_69 = arith.constant 0 : i32
      %dma_start3A_70 = tpu.memref_slice %arg4[%squeeze3A_60, %dma_start3A_69] : memref<1000000x64xf32, #tpu.memory_space<hbm>> -> memref<1x64xf32, #tpu.memory_space<hbm>>
      tpu.enqueue_dma source(%dma_start3A_70 : memref<1x64xf32, #tpu.memory_space<hbm>>) target(%dma_start3A_68 : memref<1x64xf32, #tpu.memory_space<vmem>>) target_semaphore(%arg12 : memref<!tpu.dma_semaphore, #tpu.memory_space<semaphore_mem>>)
      %slice3A_71 = vector.extract_strided_slice %get3A_13 {offsets = [5], sizes = [1], strides = [1]} : vector<16xi32> to vector<1xi32>
      %squeeze3A_72 = vector.extract %slice3A_71[0] : i32 from vector<1xi32>
      %dma_start3A_73 = arith.constant 5 : i32
      %dma_start3A_74 = arith.constant 0 : i32
      %dma_start3A_75 = tpu.memref_slice %arg10[%dma_start3A_73, %dma_start3A_74] : memref<64x64xf32, #tpu.memory_space<vmem>> -> memref<1x64xf32, #tpu.memory_space<vmem>>
      %dma_start3A_76 = arith.constant 0 : i32
      %dma_start3A_77 = tpu.memref_slice %arg4[%squeeze3A_72, %dma_start3A_76] : memref<1000000x64xf32, #tpu.memory_space<hbm>> -> memref<1x64xf32, #tpu.memory_space<hbm>>
      %dma_start3A_78 = arith.constant 5 : i32
      %dma_start3A_79 = arith.constant 0 : i32
      %dma_start3A_80 = tpu.memref_slice %arg10[%dma_start3A_78, %dma_start3A_79] : memref<64x64xf32, #tpu.memory_space<vmem>> -> memref<1x64xf32, #tpu.memory_space<vmem>>
      %dma_start3A_81 = arith.constant 0 : i32
      %dma_start3A_82 = tpu.memref_slice %arg4[%squeeze3A_72, %dma_start3A_81] : memref<1000000x64xf32, #tpu.memory_space<hbm>> -> memref<1x64xf32, #tpu.memory_space<hbm>>
      tpu.enqueue_dma source(%dma_start3A_82 : memref<1x64xf32, #tpu.memory_space<hbm>>) target(%dma_start3A_80 : memref<1x64xf32, #tpu.memory_space<vmem>>) target_semaphore(%arg12 : memref<!tpu.dma_semaphore, #tpu.memory_space<semaphore_mem>>)
      %slice3A_83 = vector.extract_strided_slice %get3A_13 {offsets = [6], sizes = [1], strides = [1]} : vector<16xi32> to vector<1xi32>
      %squeeze3A_84 = vector.extract %slice3A_83[0] : i32 from vector<1xi32>
      %dma_start3A_85 = arith.constant 6 : i32
      %dma_start3A_86 = arith.constant 0 : i32
      %dma_start3A_87 = tpu.memref_slice %arg10[%dma_start3A_85, %dma_start3A_86] : memref<64x64xf32, #tpu.memory_space<vmem>> -> memref<1x64xf32, #tpu.memory_space<vmem>>
      %dma_start3A_88 = arith.constant 0 : i32
      %dma_start3A_89 = tpu.memref_slice %arg4[%squeeze3A_84, %dma_start3A_88] : memref<1000000x64xf32, #tpu.memory_space<hbm>> -> memref<1x64xf32, #tpu.memory_space<hbm>>
      %dma_start3A_90 = arith.constant 6 : i32
      %dma_start3A_91 = arith.constant 0 : i32
      %dma_start3A_92 = tpu.memref_slice %arg10[%dma_start3A_90, %dma_start3A_91] : memref<64x64xf32, #tpu.memory_space<vmem>> -> memref<1x64xf32, #tpu.memory_space<vmem>>
      %dma_start3A_93 = arith.constant 0 : i32
      %dma_start3A_94 = tpu.memref_slice %arg4[%squeeze3A_84, %dma_start3A_93] : memref<1000000x64xf32, #tpu.memory_space<hbm>> -> memref<1x64xf32, #tpu.memory_space<hbm>>
      tpu.enqueue_dma source(%dma_start3A_94 : memref<1x64xf32, #tpu.memory_space<hbm>>) target(%dma_start3A_92 : memref<1x64xf32, #tpu.memory_space<vmem>>) target_semaphore(%arg12 : memref<!tpu.dma_semaphore, #tpu.memory_space<semaphore_mem>>)
      %slice3A_95 = vector.extract_strided_slice %get3A_13 {offsets = [7], sizes = [1], strides = [1]} : vector<16xi32> to vector<1xi32>
      %squeeze3A_96 = vector.extract %slice3A_95[0] : i32 from vector<1xi32>
      %dma_start3A_97 = arith.constant 7 : i32
      %dma_start3A_98 = arith.constant 0 : i32
      %dma_start3A_99 = tpu.memref_slice %arg10[%dma_start3A_97, %dma_start3A_98] : memref<64x64xf32, #tpu.memory_space<vmem>> -> memref<1x64xf32, #tpu.memory_space<vmem>>
      %dma_start3A_100 = arith.constant 0 : i32
      %dma_start3A_101 = tpu.memref_slice %arg4[%squeeze3A_96, %dma_start3A_100] : memref<1000000x64xf32, #tpu.memory_space<hbm>> -> memref<1x64xf32, #tpu.memory_space<hbm>>
      %dma_start3A_102 = arith.constant 7 : i32
      %dma_start3A_103 = arith.constant 0 : i32
      %dma_start3A_104 = tpu.memref_slice %arg10[%dma_start3A_102, %dma_start3A_103] : memref<64x64xf32, #tpu.memory_space<vmem>> -> memref<1x64xf32, #tpu.memory_space<vmem>>
      %dma_start3A_105 = arith.constant 0 : i32
      %dma_start3A_106 = tpu.memref_slice %arg4[%squeeze3A_96, %dma_start3A_105] : memref<1000000x64xf32, #tpu.memory_space<hbm>> -> memref<1x64xf32, #tpu.memory_space<hbm>>
      tpu.enqueue_dma source(%dma_start3A_106 : memref<1x64xf32, #tpu.memory_space<hbm>>) target(%dma_start3A_104 : memref<1x64xf32, #tpu.memory_space<vmem>>) target_semaphore(%arg12 : memref<!tpu.dma_semaphore, #tpu.memory_space<semaphore_mem>>)
      %slice3A_107 = vector.extract_strided_slice %get3A_13 {offsets = [8], sizes = [1], strides = [1]} : vector<16xi32> to vector<1xi32>
      %squeeze3A_108 = vector.extract %slice3A_107[0] : i32 from vector<1xi32>
      %dma_start3A_109 = arith.constant 8 : i32
      %dma_start3A_110 = arith.constant 0 : i32
      %dma_start3A_111 = tpu.memref_slice %arg10[%dma_start3A_109, %dma_start3A_110] : memref<64x64xf32, #tpu.memory_space<vmem>> -> memref<1x64xf32, #tpu.memory_space<vmem>>
      %dma_start3A_112 = arith.constant 0 : i32
      %dma_start3A_113 = tpu.memref_slice %arg4[%squeeze3A_108, %dma_start3A_112] : memref<1000000x64xf32, #tpu.memory_space<hbm>> -> memref<1x64xf32, #tpu.memory_space<hbm>>
      %dma_start3A_114 = arith.constant 8 : i32
      %dma_start3A_115 = arith.constant 0 : i32
      %dma_start3A_116 = tpu.memref_slice %arg10[%dma_start3A_114, %dma_start3A_115] : memref<64x64xf32, #tpu.memory_space<vmem>> -> memref<1x64xf32, #tpu.memory_space<vmem>>
      %dma_start3A_117 = arith.constant 0 : i32
      %dma_start3A_118 = tpu.memref_slice %arg4[%squeeze3A_108, %dma_start3A_117] : memref<1000000x64xf32, #tpu.memory_space<hbm>> -> memref<1x64xf32, #tpu.memory_space<hbm>>
      tpu.enqueue_dma source(%dma_start3A_118 : memref<1x64xf32, #tpu.memory_space<hbm>>) target(%dma_start3A_116 : memref<1x64xf32, #tpu.memory_space<vmem>>) target_semaphore(%arg12 : memref<!tpu.dma_semaphore, #tpu.memory_space<semaphore_mem>>)
      %slice3A_119 = vector.extract_strided_slice %get3A_13 {offsets = [9], sizes = [1], strides = [1]} : vector<16xi32> to vector<1xi32>
      %squeeze3A_120 = vector.extract %slice3A_119[0] : i32 from vector<1xi32>
      %dma_start3A_121 = arith.constant 9 : i32
      %dma_start3A_122 = arith.constant 0 : i32
      %dma_start3A_123 = tpu.memref_slice %arg10[%dma_start3A_121, %dma_start3A_122] : memref<64x64xf32, #tpu.memory_space<vmem>> -> memref<1x64xf32, #tpu.memory_space<vmem>>
      %dma_start3A_124 = arith.constant 0 : i32
      %dma_start3A_125 = tpu.memref_slice %arg4[%squeeze3A_120, %dma_start3A_124] : memref<1000000x64xf32, #tpu.memory_space<hbm>> -> memref<1x64xf32, #tpu.memory_space<hbm>>
      %dma_start3A_126 = arith.constant 9 : i32
      %dma_start3A_127 = arith.constant 0 : i32
      %dma_start3A_128 = tpu.memref_slice %arg10[%dma_start3A_126, %dma_start3A_127] : memref<64x64xf32, #tpu.memory_space<vmem>> -> memref<1x64xf32, #tpu.memory_space<vmem>>
      %dma_start3A_129 = arith.constant 0 : i32
      %dma_start3A_130 = tpu.memref_slice %arg4[%squeeze3A_120, %dma_start3A_129] : memref<1000000x64xf32, #tpu.memory_space<hbm>> -> memref<1x64xf32, #tpu.memory_space<hbm>>
      tpu.enqueue_dma source(%dma_start3A_130 : memref<1x64xf32, #tpu.memory_space<hbm>>) target(%dma_start3A_128 : memref<1x64xf32, #tpu.memory_space<vmem>>) target_semaphore(%arg12 : memref<!tpu.dma_semaphore, #tpu.memory_space<semaphore_mem>>)
      %slice3A_131 = vector.extract_strided_slice %get3A_13 {offsets = [10], sizes = [1], strides = [1]} : vector<16xi32> to vector<1xi32>
      %squeeze3A_132 = vector.extract %slice3A_131[0] : i32 from vector<1xi32>
      %dma_start3A_133 = arith.constant 10 : i32
      %dma_start3A_134 = arith.constant 0 : i32
      %dma_start3A_135 = tpu.memref_slice %arg10[%dma_start3A_133, %dma_start3A_134] : memref<64x64xf32, #tpu.memory_space<vmem>> -> memref<1x64xf32, #tpu.memory_space<vmem>>
      %dma_start3A_136 = arith.constant 0 : i32
      %dma_start3A_137 = tpu.memref_slice %arg4[%squeeze3A_132, %dma_start3A_136] : memref<1000000x64xf32, #tpu.memory_space<hbm>> -> memref<1x64xf32, #tpu.memory_space<hbm>>
      %dma_start3A_138 = arith.constant 10 : i32
      %dma_start3A_139 = arith.constant 0 : i32
      %dma_start3A_140 = tpu.memref_slice %arg10[%dma_start3A_138, %dma_start3A_139] : memref<64x64xf32, #tpu.memory_space<vmem>> -> memref<1x64xf32, #tpu.memory_space<vmem>>
      %dma_start3A_141 = arith.constant 0 : i32
      %dma_start3A_142 = tpu.memref_slice %arg4[%squeeze3A_132, %dma_start3A_141] : memref<1000000x64xf32, #tpu.memory_space<hbm>> -> memref<1x64xf32, #tpu.memory_space<hbm>>
      tpu.enqueue_dma source(%dma_start3A_142 : memref<1x64xf32, #tpu.memory_space<hbm>>) target(%dma_start3A_140 : memref<1x64xf32, #tpu.memory_space<vmem>>) target_semaphore(%arg12 : memref<!tpu.dma_semaphore, #tpu.memory_space<semaphore_mem>>)
      %slice3A_143 = vector.extract_strided_slice %get3A_13 {offsets = [11], sizes = [1], strides = [1]} : vector<16xi32> to vector<1xi32>
      %squeeze3A_144 = vector.extract %slice3A_143[0] : i32 from vector<1xi32>
      %dma_start3A_145 = arith.constant 11 : i32
      %dma_start3A_146 = arith.constant 0 : i32
      %dma_start3A_147 = tpu.memref_slice %arg10[%dma_start3A_145, %dma_start3A_146] : memref<64x64xf32, #tpu.memory_space<vmem>> -> memref<1x64xf32, #tpu.memory_space<vmem>>
      %dma_start3A_148 = arith.constant 0 : i32
      %dma_start3A_149 = tpu.memref_slice %arg4[%squeeze3A_144, %dma_start3A_148] : memref<1000000x64xf32, #tpu.memory_space<hbm>> -> memref<1x64xf32, #tpu.memory_space<hbm>>
      %dma_start3A_150 = arith.constant 11 : i32
      %dma_start3A_151 = arith.constant 0 : i32
      %dma_start3A_152 = tpu.memref_slice %arg10[%dma_start3A_150, %dma_start3A_151] : memref<64x64xf32, #tpu.memory_space<vmem>> -> memref<1x64xf32, #tpu.memory_space<vmem>>
      %dma_start3A_153 = arith.constant 0 : i32
      %dma_start3A_154 = tpu.memref_slice %arg4[%squeeze3A_144, %dma_start3A_153] : memref<1000000x64xf32, #tpu.memory_space<hbm>> -> memref<1x64xf32, #tpu.memory_space<hbm>>
      tpu.enqueue_dma source(%dma_start3A_154 : memref<1x64xf32, #tpu.memory_space<hbm>>) target(%dma_start3A_152 : memref<1x64xf32, #tpu.memory_space<vmem>>) target_semaphore(%arg12 : memref<!tpu.dma_semaphore, #tpu.memory_space<semaphore_mem>>)
      %slice3A_155 = vector.extract_strided_slice %get3A_13 {offsets = [12], sizes = [1], strides = [1]} : vector<16xi32> to vector<1xi32>
      %squeeze3A_156 = vector.extract %slice3A_155[0] : i32 from vector<1xi32>
      %dma_start3A_157 = arith.constant 12 : i32
      %dma_start3A_158 = arith.constant 0 : i32
      %dma_start3A_159 = tpu.memref_slice %arg10[%dma_start3A_157, %dma_start3A_158] : memref<64x64xf32, #tpu.memory_space<vmem>> -> memref<1x64xf32, #tpu.memory_space<vmem>>
      %dma_start3A_160 = arith.constant 0 : i32
      %dma_start3A_161 = tpu.memref_slice %arg4[%squeeze3A_156, %dma_start3A_160] : memref<1000000x64xf32, #tpu.memory_space<hbm>> -> memref<1x64xf32, #tpu.memory_space<hbm>>
      %dma_start3A_162 = arith.constant 12 : i32
      %dma_start3A_163 = arith.constant 0 : i32
      %dma_start3A_164 = tpu.memref_slice %arg10[%dma_start3A_162, %dma_start3A_163] : memref<64x64xf32, #tpu.memory_space<vmem>> -> memref<1x64xf32, #tpu.memory_space<vmem>>
      %dma_start3A_165 = arith.constant 0 : i32
      %dma_start3A_166 = tpu.memref_slice %arg4[%squeeze3A_156, %dma_start3A_165] : memref<1000000x64xf32, #tpu.memory_space<hbm>> -> memref<1x64xf32, #tpu.memory_space<hbm>>
      tpu.enqueue_dma source(%dma_start3A_166 : memref<1x64xf32, #tpu.memory_space<hbm>>) target(%dma_start3A_164 : memref<1x64xf32, #tpu.memory_space<vmem>>) target_semaphore(%arg12 : memref<!tpu.dma_semaphore, #tpu.memory_space<semaphore_mem>>)
      %slice3A_167 = vector.extract_strided_slice %get3A_13 {offsets = [13], sizes = [1], strides = [1]} : vector<16xi32> to vector<1xi32>
      %squeeze3A_168 = vector.extract %slice3A_167[0] : i32 from vector<1xi32>
      %dma_start3A_169 = arith.constant 13 : i32
      %dma_start3A_170 = arith.constant 0 : i32
      %dma_start3A_171 = tpu.memref_slice %arg10[%dma_start3A_169, %dma_start3A_170] : memref<64x64xf32, #tpu.memory_space<vmem>> -> memref<1x64xf32, #tpu.memory_space<vmem>>
      %dma_start3A_172 = arith.constant 0 : i32
      %dma_start3A_173 = tpu.memref_slice %arg4[%squeeze3A_168, %dma_start3A_172] : memref<1000000x64xf32, #tpu.memory_space<hbm>> -> memref<1x64xf32, #tpu.memory_space<hbm>>
      %dma_start3A_174 = arith.constant 13 : i32
      %dma_start3A_175 = arith.constant 0 : i32
      %dma_start3A_176 = tpu.memref_slice %arg10[%dma_start3A_174, %dma_start3A_175] : memref<64x64xf32, #tpu.memory_space<vmem>> -> memref<1x64xf32, #tpu.memory_space<vmem>>
      %dma_start3A_177 = arith.constant 0 : i32
      %dma_start3A_178 = tpu.memref_slice %arg4[%squeeze3A_168, %dma_start3A_177] : memref<1000000x64xf32, #tpu.memory_space<hbm>> -> memref<1x64xf32, #tpu.memory_space<hbm>>
      tpu.enqueue_dma source(%dma_start3A_178 : memref<1x64xf32, #tpu.memory_space<hbm>>) target(%dma_start3A_176 : memref<1x64xf32, #tpu.memory_space<vmem>>) target_semaphore(%arg12 : memref<!tpu.dma_semaphore, #tpu.memory_space<semaphore_mem>>)
      %slice3A_179 = vector.extract_strided_slice %get3A_13 {offsets = [14], sizes = [1], strides = [1]} : vector<16xi32> to vector<1xi32>
      %squeeze3A_180 = vector.extract %slice3A_179[0] : i32 from vector<1xi32>
      %dma_start3A_181 = arith.constant 14 : i32
      %dma_start3A_182 = arith.constant 0 : i32
      %dma_start3A_183 = tpu.memref_slice %arg10[%dma_start3A_181, %dma_start3A_182] : memref<64x64xf32, #tpu.memory_space<vmem>> -> memref<1x64xf32, #tpu.memory_space<vmem>>
      %dma_start3A_184 = arith.constant 0 : i32
      %dma_start3A_185 = tpu.memref_slice %arg4[%squeeze3A_180, %dma_start3A_184] : memref<1000000x64xf32, #tpu.memory_space<hbm>> -> memref<1x64xf32, #tpu.memory_space<hbm>>
      %dma_start3A_186 = arith.constant 14 : i32
      %dma_start3A_187 = arith.constant 0 : i32
      %dma_start3A_188 = tpu.memref_slice %arg10[%dma_start3A_186, %dma_start3A_187] : memref<64x64xf32, #tpu.memory_space<vmem>> -> memref<1x64xf32, #tpu.memory_space<vmem>>
      %dma_start3A_189 = arith.constant 0 : i32
      %dma_start3A_190 = tpu.memref_slice %arg4[%squeeze3A_180, %dma_start3A_189] : memref<1000000x64xf32, #tpu.memory_space<hbm>> -> memref<1x64xf32, #tpu.memory_space<hbm>>
      tpu.enqueue_dma source(%dma_start3A_190 : memref<1x64xf32, #tpu.memory_space<hbm>>) target(%dma_start3A_188 : memref<1x64xf32, #tpu.memory_space<vmem>>) target_semaphore(%arg12 : memref<!tpu.dma_semaphore, #tpu.memory_space<semaphore_mem>>)
      %slice3A_191 = vector.extract_strided_slice %get3A_13 {offsets = [15], sizes = [1], strides = [1]} : vector<16xi32> to vector<1xi32>
      %squeeze3A_192 = vector.extract %slice3A_191[0] : i32 from vector<1xi32>
      %dma_start3A_193 = arith.constant 15 : i32
      %dma_start3A_194 = arith.constant 0 : i32
      %dma_start3A_195 = tpu.memref_slice %arg10[%dma_start3A_193, %dma_start3A_194] : memref<64x64xf32, #tpu.memory_space<vmem>> -> memref<1x64xf32, #tpu.memory_space<vmem>>
      %dma_start3A_196 = arith.constant 0 : i32
      %dma_start3A_197 = tpu.memref_slice %arg4[%squeeze3A_192, %dma_start3A_196] : memref<1000000x64xf32, #tpu.memory_space<hbm>> -> memref<1x64xf32, #tpu.memory_space<hbm>>
      %dma_start3A_198 = arith.constant 15 : i32
      %dma_start3A_199 = arith.constant 0 : i32
      %dma_start3A_200 = tpu.memref_slice %arg10[%dma_start3A_198, %dma_start3A_199] : memref<64x64xf32, #tpu.memory_space<vmem>> -> memref<1x64xf32, #tpu.memory_space<vmem>>
      %dma_start3A_201 = arith.constant 0 : i32
      %dma_start3A_202 = tpu.memref_slice %arg4[%squeeze3A_192, %dma_start3A_201] : memref<1000000x64xf32, #tpu.memory_space<hbm>> -> memref<1x64xf32, #tpu.memory_space<hbm>>
      tpu.enqueue_dma source(%dma_start3A_202 : memref<1x64xf32, #tpu.memory_space<hbm>>) target(%dma_start3A_200 : memref<1x64xf32, #tpu.memory_space<vmem>>) target_semaphore(%arg12 : memref<!tpu.dma_semaphore, #tpu.memory_space<semaphore_mem>>)
      %mul3A_203 = arith.constant 64 : i32
      %mul3A_204 = arith.muli %scan3A_7, %mul3A_203 : i32
      %add3A_205 = arith.constant 16 : i32
      %add3A_206 = arith.addi %mul3A_204, %add3A_205 : i32
      %get3A_207 = arith.index_cast %add3A_206 : i32 to index
      %get3A_208 = tpu.vector_load %arg8[%get3A_207] {strides = array<i32>} : memref<512xi32, #tpu.memory_space<vmem>>, vector<16xi32>,
      %get3A_209 = vector.shape_cast %get3A_208 : vector<16xi32> to vector<16xi32>
      %slice3A_210 = vector.extract_strided_slice %get3A_209 {offsets = [0], sizes = [1], strides = [1]} : vector<16xi32> to vector<1xi32>
      %squeeze3A_211 = vector.extract %slice3A_210[0] : i32 from vector<1xi32>
      %dma_start3A_212 = arith.constant 16 : i32
      %dma_start3A_213 = arith.constant 0 : i32
      %dma_start3A_214 = tpu.memref_slice %arg10[%dma_start3A_212, %dma_start3A_213] : memref<64x64xf32, #tpu.memory_space<vmem>> -> memref<1x64xf32, #tpu.memory_space<vmem>>
      %dma_start3A_215 = arith.constant 0 : i32
      %dma_start3A_216 = tpu.memref_slice %arg4[%squeeze3A_211, %dma_start3A_215] : memref<1000000x64xf32, #tpu.memory_space<hbm>> -> memref<1x64xf32, #tpu.memory_space<hbm>>
      %dma_start3A_217 = arith.constant 16 : i32
      %dma_start3A_218 = arith.constant 0 : i32
      %dma_start3A_219 = tpu.memref_slice %arg10[%dma_start3A_217, %dma_start3A_218] : memref<64x64xf32, #tpu.memory_space<vmem>> -> memref<1x64xf32, #tpu.memory_space<vmem>>
      %dma_start3A_220 = arith.constant 0 : i32
      %dma_start3A_221 = tpu.memref_slice %arg4[%squeeze3A_211, %dma_start3A_220] : memref<1000000x64xf32, #tpu.memory_space<hbm>> -> memref<1x64xf32, #tpu.memory_space<hbm>>
      tpu.enqueue_dma source(%dma_start3A_221 : memref<1x64xf32, #tpu.memory_space<hbm>>) target(%dma_start3A_219 : memref<1x64xf32, #tpu.memory_space<vmem>>) target_semaphore(%arg12 : memref<!tpu.dma_semaphore, #tpu.memory_space<semaphore_mem>>)
      %slice3A_222 = vector.extract_strided_slice %get3A_209 {offsets = [1], sizes = [1], strides = [1]} : vector<16xi32> to vector<1xi32>
      %squeeze3A_223 = vector.extract %slice3A_222[0] : i32 from vector<1xi32>
      %dma_start3A_224 = arith.constant 17 : i32
      %dma_start3A_225 = arith.constant 0 : i32
      %dma_start3A_226 = tpu.memref_slice %arg10[%dma_start3A_224, %dma_start3A_225] : memref<64x64xf32, #tpu.memory_space<vmem>> -> memref<1x64xf32, #tpu.memory_space<vmem>>
      %dma_start3A_227 = arith.constant 0 : i32
      %dma_start3A_228 = tpu.memref_slice %arg4[%squeeze3A_223, %dma_start3A_227] : memref<1000000x64xf32, #tpu.memory_space<hbm>> -> memref<1x64xf32, #tpu.memory_space<hbm>>
      %dma_start3A_229 = arith.constant 17 : i32
      %dma_start3A_230 = arith.constant 0 : i32
      %dma_start3A_231 = tpu.memref_slice %arg10[%dma_start3A_229, %dma_start3A_230] : memref<64x64xf32, #tpu.memory_space<vmem>> -> memref<1x64xf32, #tpu.memory_space<vmem>>
      %dma_start3A_232 = arith.constant 0 : i32
      %dma_start3A_233 = tpu.memref_slice %arg4[%squeeze3A_223, %dma_start3A_232] : memref<1000000x64xf32, #tpu.memory_space<hbm>> -> memref<1x64xf32, #tpu.memory_space<hbm>>
      tpu.enqueue_dma source(%dma_start3A_233 : memref<1x64xf32, #tpu.memory_space<hbm>>) target(%dma_start3A_231 : memref<1x64xf32, #tpu.memory_space<vmem>>) target_semaphore(%arg12 : memref<!tpu.dma_semaphore, #tpu.memory_space<semaphore_mem>>)
      %slice3A_234 = vector.extract_strided_slice %get3A_209 {offsets = [2], sizes = [1], strides = [1]} : vector<16xi32> to vector<1xi32>
      %squeeze3A_235 = vector.extract %slice3A_234[0] : i32 from vector<1xi32>
      %dma_start3A_236 = arith.constant 18 : i32
      %dma_start3A_237 = arith.constant 0 : i32
      %dma_start3A_238 = tpu.memref_slice %arg10[%dma_start3A_236, %dma_start3A_237] : memref<64x64xf32, #tpu.memory_space<vmem>> -> memref<1x64xf32, #tpu.memory_space<vmem>>
      %dma_start3A_239 = arith.constant 0 : i32
      %dma_start3A_240 = tpu.memref_slice %arg4[%squeeze3A_235, %dma_start3A_239] : memref<1000000x64xf32, #tpu.memory_space<hbm>> -> memref<1x64xf32, #tpu.memory_space<hbm>>
      %dma_start3A_241 = arith.constant 18 : i32
      %dma_start3A_242 = arith.constant 0 : i32
      %dma_start3A_243 = tpu.memref_slice %arg10[%dma_start3A_241, %dma_start3A_242] : memref<64x64xf32, #tpu.memory_space<vmem>> -> memref<1x64xf32, #tpu.memory_space<vmem>>
      %dma_start3A_244 = arith.constant 0 : i32
      %dma_start3A_245 = tpu.memref_slice %arg4[%squeeze3A_235, %dma_start3A_244] : memref<1000000x64xf32, #tpu.memory_space<hbm>> -> memref<1x64xf32, #tpu.memory_space<hbm>>
      tpu.enqueue_dma source(%dma_start3A_245 : memref<1x64xf32, #tpu.memory_space<hbm>>) target(%dma_start3A_243 : memref<1x64xf32, #tpu.memory_space<vmem>>) target_semaphore(%arg12 : memref<!tpu.dma_semaphore, #tpu.memory_space<semaphore_mem>>)
      %slice3A_246 = vector.extract_strided_slice %get3A_209 {offsets = [3], sizes = [1], strides = [1]} : vector<16xi32> to vector<1xi32>
      %squeeze3A_247 = vector.extract %slice3A_246[0] : i32 from vector<1xi32>
      %dma_start3A_248 = arith.constant 19 : i32
      %dma_start3A_249 = arith.constant 0 : i32
      %dma_start3A_250 = tpu.memref_slice %arg10[%dma_start3A_248, %dma_start3A_249] : memref<64x64xf32, #tpu.memory_space<vmem>> -> memref<1x64xf32, #tpu.memory_space<vmem>>
      %dma_start3A_251 = arith.constant 0 : i32
      %dma_start3A_252 = tpu.memref_slice %arg4[%squeeze3A_247, %dma_start3A_251] : memref<1000000x64xf32, #tpu.memory_space<hbm>> -> memref<1x64xf32, #tpu.memory_space<hbm>>
      %dma_start3A_253 = arith.constant 19 : i32
      %dma_start3A_254 = arith.constant 0 : i32
      %dma_start3A_255 = tpu.memref_slice %arg10[%dma_start3A_253, %dma_start3A_254] : memref<64x64xf32, #tpu.memory_space<vmem>> -> memref<1x64xf32, #tpu.memory_space<vmem>>
      %dma_start3A_256 = arith.constant 0 : i32
      %dma_start3A_257 = tpu.memref_slice %arg4[%squeeze3A_247, %dma_start3A_256] : memref<1000000x64xf32, #tpu.memory_space<hbm>> -> memref<1x64xf32, #tpu.memory_space<hbm>>
      tpu.enqueue_dma source(%dma_start3A_257 : memref<1x64xf32, #tpu.memory_space<hbm>>) target(%dma_start3A_255 : memref<1x64xf32, #tpu.memory_space<vmem>>) target_semaphore(%arg12 : memref<!tpu.dma_semaphore, #tpu.memory_space<semaphore_mem>>)
      %slice3A_258 = vector.extract_strided_slice %get3A_209 {offsets = [4], sizes = [1], strides = [1]} : vector<16xi32> to vector<1xi32>
      %squeeze3A_259 = vector.extract %slice3A_258[0] : i32 from vector<1xi32>
      %dma_start3A_260 = arith.constant 20 : i32
      %dma_start3A_261 = arith.constant 0 : i32
      %dma_start3A_262 = tpu.memref_slice %arg10[%dma_start3A_260, %dma_start3A_261] : memref<64x64xf32, #tpu.memory_space<vmem>> -> memref<1x64xf32, #tpu.memory_space<vmem>>
      %dma_start3A_263 = arith.constant 0 : i32
      %dma_start3A_264 = tpu.memref_slice %arg4[%squeeze3A_259, %dma_start3A_263] : memref<1000000x64xf32, #tpu.memory_space<hbm>> -> memref<1x64xf32, #tpu.memory_space<hbm>>
      %dma_start3A_265 = arith.constant 20 : i32
      %dma_start3A_266 = arith.constant 0 : i32
      %dma_start3A_267 = tpu.memref_slice %arg10[%dma_start3A_265, %dma_start3A_266] : memref<64x64xf32, #tpu.memory_space<vmem>> -> memref<1x64xf32, #tpu.memory_space<vmem>>
      %dma_start3A_268 = arith.constant 0 : i32
      %dma_start3A_269 = tpu.memref_slice %arg4[%squeeze3A_259, %dma_start3A_268] : memref<1000000x64xf32, #tpu.memory_space<hbm>> -> memref<1x64xf32, #tpu.memory_space<hbm>>
      tpu.enqueue_dma source(%dma_start3A_269 : memref<1x64xf32, #tpu.memory_space<hbm>>) target(%dma_start3A_267 : memref<1x64xf32, #tpu.memory_space<vmem>>) target_semaphore(%arg12 : memref<!tpu.dma_semaphore, #tpu.memory_space<semaphore_mem>>)
      %slice3A_270 = vector.extract_strided_slice %get3A_209 {offsets = [5], sizes = [1], strides = [1]} : vector<16xi32> to vector<1xi32>
      %squeeze3A_271 = vector.extract %slice3A_270[0] : i32 from vector<1xi32>
      %dma_start3A_272 = arith.constant 21 : i32
      %dma_start3A_273 = arith.constant 0 : i32
      %dma_start3A_274 = tpu.memref_slice %arg10[%dma_start3A_272, %dma_start3A_273] : memref<64x64xf32, #tpu.memory_space<vmem>> -> memref<1x64xf32, #tpu.memory_space<vmem>>
      %dma_start3A_275 = arith.constant 0 : i32
      %dma_start3A_276 = tpu.memref_slice %arg4[%squeeze3A_271, %dma_start3A_275] : memref<1000000x64xf32, #tpu.memory_space<hbm>> -> memref<1x64xf32, #tpu.memory_space<hbm>>
      %dma_start3A_277 = arith.constant 21 : i32
      %dma_start3A_278 = arith.constant 0 : i32
      %dma_start3A_279 = tpu.memref_slice %arg10[%dma_start3A_277, %dma_start3A_278] : memref<64x64xf32, #tpu.memory_space<vmem>> -> memref<1x64xf32, #tpu.memory_space<vmem>>
      %dma_start3A_280 = arith.constant 0 : i32
      %dma_start3A_281 = tpu.memref_slice %arg4[%squeeze3A_271, %dma_start3A_280] : memref<1000000x64xf32, #tpu.memory_space<hbm>> -> memref<1x64xf32, #tpu.memory_space<hbm>>
      tpu.enqueue_dma source(%dma_start3A_281 : memref<1x64xf32, #tpu.memory_space<hbm>>) target(%dma_start3A_279 : memref<1x64xf32, #tpu.memory_space<vmem>>) target_semaphore(%arg12 : memref<!tpu.dma_semaphore, #tpu.memory_space<semaphore_mem>>)
      %slice3A_282 = vector.extract_strided_slice %get3A_209 {offsets = [6], sizes = [1], strides = [1]} : vector<16xi32> to vector<1xi32>
      %squeeze3A_283 = vector.extract %slice3A_282[0] : i32 from vector<1xi32>
      %dma_start3A_284 = arith.constant 22 : i32
      %dma_start3A_285 = arith.constant 0 : i32
      %dma_start3A_286 = tpu.memref_slice %arg10[%dma_start3A_284, %dma_start3A_285] : memref<64x64xf32, #tpu.memory_space<vmem>> -> memref<1x64xf32, #tpu.memory_space<vmem>>
      %dma_start3A_287 = arith.constant 0 : i32
      %dma_start3A_288 = tpu.memref_slice %arg4[%squeeze3A_283, %dma_start3A_287] : memref<1000000x64xf32, #tpu.memory_space<hbm>> -> memref<1x64xf32, #tpu.memory_space<hbm>>
      %dma_start3A_289 = arith.constant 22 : i32
      %dma_start3A_290 = arith.constant 0 : i32
      %dma_start3A_291 = tpu.memref_slice %arg10[%dma_start3A_289, %dma_start3A_290] : memref<64x64xf32, #tpu.memory_space<vmem>> -> memref<1x64xf32, #tpu.memory_space<vmem>>
      %dma_start3A_292 = arith.constant 0 : i32
      %dma_start3A_293 = tpu.memref_slice %arg4[%squeeze3A_283, %dma_start3A_292] : memref<1000000x64xf32, #tpu.memory_space<hbm>> -> memref<1x64xf32, #tpu.memory_space<hbm>>
      tpu.enqueue_dma source(%dma_start3A_293 : memref<1x64xf32, #tpu.memory_space<hbm>>) target(%dma_start3A_291 : memref<1x64xf32, #tpu.memory_space<vmem>>) target_semaphore(%arg12 : memref<!tpu.dma_semaphore, #tpu.memory_space<semaphore_mem>>)
      %slice3A_294 = vector.extract_strided_slice %get3A_209 {offsets = [7], sizes = [1], strides = [1]} : vector<16xi32> to vector<1xi32>
      %squeeze3A_295 = vector.extract %slice3A_294[0] : i32 from vector<1xi32>
      %dma_start3A_296 = arith.constant 23 : i32
      %dma_start3A_297 = arith.constant 0 : i32
      %dma_start3A_298 = tpu.memref_slice %arg10[%dma_start3A_296, %dma_start3A_297] : memref<64x64xf32, #tpu.memory_space<vmem>> -> memref<1x64xf32, #tpu.memory_space<vmem>>
      %dma_start3A_299 = arith.constant 0 : i32
      %dma_start3A_300 = tpu.memref_slice %arg4[%squeeze3A_295, %dma_start3A_299] : memref<1000000x64xf32, #tpu.memory_space<hbm>> -> memref<1x64xf32, #tpu.memory_space<hbm>>
      %dma_start3A_301 = arith.constant 23 : i32
      %dma_start3A_302 = arith.constant 0 : i32
      %dma_start3A_303 = tpu.memref_slice %arg10[%dma_start3A_301, %dma_start3A_302] : memref<64x64xf32, #tpu.memory_space<vmem>> -> memref<1x64xf32, #tpu.memory_space<vmem>>
      %dma_start3A_304 = arith.constant 0 : i32
      %dma_start3A_305 = tpu.memref_slice %arg4[%squeeze3A_295, %dma_start3A_304] : memref<1000000x64xf32, #tpu.memory_space<hbm>> -> memref<1x64xf32, #tpu.memory_space<hbm>>
      tpu.enqueue_dma source(%dma_start3A_305 : memref<1x64xf32, #tpu.memory_space<hbm>>) target(%dma_start3A_303 : memref<1x64xf32, #tpu.memory_space<vmem>>) target_semaphore(%arg12 : memref<!tpu.dma_semaphore, #tpu.memory_space<semaphore_mem>>)
      %slice3A_306 = vector.extract_strided_slice %get3A_209 {offsets = [8], sizes = [1], strides = [1]} : vector<16xi32> to vector<1xi32>
      %squeeze3A_307 = vector.extract %slice3A_306[0] : i32 from vector<1xi32>
      %dma_start3A_308 = arith.constant 24 : i32
      %dma_start3A_309 = arith.constant 0 : i32
      %dma_start3A_310 = tpu.memref_slice %arg10[%dma_start3A_308, %dma_start3A_309] : memref<64x64xf32, #tpu.memory_space<vmem>> -> memref<1x64xf32, #tpu.memory_space<vmem>>
      %dma_start3A_311 = arith.constant 0 : i32
      %dma_start3A_312 = tpu.memref_slice %arg4[%squeeze3A_307, %dma_start3A_311] : memref<1000000x64xf32, #tpu.memory_space<hbm>> -> memref<1x64xf32, #tpu.memory_space<hbm>>
      %dma_start3A_313 = arith.constant 24 : i32
      %dma_start3A_314 = arith.constant 0 : i32
      %dma_start3A_315 = tpu.memref_slice %arg10[%dma_start3A_313, %dma_start3A_314] : memref<64x64xf32, #tpu.memory_space<vmem>> -> memref<1x64xf32, #tpu.memory_space<vmem>>
      %dma_start3A_316 = arith.constant 0 : i32
      %dma_start3A_317 = tpu.memref_slice %arg4[%squeeze3A_307, %dma_start3A_316] : memref<1000000x64xf32, #tpu.memory_space<hbm>> -> memref<1x64xf32, #tpu.memory_space<hbm>>
      tpu.enqueue_dma source(%dma_start3A_317 : memref<1x64xf32, #tpu.memory_space<hbm>>) target(%dma_start3A_315 : memref<1x64xf32, #tpu.memory_space<vmem>>) target_semaphore(%arg12 : memref<!tpu.dma_semaphore, #tpu.memory_space<semaphore_mem>>)
      %slice3A_318 = vector.extract_strided_slice %get3A_209 {offsets = [9], sizes = [1], strides = [1]} : vector<16xi32> to vector<1xi32>
      %squeeze3A_319 = vector.extract %slice3A_318[0] : i32 from vector<1xi32>
      %dma_start3A_320 = arith.constant 25 : i32
      %dma_start3A_321 = arith.constant 0 : i32
      %dma_start3A_322 = tpu.memref_slice %arg10[%dma_start3A_320, %dma_start3A_321] : memref<64x64xf32, #tpu.memory_space<vmem>> -> memref<1x64xf32, #tpu.memory_space<vmem>>
      %dma_start3A_323 = arith.constant 0 : i32
      %dma_start3A_324 = tpu.memref_slice %arg4[%squeeze3A_319, %dma_start3A_323] : memref<1000000x64xf32, #tpu.memory_space<hbm>> -> memref<1x64xf32, #tpu.memory_space<hbm>>
      %dma_start3A_325 = arith.constant 25 : i32
      %dma_start3A_326 = arith.constant 0 : i32
      %dma_start3A_327 = tpu.memref_slice %arg10[%dma_start3A_325, %dma_start3A_326] : memref<64x64xf32, #tpu.memory_space<vmem>> -> memref<1x64xf32, #tpu.memory_space<vmem>>
      %dma_start3A_328 = arith.constant 0 : i32
      %dma_start3A_329 = tpu.memref_slice %arg4[%squeeze3A_319, %dma_start3A_328] : memref<1000000x64xf32, #tpu.memory_space<hbm>> -> memref<1x64xf32, #tpu.memory_space<hbm>>
      tpu.enqueue_dma source(%dma_start3A_329 : memref<1x64xf32, #tpu.memory_space<hbm>>) target(%dma_start3A_327 : memref<1x64xf32, #tpu.memory_space<vmem>>) target_semaphore(%arg12 : memref<!tpu.dma_semaphore, #tpu.memory_space<semaphore_mem>>)
      %slice3A_330 = vector.extract_strided_slice %get3A_209 {offsets = [10], sizes = [1], strides = [1]} : vector<16xi32> to vector<1xi32>
      %squeeze3A_331 = vector.extract %slice3A_330[0] : i32 from vector<1xi32>
      %dma_start3A_332 = arith.constant 26 : i32
      %dma_start3A_333 = arith.constant 0 : i32
      %dma_start3A_334 = tpu.memref_slice %arg10[%dma_start3A_332, %dma_start3A_333] : memref<64x64xf32, #tpu.memory_space<vmem>> -> memref<1x64xf32, #tpu.memory_space<vmem>>
      %dma_start3A_335 = arith.constant 0 : i32
      %dma_start3A_336 = tpu.memref_slice %arg4[%squeeze3A_331, %dma_start3A_335] : memref<1000000x64xf32, #tpu.memory_space<hbm>> -> memref<1x64xf32, #tpu.memory_space<hbm>>
      %dma_start3A_337 = arith.constant 26 : i32
      %dma_start3A_338 = arith.constant 0 : i32
      %dma_start3A_339 = tpu.memref_slice %arg10[%dma_start3A_337, %dma_start3A_338] : memref<64x64xf32, #tpu.memory_space<vmem>> -> memref<1x64xf32, #tpu.memory_space<vmem>>
      %dma_start3A_340 = arith.constant 0 : i32
      %dma_start3A_341 = tpu.memref_slice %arg4[%squeeze3A_331, %dma_start3A_340] : memref<1000000x64xf32, #tpu.memory_space<hbm>> -> memref<1x64xf32, #tpu.memory_space<hbm>>
      tpu.enqueue_dma source(%dma_start3A_341 : memref<1x64xf32, #tpu.memory_space<hbm>>) target(%dma_start3A_339 : memref<1x64xf32, #tpu.memory_space<vmem>>) target_semaphore(%arg12 : memref<!tpu.dma_semaphore, #tpu.memory_space<semaphore_mem>>)
      %slice3A_342 = vector.extract_strided_slice %get3A_209 {offsets = [11], sizes = [1], strides = [1]} : vector<16xi32> to vector<1xi32>
      %squeeze3A_343 = vector.extract %slice3A_342[0] : i32 from vector<1xi32>
      %dma_start3A_344 = arith.constant 27 : i32
      %dma_start3A_345 = arith.constant 0 : i32
      %dma_start3A_346 = tpu.memref_slice %arg10[%dma_start3A_344, %dma_start3A_345] : memref<64x64xf32, #tpu.memory_space<vmem>> -> memref<1x64xf32, #tpu.memory_space<vmem>>
      %dma_start3A_347 = arith.constant 0 : i32
      %dma_start3A_348 = tpu.memref_slice %arg4[%squeeze3A_343, %dma_start3A_347] : memref<1000000x64xf32, #tpu.memory_space<hbm>> -> memref<1x64xf32, #tpu.memory_space<hbm>>
      %dma_start3A_349 = arith.constant 27 : i32
      %dma_start3A_350 = arith.constant 0 : i32
      %dma_start3A_351 = tpu.memref_slice %arg10[%dma_start3A_349, %dma_start3A_350] : memref<64x64xf32, #tpu.memory_space<vmem>> -> memref<1x64xf32, #tpu.memory_space<vmem>>
      %dma_start3A_352 = arith.constant 0 : i32
      %dma_start3A_353 = tpu.memref_slice %arg4[%squeeze3A_343, %dma_start3A_352] : memref<1000000x64xf32, #tpu.memory_space<hbm>> -> memref<1x64xf32, #tpu.memory_space<hbm>>
      tpu.enqueue_dma source(%dma_start3A_353 : memref<1x64xf32, #tpu.memory_space<hbm>>) target(%dma_start3A_351 : memref<1x64xf32, #tpu.memory_space<vmem>>) target_semaphore(%arg12 : memref<!tpu.dma_semaphore, #tpu.memory_space<semaphore_mem>>)
      %slice3A_354 = vector.extract_strided_slice %get3A_209 {offsets = [12], sizes = [1], strides = [1]} : vector<16xi32> to vector<1xi32>
      %squeeze3A_355 = vector.extract %slice3A_354[0] : i32 from vector<1xi32>
      %dma_start3A_356 = arith.constant 28 : i32
      %dma_start3A_357 = arith.constant 0 : i32
      %dma_start3A_358 = tpu.memref_slice %arg10[%dma_start3A_356, %dma_start3A_357] : memref<64x64xf32, #tpu.memory_space<vmem>> -> memref<1x64xf32, #tpu.memory_space<vmem>>
      %dma_start3A_359 = arith.constant 0 : i32
      %dma_start3A_360 = tpu.memref_slice %arg4[%squeeze3A_355, %dma_start3A_359] : memref<1000000x64xf32, #tpu.memory_space<hbm>> -> memref<1x64xf32, #tpu.memory_space<hbm>>
      %dma_start3A_361 = arith.constant 28 : i32
      %dma_start3A_362 = arith.constant 0 : i32
      %dma_start3A_363 = tpu.memref_slice %arg10[%dma_start3A_361, %dma_start3A_362] : memref<64x64xf32, #tpu.memory_space<vmem>> -> memref<1x64xf32, #tpu.memory_space<vmem>>
      %dma_start3A_364 = arith.constant 0 : i32
      %dma_start3A_365 = tpu.memref_slice %arg4[%squeeze3A_355, %dma_start3A_364] : memref<1000000x64xf32, #tpu.memory_space<hbm>> -> memref<1x64xf32, #tpu.memory_space<hbm>>
      tpu.enqueue_dma source(%dma_start3A_365 : memref<1x64xf32, #tpu.memory_space<hbm>>) target(%dma_start3A_363 : memref<1x64xf32, #tpu.memory_space<vmem>>) target_semaphore(%arg12 : memref<!tpu.dma_semaphore, #tpu.memory_space<semaphore_mem>>)
      %slice3A_366 = vector.extract_strided_slice %get3A_209 {offsets = [13], sizes = [1], strides = [1]} : vector<16xi32> to vector<1xi32>
      %squeeze3A_367 = vector.extract %slice3A_366[0] : i32 from vector<1xi32>
      %dma_start3A_368 = arith.constant 29 : i32
      %dma_start3A_369 = arith.constant 0 : i32
      %dma_start3A_370 = tpu.memref_slice %arg10[%dma_start3A_368, %dma_start3A_369] : memref<64x64xf32, #tpu.memory_space<vmem>> -> memref<1x64xf32, #tpu.memory_space<vmem>>
      %dma_start3A_371 = arith.constant 0 : i32
      %dma_start3A_372 = tpu.memref_slice %arg4[%squeeze3A_367, %dma_start3A_371] : memref<1000000x64xf32, #tpu.memory_space<hbm>> -> memref<1x64xf32, #tpu.memory_space<hbm>>
      %dma_start3A_373 = arith.constant 29 : i32
      %dma_start3A_374 = arith.constant 0 : i32
      %dma_start3A_375 = tpu.memref_slice %arg10[%dma_start3A_373, %dma_start3A_374] : memref<64x64xf32, #tpu.memory_space<vmem>> -> memref<1x64xf32, #tpu.memory_space<vmem>>
      %dma_start3A_376 = arith.constant 0 : i32
      %dma_start3A_377 = tpu.memref_slice %arg4[%squeeze3A_367, %dma_start3A_376] : memref<1000000x64xf32, #tpu.memory_space<hbm>> -> memref<1x64xf32, #tpu.memory_space<hbm>>
      tpu.enqueue_dma source(%dma_start3A_377 : memref<1x64xf32, #tpu.memory_space<hbm>>) target(%dma_start3A_375 : memref<1x64xf32, #tpu.memory_space<vmem>>) target_semaphore(%arg12 : memref<!tpu.dma_semaphore, #tpu.memory_space<semaphore_mem>>)
      %slice3A_378 = vector.extract_strided_slice %get3A_209 {offsets = [14], sizes = [1], strides = [1]} : vector<16xi32> to vector<1xi32>
      %squeeze3A_379 = vector.extract %slice3A_378[0] : i32 from vector<1xi32>
      %dma_start3A_380 = arith.constant 30 : i32
      %dma_start3A_381 = arith.constant 0 : i32
      %dma_start3A_382 = tpu.memref_slice %arg10[%dma_start3A_380, %dma_start3A_381] : memref<64x64xf32, #tpu.memory_space<vmem>> -> memref<1x64xf32, #tpu.memory_space<vmem>>
      %dma_start3A_383 = arith.constant 0 : i32
      %dma_start3A_384 = tpu.memref_slice %arg4[%squeeze3A_379, %dma_start3A_383] : memref<1000000x64xf32, #tpu.memory_space<hbm>> -> memref<1x64xf32, #tpu.memory_space<hbm>>
      %dma_start3A_385 = arith.constant 30 : i32
      %dma_start3A_386 = arith.constant 0 : i32
      %dma_start3A_387 = tpu.memref_slice %arg10[%dma_start3A_385, %dma_start3A_386] : memref<64x64xf32, #tpu.memory_space<vmem>> -> memref<1x64xf32, #tpu.memory_space<vmem>>
      %dma_start3A_388 = arith.constant 0 : i32
      %dma_start3A_389 = tpu.memref_slice %arg4[%squeeze3A_379, %dma_start3A_388] : memref<1000000x64xf32, #tpu.memory_space<hbm>> -> memref<1x64xf32, #tpu.memory_space<hbm>>
      tpu.enqueue_dma source(%dma_start3A_389 : memref<1x64xf32, #tpu.memory_space<hbm>>) target(%dma_start3A_387 : memref<1x64xf32, #tpu.memory_space<vmem>>) target_semaphore(%arg12 : memref<!tpu.dma_semaphore, #tpu.memory_space<semaphore_mem>>)
      %slice3A_390 = vector.extract_strided_slice %get3A_209 {offsets = [15], sizes = [1], strides = [1]} : vector<16xi32> to vector<1xi32>
      %squeeze3A_391 = vector.extract %slice3A_390[0] : i32 from vector<1xi32>
      %dma_start3A_392 = arith.constant 31 : i32
      %dma_start3A_393 = arith.constant 0 : i32
      %dma_start3A_394 = tpu.memref_slice %arg10[%dma_start3A_392, %dma_start3A_393] : memref<64x64xf32, #tpu.memory_space<vmem>> -> memref<1x64xf32, #tpu.memory_space<vmem>>
      %dma_start3A_395 = arith.constant 0 : i32
      %dma_start3A_396 = tpu.memref_slice %arg4[%squeeze3A_391, %dma_start3A_395] : memref<1000000x64xf32, #tpu.memory_space<hbm>> -> memref<1x64xf32, #tpu.memory_space<hbm>>
      %dma_start3A_397 = arith.constant 31 : i32
      %dma_start3A_398 = arith.constant 0 : i32
      %dma_start3A_399 = tpu.memref_slice %arg10[%dma_start3A_397, %dma_start3A_398] : memref<64x64xf32, #tpu.memory_space<vmem>> -> memref<1x64xf32, #tpu.memory_space<vmem>>
      %dma_start3A_400 = arith.constant 0 : i32
      %dma_start3A_401 = tpu.memref_slice %arg4[%squeeze3A_391, %dma_start3A_400] : memref<1000000x64xf32, #tpu.memory_space<hbm>> -> memref<1x64xf32, #tpu.memory_space<hbm>>
      tpu.enqueue_dma source(%dma_start3A_401 : memref<1x64xf32, #tpu.memory_space<hbm>>) target(%dma_start3A_399 : memref<1x64xf32, #tpu.memory_space<vmem>>) target_semaphore(%arg12 : memref<!tpu.dma_semaphore, #tpu.memory_space<semaphore_mem>>)
      %mul3A_402 = arith.constant 64 : i32
      %mul3A_403 = arith.muli %scan3A_7, %mul3A_402 : i32
      %add3A_404 = arith.constant 32 : i32
      %add3A_405 = arith.addi %mul3A_403, %add3A_404 : i32
      %get3A_406 = arith.index_cast %add3A_405 : i32 to index
      %get3A_407 = tpu.vector_load %arg8[%get3A_406] {strides = array<i32>} : memref<512xi32, #tpu.memory_space<vmem>>, vector<16xi32>,
      %get3A_408 = vector.shape_cast %get3A_407 : vector<16xi32> to vector<16xi32>
      %slice3A_409 = vector.extract_strided_slice %get3A_408 {offsets = [0], sizes = [1], strides = [1]} : vector<16xi32> to vector<1xi32>
      %squeeze3A_410 = vector.extract %slice3A_409[0] : i32 from vector<1xi32>
      %dma_start3A_411 = arith.constant 32 : i32
      %dma_start3A_412 = arith.constant 0 : i32
      %dma_start3A_413 = tpu.memref_slice %arg10[%dma_start3A_411, %dma_start3A_412] : memref<64x64xf32, #tpu.memory_space<vmem>> -> memref<1x64xf32, #tpu.memory_space<vmem>>
      %dma_start3A_414 = arith.constant 0 : i32
      %dma_start3A_415 = tpu.memref_slice %arg4[%squeeze3A_410, %dma_start3A_414] : memref<1000000x64xf32, #tpu.memory_space<hbm>> -> memref<1x64xf32, #tpu.memory_space<hbm>>
      %dma_start3A_416 = arith.constant 32 : i32
      %dma_start3A_417 = arith.constant 0 : i32
      %dma_start3A_418 = tpu.memref_slice %arg10[%dma_start3A_416, %dma_start3A_417] : memref<64x64xf32, #tpu.memory_space<vmem>> -> memref<1x64xf32, #tpu.memory_space<vmem>>
      %dma_start3A_419 = arith.constant 0 : i32
      %dma_start3A_420 = tpu.memref_slice %arg4[%squeeze3A_410, %dma_start3A_419] : memref<1000000x64xf32, #tpu.memory_space<hbm>> -> memref<1x64xf32, #tpu.memory_space<hbm>>
      tpu.enqueue_dma source(%dma_start3A_420 : memref<1x64xf32, #tpu.memory_space<hbm>>) target(%dma_start3A_418 : memref<1x64xf32, #tpu.memory_space<vmem>>) target_semaphore(%arg12 : memref<!tpu.dma_semaphore, #tpu.memory_space<semaphore_mem>>)
      %slice3A_421 = vector.extract_strided_slice %get3A_408 {offsets = [1], sizes = [1], strides = [1]} : vector<16xi32> to vector<1xi32>
      %squeeze3A_422 = vector.extract %slice3A_421[0] : i32 from vector<1xi32>
      %dma_start3A_423 = arith.constant 33 : i32
      %dma_start3A_424 = arith.constant 0 : i32
      %dma_start3A_425 = tpu.memref_slice %arg10[%dma_start3A_423, %dma_start3A_424] : memref<64x64xf32, #tpu.memory_space<vmem>> -> memref<1x64xf32, #tpu.memory_space<vmem>>
      %dma_start3A_426 = arith.constant 0 : i32
      %dma_start3A_427 = tpu.memref_slice %arg4[%squeeze3A_422, %dma_start3A_426] : memref<1000000x64xf32, #tpu.memory_space<hbm>> -> memref<1x64xf32, #tpu.memory_space<hbm>>
      %dma_start3A_428 = arith.constant 33 : i32
      %dma_start3A_429 = arith.constant 0 : i32
      %dma_start3A_430 = tpu.memref_slice %arg10[%dma_start3A_428, %dma_start3A_429] : memref<64x64xf32, #tpu.memory_space<vmem>> -> memref<1x64xf32, #tpu.memory_space<vmem>>
      %dma_start3A_431 = arith.constant 0 : i32
      %dma_start3A_432 = tpu.memref_slice %arg4[%squeeze3A_422, %dma_start3A_431] : memref<1000000x64xf32, #tpu.memory_space<hbm>> -> memref<1x64xf32, #tpu.memory_space<hbm>>
      tpu.enqueue_dma source(%dma_start3A_432 : memref<1x64xf32, #tpu.memory_space<hbm>>) target(%dma_start3A_430 : memref<1x64xf32, #tpu.memory_space<vmem>>) target_semaphore(%arg12 : memref<!tpu.dma_semaphore, #tpu.memory_space<semaphore_mem>>)
      %slice3A_433 = vector.extract_strided_slice %get3A_408 {offsets = [2], sizes = [1], strides = [1]} : vector<16xi32> to vector<1xi32>
      %squeeze3A_434 = vector.extract %slice3A_433[0] : i32 from vector<1xi32>
      %dma_start3A_435 = arith.constant 34 : i32
      %dma_start3A_436 = arith.constant 0 : i32
      %dma_start3A_437 = tpu.memref_slice %arg10[%dma_start3A_435, %dma_start3A_436] : memref<64x64xf32, #tpu.memory_space<vmem>> -> memref<1x64xf32, #tpu.memory_space<vmem>>
      %dma_start3A_438 = arith.constant 0 : i32
      %dma_start3A_439 = tpu.memref_slice %arg4[%squeeze3A_434, %dma_start3A_438] : memref<1000000x64xf32, #tpu.memory_space<hbm>> -> memref<1x64xf32, #tpu.memory_space<hbm>>
      %dma_start3A_440 = arith.constant 34 : i32
      %dma_start3A_441 = arith.constant 0 : i32
      %dma_start3A_442 = tpu.memref_slice %arg10[%dma_start3A_440, %dma_start3A_441] : memref<64x64xf32, #tpu.memory_space<vmem>> -> memref<1x64xf32, #tpu.memory_space<vmem>>
      %dma_start3A_443 = arith.constant 0 : i32
      %dma_start3A_444 = tpu.memref_slice %arg4[%squeeze3A_434, %dma_start3A_443] : memref<1000000x64xf32, #tpu.memory_space<hbm>> -> memref<1x64xf32, #tpu.memory_space<hbm>>
      tpu.enqueue_dma source(%dma_start3A_444 : memref<1x64xf32, #tpu.memory_space<hbm>>) target(%dma_start3A_442 : memref<1x64xf32, #tpu.memory_space<vmem>>) target_semaphore(%arg12 : memref<!tpu.dma_semaphore, #tpu.memory_space<semaphore_mem>>)
      %slice3A_445 = vector.extract_strided_slice %get3A_408 {offsets = [3], sizes = [1], strides = [1]} : vector<16xi32> to vector<1xi32>
      %squeeze3A_446 = vector.extract %slice3A_445[0] : i32 from vector<1xi32>
      %dma_start3A_447 = arith.constant 35 : i32
      %dma_start3A_448 = arith.constant 0 : i32
      %dma_start3A_449 = tpu.memref_slice %arg10[%dma_start3A_447, %dma_start3A_448] : memref<64x64xf32, #tpu.memory_space<vmem>> -> memref<1x64xf32, #tpu.memory_space<vmem>>
      %dma_start3A_450 = arith.constant 0 : i32
      %dma_start3A_451 = tpu.memref_slice %arg4[%squeeze3A_446, %dma_start3A_450] : memref<1000000x64xf32, #tpu.memory_space<hbm>> -> memref<1x64xf32, #tpu.memory_space<hbm>>
      %dma_start3A_452 = arith.constant 35 : i32
      %dma_start3A_453 = arith.constant 0 : i32
      %dma_start3A_454 = tpu.memref_slice %arg10[%dma_start3A_452, %dma_start3A_453] : memref<64x64xf32, #tpu.memory_space<vmem>> -> memref<1x64xf32, #tpu.memory_space<vmem>>
      %dma_start3A_455 = arith.constant 0 : i32
      %dma_start3A_456 = tpu.memref_slice %arg4[%squeeze3A_446, %dma_start3A_455] : memref<1000000x64xf32, #tpu.memory_space<hbm>> -> memref<1x64xf32, #tpu.memory_space<hbm>>
      tpu.enqueue_dma source(%dma_start3A_456 : memref<1x64xf32, #tpu.memory_space<hbm>>) target(%dma_start3A_454 : memref<1x64xf32, #tpu.memory_space<vmem>>) target_semaphore(%arg12 : memref<!tpu.dma_semaphore, #tpu.memory_space<semaphore_mem>>)
      %slice3A_457 = vector.extract_strided_slice %get3A_408 {offsets = [4], sizes = [1], strides = [1]} : vector<16xi32> to vector<1xi32>
      %squeeze3A_458 = vector.extract %slice3A_457[0] : i32 from vector<1xi32>
      %dma_start3A_459 = arith.constant 36 : i32
      %dma_start3A_460 = arith.constant 0 : i32
      %dma_start3A_461 = tpu.memref_slice %arg10[%dma_start3A_459, %dma_start3A_460] : memref<64x64xf32, #tpu.memory_space<vmem>> -> memref<1x64xf32, #tpu.memory_space<vmem>>
      %dma_start3A_462 = arith.constant 0 : i32
      %dma_start3A_463 = tpu.memref_slice %arg4[%squeeze3A_458, %dma_start3A_462] : memref<1000000x64xf32, #tpu.memory_space<hbm>> -> memref<1x64xf32, #tpu.memory_space<hbm>>
      %dma_start3A_464 = arith.constant 36 : i32
      %dma_start3A_465 = arith.constant 0 : i32
      %dma_start3A_466 = tpu.memref_slice %arg10[%dma_start3A_464, %dma_start3A_465] : memref<64x64xf32, #tpu.memory_space<vmem>> -> memref<1x64xf32, #tpu.memory_space<vmem>>
      %dma_start3A_467 = arith.constant 0 : i32
      %dma_start3A_468 = tpu.memref_slice %arg4[%squeeze3A_458, %dma_start3A_467] : memref<1000000x64xf32, #tpu.memory_space<hbm>> -> memref<1x64xf32, #tpu.memory_space<hbm>>
      tpu.enqueue_dma source(%dma_start3A_468 : memref<1x64xf32, #tpu.memory_space<hbm>>) target(%dma_start3A_466 : memref<1x64xf32, #tpu.memory_space<vmem>>) target_semaphore(%arg12 : memref<!tpu.dma_semaphore, #tpu.memory_space<semaphore_mem>>)
      %slice3A_469 = vector.extract_strided_slice %get3A_408 {offsets = [5], sizes = [1], strides = [1]} : vector<16xi32> to vector<1xi32>
      %squeeze3A_470 = vector.extract %slice3A_469[0] : i32 from vector<1xi32>
      %dma_start3A_471 = arith.constant 37 : i32
      %dma_start3A_472 = arith.constant 0 : i32
      %dma_start3A_473 = tpu.memref_slice %arg10[%dma_start3A_471, %dma_start3A_472] : memref<64x64xf32, #tpu.memory_space<vmem>> -> memref<1x64xf32, #tpu.memory_space<vmem>>
      %dma_start3A_474 = arith.constant 0 : i32
      %dma_start3A_475 = tpu.memref_slice %arg4[%squeeze3A_470, %dma_start3A_474] : memref<1000000x64xf32, #tpu.memory_space<hbm>> -> memref<1x64xf32, #tpu.memory_space<hbm>>
      %dma_start3A_476 = arith.constant 37 : i32
      %dma_start3A_477 = arith.constant 0 : i32
      %dma_start3A_478 = tpu.memref_slice %arg10[%dma_start3A_476, %dma_start3A_477] : memref<64x64xf32, #tpu.memory_space<vmem>> -> memref<1x64xf32, #tpu.memory_space<vmem>>
      %dma_start3A_479 = arith.constant 0 : i32
      %dma_start3A_480 = tpu.memref_slice %arg4[%squeeze3A_470, %dma_start3A_479] : memref<1000000x64xf32, #tpu.memory_space<hbm>> -> memref<1x64xf32, #tpu.memory_space<hbm>>
      tpu.enqueue_dma source(%dma_start3A_480 : memref<1x64xf32, #tpu.memory_space<hbm>>) target(%dma_start3A_478 : memref<1x64xf32, #tpu.memory_space<vmem>>) target_semaphore(%arg12 : memref<!tpu.dma_semaphore, #tpu.memory_space<semaphore_mem>>)
      %slice3A_481 = vector.extract_strided_slice %get3A_408 {offsets = [6], sizes = [1], strides = [1]} : vector<16xi32> to vector<1xi32>
      %squeeze3A_482 = vector.extract %slice3A_481[0] : i32 from vector<1xi32>
      %dma_start3A_483 = arith.constant 38 : i32
      %dma_start3A_484 = arith.constant 0 : i32
      %dma_start3A_485 = tpu.memref_slice %arg10[%dma_start3A_483, %dma_start3A_484] : memref<64x64xf32, #tpu.memory_space<vmem>> -> memref<1x64xf32, #tpu.memory_space<vmem>>
      %dma_start3A_486 = arith.constant 0 : i32
      %dma_start3A_487 = tpu.memref_slice %arg4[%squeeze3A_482, %dma_start3A_486] : memref<1000000x64xf32, #tpu.memory_space<hbm>> -> memref<1x64xf32, #tpu.memory_space<hbm>>
      %dma_start3A_488 = arith.constant 38 : i32
      %dma_start3A_489 = arith.constant 0 : i32
      %dma_start3A_490 = tpu.memref_slice %arg10[%dma_start3A_488, %dma_start3A_489] : memref<64x64xf32, #tpu.memory_space<vmem>> -> memref<1x64xf32, #tpu.memory_space<vmem>>
      %dma_start3A_491 = arith.constant 0 : i32
      %dma_start3A_492 = tpu.memref_slice %arg4[%squeeze3A_482, %dma_start3A_491] : memref<1000000x64xf32, #tpu.memory_space<hbm>> -> memref<1x64xf32, #tpu.memory_space<hbm>>
      tpu.enqueue_dma source(%dma_start3A_492 : memref<1x64xf32, #tpu.memory_space<hbm>>) target(%dma_start3A_490 : memref<1x64xf32, #tpu.memory_space<vmem>>) target_semaphore(%arg12 : memref<!tpu.dma_semaphore, #tpu.memory_space<semaphore_mem>>)
      %slice3A_493 = vector.extract_strided_slice %get3A_408 {offsets = [7], sizes = [1], strides = [1]} : vector<16xi32> to vector<1xi32>
      %squeeze3A_494 = vector.extract %slice3A_493[0] : i32 from vector<1xi32>
      %dma_start3A_495 = arith.constant 39 : i32
      %dma_start3A_496 = arith.constant 0 : i32
      %dma_start3A_497 = tpu.memref_slice %arg10[%dma_start3A_495, %dma_start3A_496] : memref<64x64xf32, #tpu.memory_space<vmem>> -> memref<1x64xf32, #tpu.memory_space<vmem>>
      %dma_start3A_498 = arith.constant 0 : i32
      %dma_start3A_499 = tpu.memref_slice %arg4[%squeeze3A_494, %dma_start3A_498] : memref<1000000x64xf32, #tpu.memory_space<hbm>> -> memref<1x64xf32, #tpu.memory_space<hbm>>
      %dma_start3A_500 = arith.constant 39 : i32
      %dma_start3A_501 = arith.constant 0 : i32
      %dma_start3A_502 = tpu.memref_slice %arg10[%dma_start3A_500, %dma_start3A_501] : memref<64x64xf32, #tpu.memory_space<vmem>> -> memref<1x64xf32, #tpu.memory_space<vmem>>
      %dma_start3A_503 = arith.constant 0 : i32
      %dma_start3A_504 = tpu.memref_slice %arg4[%squeeze3A_494, %dma_start3A_503] : memref<1000000x64xf32, #tpu.memory_space<hbm>> -> memref<1x64xf32, #tpu.memory_space<hbm>>
      tpu.enqueue_dma source(%dma_start3A_504 : memref<1x64xf32, #tpu.memory_space<hbm>>) target(%dma_start3A_502 : memref<1x64xf32, #tpu.memory_space<vmem>>) target_semaphore(%arg12 : memref<!tpu.dma_semaphore, #tpu.memory_space<semaphore_mem>>)
      %slice3A_505 = vector.extract_strided_slice %get3A_408 {offsets = [8], sizes = [1], strides = [1]} : vector<16xi32> to vector<1xi32>
      %squeeze3A_506 = vector.extract %slice3A_505[0] : i32 from vector<1xi32>
      %dma_start3A_507 = arith.constant 40 : i32
      %dma_start3A_508 = arith.constant 0 : i32
      %dma_start3A_509 = tpu.memref_slice %arg10[%dma_start3A_507, %dma_start3A_508] : memref<64x64xf32, #tpu.memory_space<vmem>> -> memref<1x64xf32, #tpu.memory_space<vmem>>
      %dma_start3A_510 = arith.constant 0 : i32
      %dma_start3A_511 = tpu.memref_slice %arg4[%squeeze3A_506, %dma_start3A_510] : memref<1000000x64xf32, #tpu.memory_space<hbm>> -> memref<1x64xf32, #tpu.memory_space<hbm>>
      %dma_start3A_512 = arith.constant 40 : i32
      %dma_start3A_513 = arith.constant 0 : i32
      %dma_start3A_514 = tpu.memref_slice %arg10[%dma_start3A_512, %dma_start3A_513] : memref<64x64xf32, #tpu.memory_space<vmem>> -> memref<1x64xf32, #tpu.memory_space<vmem>>
      %dma_start3A_515 = arith.constant 0 : i32
      %dma_start3A_516 = tpu.memref_slice %arg4[%squeeze3A_506, %dma_start3A_515] : memref<1000000x64xf32, #tpu.memory_space<hbm>> -> memref<1x64xf32, #tpu.memory_space<hbm>>
      tpu.enqueue_dma source(%dma_start3A_516 : memref<1x64xf32, #tpu.memory_space<hbm>>) target(%dma_start3A_514 : memref<1x64xf32, #tpu.memory_space<vmem>>) target_semaphore(%arg12 : memref<!tpu.dma_semaphore, #tpu.memory_space<semaphore_mem>>)
      %slice3A_517 = vector.extract_strided_slice %get3A_408 {offsets = [9], sizes = [1], strides = [1]} : vector<16xi32> to vector<1xi32>
      %squeeze3A_518 = vector.extract %slice3A_517[0] : i32 from vector<1xi32>
      %dma_start3A_519 = arith.constant 41 : i32
      %dma_start3A_520 = arith.constant 0 : i32
      %dma_start3A_521 = tpu.memref_slice %arg10[%dma_start3A_519, %dma_start3A_520] : memref<64x64xf32, #tpu.memory_space<vmem>> -> memref<1x64xf32, #tpu.memory_space<vmem>>
      %dma_start3A_522 = arith.constant 0 : i32
      %dma_start3A_523 = tpu.memref_slice %arg4[%squeeze3A_518, %dma_start3A_522] : memref<1000000x64xf32, #tpu.memory_space<hbm>> -> memref<1x64xf32, #tpu.memory_space<hbm>>
      %dma_start3A_524 = arith.constant 41 : i32
      %dma_start3A_525 = arith.constant 0 : i32
      %dma_start3A_526 = tpu.memref_slice %arg10[%dma_start3A_524, %dma_start3A_525] : memref<64x64xf32, #tpu.memory_space<vmem>> -> memref<1x64xf32, #tpu.memory_space<vmem>>
      %dma_start3A_527 = arith.constant 0 : i32
      %dma_start3A_528 = tpu.memref_slice %arg4[%squeeze3A_518, %dma_start3A_527] : memref<1000000x64xf32, #tpu.memory_space<hbm>> -> memref<1x64xf32, #tpu.memory_space<hbm>>
      tpu.enqueue_dma source(%dma_start3A_528 : memref<1x64xf32, #tpu.memory_space<hbm>>) target(%dma_start3A_526 : memref<1x64xf32, #tpu.memory_space<vmem>>) target_semaphore(%arg12 : memref<!tpu.dma_semaphore, #tpu.memory_space<semaphore_mem>>)
      %slice3A_529 = vector.extract_strided_slice %get3A_408 {offsets = [10], sizes = [1], strides = [1]} : vector<16xi32> to vector<1xi32>
      %squeeze3A_530 = vector.extract %slice3A_529[0] : i32 from vector<1xi32>
      %dma_start3A_531 = arith.constant 42 : i32
      %dma_start3A_532 = arith.constant 0 : i32
      %dma_start3A_533 = tpu.memref_slice %arg10[%dma_start3A_531, %dma_start3A_532] : memref<64x64xf32, #tpu.memory_space<vmem>> -> memref<1x64xf32, #tpu.memory_space<vmem>>
      %dma_start3A_534 = arith.constant 0 : i32
      %dma_start3A_535 = tpu.memref_slice %arg4[%squeeze3A_530, %dma_start3A_534] : memref<1000000x64xf32, #tpu.memory_space<hbm>> -> memref<1x64xf32, #tpu.memory_space<hbm>>
      %dma_start3A_536 = arith.constant 42 : i32
      %dma_start3A_537 = arith.constant 0 : i32
      %dma_start3A_538 = tpu.memref_slice %arg10[%dma_start3A_536, %dma_start3A_537] : memref<64x64xf32, #tpu.memory_space<vmem>> -> memref<1x64xf32, #tpu.memory_space<vmem>>
      %dma_start3A_539 = arith.constant 0 : i32
      %dma_start3A_540 = tpu.memref_slice %arg4[%squeeze3A_530, %dma_start3A_539] : memref<1000000x64xf32, #tpu.memory_space<hbm>> -> memref<1x64xf32, #tpu.memory_space<hbm>>
      tpu.enqueue_dma source(%dma_start3A_540 : memref<1x64xf32, #tpu.memory_space<hbm>>) target(%dma_start3A_538 : memref<1x64xf32, #tpu.memory_space<vmem>>) target_semaphore(%arg12 : memref<!tpu.dma_semaphore, #tpu.memory_space<semaphore_mem>>)
      %slice3A_541 = vector.extract_strided_slice %get3A_408 {offsets = [11], sizes = [1], strides = [1]} : vector<16xi32> to vector<1xi32>
      %squeeze3A_542 = vector.extract %slice3A_541[0] : i32 from vector<1xi32>
      %dma_start3A_543 = arith.constant 43 : i32
      %dma_start3A_544 = arith.constant 0 : i32
      %dma_start3A_545 = tpu.memref_slice %arg10[%dma_start3A_543, %dma_start3A_544] : memref<64x64xf32, #tpu.memory_space<vmem>> -> memref<1x64xf32, #tpu.memory_space<vmem>>
      %dma_start3A_546 = arith.constant 0 : i32
      %dma_start3A_547 = tpu.memref_slice %arg4[%squeeze3A_542, %dma_start3A_546] : memref<1000000x64xf32, #tpu.memory_space<hbm>> -> memref<1x64xf32, #tpu.memory_space<hbm>>
      %dma_start3A_548 = arith.constant 43 : i32
      %dma_start3A_549 = arith.constant 0 : i32
      %dma_start3A_550 = tpu.memref_slice %arg10[%dma_start3A_548, %dma_start3A_549] : memref<64x64xf32, #tpu.memory_space<vmem>> -> memref<1x64xf32, #tpu.memory_space<vmem>>
      %dma_start3A_551 = arith.constant 0 : i32
      %dma_start3A_552 = tpu.memref_slice %arg4[%squeeze3A_542, %dma_start3A_551] : memref<1000000x64xf32, #tpu.memory_space<hbm>> -> memref<1x64xf32, #tpu.memory_space<hbm>>
      tpu.enqueue_dma source(%dma_start3A_552 : memref<1x64xf32, #tpu.memory_space<hbm>>) target(%dma_start3A_550 : memref<1x64xf32, #tpu.memory_space<vmem>>) target_semaphore(%arg12 : memref<!tpu.dma_semaphore, #tpu.memory_space<semaphore_mem>>)
      %slice3A_553 = vector.extract_strided_slice %get3A_408 {offsets = [12], sizes = [1], strides = [1]} : vector<16xi32> to vector<1xi32>
      %squeeze3A_554 = vector.extract %slice3A_553[0] : i32 from vector<1xi32>
      %dma_start3A_555 = arith.constant 44 : i32
      %dma_start3A_556 = arith.constant 0 : i32
      %dma_start3A_557 = tpu.memref_slice %arg10[%dma_start3A_555, %dma_start3A_556] : memref<64x64xf32, #tpu.memory_space<vmem>> -> memref<1x64xf32, #tpu.memory_space<vmem>>
      %dma_start3A_558 = arith.constant 0 : i32
      %dma_start3A_559 = tpu.memref_slice %arg4[%squeeze3A_554, %dma_start3A_558] : memref<1000000x64xf32, #tpu.memory_space<hbm>> -> memref<1x64xf32, #tpu.memory_space<hbm>>
      %dma_start3A_560 = arith.constant 44 : i32
      %dma_start3A_561 = arith.constant 0 : i32
      %dma_start3A_562 = tpu.memref_slice %arg10[%dma_start3A_560, %dma_start3A_561] : memref<64x64xf32, #tpu.memory_space<vmem>> -> memref<1x64xf32, #tpu.memory_space<vmem>>
      %dma_start3A_563 = arith.constant 0 : i32
      %dma_start3A_564 = tpu.memref_slice %arg4[%squeeze3A_554, %dma_start3A_563] : memref<1000000x64xf32, #tpu.memory_space<hbm>> -> memref<1x64xf32, #tpu.memory_space<hbm>>
      tpu.enqueue_dma source(%dma_start3A_564 : memref<1x64xf32, #tpu.memory_space<hbm>>) target(%dma_start3A_562 : memref<1x64xf32, #tpu.memory_space<vmem>>) target_semaphore(%arg12 : memref<!tpu.dma_semaphore, #tpu.memory_space<semaphore_mem>>)
      %slice3A_565 = vector.extract_strided_slice %get3A_408 {offsets = [13], sizes = [1], strides = [1]} : vector<16xi32> to vector<1xi32>
      %squeeze3A_566 = vector.extract %slice3A_565[0] : i32 from vector<1xi32>
      %dma_start3A_567 = arith.constant 45 : i32
      %dma_start3A_568 = arith.constant 0 : i32
      %dma_start3A_569 = tpu.memref_slice %arg10[%dma_start3A_567, %dma_start3A_568] : memref<64x64xf32, #tpu.memory_space<vmem>> -> memref<1x64xf32, #tpu.memory_space<vmem>>
      %dma_start3A_570 = arith.constant 0 : i32
      %dma_start3A_571 = tpu.memref_slice %arg4[%squeeze3A_566, %dma_start3A_570] : memref<1000000x64xf32, #tpu.memory_space<hbm>> -> memref<1x64xf32, #tpu.memory_space<hbm>>
      %dma_start3A_572 = arith.constant 45 : i32
      %dma_start3A_573 = arith.constant 0 : i32
      %dma_start3A_574 = tpu.memref_slice %arg10[%dma_start3A_572, %dma_start3A_573] : memref<64x64xf32, #tpu.memory_space<vmem>> -> memref<1x64xf32, #tpu.memory_space<vmem>>
      %dma_start3A_575 = arith.constant 0 : i32
      %dma_start3A_576 = tpu.memref_slice %arg4[%squeeze3A_566, %dma_start3A_575] : memref<1000000x64xf32, #tpu.memory_space<hbm>> -> memref<1x64xf32, #tpu.memory_space<hbm>>
      tpu.enqueue_dma source(%dma_start3A_576 : memref<1x64xf32, #tpu.memory_space<hbm>>) target(%dma_start3A_574 : memref<1x64xf32, #tpu.memory_space<vmem>>) target_semaphore(%arg12 : memref<!tpu.dma_semaphore, #tpu.memory_space<semaphore_mem>>)
      %slice3A_577 = vector.extract_strided_slice %get3A_408 {offsets = [14], sizes = [1], strides = [1]} : vector<16xi32> to vector<1xi32>
      %squeeze3A_578 = vector.extract %slice3A_577[0] : i32 from vector<1xi32>
      %dma_start3A_579 = arith.constant 46 : i32
      %dma_start3A_580 = arith.constant 0 : i32
      %dma_start3A_581 = tpu.memref_slice %arg10[%dma_start3A_579, %dma_start3A_580] : memref<64x64xf32, #tpu.memory_space<vmem>> -> memref<1x64xf32, #tpu.memory_space<vmem>>
      %dma_start3A_582 = arith.constant 0 : i32
      %dma_start3A_583 = tpu.memref_slice %arg4[%squeeze3A_578, %dma_start3A_582] : memref<1000000x64xf32, #tpu.memory_space<hbm>> -> memref<1x64xf32, #tpu.memory_space<hbm>>
      %dma_start3A_584 = arith.constant 46 : i32
      %dma_start3A_585 = arith.constant 0 : i32
      %dma_start3A_586 = tpu.memref_slice %arg10[%dma_start3A_584, %dma_start3A_585] : memref<64x64xf32, #tpu.memory_space<vmem>> -> memref<1x64xf32, #tpu.memory_space<vmem>>
      %dma_start3A_587 = arith.constant 0 : i32
      %dma_start3A_588 = tpu.memref_slice %arg4[%squeeze3A_578, %dma_start3A_587] : memref<1000000x64xf32, #tpu.memory_space<hbm>> -> memref<1x64xf32, #tpu.memory_space<hbm>>
      tpu.enqueue_dma source(%dma_start3A_588 : memref<1x64xf32, #tpu.memory_space<hbm>>) target(%dma_start3A_586 : memref<1x64xf32, #tpu.memory_space<vmem>>) target_semaphore(%arg12 : memref<!tpu.dma_semaphore, #tpu.memory_space<semaphore_mem>>)
      %slice3A_589 = vector.extract_strided_slice %get3A_408 {offsets = [15], sizes = [1], strides = [1]} : vector<16xi32> to vector<1xi32>
      %squeeze3A_590 = vector.extract %slice3A_589[0] : i32 from vector<1xi32>
      %dma_start3A_591 = arith.constant 47 : i32
      %dma_start3A_592 = arith.constant 0 : i32
      %dma_start3A_593 = tpu.memref_slice %arg10[%dma_start3A_591, %dma_start3A_592] : memref<64x64xf32, #tpu.memory_space<vmem>> -> memref<1x64xf32, #tpu.memory_space<vmem>>
      %dma_start3A_594 = arith.constant 0 : i32
      %dma_start3A_595 = tpu.memref_slice %arg4[%squeeze3A_590, %dma_start3A_594] : memref<1000000x64xf32, #tpu.memory_space<hbm>> -> memref<1x64xf32, #tpu.memory_space<hbm>>
      %dma_start3A_596 = arith.constant 47 : i32
      %dma_start3A_597 = arith.constant 0 : i32
      %dma_start3A_598 = tpu.memref_slice %arg10[%dma_start3A_596, %dma_start3A_597] : memref<64x64xf32, #tpu.memory_space<vmem>> -> memref<1x64xf32, #tpu.memory_space<vmem>>
      %dma_start3A_599 = arith.constant 0 : i32
      %dma_start3A_600 = tpu.memref_slice %arg4[%squeeze3A_590, %dma_start3A_599] : memref<1000000x64xf32, #tpu.memory_space<hbm>> -> memref<1x64xf32, #tpu.memory_space<hbm>>
      tpu.enqueue_dma source(%dma_start3A_600 : memref<1x64xf32, #tpu.memory_space<hbm>>) target(%dma_start3A_598 : memref<1x64xf32, #tpu.memory_space<vmem>>) target_semaphore(%arg12 : memref<!tpu.dma_semaphore, #tpu.memory_space<semaphore_mem>>)
      %mul3A_601 = arith.constant 64 : i32
      %mul3A_602 = arith.muli %scan3A_7, %mul3A_601 : i32
      %add3A_603 = arith.constant 48 : i32
      %add3A_604 = arith.addi %mul3A_602, %add3A_603 : i32
      %get3A_605 = arith.index_cast %add3A_604 : i32 to index
      %get3A_606 = tpu.vector_load %arg8[%get3A_605] {strides = array<i32>} : memref<512xi32, #tpu.memory_space<vmem>>, vector<16xi32>,
      %get3A_607 = vector.shape_cast %get3A_606 : vector<16xi32> to vector<16xi32>
      %slice3A_608 = vector.extract_strided_slice %get3A_607 {offsets = [0], sizes = [1], strides = [1]} : vector<16xi32> to vector<1xi32>
      %squeeze3A_609 = vector.extract %slice3A_608[0] : i32 from vector<1xi32>
      %dma_start3A_610 = arith.constant 48 : i32
      %dma_start3A_611 = arith.constant 0 : i32
      %dma_start3A_612 = tpu.memref_slice %arg10[%dma_start3A_610, %dma_start3A_611] : memref<64x64xf32, #tpu.memory_space<vmem>> -> memref<1x64xf32, #tpu.memory_space<vmem>>
      %dma_start3A_613 = arith.constant 0 : i32
      %dma_start3A_614 = tpu.memref_slice %arg4[%squeeze3A_609, %dma_start3A_613] : memref<1000000x64xf32, #tpu.memory_space<hbm>> -> memref<1x64xf32, #tpu.memory_space<hbm>>
      %dma_start3A_615 = arith.constant 48 : i32
      %dma_start3A_616 = arith.constant 0 : i32
      %dma_start3A_617 = tpu.memref_slice %arg10[%dma_start3A_615, %dma_start3A_616] : memref<64x64xf32, #tpu.memory_space<vmem>> -> memref<1x64xf32, #tpu.memory_space<vmem>>
      %dma_start3A_618 = arith.constant 0 : i32
      %dma_start3A_619 = tpu.memref_slice %arg4[%squeeze3A_609, %dma_start3A_618] : memref<1000000x64xf32, #tpu.memory_space<hbm>> -> memref<1x64xf32, #tpu.memory_space<hbm>>
      tpu.enqueue_dma source(%dma_start3A_619 : memref<1x64xf32, #tpu.memory_space<hbm>>) target(%dma_start3A_617 : memref<1x64xf32, #tpu.memory_space<vmem>>) target_semaphore(%arg12 : memref<!tpu.dma_semaphore, #tpu.memory_space<semaphore_mem>>)
      %slice3A_620 = vector.extract_strided_slice %get3A_607 {offsets = [1], sizes = [1], strides = [1]} : vector<16xi32> to vector<1xi32>
      %squeeze3A_621 = vector.extract %slice3A_620[0] : i32 from vector<1xi32>
      %dma_start3A_622 = arith.constant 49 : i32
      %dma_start3A_623 = arith.constant 0 : i32
      %dma_start3A_624 = tpu.memref_slice %arg10[%dma_start3A_622, %dma_start3A_623] : memref<64x64xf32, #tpu.memory_space<vmem>> -> memref<1x64xf32, #tpu.memory_space<vmem>>
      %dma_start3A_625 = arith.constant 0 : i32
      %dma_start3A_626 = tpu.memref_slice %arg4[%squeeze3A_621, %dma_start3A_625] : memref<1000000x64xf32, #tpu.memory_space<hbm>> -> memref<1x64xf32, #tpu.memory_space<hbm>>
      %dma_start3A_627 = arith.constant 49 : i32
      %dma_start3A_628 = arith.constant 0 : i32
      %dma_start3A_629 = tpu.memref_slice %arg10[%dma_start3A_627, %dma_start3A_628] : memref<64x64xf32, #tpu.memory_space<vmem>> -> memref<1x64xf32, #tpu.memory_space<vmem>>
      %dma_start3A_630 = arith.constant 0 : i32
      %dma_start3A_631 = tpu.memref_slice %arg4[%squeeze3A_621, %dma_start3A_630] : memref<1000000x64xf32, #tpu.memory_space<hbm>> -> memref<1x64xf32, #tpu.memory_space<hbm>>
      tpu.enqueue_dma source(%dma_start3A_631 : memref<1x64xf32, #tpu.memory_space<hbm>>) target(%dma_start3A_629 : memref<1x64xf32, #tpu.memory_space<vmem>>) target_semaphore(%arg12 : memref<!tpu.dma_semaphore, #tpu.memory_space<semaphore_mem>>)
      %slice3A_632 = vector.extract_strided_slice %get3A_607 {offsets = [2], sizes = [1], strides = [1]} : vector<16xi32> to vector<1xi32>
      %squeeze3A_633 = vector.extract %slice3A_632[0] : i32 from vector<1xi32>
      %dma_start3A_634 = arith.constant 50 : i32
      %dma_start3A_635 = arith.constant 0 : i32
      %dma_start3A_636 = tpu.memref_slice %arg10[%dma_start3A_634, %dma_start3A_635] : memref<64x64xf32, #tpu.memory_space<vmem>> -> memref<1x64xf32, #tpu.memory_space<vmem>>
      %dma_start3A_637 = arith.constant 0 : i32
      %dma_start3A_638 = tpu.memref_slice %arg4[%squeeze3A_633, %dma_start3A_637] : memref<1000000x64xf32, #tpu.memory_space<hbm>> -> memref<1x64xf32, #tpu.memory_space<hbm>>
      %dma_start3A_639 = arith.constant 50 : i32
      %dma_start3A_640 = arith.constant 0 : i32
      %dma_start3A_641 = tpu.memref_slice %arg10[%dma_start3A_639, %dma_start3A_640] : memref<64x64xf32, #tpu.memory_space<vmem>> -> memref<1x64xf32, #tpu.memory_space<vmem>>
      %dma_start3A_642 = arith.constant 0 : i32
      %dma_start3A_643 = tpu.memref_slice %arg4[%squeeze3A_633, %dma_start3A_642] : memref<1000000x64xf32, #tpu.memory_space<hbm>> -> memref<1x64xf32, #tpu.memory_space<hbm>>
      tpu.enqueue_dma source(%dma_start3A_643 : memref<1x64xf32, #tpu.memory_space<hbm>>) target(%dma_start3A_641 : memref<1x64xf32, #tpu.memory_space<vmem>>) target_semaphore(%arg12 : memref<!tpu.dma_semaphore, #tpu.memory_space<semaphore_mem>>)
      %slice3A_644 = vector.extract_strided_slice %get3A_607 {offsets = [3], sizes = [1], strides = [1]} : vector<16xi32> to vector<1xi32>
      %squeeze3A_645 = vector.extract %slice3A_644[0] : i32 from vector<1xi32>
      %dma_start3A_646 = arith.constant 51 : i32
      %dma_start3A_647 = arith.constant 0 : i32
      %dma_start3A_648 = tpu.memref_slice %arg10[%dma_start3A_646, %dma_start3A_647] : memref<64x64xf32, #tpu.memory_space<vmem>> -> memref<1x64xf32, #tpu.memory_space<vmem>>
      %dma_start3A_649 = arith.constant 0 : i32
      %dma_start3A_650 = tpu.memref_slice %arg4[%squeeze3A_645, %dma_start3A_649] : memref<1000000x64xf32, #tpu.memory_space<hbm>> -> memref<1x64xf32, #tpu.memory_space<hbm>>
      %dma_start3A_651 = arith.constant 51 : i32
      %dma_start3A_652 = arith.constant 0 : i32
      %dma_start3A_653 = tpu.memref_slice %arg10[%dma_start3A_651, %dma_start3A_652] : memref<64x64xf32, #tpu.memory_space<vmem>> -> memref<1x64xf32, #tpu.memory_space<vmem>>
      %dma_start3A_654 = arith.constant 0 : i32
      %dma_start3A_655 = tpu.memref_slice %arg4[%squeeze3A_645, %dma_start3A_654] : memref<1000000x64xf32, #tpu.memory_space<hbm>> -> memref<1x64xf32, #tpu.memory_space<hbm>>
      tpu.enqueue_dma source(%dma_start3A_655 : memref<1x64xf32, #tpu.memory_space<hbm>>) target(%dma_start3A_653 : memref<1x64xf32, #tpu.memory_space<vmem>>) target_semaphore(%arg12 : memref<!tpu.dma_semaphore, #tpu.memory_space<semaphore_mem>>)
      %slice3A_656 = vector.extract_strided_slice %get3A_607 {offsets = [4], sizes = [1], strides = [1]} : vector<16xi32> to vector<1xi32>
      %squeeze3A_657 = vector.extract %slice3A_656[0] : i32 from vector<1xi32>
      %dma_start3A_658 = arith.constant 52 : i32
      %dma_start3A_659 = arith.constant 0 : i32
      %dma_start3A_660 = tpu.memref_slice %arg10[%dma_start3A_658, %dma_start3A_659] : memref<64x64xf32, #tpu.memory_space<vmem>> -> memref<1x64xf32, #tpu.memory_space<vmem>>
      %dma_start3A_661 = arith.constant 0 : i32
      %dma_start3A_662 = tpu.memref_slice %arg4[%squeeze3A_657, %dma_start3A_661] : memref<1000000x64xf32, #tpu.memory_space<hbm>> -> memref<1x64xf32, #tpu.memory_space<hbm>>
      %dma_start3A_663 = arith.constant 52 : i32
      %dma_start3A_664 = arith.constant 0 : i32
      %dma_start3A_665 = tpu.memref_slice %arg10[%dma_start3A_663, %dma_start3A_664] : memref<64x64xf32, #tpu.memory_space<vmem>> -> memref<1x64xf32, #tpu.memory_space<vmem>>
      %dma_start3A_666 = arith.constant 0 : i32
      %dma_start3A_667 = tpu.memref_slice %arg4[%squeeze3A_657, %dma_start3A_666] : memref<1000000x64xf32, #tpu.memory_space<hbm>> -> memref<1x64xf32, #tpu.memory_space<hbm>>
      tpu.enqueue_dma source(%dma_start3A_667 : memref<1x64xf32, #tpu.memory_space<hbm>>) target(%dma_start3A_665 : memref<1x64xf32, #tpu.memory_space<vmem>>) target_semaphore(%arg12 : memref<!tpu.dma_semaphore, #tpu.memory_space<semaphore_mem>>)
      %slice3A_668 = vector.extract_strided_slice %get3A_607 {offsets = [5], sizes = [1], strides = [1]} : vector<16xi32> to vector<1xi32>
      %squeeze3A_669 = vector.extract %slice3A_668[0] : i32 from vector<1xi32>
      %dma_start3A_670 = arith.constant 53 : i32
      %dma_start3A_671 = arith.constant 0 : i32
      %dma_start3A_672 = tpu.memref_slice %arg10[%dma_start3A_670, %dma_start3A_671] : memref<64x64xf32, #tpu.memory_space<vmem>> -> memref<1x64xf32, #tpu.memory_space<vmem>>
      %dma_start3A_673 = arith.constant 0 : i32
      %dma_start3A_674 = tpu.memref_slice %arg4[%squeeze3A_669, %dma_start3A_673] : memref<1000000x64xf32, #tpu.memory_space<hbm>> -> memref<1x64xf32, #tpu.memory_space<hbm>>
      %dma_start3A_675 = arith.constant 53 : i32
      %dma_start3A_676 = arith.constant 0 : i32
      %dma_start3A_677 = tpu.memref_slice %arg10[%dma_start3A_675, %dma_start3A_676] : memref<64x64xf32, #tpu.memory_space<vmem>> -> memref<1x64xf32, #tpu.memory_space<vmem>>
      %dma_start3A_678 = arith.constant 0 : i32
      %dma_start3A_679 = tpu.memref_slice %arg4[%squeeze3A_669, %dma_start3A_678] : memref<1000000x64xf32, #tpu.memory_space<hbm>> -> memref<1x64xf32, #tpu.memory_space<hbm>>
      tpu.enqueue_dma source(%dma_start3A_679 : memref<1x64xf32, #tpu.memory_space<hbm>>) target(%dma_start3A_677 : memref<1x64xf32, #tpu.memory_space<vmem>>) target_semaphore(%arg12 : memref<!tpu.dma_semaphore, #tpu.memory_space<semaphore_mem>>)
      %slice3A_680 = vector.extract_strided_slice %get3A_607 {offsets = [6], sizes = [1], strides = [1]} : vector<16xi32> to vector<1xi32>
      %squeeze3A_681 = vector.extract %slice3A_680[0] : i32 from vector<1xi32>
      %dma_start3A_682 = arith.constant 54 : i32
      %dma_start3A_683 = arith.constant 0 : i32
      %dma_start3A_684 = tpu.memref_slice %arg10[%dma_start3A_682, %dma_start3A_683] : memref<64x64xf32, #tpu.memory_space<vmem>> -> memref<1x64xf32, #tpu.memory_space<vmem>>
      %dma_start3A_685 = arith.constant 0 : i32
      %dma_start3A_686 = tpu.memref_slice %arg4[%squeeze3A_681, %dma_start3A_685] : memref<1000000x64xf32, #tpu.memory_space<hbm>> -> memref<1x64xf32, #tpu.memory_space<hbm>>
      %dma_start3A_687 = arith.constant 54 : i32
      %dma_start3A_688 = arith.constant 0 : i32
      %dma_start3A_689 = tpu.memref_slice %arg10[%dma_start3A_687, %dma_start3A_688] : memref<64x64xf32, #tpu.memory_space<vmem>> -> memref<1x64xf32, #tpu.memory_space<vmem>>
      %dma_start3A_690 = arith.constant 0 : i32
      %dma_start3A_691 = tpu.memref_slice %arg4[%squeeze3A_681, %dma_start3A_690] : memref<1000000x64xf32, #tpu.memory_space<hbm>> -> memref<1x64xf32, #tpu.memory_space<hbm>>
      tpu.enqueue_dma source(%dma_start3A_691 : memref<1x64xf32, #tpu.memory_space<hbm>>) target(%dma_start3A_689 : memref<1x64xf32, #tpu.memory_space<vmem>>) target_semaphore(%arg12 : memref<!tpu.dma_semaphore, #tpu.memory_space<semaphore_mem>>)
      %slice3A_692 = vector.extract_strided_slice %get3A_607 {offsets = [7], sizes = [1], strides = [1]} : vector<16xi32> to vector<1xi32>
      %squeeze3A_693 = vector.extract %slice3A_692[0] : i32 from vector<1xi32>
      %dma_start3A_694 = arith.constant 55 : i32
      %dma_start3A_695 = arith.constant 0 : i32
      %dma_start3A_696 = tpu.memref_slice %arg10[%dma_start3A_694, %dma_start3A_695] : memref<64x64xf32, #tpu.memory_space<vmem>> -> memref<1x64xf32, #tpu.memory_space<vmem>>
      %dma_start3A_697 = arith.constant 0 : i32
      %dma_start3A_698 = tpu.memref_slice %arg4[%squeeze3A_693, %dma_start3A_697] : memref<1000000x64xf32, #tpu.memory_space<hbm>> -> memref<1x64xf32, #tpu.memory_space<hbm>>
      %dma_start3A_699 = arith.constant 55 : i32
      %dma_start3A_700 = arith.constant 0 : i32
      %dma_start3A_701 = tpu.memref_slice %arg10[%dma_start3A_699, %dma_start3A_700] : memref<64x64xf32, #tpu.memory_space<vmem>> -> memref<1x64xf32, #tpu.memory_space<vmem>>
      %dma_start3A_702 = arith.constant 0 : i32
      %dma_start3A_703 = tpu.memref_slice %arg4[%squeeze3A_693, %dma_start3A_702] : memref<1000000x64xf32, #tpu.memory_space<hbm>> -> memref<1x64xf32, #tpu.memory_space<hbm>>
      tpu.enqueue_dma source(%dma_start3A_703 : memref<1x64xf32, #tpu.memory_space<hbm>>) target(%dma_start3A_701 : memref<1x64xf32, #tpu.memory_space<vmem>>) target_semaphore(%arg12 : memref<!tpu.dma_semaphore, #tpu.memory_space<semaphore_mem>>)
      %slice3A_704 = vector.extract_strided_slice %get3A_607 {offsets = [8], sizes = [1], strides = [1]} : vector<16xi32> to vector<1xi32>
      %squeeze3A_705 = vector.extract %slice3A_704[0] : i32 from vector<1xi32>
      %dma_start3A_706 = arith.constant 56 : i32
      %dma_start3A_707 = arith.constant 0 : i32
      %dma_start3A_708 = tpu.memref_slice %arg10[%dma_start3A_706, %dma_start3A_707] : memref<64x64xf32, #tpu.memory_space<vmem>> -> memref<1x64xf32, #tpu.memory_space<vmem>>
      %dma_start3A_709 = arith.constant 0 : i32
      %dma_start3A_710 = tpu.memref_slice %arg4[%squeeze3A_705, %dma_start3A_709] : memref<1000000x64xf32, #tpu.memory_space<hbm>> -> memref<1x64xf32, #tpu.memory_space<hbm>>
      %dma_start3A_711 = arith.constant 56 : i32
      %dma_start3A_712 = arith.constant 0 : i32
      %dma_start3A_713 = tpu.memref_slice %arg10[%dma_start3A_711, %dma_start3A_712] : memref<64x64xf32, #tpu.memory_space<vmem>> -> memref<1x64xf32, #tpu.memory_space<vmem>>
      %dma_start3A_714 = arith.constant 0 : i32
      %dma_start3A_715 = tpu.memref_slice %arg4[%squeeze3A_705, %dma_start3A_714] : memref<1000000x64xf32, #tpu.memory_space<hbm>> -> memref<1x64xf32, #tpu.memory_space<hbm>>
      tpu.enqueue_dma source(%dma_start3A_715 : memref<1x64xf32, #tpu.memory_space<hbm>>) target(%dma_start3A_713 : memref<1x64xf32, #tpu.memory_space<vmem>>) target_semaphore(%arg12 : memref<!tpu.dma_semaphore, #tpu.memory_space<semaphore_mem>>)
      %slice3A_716 = vector.extract_strided_slice %get3A_607 {offsets = [9], sizes = [1], strides = [1]} : vector<16xi32> to vector<1xi32>
      %squeeze3A_717 = vector.extract %slice3A_716[0] : i32 from vector<1xi32>
      %dma_start3A_718 = arith.constant 57 : i32
      %dma_start3A_719 = arith.constant 0 : i32
      %dma_start3A_720 = tpu.memref_slice %arg10[%dma_start3A_718, %dma_start3A_719] : memref<64x64xf32, #tpu.memory_space<vmem>> -> memref<1x64xf32, #tpu.memory_space<vmem>>
      %dma_start3A_721 = arith.constant 0 : i32
      %dma_start3A_722 = tpu.memref_slice %arg4[%squeeze3A_717, %dma_start3A_721] : memref<1000000x64xf32, #tpu.memory_space<hbm>> -> memref<1x64xf32, #tpu.memory_space<hbm>>
      %dma_start3A_723 = arith.constant 57 : i32
      %dma_start3A_724 = arith.constant 0 : i32
      %dma_start3A_725 = tpu.memref_slice %arg10[%dma_start3A_723, %dma_start3A_724] : memref<64x64xf32, #tpu.memory_space<vmem>> -> memref<1x64xf32, #tpu.memory_space<vmem>>
      %dma_start3A_726 = arith.constant 0 : i32
      %dma_start3A_727 = tpu.memref_slice %arg4[%squeeze3A_717, %dma_start3A_726] : memref<1000000x64xf32, #tpu.memory_space<hbm>> -> memref<1x64xf32, #tpu.memory_space<hbm>>
      tpu.enqueue_dma source(%dma_start3A_727 : memref<1x64xf32, #tpu.memory_space<hbm>>) target(%dma_start3A_725 : memref<1x64xf32, #tpu.memory_space<vmem>>) target_semaphore(%arg12 : memref<!tpu.dma_semaphore, #tpu.memory_space<semaphore_mem>>)
      %slice3A_728 = vector.extract_strided_slice %get3A_607 {offsets = [10], sizes = [1], strides = [1]} : vector<16xi32> to vector<1xi32>
      %squeeze3A_729 = vector.extract %slice3A_728[0] : i32 from vector<1xi32>
      %dma_start3A_730 = arith.constant 58 : i32
      %dma_start3A_731 = arith.constant 0 : i32
      %dma_start3A_732 = tpu.memref_slice %arg10[%dma_start3A_730, %dma_start3A_731] : memref<64x64xf32, #tpu.memory_space<vmem>> -> memref<1x64xf32, #tpu.memory_space<vmem>>
      %dma_start3A_733 = arith.constant 0 : i32
      %dma_start3A_734 = tpu.memref_slice %arg4[%squeeze3A_729, %dma_start3A_733] : memref<1000000x64xf32, #tpu.memory_space<hbm>> -> memref<1x64xf32, #tpu.memory_space<hbm>>
      %dma_start3A_735 = arith.constant 58 : i32
      %dma_start3A_736 = arith.constant 0 : i32
      %dma_start3A_737 = tpu.memref_slice %arg10[%dma_start3A_735, %dma_start3A_736] : memref<64x64xf32, #tpu.memory_space<vmem>> -> memref<1x64xf32, #tpu.memory_space<vmem>>
      %dma_start3A_738 = arith.constant 0 : i32
      %dma_start3A_739 = tpu.memref_slice %arg4[%squeeze3A_729, %dma_start3A_738] : memref<1000000x64xf32, #tpu.memory_space<hbm>> -> memref<1x64xf32, #tpu.memory_space<hbm>>
      tpu.enqueue_dma source(%dma_start3A_739 : memref<1x64xf32, #tpu.memory_space<hbm>>) target(%dma_start3A_737 : memref<1x64xf32, #tpu.memory_space<vmem>>) target_semaphore(%arg12 : memref<!tpu.dma_semaphore, #tpu.memory_space<semaphore_mem>>)
      %slice3A_740 = vector.extract_strided_slice %get3A_607 {offsets = [11], sizes = [1], strides = [1]} : vector<16xi32> to vector<1xi32>
      %squeeze3A_741 = vector.extract %slice3A_740[0] : i32 from vector<1xi32>
      %dma_start3A_742 = arith.constant 59 : i32
      %dma_start3A_743 = arith.constant 0 : i32
      %dma_start3A_744 = tpu.memref_slice %arg10[%dma_start3A_742, %dma_start3A_743] : memref<64x64xf32, #tpu.memory_space<vmem>> -> memref<1x64xf32, #tpu.memory_space<vmem>>
      %dma_start3A_745 = arith.constant 0 : i32
      %dma_start3A_746 = tpu.memref_slice %arg4[%squeeze3A_741, %dma_start3A_745] : memref<1000000x64xf32, #tpu.memory_space<hbm>> -> memref<1x64xf32, #tpu.memory_space<hbm>>
      %dma_start3A_747 = arith.constant 59 : i32
      %dma_start3A_748 = arith.constant 0 : i32
      %dma_start3A_749 = tpu.memref_slice %arg10[%dma_start3A_747, %dma_start3A_748] : memref<64x64xf32, #tpu.memory_space<vmem>> -> memref<1x64xf32, #tpu.memory_space<vmem>>
      %dma_start3A_750 = arith.constant 0 : i32
      %dma_start3A_751 = tpu.memref_slice %arg4[%squeeze3A_741, %dma_start3A_750] : memref<1000000x64xf32, #tpu.memory_space<hbm>> -> memref<1x64xf32, #tpu.memory_space<hbm>>
      tpu.enqueue_dma source(%dma_start3A_751 : memref<1x64xf32, #tpu.memory_space<hbm>>) target(%dma_start3A_749 : memref<1x64xf32, #tpu.memory_space<vmem>>) target_semaphore(%arg12 : memref<!tpu.dma_semaphore, #tpu.memory_space<semaphore_mem>>)
      %slice3A_752 = vector.extract_strided_slice %get3A_607 {offsets = [12], sizes = [1], strides = [1]} : vector<16xi32> to vector<1xi32>
      %squeeze3A_753 = vector.extract %slice3A_752[0] : i32 from vector<1xi32>
      %dma_start3A_754 = arith.constant 60 : i32
      %dma_start3A_755 = arith.constant 0 : i32
      %dma_start3A_756 = tpu.memref_slice %arg10[%dma_start3A_754, %dma_start3A_755] : memref<64x64xf32, #tpu.memory_space<vmem>> -> memref<1x64xf32, #tpu.memory_space<vmem>>
      %dma_start3A_757 = arith.constant 0 : i32
      %dma_start3A_758 = tpu.memref_slice %arg4[%squeeze3A_753, %dma_start3A_757] : memref<1000000x64xf32, #tpu.memory_space<hbm>> -> memref<1x64xf32, #tpu.memory_space<hbm>>
      %dma_start3A_759 = arith.constant 60 : i32
      %dma_start3A_760 = arith.constant 0 : i32
      %dma_start3A_761 = tpu.memref_slice %arg10[%dma_start3A_759, %dma_start3A_760] : memref<64x64xf32, #tpu.memory_space<vmem>> -> memref<1x64xf32, #tpu.memory_space<vmem>>
      %dma_start3A_762 = arith.constant 0 : i32
      %dma_start3A_763 = tpu.memref_slice %arg4[%squeeze3A_753, %dma_start3A_762] : memref<1000000x64xf32, #tpu.memory_space<hbm>> -> memref<1x64xf32, #tpu.memory_space<hbm>>
      tpu.enqueue_dma source(%dma_start3A_763 : memref<1x64xf32, #tpu.memory_space<hbm>>) target(%dma_start3A_761 : memref<1x64xf32, #tpu.memory_space<vmem>>) target_semaphore(%arg12 : memref<!tpu.dma_semaphore, #tpu.memory_space<semaphore_mem>>)
      %slice3A_764 = vector.extract_strided_slice %get3A_607 {offsets = [13], sizes = [1], strides = [1]} : vector<16xi32> to vector<1xi32>
      %squeeze3A_765 = vector.extract %slice3A_764[0] : i32 from vector<1xi32>
      %dma_start3A_766 = arith.constant 61 : i32
      %dma_start3A_767 = arith.constant 0 : i32
      %dma_start3A_768 = tpu.memref_slice %arg10[%dma_start3A_766, %dma_start3A_767] : memref<64x64xf32, #tpu.memory_space<vmem>> -> memref<1x64xf32, #tpu.memory_space<vmem>>
      %dma_start3A_769 = arith.constant 0 : i32
      %dma_start3A_770 = tpu.memref_slice %arg4[%squeeze3A_765, %dma_start3A_769] : memref<1000000x64xf32, #tpu.memory_space<hbm>> -> memref<1x64xf32, #tpu.memory_space<hbm>>
      %dma_start3A_771 = arith.constant 61 : i32
      %dma_start3A_772 = arith.constant 0 : i32
      %dma_start3A_773 = tpu.memref_slice %arg10[%dma_start3A_771, %dma_start3A_772] : memref<64x64xf32, #tpu.memory_space<vmem>> -> memref<1x64xf32, #tpu.memory_space<vmem>>
      %dma_start3A_774 = arith.constant 0 : i32
      %dma_start3A_775 = tpu.memref_slice %arg4[%squeeze3A_765, %dma_start3A_774] : memref<1000000x64xf32, #tpu.memory_space<hbm>> -> memref<1x64xf32, #tpu.memory_space<hbm>>
      tpu.enqueue_dma source(%dma_start3A_775 : memref<1x64xf32, #tpu.memory_space<hbm>>) target(%dma_start3A_773 : memref<1x64xf32, #tpu.memory_space<vmem>>) target_semaphore(%arg12 : memref<!tpu.dma_semaphore, #tpu.memory_space<semaphore_mem>>)
      %slice3A_776 = vector.extract_strided_slice %get3A_607 {offsets = [14], sizes = [1], strides = [1]} : vector<16xi32> to vector<1xi32>
      %squeeze3A_777 = vector.extract %slice3A_776[0] : i32 from vector<1xi32>
      %dma_start3A_778 = arith.constant 62 : i32
      %dma_start3A_779 = arith.constant 0 : i32
      %dma_start3A_780 = tpu.memref_slice %arg10[%dma_start3A_778, %dma_start3A_779] : memref<64x64xf32, #tpu.memory_space<vmem>> -> memref<1x64xf32, #tpu.memory_space<vmem>>
      %dma_start3A_781 = arith.constant 0 : i32
      %dma_start3A_782 = tpu.memref_slice %arg4[%squeeze3A_777, %dma_start3A_781] : memref<1000000x64xf32, #tpu.memory_space<hbm>> -> memref<1x64xf32, #tpu.memory_space<hbm>>
      %dma_start3A_783 = arith.constant 62 : i32
      %dma_start3A_784 = arith.constant 0 : i32
      %dma_start3A_785 = tpu.memref_slice %arg10[%dma_start3A_783, %dma_start3A_784] : memref<64x64xf32, #tpu.memory_space<vmem>> -> memref<1x64xf32, #tpu.memory_space<vmem>>
      %dma_start3A_786 = arith.constant 0 : i32
      %dma_start3A_787 = tpu.memref_slice %arg4[%squeeze3A_777, %dma_start3A_786] : memref<1000000x64xf32, #tpu.memory_space<hbm>> -> memref<1x64xf32, #tpu.memory_space<hbm>>
      tpu.enqueue_dma source(%dma_start3A_787 : memref<1x64xf32, #tpu.memory_space<hbm>>) target(%dma_start3A_785 : memref<1x64xf32, #tpu.memory_space<vmem>>) target_semaphore(%arg12 : memref<!tpu.dma_semaphore, #tpu.memory_space<semaphore_mem>>)
      %slice3A_788 = vector.extract_strided_slice %get3A_607 {offsets = [15], sizes = [1], strides = [1]} : vector<16xi32> to vector<1xi32>
      %squeeze3A_789 = vector.extract %slice3A_788[0] : i32 from vector<1xi32>
      %dma_start3A_790 = arith.constant 63 : i32
      %dma_start3A_791 = arith.constant 0 : i32
      %dma_start3A_792 = tpu.memref_slice %arg10[%dma_start3A_790, %dma_start3A_791] : memref<64x64xf32, #tpu.memory_space<vmem>> -> memref<1x64xf32, #tpu.memory_space<vmem>>
      %dma_start3A_793 = arith.constant 0 : i32
      %dma_start3A_794 = tpu.memref_slice %arg4[%squeeze3A_789, %dma_start3A_793] : memref<1000000x64xf32, #tpu.memory_space<hbm>> -> memref<1x64xf32, #tpu.memory_space<hbm>>
      %dma_start3A_795 = arith.constant 63 : i32
      %dma_start3A_796 = arith.constant 0 : i32
      %dma_start3A_797 = tpu.memref_slice %arg10[%dma_start3A_795, %dma_start3A_796] : memref<64x64xf32, #tpu.memory_space<vmem>> -> memref<1x64xf32, #tpu.memory_space<vmem>>
      %dma_start3A_798 = arith.constant 0 : i32
      %dma_start3A_799 = tpu.memref_slice %arg4[%squeeze3A_789, %dma_start3A_798] : memref<1000000x64xf32, #tpu.memory_space<hbm>> -> memref<1x64xf32, #tpu.memory_space<hbm>>
      tpu.enqueue_dma source(%dma_start3A_799 : memref<1x64xf32, #tpu.memory_space<hbm>>) target(%dma_start3A_797 : memref<1x64xf32, #tpu.memory_space<vmem>>) target_semaphore(%arg12 : memref<!tpu.dma_semaphore, #tpu.memory_space<semaphore_mem>>)
      %mul3A_800 = arith.constant 64 : i32
      %mul3A_801 = arith.muli %scan3A_7, %mul3A_800 : i32
      %add3A_802 = arith.constant 0 : i32
      %add3A_803 = arith.addi %mul3A_801, %add3A_802 : i32
      %get3A_804 = arith.index_cast %add3A_803 : i32 to index
      %get3A_805 = tpu.vector_load %arg9[%get3A_804] {strides = array<i32>} : memref<512xi32, #tpu.memory_space<vmem>>, vector<16xi32>,
      %get3A_806 = vector.shape_cast %get3A_805 : vector<16xi32> to vector<16xi32>
      %slice3A_807 = vector.extract_strided_slice %get3A_806 {offsets = [0], sizes = [1], strides = [1]} : vector<16xi32> to vector<1xi32>
      %squeeze3A_808 = vector.extract %slice3A_807[0] : i32 from vector<1xi32>
      %dma_start3A_809 = arith.constant 0 : i32
      %dma_start3A_810 = arith.constant 0 : i32
      %dma_start3A_811 = tpu.memref_slice %arg11[%dma_start3A_809, %dma_start3A_810] : memref<64x64xf32, #tpu.memory_space<vmem>> -> memref<1x64xf32, #tpu.memory_space<vmem>>
      %dma_start3A_812 = arith.constant 0 : i32
      %dma_start3A_813 = tpu.memref_slice %arg5[%squeeze3A_808, %dma_start3A_812] : memref<1000000x64xf32, #tpu.memory_space<hbm>> -> memref<1x64xf32, #tpu.memory_space<hbm>>
      %dma_start3A_814 = arith.constant 0 : i32
      %dma_start3A_815 = arith.constant 0 : i32
      %dma_start3A_816 = tpu.memref_slice %arg11[%dma_start3A_814, %dma_start3A_815] : memref<64x64xf32, #tpu.memory_space<vmem>> -> memref<1x64xf32, #tpu.memory_space<vmem>>
      %dma_start3A_817 = arith.constant 0 : i32
      %dma_start3A_818 = tpu.memref_slice %arg5[%squeeze3A_808, %dma_start3A_817] : memref<1000000x64xf32, #tpu.memory_space<hbm>> -> memref<1x64xf32, #tpu.memory_space<hbm>>
      tpu.enqueue_dma source(%dma_start3A_818 : memref<1x64xf32, #tpu.memory_space<hbm>>) target(%dma_start3A_816 : memref<1x64xf32, #tpu.memory_space<vmem>>) target_semaphore(%arg13 : memref<!tpu.dma_semaphore, #tpu.memory_space<semaphore_mem>>)
      %slice3A_819 = vector.extract_strided_slice %get3A_806 {offsets = [1], sizes = [1], strides = [1]} : vector<16xi32> to vector<1xi32>
      %squeeze3A_820 = vector.extract %slice3A_819[0] : i32 from vector<1xi32>
      %dma_start3A_821 = arith.constant 1 : i32
      %dma_start3A_822 = arith.constant 0 : i32
      %dma_start3A_823 = tpu.memref_slice %arg11[%dma_start3A_821, %dma_start3A_822] : memref<64x64xf32, #tpu.memory_space<vmem>> -> memref<1x64xf32, #tpu.memory_space<vmem>>
      %dma_start3A_824 = arith.constant 0 : i32
      %dma_start3A_825 = tpu.memref_slice %arg5[%squeeze3A_820, %dma_start3A_824] : memref<1000000x64xf32, #tpu.memory_space<hbm>> -> memref<1x64xf32, #tpu.memory_space<hbm>>
      %dma_start3A_826 = arith.constant 1 : i32
      %dma_start3A_827 = arith.constant 0 : i32
      %dma_start3A_828 = tpu.memref_slice %arg11[%dma_start3A_826, %dma_start3A_827] : memref<64x64xf32, #tpu.memory_space<vmem>> -> memref<1x64xf32, #tpu.memory_space<vmem>>
      %dma_start3A_829 = arith.constant 0 : i32
      %dma_start3A_830 = tpu.memref_slice %arg5[%squeeze3A_820, %dma_start3A_829] : memref<1000000x64xf32, #tpu.memory_space<hbm>> -> memref<1x64xf32, #tpu.memory_space<hbm>>
      tpu.enqueue_dma source(%dma_start3A_830 : memref<1x64xf32, #tpu.memory_space<hbm>>) target(%dma_start3A_828 : memref<1x64xf32, #tpu.memory_space<vmem>>) target_semaphore(%arg13 : memref<!tpu.dma_semaphore, #tpu.memory_space<semaphore_mem>>)
      %slice3A_831 = vector.extract_strided_slice %get3A_806 {offsets = [2], sizes = [1], strides = [1]} : vector<16xi32> to vector<1xi32>
      %squeeze3A_832 = vector.extract %slice3A_831[0] : i32 from vector<1xi32>
      %dma_start3A_833 = arith.constant 2 : i32
      %dma_start3A_834 = arith.constant 0 : i32
      %dma_start3A_835 = tpu.memref_slice %arg11[%dma_start3A_833, %dma_start3A_834] : memref<64x64xf32, #tpu.memory_space<vmem>> -> memref<1x64xf32, #tpu.memory_space<vmem>>
      %dma_start3A_836 = arith.constant 0 : i32
      %dma_start3A_837 = tpu.memref_slice %arg5[%squeeze3A_832, %dma_start3A_836] : memref<1000000x64xf32, #tpu.memory_space<hbm>> -> memref<1x64xf32, #tpu.memory_space<hbm>>
      %dma_start3A_838 = arith.constant 2 : i32
      %dma_start3A_839 = arith.constant 0 : i32
      %dma_start3A_840 = tpu.memref_slice %arg11[%dma_start3A_838, %dma_start3A_839] : memref<64x64xf32, #tpu.memory_space<vmem>> -> memref<1x64xf32, #tpu.memory_space<vmem>>
      %dma_start3A_841 = arith.constant 0 : i32
      %dma_start3A_842 = tpu.memref_slice %arg5[%squeeze3A_832, %dma_start3A_841] : memref<1000000x64xf32, #tpu.memory_space<hbm>> -> memref<1x64xf32, #tpu.memory_space<hbm>>
      tpu.enqueue_dma source(%dma_start3A_842 : memref<1x64xf32, #tpu.memory_space<hbm>>) target(%dma_start3A_840 : memref<1x64xf32, #tpu.memory_space<vmem>>) target_semaphore(%arg13 : memref<!tpu.dma_semaphore, #tpu.memory_space<semaphore_mem>>)
      %slice3A_843 = vector.extract_strided_slice %get3A_806 {offsets = [3], sizes = [1], strides = [1]} : vector<16xi32> to vector<1xi32>
      %squeeze3A_844 = vector.extract %slice3A_843[0] : i32 from vector<1xi32>
      %dma_start3A_845 = arith.constant 3 : i32
      %dma_start3A_846 = arith.constant 0 : i32
      %dma_start3A_847 = tpu.memref_slice %arg11[%dma_start3A_845, %dma_start3A_846] : memref<64x64xf32, #tpu.memory_space<vmem>> -> memref<1x64xf32, #tpu.memory_space<vmem>>
      %dma_start3A_848 = arith.constant 0 : i32
      %dma_start3A_849 = tpu.memref_slice %arg5[%squeeze3A_844, %dma_start3A_848] : memref<1000000x64xf32, #tpu.memory_space<hbm>> -> memref<1x64xf32, #tpu.memory_space<hbm>>
      %dma_start3A_850 = arith.constant 3 : i32
      %dma_start3A_851 = arith.constant 0 : i32
      %dma_start3A_852 = tpu.memref_slice %arg11[%dma_start3A_850, %dma_start3A_851] : memref<64x64xf32, #tpu.memory_space<vmem>> -> memref<1x64xf32, #tpu.memory_space<vmem>>
      %dma_start3A_853 = arith.constant 0 : i32
      %dma_start3A_854 = tpu.memref_slice %arg5[%squeeze3A_844, %dma_start3A_853] : memref<1000000x64xf32, #tpu.memory_space<hbm>> -> memref<1x64xf32, #tpu.memory_space<hbm>>
      tpu.enqueue_dma source(%dma_start3A_854 : memref<1x64xf32, #tpu.memory_space<hbm>>) target(%dma_start3A_852 : memref<1x64xf32, #tpu.memory_space<vmem>>) target_semaphore(%arg13 : memref<!tpu.dma_semaphore, #tpu.memory_space<semaphore_mem>>)
      %slice3A_855 = vector.extract_strided_slice %get3A_806 {offsets = [4], sizes = [1], strides = [1]} : vector<16xi32> to vector<1xi32>
      %squeeze3A_856 = vector.extract %slice3A_855[0] : i32 from vector<1xi32>
      %dma_start3A_857 = arith.constant 4 : i32
      %dma_start3A_858 = arith.constant 0 : i32
      %dma_start3A_859 = tpu.memref_slice %arg11[%dma_start3A_857, %dma_start3A_858] : memref<64x64xf32, #tpu.memory_space<vmem>> -> memref<1x64xf32, #tpu.memory_space<vmem>>
      %dma_start3A_860 = arith.constant 0 : i32
      %dma_start3A_861 = tpu.memref_slice %arg5[%squeeze3A_856, %dma_start3A_860] : memref<1000000x64xf32, #tpu.memory_space<hbm>> -> memref<1x64xf32, #tpu.memory_space<hbm>>
      %dma_start3A_862 = arith.constant 4 : i32
      %dma_start3A_863 = arith.constant 0 : i32
      %dma_start3A_864 = tpu.memref_slice %arg11[%dma_start3A_862, %dma_start3A_863] : memref<64x64xf32, #tpu.memory_space<vmem>> -> memref<1x64xf32, #tpu.memory_space<vmem>>
      %dma_start3A_865 = arith.constant 0 : i32
      %dma_start3A_866 = tpu.memref_slice %arg5[%squeeze3A_856, %dma_start3A_865] : memref<1000000x64xf32, #tpu.memory_space<hbm>> -> memref<1x64xf32, #tpu.memory_space<hbm>>
      tpu.enqueue_dma source(%dma_start3A_866 : memref<1x64xf32, #tpu.memory_space<hbm>>) target(%dma_start3A_864 : memref<1x64xf32, #tpu.memory_space<vmem>>) target_semaphore(%arg13 : memref<!tpu.dma_semaphore, #tpu.memory_space<semaphore_mem>>)
      %slice3A_867 = vector.extract_strided_slice %get3A_806 {offsets = [5], sizes = [1], strides = [1]} : vector<16xi32> to vector<1xi32>
      %squeeze3A_868 = vector.extract %slice3A_867[0] : i32 from vector<1xi32>
      %dma_start3A_869 = arith.constant 5 : i32
      %dma_start3A_870 = arith.constant 0 : i32
      %dma_start3A_871 = tpu.memref_slice %arg11[%dma_start3A_869, %dma_start3A_870] : memref<64x64xf32, #tpu.memory_space<vmem>> -> memref<1x64xf32, #tpu.memory_space<vmem>>
      %dma_start3A_872 = arith.constant 0 : i32
      %dma_start3A_873 = tpu.memref_slice %arg5[%squeeze3A_868, %dma_start3A_872] : memref<1000000x64xf32, #tpu.memory_space<hbm>> -> memref<1x64xf32, #tpu.memory_space<hbm>>
      %dma_start3A_874 = arith.constant 5 : i32
      %dma_start3A_875 = arith.constant 0 : i32
      %dma_start3A_876 = tpu.memref_slice %arg11[%dma_start3A_874, %dma_start3A_875] : memref<64x64xf32, #tpu.memory_space<vmem>> -> memref<1x64xf32, #tpu.memory_space<vmem>>
      %dma_start3A_877 = arith.constant 0 : i32
      %dma_start3A_878 = tpu.memref_slice %arg5[%squeeze3A_868, %dma_start3A_877] : memref<1000000x64xf32, #tpu.memory_space<hbm>> -> memref<1x64xf32, #tpu.memory_space<hbm>>
      tpu.enqueue_dma source(%dma_start3A_878 : memref<1x64xf32, #tpu.memory_space<hbm>>) target(%dma_start3A_876 : memref<1x64xf32, #tpu.memory_space<vmem>>) target_semaphore(%arg13 : memref<!tpu.dma_semaphore, #tpu.memory_space<semaphore_mem>>)
      %slice3A_879 = vector.extract_strided_slice %get3A_806 {offsets = [6], sizes = [1], strides = [1]} : vector<16xi32> to vector<1xi32>
      %squeeze3A_880 = vector.extract %slice3A_879[0] : i32 from vector<1xi32>
      %dma_start3A_881 = arith.constant 6 : i32
      %dma_start3A_882 = arith.constant 0 : i32
      %dma_start3A_883 = tpu.memref_slice %arg11[%dma_start3A_881, %dma_start3A_882] : memref<64x64xf32, #tpu.memory_space<vmem>> -> memref<1x64xf32, #tpu.memory_space<vmem>>
      %dma_start3A_884 = arith.constant 0 : i32
      %dma_start3A_885 = tpu.memref_slice %arg5[%squeeze3A_880, %dma_start3A_884] : memref<1000000x64xf32, #tpu.memory_space<hbm>> -> memref<1x64xf32, #tpu.memory_space<hbm>>
      %dma_start3A_886 = arith.constant 6 : i32
      %dma_start3A_887 = arith.constant 0 : i32
      %dma_start3A_888 = tpu.memref_slice %arg11[%dma_start3A_886, %dma_start3A_887] : memref<64x64xf32, #tpu.memory_space<vmem>> -> memref<1x64xf32, #tpu.memory_space<vmem>>
      %dma_start3A_889 = arith.constant 0 : i32
      %dma_start3A_890 = tpu.memref_slice %arg5[%squeeze3A_880, %dma_start3A_889] : memref<1000000x64xf32, #tpu.memory_space<hbm>> -> memref<1x64xf32, #tpu.memory_space<hbm>>
      tpu.enqueue_dma source(%dma_start3A_890 : memref<1x64xf32, #tpu.memory_space<hbm>>) target(%dma_start3A_888 : memref<1x64xf32, #tpu.memory_space<vmem>>) target_semaphore(%arg13 : memref<!tpu.dma_semaphore, #tpu.memory_space<semaphore_mem>>)
      %slice3A_891 = vector.extract_strided_slice %get3A_806 {offsets = [7], sizes = [1], strides = [1]} : vector<16xi32> to vector<1xi32>
      %squeeze3A_892 = vector.extract %slice3A_891[0] : i32 from vector<1xi32>
      %dma_start3A_893 = arith.constant 7 : i32
      %dma_start3A_894 = arith.constant 0 : i32
      %dma_start3A_895 = tpu.memref_slice %arg11[%dma_start3A_893, %dma_start3A_894] : memref<64x64xf32, #tpu.memory_space<vmem>> -> memref<1x64xf32, #tpu.memory_space<vmem>>
      %dma_start3A_896 = arith.constant 0 : i32
      %dma_start3A_897 = tpu.memref_slice %arg5[%squeeze3A_892, %dma_start3A_896] : memref<1000000x64xf32, #tpu.memory_space<hbm>> -> memref<1x64xf32, #tpu.memory_space<hbm>>
      %dma_start3A_898 = arith.constant 7 : i32
      %dma_start3A_899 = arith.constant 0 : i32
      %dma_start3A_900 = tpu.memref_slice %arg11[%dma_start3A_898, %dma_start3A_899] : memref<64x64xf32, #tpu.memory_space<vmem>> -> memref<1x64xf32, #tpu.memory_space<vmem>>
      %dma_start3A_901 = arith.constant 0 : i32
      %dma_start3A_902 = tpu.memref_slice %arg5[%squeeze3A_892, %dma_start3A_901] : memref<1000000x64xf32, #tpu.memory_space<hbm>> -> memref<1x64xf32, #tpu.memory_space<hbm>>
      tpu.enqueue_dma source(%dma_start3A_902 : memref<1x64xf32, #tpu.memory_space<hbm>>) target(%dma_start3A_900 : memref<1x64xf32, #tpu.memory_space<vmem>>) target_semaphore(%arg13 : memref<!tpu.dma_semaphore, #tpu.memory_space<semaphore_mem>>)
      %slice3A_903 = vector.extract_strided_slice %get3A_806 {offsets = [8], sizes = [1], strides = [1]} : vector<16xi32> to vector<1xi32>
      %squeeze3A_904 = vector.extract %slice3A_903[0] : i32 from vector<1xi32>
      %dma_start3A_905 = arith.constant 8 : i32
      %dma_start3A_906 = arith.constant 0 : i32
      %dma_start3A_907 = tpu.memref_slice %arg11[%dma_start3A_905, %dma_start3A_906] : memref<64x64xf32, #tpu.memory_space<vmem>> -> memref<1x64xf32, #tpu.memory_space<vmem>>
      %dma_start3A_908 = arith.constant 0 : i32
      %dma_start3A_909 = tpu.memref_slice %arg5[%squeeze3A_904, %dma_start3A_908] : memref<1000000x64xf32, #tpu.memory_space<hbm>> -> memref<1x64xf32, #tpu.memory_space<hbm>>
      %dma_start3A_910 = arith.constant 8 : i32
      %dma_start3A_911 = arith.constant 0 : i32
      %dma_start3A_912 = tpu.memref_slice %arg11[%dma_start3A_910, %dma_start3A_911] : memref<64x64xf32, #tpu.memory_space<vmem>> -> memref<1x64xf32, #tpu.memory_space<vmem>>
      %dma_start3A_913 = arith.constant 0 : i32
      %dma_start3A_914 = tpu.memref_slice %arg5[%squeeze3A_904, %dma_start3A_913] : memref<1000000x64xf32, #tpu.memory_space<hbm>> -> memref<1x64xf32, #tpu.memory_space<hbm>>
      tpu.enqueue_dma source(%dma_start3A_914 : memref<1x64xf32, #tpu.memory_space<hbm>>) target(%dma_start3A_912 : memref<1x64xf32, #tpu.memory_space<vmem>>) target_semaphore(%arg13 : memref<!tpu.dma_semaphore, #tpu.memory_space<semaphore_mem>>)
      %slice3A_915 = vector.extract_strided_slice %get3A_806 {offsets = [9], sizes = [1], strides = [1]} : vector<16xi32> to vector<1xi32>
      %squeeze3A_916 = vector.extract %slice3A_915[0] : i32 from vector<1xi32>
      %dma_start3A_917 = arith.constant 9 : i32
      %dma_start3A_918 = arith.constant 0 : i32
      %dma_start3A_919 = tpu.memref_slice %arg11[%dma_start3A_917, %dma_start3A_918] : memref<64x64xf32, #tpu.memory_space<vmem>> -> memref<1x64xf32, #tpu.memory_space<vmem>>
      %dma_start3A_920 = arith.constant 0 : i32
      %dma_start3A_921 = tpu.memref_slice %arg5[%squeeze3A_916, %dma_start3A_920] : memref<1000000x64xf32, #tpu.memory_space<hbm>> -> memref<1x64xf32, #tpu.memory_space<hbm>>
      %dma_start3A_922 = arith.constant 9 : i32
      %dma_start3A_923 = arith.constant 0 : i32
      %dma_start3A_924 = tpu.memref_slice %arg11[%dma_start3A_922, %dma_start3A_923] : memref<64x64xf32, #tpu.memory_space<vmem>> -> memref<1x64xf32, #tpu.memory_space<vmem>>
      %dma_start3A_925 = arith.constant 0 : i32
      %dma_start3A_926 = tpu.memref_slice %arg5[%squeeze3A_916, %dma_start3A_925] : memref<1000000x64xf32, #tpu.memory_space<hbm>> -> memref<1x64xf32, #tpu.memory_space<hbm>>
      tpu.enqueue_dma source(%dma_start3A_926 : memref<1x64xf32, #tpu.memory_space<hbm>>) target(%dma_start3A_924 : memref<1x64xf32, #tpu.memory_space<vmem>>) target_semaphore(%arg13 : memref<!tpu.dma_semaphore, #tpu.memory_space<semaphore_mem>>)
      %slice3A_927 = vector.extract_strided_slice %get3A_806 {offsets = [10], sizes = [1], strides = [1]} : vector<16xi32> to vector<1xi32>
      %squeeze3A_928 = vector.extract %slice3A_927[0] : i32 from vector<1xi32>
      %dma_start3A_929 = arith.constant 10 : i32
      %dma_start3A_930 = arith.constant 0 : i32
      %dma_start3A_931 = tpu.memref_slice %arg11[%dma_start3A_929, %dma_start3A_930] : memref<64x64xf32, #tpu.memory_space<vmem>> -> memref<1x64xf32, #tpu.memory_space<vmem>>
      %dma_start3A_932 = arith.constant 0 : i32
      %dma_start3A_933 = tpu.memref_slice %arg5[%squeeze3A_928, %dma_start3A_932] : memref<1000000x64xf32, #tpu.memory_space<hbm>> -> memref<1x64xf32, #tpu.memory_space<hbm>>
      %dma_start3A_934 = arith.constant 10 : i32
      %dma_start3A_935 = arith.constant 0 : i32
      %dma_start3A_936 = tpu.memref_slice %arg11[%dma_start3A_934, %dma_start3A_935] : memref<64x64xf32, #tpu.memory_space<vmem>> -> memref<1x64xf32, #tpu.memory_space<vmem>>
      %dma_start3A_937 = arith.constant 0 : i32
      %dma_start3A_938 = tpu.memref_slice %arg5[%squeeze3A_928, %dma_start3A_937] : memref<1000000x64xf32, #tpu.memory_space<hbm>> -> memref<1x64xf32, #tpu.memory_space<hbm>>
      tpu.enqueue_dma source(%dma_start3A_938 : memref<1x64xf32, #tpu.memory_space<hbm>>) target(%dma_start3A_936 : memref<1x64xf32, #tpu.memory_space<vmem>>) target_semaphore(%arg13 : memref<!tpu.dma_semaphore, #tpu.memory_space<semaphore_mem>>)
      %slice3A_939 = vector.extract_strided_slice %get3A_806 {offsets = [11], sizes = [1], strides = [1]} : vector<16xi32> to vector<1xi32>
      %squeeze3A_940 = vector.extract %slice3A_939[0] : i32 from vector<1xi32>
      %dma_start3A_941 = arith.constant 11 : i32
      %dma_start3A_942 = arith.constant 0 : i32
      %dma_start3A_943 = tpu.memref_slice %arg11[%dma_start3A_941, %dma_start3A_942] : memref<64x64xf32, #tpu.memory_space<vmem>> -> memref<1x64xf32, #tpu.memory_space<vmem>>
      %dma_start3A_944 = arith.constant 0 : i32
      %dma_start3A_945 = tpu.memref_slice %arg5[%squeeze3A_940, %dma_start3A_944] : memref<1000000x64xf32, #tpu.memory_space<hbm>> -> memref<1x64xf32, #tpu.memory_space<hbm>>
      %dma_start3A_946 = arith.constant 11 : i32
      %dma_start3A_947 = arith.constant 0 : i32
      %dma_start3A_948 = tpu.memref_slice %arg11[%dma_start3A_946, %dma_start3A_947] : memref<64x64xf32, #tpu.memory_space<vmem>> -> memref<1x64xf32, #tpu.memory_space<vmem>>
      %dma_start3A_949 = arith.constant 0 : i32
      %dma_start3A_950 = tpu.memref_slice %arg5[%squeeze3A_940, %dma_start3A_949] : memref<1000000x64xf32, #tpu.memory_space<hbm>> -> memref<1x64xf32, #tpu.memory_space<hbm>>
      tpu.enqueue_dma source(%dma_start3A_950 : memref<1x64xf32, #tpu.memory_space<hbm>>) target(%dma_start3A_948 : memref<1x64xf32, #tpu.memory_space<vmem>>) target_semaphore(%arg13 : memref<!tpu.dma_semaphore, #tpu.memory_space<semaphore_mem>>)
      %slice3A_951 = vector.extract_strided_slice %get3A_806 {offsets = [12], sizes = [1], strides = [1]} : vector<16xi32> to vector<1xi32>
      %squeeze3A_952 = vector.extract %slice3A_951[0] : i32 from vector<1xi32>
      %dma_start3A_953 = arith.constant 12 : i32
      %dma_start3A_954 = arith.constant 0 : i32
      %dma_start3A_955 = tpu.memref_slice %arg11[%dma_start3A_953, %dma_start3A_954] : memref<64x64xf32, #tpu.memory_space<vmem>> -> memref<1x64xf32, #tpu.memory_space<vmem>>
      %dma_start3A_956 = arith.constant 0 : i32
      %dma_start3A_957 = tpu.memref_slice %arg5[%squeeze3A_952, %dma_start3A_956] : memref<1000000x64xf32, #tpu.memory_space<hbm>> -> memref<1x64xf32, #tpu.memory_space<hbm>>
      %dma_start3A_958 = arith.constant 12 : i32
      %dma_start3A_959 = arith.constant 0 : i32
      %dma_start3A_960 = tpu.memref_slice %arg11[%dma_start3A_958, %dma_start3A_959] : memref<64x64xf32, #tpu.memory_space<vmem>> -> memref<1x64xf32, #tpu.memory_space<vmem>>
      %dma_start3A_961 = arith.constant 0 : i32
      %dma_start3A_962 = tpu.memref_slice %arg5[%squeeze3A_952, %dma_start3A_961] : memref<1000000x64xf32, #tpu.memory_space<hbm>> -> memref<1x64xf32, #tpu.memory_space<hbm>>
      tpu.enqueue_dma source(%dma_start3A_962 : memref<1x64xf32, #tpu.memory_space<hbm>>) target(%dma_start3A_960 : memref<1x64xf32, #tpu.memory_space<vmem>>) target_semaphore(%arg13 : memref<!tpu.dma_semaphore, #tpu.memory_space<semaphore_mem>>)
      %slice3A_963 = vector.extract_strided_slice %get3A_806 {offsets = [13], sizes = [1], strides = [1]} : vector<16xi32> to vector<1xi32>
      %squeeze3A_964 = vector.extract %slice3A_963[0] : i32 from vector<1xi32>
      %dma_start3A_965 = arith.constant 13 : i32
      %dma_start3A_966 = arith.constant 0 : i32
      %dma_start3A_967 = tpu.memref_slice %arg11[%dma_start3A_965, %dma_start3A_966] : memref<64x64xf32, #tpu.memory_space<vmem>> -> memref<1x64xf32, #tpu.memory_space<vmem>>
      %dma_start3A_968 = arith.constant 0 : i32
      %dma_start3A_969 = tpu.memref_slice %arg5[%squeeze3A_964, %dma_start3A_968] : memref<1000000x64xf32, #tpu.memory_space<hbm>> -> memref<1x64xf32, #tpu.memory_space<hbm>>
      %dma_start3A_970 = arith.constant 13 : i32
      %dma_start3A_971 = arith.constant 0 : i32
      %dma_start3A_972 = tpu.memref_slice %arg11[%dma_start3A_970, %dma_start3A_971] : memref<64x64xf32, #tpu.memory_space<vmem>> -> memref<1x64xf32, #tpu.memory_space<vmem>>
      %dma_start3A_973 = arith.constant 0 : i32
      %dma_start3A_974 = tpu.memref_slice %arg5[%squeeze3A_964, %dma_start3A_973] : memref<1000000x64xf32, #tpu.memory_space<hbm>> -> memref<1x64xf32, #tpu.memory_space<hbm>>
      tpu.enqueue_dma source(%dma_start3A_974 : memref<1x64xf32, #tpu.memory_space<hbm>>) target(%dma_start3A_972 : memref<1x64xf32, #tpu.memory_space<vmem>>) target_semaphore(%arg13 : memref<!tpu.dma_semaphore, #tpu.memory_space<semaphore_mem>>)
      %slice3A_975 = vector.extract_strided_slice %get3A_806 {offsets = [14], sizes = [1], strides = [1]} : vector<16xi32> to vector<1xi32>
      %squeeze3A_976 = vector.extract %slice3A_975[0] : i32 from vector<1xi32>
      %dma_start3A_977 = arith.constant 14 : i32
      %dma_start3A_978 = arith.constant 0 : i32
      %dma_start3A_979 = tpu.memref_slice %arg11[%dma_start3A_977, %dma_start3A_978] : memref<64x64xf32, #tpu.memory_space<vmem>> -> memref<1x64xf32, #tpu.memory_space<vmem>>
      %dma_start3A_980 = arith.constant 0 : i32
      %dma_start3A_981 = tpu.memref_slice %arg5[%squeeze3A_976, %dma_start3A_980] : memref<1000000x64xf32, #tpu.memory_space<hbm>> -> memref<1x64xf32, #tpu.memory_space<hbm>>
      %dma_start3A_982 = arith.constant 14 : i32
      %dma_start3A_983 = arith.constant 0 : i32
      %dma_start3A_984 = tpu.memref_slice %arg11[%dma_start3A_982, %dma_start3A_983] : memref<64x64xf32, #tpu.memory_space<vmem>> -> memref<1x64xf32, #tpu.memory_space<vmem>>
      %dma_start3A_985 = arith.constant 0 : i32
      %dma_start3A_986 = tpu.memref_slice %arg5[%squeeze3A_976, %dma_start3A_985] : memref<1000000x64xf32, #tpu.memory_space<hbm>> -> memref<1x64xf32, #tpu.memory_space<hbm>>
      tpu.enqueue_dma source(%dma_start3A_986 : memref<1x64xf32, #tpu.memory_space<hbm>>) target(%dma_start3A_984 : memref<1x64xf32, #tpu.memory_space<vmem>>) target_semaphore(%arg13 : memref<!tpu.dma_semaphore, #tpu.memory_space<semaphore_mem>>)
      %slice3A_987 = vector.extract_strided_slice %get3A_806 {offsets = [15], sizes = [1], strides = [1]} : vector<16xi32> to vector<1xi32>
      %squeeze3A_988 = vector.extract %slice3A_987[0] : i32 from vector<1xi32>
      %dma_start3A_989 = arith.constant 15 : i32
      %dma_start3A_990 = arith.constant 0 : i32
      %dma_start3A_991 = tpu.memref_slice %arg11[%dma_start3A_989, %dma_start3A_990] : memref<64x64xf32, #tpu.memory_space<vmem>> -> memref<1x64xf32, #tpu.memory_space<vmem>>
      %dma_start3A_992 = arith.constant 0 : i32
      %dma_start3A_993 = tpu.memref_slice %arg5[%squeeze3A_988, %dma_start3A_992] : memref<1000000x64xf32, #tpu.memory_space<hbm>> -> memref<1x64xf32, #tpu.memory_space<hbm>>
      %dma_start3A_994 = arith.constant 15 : i32
      %dma_start3A_995 = arith.constant 0 : i32
      %dma_start3A_996 = tpu.memref_slice %arg11[%dma_start3A_994, %dma_start3A_995] : memref<64x64xf32, #tpu.memory_space<vmem>> -> memref<1x64xf32, #tpu.memory_space<vmem>>
      %dma_start3A_997 = arith.constant 0 : i32
      %dma_start3A_998 = tpu.memref_slice %arg5[%squeeze3A_988, %dma_start3A_997] : memref<1000000x64xf32, #tpu.memory_space<hbm>> -> memref<1x64xf32, #tpu.memory_space<hbm>>
      tpu.enqueue_dma source(%dma_start3A_998 : memref<1x64xf32, #tpu.memory_space<hbm>>) target(%dma_start3A_996 : memref<1x64xf32, #tpu.memory_space<vmem>>) target_semaphore(%arg13 : memref<!tpu.dma_semaphore, #tpu.memory_space<semaphore_mem>>)
      %mul3A_999 = arith.constant 64 : i32
      %mul3A_1000 = arith.muli %scan3A_7, %mul3A_999 : i32
      %add3A_1001 = arith.constant 16 : i32
      %add3A_1002 = arith.addi %mul3A_1000, %add3A_1001 : i32
      %get3A_1003 = arith.index_cast %add3A_1002 : i32 to index
      %get3A_1004 = tpu.vector_load %arg9[%get3A_1003] {strides = array<i32>} : memref<512xi32, #tpu.memory_space<vmem>>, vector<16xi32>,
      %get3A_1005 = vector.shape_cast %get3A_1004 : vector<16xi32> to vector<16xi32>
      %slice3A_1006 = vector.extract_strided_slice %get3A_1005 {offsets = [0], sizes = [1], strides = [1]} : vector<16xi32> to vector<1xi32>
      %squeeze3A_1007 = vector.extract %slice3A_1006[0] : i32 from vector<1xi32>
      %dma_start3A_1008 = arith.constant 16 : i32
      %dma_start3A_1009 = arith.constant 0 : i32
      %dma_start3A_1010 = tpu.memref_slice %arg11[%dma_start3A_1008, %dma_start3A_1009] : memref<64x64xf32, #tpu.memory_space<vmem>> -> memref<1x64xf32, #tpu.memory_space<vmem>>
      %dma_start3A_1011 = arith.constant 0 : i32
      %dma_start3A_1012 = tpu.memref_slice %arg5[%squeeze3A_1007, %dma_start3A_1011] : memref<1000000x64xf32, #tpu.memory_space<hbm>> -> memref<1x64xf32, #tpu.memory_space<hbm>>
      %dma_start3A_1013 = arith.constant 16 : i32
      %dma_start3A_1014 = arith.constant 0 : i32
      %dma_start3A_1015 = tpu.memref_slice %arg11[%dma_start3A_1013, %dma_start3A_1014] : memref<64x64xf32, #tpu.memory_space<vmem>> -> memref<1x64xf32, #tpu.memory_space<vmem>>
      %dma_start3A_1016 = arith.constant 0 : i32
      %dma_start3A_1017 = tpu.memref_slice %arg5[%squeeze3A_1007, %dma_start3A_1016] : memref<1000000x64xf32, #tpu.memory_space<hbm>> -> memref<1x64xf32, #tpu.memory_space<hbm>>
      tpu.enqueue_dma source(%dma_start3A_1017 : memref<1x64xf32, #tpu.memory_space<hbm>>) target(%dma_start3A_1015 : memref<1x64xf32, #tpu.memory_space<vmem>>) target_semaphore(%arg13 : memref<!tpu.dma_semaphore, #tpu.memory_space<semaphore_mem>>)
      %slice3A_1018 = vector.extract_strided_slice %get3A_1005 {offsets = [1], sizes = [1], strides = [1]} : vector<16xi32> to vector<1xi32>
      %squeeze3A_1019 = vector.extract %slice3A_1018[0] : i32 from vector<1xi32>
      %dma_start3A_1020 = arith.constant 17 : i32
      %dma_start3A_1021 = arith.constant 0 : i32
      %dma_start3A_1022 = tpu.memref_slice %arg11[%dma_start3A_1020, %dma_start3A_1021] : memref<64x64xf32, #tpu.memory_space<vmem>> -> memref<1x64xf32, #tpu.memory_space<vmem>>
      %dma_start3A_1023 = arith.constant 0 : i32
      %dma_start3A_1024 = tpu.memref_slice %arg5[%squeeze3A_1019, %dma_start3A_1023] : memref<1000000x64xf32, #tpu.memory_space<hbm>> -> memref<1x64xf32, #tpu.memory_space<hbm>>
      %dma_start3A_1025 = arith.constant 17 : i32
      %dma_start3A_1026 = arith.constant 0 : i32
      %dma_start3A_1027 = tpu.memref_slice %arg11[%dma_start3A_1025, %dma_start3A_1026] : memref<64x64xf32, #tpu.memory_space<vmem>> -> memref<1x64xf32, #tpu.memory_space<vmem>>
      %dma_start3A_1028 = arith.constant 0 : i32
      %dma_start3A_1029 = tpu.memref_slice %arg5[%squeeze3A_1019, %dma_start3A_1028] : memref<1000000x64xf32, #tpu.memory_space<hbm>> -> memref<1x64xf32, #tpu.memory_space<hbm>>
      tpu.enqueue_dma source(%dma_start3A_1029 : memref<1x64xf32, #tpu.memory_space<hbm>>) target(%dma_start3A_1027 : memref<1x64xf32, #tpu.memory_space<vmem>>) target_semaphore(%arg13 : memref<!tpu.dma_semaphore, #tpu.memory_space<semaphore_mem>>)
      %slice3A_1030 = vector.extract_strided_slice %get3A_1005 {offsets = [2], sizes = [1], strides = [1]} : vector<16xi32> to vector<1xi32>
      %squeeze3A_1031 = vector.extract %slice3A_1030[0] : i32 from vector<1xi32>
      %dma_start3A_1032 = arith.constant 18 : i32
      %dma_start3A_1033 = arith.constant 0 : i32
      %dma_start3A_1034 = tpu.memref_slice %arg11[%dma_start3A_1032, %dma_start3A_1033] : memref<64x64xf32, #tpu.memory_space<vmem>> -> memref<1x64xf32, #tpu.memory_space<vmem>>
      %dma_start3A_1035 = arith.constant 0 : i32
      %dma_start3A_1036 = tpu.memref_slice %arg5[%squeeze3A_1031, %dma_start3A_1035] : memref<1000000x64xf32, #tpu.memory_space<hbm>> -> memref<1x64xf32, #tpu.memory_space<hbm>>
      %dma_start3A_1037 = arith.constant 18 : i32
      %dma_start3A_1038 = arith.constant 0 : i32
      %dma_start3A_1039 = tpu.memref_slice %arg11[%dma_start3A_1037, %dma_start3A_1038] : memref<64x64xf32, #tpu.memory_space<vmem>> -> memref<1x64xf32, #tpu.memory_space<vmem>>
      %dma_start3A_1040 = arith.constant 0 : i32
      %dma_start3A_1041 = tpu.memref_slice %arg5[%squeeze3A_1031, %dma_start3A_1040] : memref<1000000x64xf32, #tpu.memory_space<hbm>> -> memref<1x64xf32, #tpu.memory_space<hbm>>
      tpu.enqueue_dma source(%dma_start3A_1041 : memref<1x64xf32, #tpu.memory_space<hbm>>) target(%dma_start3A_1039 : memref<1x64xf32, #tpu.memory_space<vmem>>) target_semaphore(%arg13 : memref<!tpu.dma_semaphore, #tpu.memory_space<semaphore_mem>>)
      %slice3A_1042 = vector.extract_strided_slice %get3A_1005 {offsets = [3], sizes = [1], strides = [1]} : vector<16xi32> to vector<1xi32>
      %squeeze3A_1043 = vector.extract %slice3A_1042[0] : i32 from vector<1xi32>
      %dma_start3A_1044 = arith.constant 19 : i32
      %dma_start3A_1045 = arith.constant 0 : i32
      %dma_start3A_1046 = tpu.memref_slice %arg11[%dma_start3A_1044, %dma_start3A_1045] : memref<64x64xf32, #tpu.memory_space<vmem>> -> memref<1x64xf32, #tpu.memory_space<vmem>>
      %dma_start3A_1047 = arith.constant 0 : i32
      %dma_start3A_1048 = tpu.memref_slice %arg5[%squeeze3A_1043, %dma_start3A_1047] : memref<1000000x64xf32, #tpu.memory_space<hbm>> -> memref<1x64xf32, #tpu.memory_space<hbm>>
      %dma_start3A_1049 = arith.constant 19 : i32
      %dma_start3A_1050 = arith.constant 0 : i32
      %dma_start3A_1051 = tpu.memref_slice %arg11[%dma_start3A_1049, %dma_start3A_1050] : memref<64x64xf32, #tpu.memory_space<vmem>> -> memref<1x64xf32, #tpu.memory_space<vmem>>
      %dma_start3A_1052 = arith.constant 0 : i32
      %dma_start3A_1053 = tpu.memref_slice %arg5[%squeeze3A_1043, %dma_start3A_1052] : memref<1000000x64xf32, #tpu.memory_space<hbm>> -> memref<1x64xf32, #tpu.memory_space<hbm>>
      tpu.enqueue_dma source(%dma_start3A_1053 : memref<1x64xf32, #tpu.memory_space<hbm>>) target(%dma_start3A_1051 : memref<1x64xf32, #tpu.memory_space<vmem>>) target_semaphore(%arg13 : memref<!tpu.dma_semaphore, #tpu.memory_space<semaphore_mem>>)
      %slice3A_1054 = vector.extract_strided_slice %get3A_1005 {offsets = [4], sizes = [1], strides = [1]} : vector<16xi32> to vector<1xi32>
      %squeeze3A_1055 = vector.extract %slice3A_1054[0] : i32 from vector<1xi32>
      %dma_start3A_1056 = arith.constant 20 : i32
      %dma_start3A_1057 = arith.constant 0 : i32
      %dma_start3A_1058 = tpu.memref_slice %arg11[%dma_start3A_1056, %dma_start3A_1057] : memref<64x64xf32, #tpu.memory_space<vmem>> -> memref<1x64xf32, #tpu.memory_space<vmem>>
      %dma_start3A_1059 = arith.constant 0 : i32
      %dma_start3A_1060 = tpu.memref_slice %arg5[%squeeze3A_1055, %dma_start3A_1059] : memref<1000000x64xf32, #tpu.memory_space<hbm>> -> memref<1x64xf32, #tpu.memory_space<hbm>>
      %dma_start3A_1061 = arith.constant 20 : i32
      %dma_start3A_1062 = arith.constant 0 : i32
      %dma_start3A_1063 = tpu.memref_slice %arg11[%dma_start3A_1061, %dma_start3A_1062] : memref<64x64xf32, #tpu.memory_space<vmem>> -> memref<1x64xf32, #tpu.memory_space<vmem>>
      %dma_start3A_1064 = arith.constant 0 : i32
      %dma_start3A_1065 = tpu.memref_slice %arg5[%squeeze3A_1055, %dma_start3A_1064] : memref<1000000x64xf32, #tpu.memory_space<hbm>> -> memref<1x64xf32, #tpu.memory_space<hbm>>
      tpu.enqueue_dma source(%dma_start3A_1065 : memref<1x64xf32, #tpu.memory_space<hbm>>) target(%dma_start3A_1063 : memref<1x64xf32, #tpu.memory_space<vmem>>) target_semaphore(%arg13 : memref<!tpu.dma_semaphore, #tpu.memory_space<semaphore_mem>>)
      %slice3A_1066 = vector.extract_strided_slice %get3A_1005 {offsets = [5], sizes = [1], strides = [1]} : vector<16xi32> to vector<1xi32>
      %squeeze3A_1067 = vector.extract %slice3A_1066[0] : i32 from vector<1xi32>
      %dma_start3A_1068 = arith.constant 21 : i32
      %dma_start3A_1069 = arith.constant 0 : i32
      %dma_start3A_1070 = tpu.memref_slice %arg11[%dma_start3A_1068, %dma_start3A_1069] : memref<64x64xf32, #tpu.memory_space<vmem>> -> memref<1x64xf32, #tpu.memory_space<vmem>>
      %dma_start3A_1071 = arith.constant 0 : i32
      %dma_start3A_1072 = tpu.memref_slice %arg5[%squeeze3A_1067, %dma_start3A_1071] : memref<1000000x64xf32, #tpu.memory_space<hbm>> -> memref<1x64xf32, #tpu.memory_space<hbm>>
      %dma_start3A_1073 = arith.constant 21 : i32
      %dma_start3A_1074 = arith.constant 0 : i32
      %dma_start3A_1075 = tpu.memref_slice %arg11[%dma_start3A_1073, %dma_start3A_1074] : memref<64x64xf32, #tpu.memory_space<vmem>> -> memref<1x64xf32, #tpu.memory_space<vmem>>
      %dma_start3A_1076 = arith.constant 0 : i32
      %dma_start3A_1077 = tpu.memref_slice %arg5[%squeeze3A_1067, %dma_start3A_1076] : memref<1000000x64xf32, #tpu.memory_space<hbm>> -> memref<1x64xf32, #tpu.memory_space<hbm>>
      tpu.enqueue_dma source(%dma_start3A_1077 : memref<1x64xf32, #tpu.memory_space<hbm>>) target(%dma_start3A_1075 : memref<1x64xf32, #tpu.memory_space<vmem>>) target_semaphore(%arg13 : memref<!tpu.dma_semaphore, #tpu.memory_space<semaphore_mem>>)
      %slice3A_1078 = vector.extract_strided_slice %get3A_1005 {offsets = [6], sizes = [1], strides = [1]} : vector<16xi32> to vector<1xi32>
      %squeeze3A_1079 = vector.extract %slice3A_1078[0] : i32 from vector<1xi32>
      %dma_start3A_1080 = arith.constant 22 : i32
      %dma_start3A_1081 = arith.constant 0 : i32
      %dma_start3A_1082 = tpu.memref_slice %arg11[%dma_start3A_1080, %dma_start3A_1081] : memref<64x64xf32, #tpu.memory_space<vmem>> -> memref<1x64xf32, #tpu.memory_space<vmem>>
      %dma_start3A_1083 = arith.constant 0 : i32
      %dma_start3A_1084 = tpu.memref_slice %arg5[%squeeze3A_1079, %dma_start3A_1083] : memref<1000000x64xf32, #tpu.memory_space<hbm>> -> memref<1x64xf32, #tpu.memory_space<hbm>>
      %dma_start3A_1085 = arith.constant 22 : i32
      %dma_start3A_1086 = arith.constant 0 : i32
      %dma_start3A_1087 = tpu.memref_slice %arg11[%dma_start3A_1085, %dma_start3A_1086] : memref<64x64xf32, #tpu.memory_space<vmem>> -> memref<1x64xf32, #tpu.memory_space<vmem>>
      %dma_start3A_1088 = arith.constant 0 : i32
      %dma_start3A_1089 = tpu.memref_slice %arg5[%squeeze3A_1079, %dma_start3A_1088] : memref<1000000x64xf32, #tpu.memory_space<hbm>> -> memref<1x64xf32, #tpu.memory_space<hbm>>
      tpu.enqueue_dma source(%dma_start3A_1089 : memref<1x64xf32, #tpu.memory_space<hbm>>) target(%dma_start3A_1087 : memref<1x64xf32, #tpu.memory_space<vmem>>) target_semaphore(%arg13 : memref<!tpu.dma_semaphore, #tpu.memory_space<semaphore_mem>>)
      %slice3A_1090 = vector.extract_strided_slice %get3A_1005 {offsets = [7], sizes = [1], strides = [1]} : vector<16xi32> to vector<1xi32>
      %squeeze3A_1091 = vector.extract %slice3A_1090[0] : i32 from vector<1xi32>
      %dma_start3A_1092 = arith.constant 23 : i32
      %dma_start3A_1093 = arith.constant 0 : i32
      %dma_start3A_1094 = tpu.memref_slice %arg11[%dma_start3A_1092, %dma_start3A_1093] : memref<64x64xf32, #tpu.memory_space<vmem>> -> memref<1x64xf32, #tpu.memory_space<vmem>>
      %dma_start3A_1095 = arith.constant 0 : i32
      %dma_start3A_1096 = tpu.memref_slice %arg5[%squeeze3A_1091, %dma_start3A_1095] : memref<1000000x64xf32, #tpu.memory_space<hbm>> -> memref<1x64xf32, #tpu.memory_space<hbm>>
      %dma_start3A_1097 = arith.constant 23 : i32
      %dma_start3A_1098 = arith.constant 0 : i32
      %dma_start3A_1099 = tpu.memref_slice %arg11[%dma_start3A_1097, %dma_start3A_1098] : memref<64x64xf32, #tpu.memory_space<vmem>> -> memref<1x64xf32, #tpu.memory_space<vmem>>
      %dma_start3A_1100 = arith.constant 0 : i32
      %dma_start3A_1101 = tpu.memref_slice %arg5[%squeeze3A_1091, %dma_start3A_1100] : memref<1000000x64xf32, #tpu.memory_space<hbm>> -> memref<1x64xf32, #tpu.memory_space<hbm>>
      tpu.enqueue_dma source(%dma_start3A_1101 : memref<1x64xf32, #tpu.memory_space<hbm>>) target(%dma_start3A_1099 : memref<1x64xf32, #tpu.memory_space<vmem>>) target_semaphore(%arg13 : memref<!tpu.dma_semaphore, #tpu.memory_space<semaphore_mem>>)
      %slice3A_1102 = vector.extract_strided_slice %get3A_1005 {offsets = [8], sizes = [1], strides = [1]} : vector<16xi32> to vector<1xi32>
      %squeeze3A_1103 = vector.extract %slice3A_1102[0] : i32 from vector<1xi32>
      %dma_start3A_1104 = arith.constant 24 : i32
      %dma_start3A_1105 = arith.constant 0 : i32
      %dma_start3A_1106 = tpu.memref_slice %arg11[%dma_start3A_1104, %dma_start3A_1105] : memref<64x64xf32, #tpu.memory_space<vmem>> -> memref<1x64xf32, #tpu.memory_space<vmem>>
      %dma_start3A_1107 = arith.constant 0 : i32
      %dma_start3A_1108 = tpu.memref_slice %arg5[%squeeze3A_1103, %dma_start3A_1107] : memref<1000000x64xf32, #tpu.memory_space<hbm>> -> memref<1x64xf32, #tpu.memory_space<hbm>>
      %dma_start3A_1109 = arith.constant 24 : i32
      %dma_start3A_1110 = arith.constant 0 : i32
      %dma_start3A_1111 = tpu.memref_slice %arg11[%dma_start3A_1109, %dma_start3A_1110] : memref<64x64xf32, #tpu.memory_space<vmem>> -> memref<1x64xf32, #tpu.memory_space<vmem>>
      %dma_start3A_1112 = arith.constant 0 : i32
      %dma_start3A_1113 = tpu.memref_slice %arg5[%squeeze3A_1103, %dma_start3A_1112] : memref<1000000x64xf32, #tpu.memory_space<hbm>> -> memref<1x64xf32, #tpu.memory_space<hbm>>
      tpu.enqueue_dma source(%dma_start3A_1113 : memref<1x64xf32, #tpu.memory_space<hbm>>) target(%dma_start3A_1111 : memref<1x64xf32, #tpu.memory_space<vmem>>) target_semaphore(%arg13 : memref<!tpu.dma_semaphore, #tpu.memory_space<semaphore_mem>>)
      %slice3A_1114 = vector.extract_strided_slice %get3A_1005 {offsets = [9], sizes = [1], strides = [1]} : vector<16xi32> to vector<1xi32>
      %squeeze3A_1115 = vector.extract %slice3A_1114[0] : i32 from vector<1xi32>
      %dma_start3A_1116 = arith.constant 25 : i32
      %dma_start3A_1117 = arith.constant 0 : i32
      %dma_start3A_1118 = tpu.memref_slice %arg11[%dma_start3A_1116, %dma_start3A_1117] : memref<64x64xf32, #tpu.memory_space<vmem>> -> memref<1x64xf32, #tpu.memory_space<vmem>>
      %dma_start3A_1119 = arith.constant 0 : i32
      %dma_start3A_1120 = tpu.memref_slice %arg5[%squeeze3A_1115, %dma_start3A_1119] : memref<1000000x64xf32, #tpu.memory_space<hbm>> -> memref<1x64xf32, #tpu.memory_space<hbm>>
      %dma_start3A_1121 = arith.constant 25 : i32
      %dma_start3A_1122 = arith.constant 0 : i32
      %dma_start3A_1123 = tpu.memref_slice %arg11[%dma_start3A_1121, %dma_start3A_1122] : memref<64x64xf32, #tpu.memory_space<vmem>> -> memref<1x64xf32, #tpu.memory_space<vmem>>
      %dma_start3A_1124 = arith.constant 0 : i32
      %dma_start3A_1125 = tpu.memref_slice %arg5[%squeeze3A_1115, %dma_start3A_1124] : memref<1000000x64xf32, #tpu.memory_space<hbm>> -> memref<1x64xf32, #tpu.memory_space<hbm>>
      tpu.enqueue_dma source(%dma_start3A_1125 : memref<1x64xf32, #tpu.memory_space<hbm>>) target(%dma_start3A_1123 : memref<1x64xf32, #tpu.memory_space<vmem>>) target_semaphore(%arg13 : memref<!tpu.dma_semaphore, #tpu.memory_space<semaphore_mem>>)
      %slice3A_1126 = vector.extract_strided_slice %get3A_1005 {offsets = [10], sizes = [1], strides = [1]} : vector<16xi32> to vector<1xi32>
      %squeeze3A_1127 = vector.extract %slice3A_1126[0] : i32 from vector<1xi32>
      %dma_start3A_1128 = arith.constant 26 : i32
      %dma_start3A_1129 = arith.constant 0 : i32
      %dma_start3A_1130 = tpu.memref_slice %arg11[%dma_start3A_1128, %dma_start3A_1129] : memref<64x64xf32, #tpu.memory_space<vmem>> -> memref<1x64xf32, #tpu.memory_space<vmem>>
      %dma_start3A_1131 = arith.constant 0 : i32
      %dma_start3A_1132 = tpu.memref_slice %arg5[%squeeze3A_1127, %dma_start3A_1131] : memref<1000000x64xf32, #tpu.memory_space<hbm>> -> memref<1x64xf32, #tpu.memory_space<hbm>>
      %dma_start3A_1133 = arith.constant 26 : i32
      %dma_start3A_1134 = arith.constant 0 : i32
      %dma_start3A_1135 = tpu.memref_slice %arg11[%dma_start3A_1133, %dma_start3A_1134] : memref<64x64xf32, #tpu.memory_space<vmem>> -> memref<1x64xf32, #tpu.memory_space<vmem>>
      %dma_start3A_1136 = arith.constant 0 : i32
      %dma_start3A_1137 = tpu.memref_slice %arg5[%squeeze3A_1127, %dma_start3A_1136] : memref<1000000x64xf32, #tpu.memory_space<hbm>> -> memref<1x64xf32, #tpu.memory_space<hbm>>
      tpu.enqueue_dma source(%dma_start3A_1137 : memref<1x64xf32, #tpu.memory_space<hbm>>) target(%dma_start3A_1135 : memref<1x64xf32, #tpu.memory_space<vmem>>) target_semaphore(%arg13 : memref<!tpu.dma_semaphore, #tpu.memory_space<semaphore_mem>>)
      %slice3A_1138 = vector.extract_strided_slice %get3A_1005 {offsets = [11], sizes = [1], strides = [1]} : vector<16xi32> to vector<1xi32>
      %squeeze3A_1139 = vector.extract %slice3A_1138[0] : i32 from vector<1xi32>
      %dma_start3A_1140 = arith.constant 27 : i32
      %dma_start3A_1141 = arith.constant 0 : i32
      %dma_start3A_1142 = tpu.memref_slice %arg11[%dma_start3A_1140, %dma_start3A_1141] : memref<64x64xf32, #tpu.memory_space<vmem>> -> memref<1x64xf32, #tpu.memory_space<vmem>>
      %dma_start3A_1143 = arith.constant 0 : i32
      %dma_start3A_1144 = tpu.memref_slice %arg5[%squeeze3A_1139, %dma_start3A_1143] : memref<1000000x64xf32, #tpu.memory_space<hbm>> -> memref<1x64xf32, #tpu.memory_space<hbm>>
      %dma_start3A_1145 = arith.constant 27 : i32
      %dma_start3A_1146 = arith.constant 0 : i32
      %dma_start3A_1147 = tpu.memref_slice %arg11[%dma_start3A_1145, %dma_start3A_1146] : memref<64x64xf32, #tpu.memory_space<vmem>> -> memref<1x64xf32, #tpu.memory_space<vmem>>
      %dma_start3A_1148 = arith.constant 0 : i32
      %dma_start3A_1149 = tpu.memref_slice %arg5[%squeeze3A_1139, %dma_start3A_1148] : memref<1000000x64xf32, #tpu.memory_space<hbm>> -> memref<1x64xf32, #tpu.memory_space<hbm>>
      tpu.enqueue_dma source(%dma_start3A_1149 : memref<1x64xf32, #tpu.memory_space<hbm>>) target(%dma_start3A_1147 : memref<1x64xf32, #tpu.memory_space<vmem>>) target_semaphore(%arg13 : memref<!tpu.dma_semaphore, #tpu.memory_space<semaphore_mem>>)
      %slice3A_1150 = vector.extract_strided_slice %get3A_1005 {offsets = [12], sizes = [1], strides = [1]} : vector<16xi32> to vector<1xi32>
      %squeeze3A_1151 = vector.extract %slice3A_1150[0] : i32 from vector<1xi32>
      %dma_start3A_1152 = arith.constant 28 : i32
      %dma_start3A_1153 = arith.constant 0 : i32
      %dma_start3A_1154 = tpu.memref_slice %arg11[%dma_start3A_1152, %dma_start3A_1153] : memref<64x64xf32, #tpu.memory_space<vmem>> -> memref<1x64xf32, #tpu.memory_space<vmem>>
      %dma_start3A_1155 = arith.constant 0 : i32
      %dma_start3A_1156 = tpu.memref_slice %arg5[%squeeze3A_1151, %dma_start3A_1155] : memref<1000000x64xf32, #tpu.memory_space<hbm>> -> memref<1x64xf32, #tpu.memory_space<hbm>>
      %dma_start3A_1157 = arith.constant 28 : i32
      %dma_start3A_1158 = arith.constant 0 : i32
      %dma_start3A_1159 = tpu.memref_slice %arg11[%dma_start3A_1157, %dma_start3A_1158] : memref<64x64xf32, #tpu.memory_space<vmem>> -> memref<1x64xf32, #tpu.memory_space<vmem>>
      %dma_start3A_1160 = arith.constant 0 : i32
      %dma_start3A_1161 = tpu.memref_slice %arg5[%squeeze3A_1151, %dma_start3A_1160] : memref<1000000x64xf32, #tpu.memory_space<hbm>> -> memref<1x64xf32, #tpu.memory_space<hbm>>
      tpu.enqueue_dma source(%dma_start3A_1161 : memref<1x64xf32, #tpu.memory_space<hbm>>) target(%dma_start3A_1159 : memref<1x64xf32, #tpu.memory_space<vmem>>) target_semaphore(%arg13 : memref<!tpu.dma_semaphore, #tpu.memory_space<semaphore_mem>>)
      %slice3A_1162 = vector.extract_strided_slice %get3A_1005 {offsets = [13], sizes = [1], strides = [1]} : vector<16xi32> to vector<1xi32>
      %squeeze3A_1163 = vector.extract %slice3A_1162[0] : i32 from vector<1xi32>
      %dma_start3A_1164 = arith.constant 29 : i32
      %dma_start3A_1165 = arith.constant 0 : i32
      %dma_start3A_1166 = tpu.memref_slice %arg11[%dma_start3A_1164, %dma_start3A_1165] : memref<64x64xf32, #tpu.memory_space<vmem>> -> memref<1x64xf32, #tpu.memory_space<vmem>>
      %dma_start3A_1167 = arith.constant 0 : i32
      %dma_start3A_1168 = tpu.memref_slice %arg5[%squeeze3A_1163, %dma_start3A_1167] : memref<1000000x64xf32, #tpu.memory_space<hbm>> -> memref<1x64xf32, #tpu.memory_space<hbm>>
      %dma_start3A_1169 = arith.constant 29 : i32
      %dma_start3A_1170 = arith.constant 0 : i32
      %dma_start3A_1171 = tpu.memref_slice %arg11[%dma_start3A_1169, %dma_start3A_1170] : memref<64x64xf32, #tpu.memory_space<vmem>> -> memref<1x64xf32, #tpu.memory_space<vmem>>
      %dma_start3A_1172 = arith.constant 0 : i32
      %dma_start3A_1173 = tpu.memref_slice %arg5[%squeeze3A_1163, %dma_start3A_1172] : memref<1000000x64xf32, #tpu.memory_space<hbm>> -> memref<1x64xf32, #tpu.memory_space<hbm>>
      tpu.enqueue_dma source(%dma_start3A_1173 : memref<1x64xf32, #tpu.memory_space<hbm>>) target(%dma_start3A_1171 : memref<1x64xf32, #tpu.memory_space<vmem>>) target_semaphore(%arg13 : memref<!tpu.dma_semaphore, #tpu.memory_space<semaphore_mem>>)
      %slice3A_1174 = vector.extract_strided_slice %get3A_1005 {offsets = [14], sizes = [1], strides = [1]} : vector<16xi32> to vector<1xi32>
      %squeeze3A_1175 = vector.extract %slice3A_1174[0] : i32 from vector<1xi32>
      %dma_start3A_1176 = arith.constant 30 : i32
      %dma_start3A_1177 = arith.constant 0 : i32
      %dma_start3A_1178 = tpu.memref_slice %arg11[%dma_start3A_1176, %dma_start3A_1177] : memref<64x64xf32, #tpu.memory_space<vmem>> -> memref<1x64xf32, #tpu.memory_space<vmem>>
      %dma_start3A_1179 = arith.constant 0 : i32
      %dma_start3A_1180 = tpu.memref_slice %arg5[%squeeze3A_1175, %dma_start3A_1179] : memref<1000000x64xf32, #tpu.memory_space<hbm>> -> memref<1x64xf32, #tpu.memory_space<hbm>>
      %dma_start3A_1181 = arith.constant 30 : i32
      %dma_start3A_1182 = arith.constant 0 : i32
      %dma_start3A_1183 = tpu.memref_slice %arg11[%dma_start3A_1181, %dma_start3A_1182] : memref<64x64xf32, #tpu.memory_space<vmem>> -> memref<1x64xf32, #tpu.memory_space<vmem>>
      %dma_start3A_1184 = arith.constant 0 : i32
      %dma_start3A_1185 = tpu.memref_slice %arg5[%squeeze3A_1175, %dma_start3A_1184] : memref<1000000x64xf32, #tpu.memory_space<hbm>> -> memref<1x64xf32, #tpu.memory_space<hbm>>
      tpu.enqueue_dma source(%dma_start3A_1185 : memref<1x64xf32, #tpu.memory_space<hbm>>) target(%dma_start3A_1183 : memref<1x64xf32, #tpu.memory_space<vmem>>) target_semaphore(%arg13 : memref<!tpu.dma_semaphore, #tpu.memory_space<semaphore_mem>>)
      %slice3A_1186 = vector.extract_strided_slice %get3A_1005 {offsets = [15], sizes = [1], strides = [1]} : vector<16xi32> to vector<1xi32>
      %squeeze3A_1187 = vector.extract %slice3A_1186[0] : i32 from vector<1xi32>
      %dma_start3A_1188 = arith.constant 31 : i32
      %dma_start3A_1189 = arith.constant 0 : i32
      %dma_start3A_1190 = tpu.memref_slice %arg11[%dma_start3A_1188, %dma_start3A_1189] : memref<64x64xf32, #tpu.memory_space<vmem>> -> memref<1x64xf32, #tpu.memory_space<vmem>>
      %dma_start3A_1191 = arith.constant 0 : i32
      %dma_start3A_1192 = tpu.memref_slice %arg5[%squeeze3A_1187, %dma_start3A_1191] : memref<1000000x64xf32, #tpu.memory_space<hbm>> -> memref<1x64xf32, #tpu.memory_space<hbm>>
      %dma_start3A_1193 = arith.constant 31 : i32
      %dma_start3A_1194 = arith.constant 0 : i32
      %dma_start3A_1195 = tpu.memref_slice %arg11[%dma_start3A_1193, %dma_start3A_1194] : memref<64x64xf32, #tpu.memory_space<vmem>> -> memref<1x64xf32, #tpu.memory_space<vmem>>
      %dma_start3A_1196 = arith.constant 0 : i32
      %dma_start3A_1197 = tpu.memref_slice %arg5[%squeeze3A_1187, %dma_start3A_1196] : memref<1000000x64xf32, #tpu.memory_space<hbm>> -> memref<1x64xf32, #tpu.memory_space<hbm>>
      tpu.enqueue_dma source(%dma_start3A_1197 : memref<1x64xf32, #tpu.memory_space<hbm>>) target(%dma_start3A_1195 : memref<1x64xf32, #tpu.memory_space<vmem>>) target_semaphore(%arg13 : memref<!tpu.dma_semaphore, #tpu.memory_space<semaphore_mem>>)
      %mul3A_1198 = arith.constant 64 : i32
      %mul3A_1199 = arith.muli %scan3A_7, %mul3A_1198 : i32
      %add3A_1200 = arith.constant 32 : i32
      %add3A_1201 = arith.addi %mul3A_1199, %add3A_1200 : i32
      %get3A_1202 = arith.index_cast %add3A_1201 : i32 to index
      %get3A_1203 = tpu.vector_load %arg9[%get3A_1202] {strides = array<i32>} : memref<512xi32, #tpu.memory_space<vmem>>, vector<16xi32>,
      %get3A_1204 = vector.shape_cast %get3A_1203 : vector<16xi32> to vector<16xi32>
      %slice3A_1205 = vector.extract_strided_slice %get3A_1204 {offsets = [0], sizes = [1], strides = [1]} : vector<16xi32> to vector<1xi32>
      %squeeze3A_1206 = vector.extract %slice3A_1205[0] : i32 from vector<1xi32>
      %dma_start3A_1207 = arith.constant 32 : i32
      %dma_start3A_1208 = arith.constant 0 : i32
      %dma_start3A_1209 = tpu.memref_slice %arg11[%dma_start3A_1207, %dma_start3A_1208] : memref<64x64xf32, #tpu.memory_space<vmem>> -> memref<1x64xf32, #tpu.memory_space<vmem>>
      %dma_start3A_1210 = arith.constant 0 : i32
      %dma_start3A_1211 = tpu.memref_slice %arg5[%squeeze3A_1206, %dma_start3A_1210] : memref<1000000x64xf32, #tpu.memory_space<hbm>> -> memref<1x64xf32, #tpu.memory_space<hbm>>
      %dma_start3A_1212 = arith.constant 32 : i32
      %dma_start3A_1213 = arith.constant 0 : i32
      %dma_start3A_1214 = tpu.memref_slice %arg11[%dma_start3A_1212, %dma_start3A_1213] : memref<64x64xf32, #tpu.memory_space<vmem>> -> memref<1x64xf32, #tpu.memory_space<vmem>>
      %dma_start3A_1215 = arith.constant 0 : i32
      %dma_start3A_1216 = tpu.memref_slice %arg5[%squeeze3A_1206, %dma_start3A_1215] : memref<1000000x64xf32, #tpu.memory_space<hbm>> -> memref<1x64xf32, #tpu.memory_space<hbm>>
      tpu.enqueue_dma source(%dma_start3A_1216 : memref<1x64xf32, #tpu.memory_space<hbm>>) target(%dma_start3A_1214 : memref<1x64xf32, #tpu.memory_space<vmem>>) target_semaphore(%arg13 : memref<!tpu.dma_semaphore, #tpu.memory_space<semaphore_mem>>)
      %slice3A_1217 = vector.extract_strided_slice %get3A_1204 {offsets = [1], sizes = [1], strides = [1]} : vector<16xi32> to vector<1xi32>
      %squeeze3A_1218 = vector.extract %slice3A_1217[0] : i32 from vector<1xi32>
      %dma_start3A_1219 = arith.constant 33 : i32
      %dma_start3A_1220 = arith.constant 0 : i32
      %dma_start3A_1221 = tpu.memref_slice %arg11[%dma_start3A_1219, %dma_start3A_1220] : memref<64x64xf32, #tpu.memory_space<vmem>> -> memref<1x64xf32, #tpu.memory_space<vmem>>
      %dma_start3A_1222 = arith.constant 0 : i32
      %dma_start3A_1223 = tpu.memref_slice %arg5[%squeeze3A_1218, %dma_start3A_1222] : memref<1000000x64xf32, #tpu.memory_space<hbm>> -> memref<1x64xf32, #tpu.memory_space<hbm>>
      %dma_start3A_1224 = arith.constant 33 : i32
      %dma_start3A_1225 = arith.constant 0 : i32
      %dma_start3A_1226 = tpu.memref_slice %arg11[%dma_start3A_1224, %dma_start3A_1225] : memref<64x64xf32, #tpu.memory_space<vmem>> -> memref<1x64xf32, #tpu.memory_space<vmem>>
      %dma_start3A_1227 = arith.constant 0 : i32
      %dma_start3A_1228 = tpu.memref_slice %arg5[%squeeze3A_1218, %dma_start3A_1227] : memref<1000000x64xf32, #tpu.memory_space<hbm>> -> memref<1x64xf32, #tpu.memory_space<hbm>>
      tpu.enqueue_dma source(%dma_start3A_1228 : memref<1x64xf32, #tpu.memory_space<hbm>>) target(%dma_start3A_1226 : memref<1x64xf32, #tpu.memory_space<vmem>>) target_semaphore(%arg13 : memref<!tpu.dma_semaphore, #tpu.memory_space<semaphore_mem>>)
      %slice3A_1229 = vector.extract_strided_slice %get3A_1204 {offsets = [2], sizes = [1], strides = [1]} : vector<16xi32> to vector<1xi32>
      %squeeze3A_1230 = vector.extract %slice3A_1229[0] : i32 from vector<1xi32>
      %dma_start3A_1231 = arith.constant 34 : i32
      %dma_start3A_1232 = arith.constant 0 : i32
      %dma_start3A_1233 = tpu.memref_slice %arg11[%dma_start3A_1231, %dma_start3A_1232] : memref<64x64xf32, #tpu.memory_space<vmem>> -> memref<1x64xf32, #tpu.memory_space<vmem>>
      %dma_start3A_1234 = arith.constant 0 : i32
      %dma_start3A_1235 = tpu.memref_slice %arg5[%squeeze3A_1230, %dma_start3A_1234] : memref<1000000x64xf32, #tpu.memory_space<hbm>> -> memref<1x64xf32, #tpu.memory_space<hbm>>
      %dma_start3A_1236 = arith.constant 34 : i32
      %dma_start3A_1237 = arith.constant 0 : i32
      %dma_start3A_1238 = tpu.memref_slice %arg11[%dma_start3A_1236, %dma_start3A_1237] : memref<64x64xf32, #tpu.memory_space<vmem>> -> memref<1x64xf32, #tpu.memory_space<vmem>>
      %dma_start3A_1239 = arith.constant 0 : i32
      %dma_start3A_1240 = tpu.memref_slice %arg5[%squeeze3A_1230, %dma_start3A_1239] : memref<1000000x64xf32, #tpu.memory_space<hbm>> -> memref<1x64xf32, #tpu.memory_space<hbm>>
      tpu.enqueue_dma source(%dma_start3A_1240 : memref<1x64xf32, #tpu.memory_space<hbm>>) target(%dma_start3A_1238 : memref<1x64xf32, #tpu.memory_space<vmem>>) target_semaphore(%arg13 : memref<!tpu.dma_semaphore, #tpu.memory_space<semaphore_mem>>)
      %slice3A_1241 = vector.extract_strided_slice %get3A_1204 {offsets = [3], sizes = [1], strides = [1]} : vector<16xi32> to vector<1xi32>
      %squeeze3A_1242 = vector.extract %slice3A_1241[0] : i32 from vector<1xi32>
      %dma_start3A_1243 = arith.constant 35 : i32
      %dma_start3A_1244 = arith.constant 0 : i32
      %dma_start3A_1245 = tpu.memref_slice %arg11[%dma_start3A_1243, %dma_start3A_1244] : memref<64x64xf32, #tpu.memory_space<vmem>> -> memref<1x64xf32, #tpu.memory_space<vmem>>
      %dma_start3A_1246 = arith.constant 0 : i32
      %dma_start3A_1247 = tpu.memref_slice %arg5[%squeeze3A_1242, %dma_start3A_1246] : memref<1000000x64xf32, #tpu.memory_space<hbm>> -> memref<1x64xf32, #tpu.memory_space<hbm>>
      %dma_start3A_1248 = arith.constant 35 : i32
      %dma_start3A_1249 = arith.constant 0 : i32
      %dma_start3A_1250 = tpu.memref_slice %arg11[%dma_start3A_1248, %dma_start3A_1249] : memref<64x64xf32, #tpu.memory_space<vmem>> -> memref<1x64xf32, #tpu.memory_space<vmem>>
      %dma_start3A_1251 = arith.constant 0 : i32
      %dma_start3A_1252 = tpu.memref_slice %arg5[%squeeze3A_1242, %dma_start3A_1251] : memref<1000000x64xf32, #tpu.memory_space<hbm>> -> memref<1x64xf32, #tpu.memory_space<hbm>>
      tpu.enqueue_dma source(%dma_start3A_1252 : memref<1x64xf32, #tpu.memory_space<hbm>>) target(%dma_start3A_1250 : memref<1x64xf32, #tpu.memory_space<vmem>>) target_semaphore(%arg13 : memref<!tpu.dma_semaphore, #tpu.memory_space<semaphore_mem>>)
      %slice3A_1253 = vector.extract_strided_slice %get3A_1204 {offsets = [4], sizes = [1], strides = [1]} : vector<16xi32> to vector<1xi32>
      %squeeze3A_1254 = vector.extract %slice3A_1253[0] : i32 from vector<1xi32>
      %dma_start3A_1255 = arith.constant 36 : i32
      %dma_start3A_1256 = arith.constant 0 : i32
      %dma_start3A_1257 = tpu.memref_slice %arg11[%dma_start3A_1255, %dma_start3A_1256] : memref<64x64xf32, #tpu.memory_space<vmem>> -> memref<1x64xf32, #tpu.memory_space<vmem>>
      %dma_start3A_1258 = arith.constant 0 : i32
      %dma_start3A_1259 = tpu.memref_slice %arg5[%squeeze3A_1254, %dma_start3A_1258] : memref<1000000x64xf32, #tpu.memory_space<hbm>> -> memref<1x64xf32, #tpu.memory_space<hbm>>
      %dma_start3A_1260 = arith.constant 36 : i32
      %dma_start3A_1261 = arith.constant 0 : i32
      %dma_start3A_1262 = tpu.memref_slice %arg11[%dma_start3A_1260, %dma_start3A_1261] : memref<64x64xf32, #tpu.memory_space<vmem>> -> memref<1x64xf32, #tpu.memory_space<vmem>>
      %dma_start3A_1263 = arith.constant 0 : i32
      %dma_start3A_1264 = tpu.memref_slice %arg5[%squeeze3A_1254, %dma_start3A_1263] : memref<1000000x64xf32, #tpu.memory_space<hbm>> -> memref<1x64xf32, #tpu.memory_space<hbm>>
      tpu.enqueue_dma source(%dma_start3A_1264 : memref<1x64xf32, #tpu.memory_space<hbm>>) target(%dma_start3A_1262 : memref<1x64xf32, #tpu.memory_space<vmem>>) target_semaphore(%arg13 : memref<!tpu.dma_semaphore, #tpu.memory_space<semaphore_mem>>)
      %slice3A_1265 = vector.extract_strided_slice %get3A_1204 {offsets = [5], sizes = [1], strides = [1]} : vector<16xi32> to vector<1xi32>
      %squeeze3A_1266 = vector.extract %slice3A_1265[0] : i32 from vector<1xi32>
      %dma_start3A_1267 = arith.constant 37 : i32
      %dma_start3A_1268 = arith.constant 0 : i32
      %dma_start3A_1269 = tpu.memref_slice %arg11[%dma_start3A_1267, %dma_start3A_1268] : memref<64x64xf32, #tpu.memory_space<vmem>> -> memref<1x64xf32, #tpu.memory_space<vmem>>
      %dma_start3A_1270 = arith.constant 0 : i32
      %dma_start3A_1271 = tpu.memref_slice %arg5[%squeeze3A_1266, %dma_start3A_1270] : memref<1000000x64xf32, #tpu.memory_space<hbm>> -> memref<1x64xf32, #tpu.memory_space<hbm>>
      %dma_start3A_1272 = arith.constant 37 : i32
      %dma_start3A_1273 = arith.constant 0 : i32
      %dma_start3A_1274 = tpu.memref_slice %arg11[%dma_start3A_1272, %dma_start3A_1273] : memref<64x64xf32, #tpu.memory_space<vmem>> -> memref<1x64xf32, #tpu.memory_space<vmem>>
      %dma_start3A_1275 = arith.constant 0 : i32
      %dma_start3A_1276 = tpu.memref_slice %arg5[%squeeze3A_1266, %dma_start3A_1275] : memref<1000000x64xf32, #tpu.memory_space<hbm>> -> memref<1x64xf32, #tpu.memory_space<hbm>>
      tpu.enqueue_dma source(%dma_start3A_1276 : memref<1x64xf32, #tpu.memory_space<hbm>>) target(%dma_start3A_1274 : memref<1x64xf32, #tpu.memory_space<vmem>>) target_semaphore(%arg13 : memref<!tpu.dma_semaphore, #tpu.memory_space<semaphore_mem>>)
      %slice3A_1277 = vector.extract_strided_slice %get3A_1204 {offsets = [6], sizes = [1], strides = [1]} : vector<16xi32> to vector<1xi32>
      %squeeze3A_1278 = vector.extract %slice3A_1277[0] : i32 from vector<1xi32>
      %dma_start3A_1279 = arith.constant 38 : i32
      %dma_start3A_1280 = arith.constant 0 : i32
      %dma_start3A_1281 = tpu.memref_slice %arg11[%dma_start3A_1279, %dma_start3A_1280] : memref<64x64xf32, #tpu.memory_space<vmem>> -> memref<1x64xf32, #tpu.memory_space<vmem>>
      %dma_start3A_1282 = arith.constant 0 : i32
      %dma_start3A_1283 = tpu.memref_slice %arg5[%squeeze3A_1278, %dma_start3A_1282] : memref<1000000x64xf32, #tpu.memory_space<hbm>> -> memref<1x64xf32, #tpu.memory_space<hbm>>
      %dma_start3A_1284 = arith.constant 38 : i32
      %dma_start3A_1285 = arith.constant 0 : i32
      %dma_start3A_1286 = tpu.memref_slice %arg11[%dma_start3A_1284, %dma_start3A_1285] : memref<64x64xf32, #tpu.memory_space<vmem>> -> memref<1x64xf32, #tpu.memory_space<vmem>>
      %dma_start3A_1287 = arith.constant 0 : i32
      %dma_start3A_1288 = tpu.memref_slice %arg5[%squeeze3A_1278, %dma_start3A_1287] : memref<1000000x64xf32, #tpu.memory_space<hbm>> -> memref<1x64xf32, #tpu.memory_space<hbm>>
      tpu.enqueue_dma source(%dma_start3A_1288 : memref<1x64xf32, #tpu.memory_space<hbm>>) target(%dma_start3A_1286 : memref<1x64xf32, #tpu.memory_space<vmem>>) target_semaphore(%arg13 : memref<!tpu.dma_semaphore, #tpu.memory_space<semaphore_mem>>)
      %slice3A_1289 = vector.extract_strided_slice %get3A_1204 {offsets = [7], sizes = [1], strides = [1]} : vector<16xi32> to vector<1xi32>
      %squeeze3A_1290 = vector.extract %slice3A_1289[0] : i32 from vector<1xi32>
      %dma_start3A_1291 = arith.constant 39 : i32
      %dma_start3A_1292 = arith.constant 0 : i32
      %dma_start3A_1293 = tpu.memref_slice %arg11[%dma_start3A_1291, %dma_start3A_1292] : memref<64x64xf32, #tpu.memory_space<vmem>> -> memref<1x64xf32, #tpu.memory_space<vmem>>
      %dma_start3A_1294 = arith.constant 0 : i32
      %dma_start3A_1295 = tpu.memref_slice %arg5[%squeeze3A_1290, %dma_start3A_1294] : memref<1000000x64xf32, #tpu.memory_space<hbm>> -> memref<1x64xf32, #tpu.memory_space<hbm>>
      %dma_start3A_1296 = arith.constant 39 : i32
      %dma_start3A_1297 = arith.constant 0 : i32
      %dma_start3A_1298 = tpu.memref_slice %arg11[%dma_start3A_1296, %dma_start3A_1297] : memref<64x64xf32, #tpu.memory_space<vmem>> -> memref<1x64xf32, #tpu.memory_space<vmem>>
      %dma_start3A_1299 = arith.constant 0 : i32
      %dma_start3A_1300 = tpu.memref_slice %arg5[%squeeze3A_1290, %dma_start3A_1299] : memref<1000000x64xf32, #tpu.memory_space<hbm>> -> memref<1x64xf32, #tpu.memory_space<hbm>>
      tpu.enqueue_dma source(%dma_start3A_1300 : memref<1x64xf32, #tpu.memory_space<hbm>>) target(%dma_start3A_1298 : memref<1x64xf32, #tpu.memory_space<vmem>>) target_semaphore(%arg13 : memref<!tpu.dma_semaphore, #tpu.memory_space<semaphore_mem>>)
      %slice3A_1301 = vector.extract_strided_slice %get3A_1204 {offsets = [8], sizes = [1], strides = [1]} : vector<16xi32> to vector<1xi32>
      %squeeze3A_1302 = vector.extract %slice3A_1301[0] : i32 from vector<1xi32>
      %dma_start3A_1303 = arith.constant 40 : i32
      %dma_start3A_1304 = arith.constant 0 : i32
      %dma_start3A_1305 = tpu.memref_slice %arg11[%dma_start3A_1303, %dma_start3A_1304] : memref<64x64xf32, #tpu.memory_space<vmem>> -> memref<1x64xf32, #tpu.memory_space<vmem>>
      %dma_start3A_1306 = arith.constant 0 : i32
      %dma_start3A_1307 = tpu.memref_slice %arg5[%squeeze3A_1302, %dma_start3A_1306] : memref<1000000x64xf32, #tpu.memory_space<hbm>> -> memref<1x64xf32, #tpu.memory_space<hbm>>
      %dma_start3A_1308 = arith.constant 40 : i32
      %dma_start3A_1309 = arith.constant 0 : i32
      %dma_start3A_1310 = tpu.memref_slice %arg11[%dma_start3A_1308, %dma_start3A_1309] : memref<64x64xf32, #tpu.memory_space<vmem>> -> memref<1x64xf32, #tpu.memory_space<vmem>>
      %dma_start3A_1311 = arith.constant 0 : i32
      %dma_start3A_1312 = tpu.memref_slice %arg5[%squeeze3A_1302, %dma_start3A_1311] : memref<1000000x64xf32, #tpu.memory_space<hbm>> -> memref<1x64xf32, #tpu.memory_space<hbm>>
      tpu.enqueue_dma source(%dma_start3A_1312 : memref<1x64xf32, #tpu.memory_space<hbm>>) target(%dma_start3A_1310 : memref<1x64xf32, #tpu.memory_space<vmem>>) target_semaphore(%arg13 : memref<!tpu.dma_semaphore, #tpu.memory_space<semaphore_mem>>)
      %slice3A_1313 = vector.extract_strided_slice %get3A_1204 {offsets = [9], sizes = [1], strides = [1]} : vector<16xi32> to vector<1xi32>
      %squeeze3A_1314 = vector.extract %slice3A_1313[0] : i32 from vector<1xi32>
      %dma_start3A_1315 = arith.constant 41 : i32
      %dma_start3A_1316 = arith.constant 0 : i32
      %dma_start3A_1317 = tpu.memref_slice %arg11[%dma_start3A_1315, %dma_start3A_1316] : memref<64x64xf32, #tpu.memory_space<vmem>> -> memref<1x64xf32, #tpu.memory_space<vmem>>
      %dma_start3A_1318 = arith.constant 0 : i32
      %dma_start3A_1319 = tpu.memref_slice %arg5[%squeeze3A_1314, %dma_start3A_1318] : memref<1000000x64xf32, #tpu.memory_space<hbm>> -> memref<1x64xf32, #tpu.memory_space<hbm>>
      %dma_start3A_1320 = arith.constant 41 : i32
      %dma_start3A_1321 = arith.constant 0 : i32
      %dma_start3A_1322 = tpu.memref_slice %arg11[%dma_start3A_1320, %dma_start3A_1321] : memref<64x64xf32, #tpu.memory_space<vmem>> -> memref<1x64xf32, #tpu.memory_space<vmem>>
      %dma_start3A_1323 = arith.constant 0 : i32
      %dma_start3A_1324 = tpu.memref_slice %arg5[%squeeze3A_1314, %dma_start3A_1323] : memref<1000000x64xf32, #tpu.memory_space<hbm>> -> memref<1x64xf32, #tpu.memory_space<hbm>>
      tpu.enqueue_dma source(%dma_start3A_1324 : memref<1x64xf32, #tpu.memory_space<hbm>>) target(%dma_start3A_1322 : memref<1x64xf32, #tpu.memory_space<vmem>>) target_semaphore(%arg13 : memref<!tpu.dma_semaphore, #tpu.memory_space<semaphore_mem>>)
      %slice3A_1325 = vector.extract_strided_slice %get3A_1204 {offsets = [10], sizes = [1], strides = [1]} : vector<16xi32> to vector<1xi32>
      %squeeze3A_1326 = vector.extract %slice3A_1325[0] : i32 from vector<1xi32>
      %dma_start3A_1327 = arith.constant 42 : i32
      %dma_start3A_1328 = arith.constant 0 : i32
      %dma_start3A_1329 = tpu.memref_slice %arg11[%dma_start3A_1327, %dma_start3A_1328] : memref<64x64xf32, #tpu.memory_space<vmem>> -> memref<1x64xf32, #tpu.memory_space<vmem>>
      %dma_start3A_1330 = arith.constant 0 : i32
      %dma_start3A_1331 = tpu.memref_slice %arg5[%squeeze3A_1326, %dma_start3A_1330] : memref<1000000x64xf32, #tpu.memory_space<hbm>> -> memref<1x64xf32, #tpu.memory_space<hbm>>
      %dma_start3A_1332 = arith.constant 42 : i32
      %dma_start3A_1333 = arith.constant 0 : i32
      %dma_start3A_1334 = tpu.memref_slice %arg11[%dma_start3A_1332, %dma_start3A_1333] : memref<64x64xf32, #tpu.memory_space<vmem>> -> memref<1x64xf32, #tpu.memory_space<vmem>>
      %dma_start3A_1335 = arith.constant 0 : i32
      %dma_start3A_1336 = tpu.memref_slice %arg5[%squeeze3A_1326, %dma_start3A_1335] : memref<1000000x64xf32, #tpu.memory_space<hbm>> -> memref<1x64xf32, #tpu.memory_space<hbm>>
      tpu.enqueue_dma source(%dma_start3A_1336 : memref<1x64xf32, #tpu.memory_space<hbm>>) target(%dma_start3A_1334 : memref<1x64xf32, #tpu.memory_space<vmem>>) target_semaphore(%arg13 : memref<!tpu.dma_semaphore, #tpu.memory_space<semaphore_mem>>)
      %slice3A_1337 = vector.extract_strided_slice %get3A_1204 {offsets = [11], sizes = [1], strides = [1]} : vector<16xi32> to vector<1xi32>
      %squeeze3A_1338 = vector.extract %slice3A_1337[0] : i32 from vector<1xi32>
      %dma_start3A_1339 = arith.constant 43 : i32
      %dma_start3A_1340 = arith.constant 0 : i32
      %dma_start3A_1341 = tpu.memref_slice %arg11[%dma_start3A_1339, %dma_start3A_1340] : memref<64x64xf32, #tpu.memory_space<vmem>> -> memref<1x64xf32, #tpu.memory_space<vmem>>
      %dma_start3A_1342 = arith.constant 0 : i32
      %dma_start3A_1343 = tpu.memref_slice %arg5[%squeeze3A_1338, %dma_start3A_1342] : memref<1000000x64xf32, #tpu.memory_space<hbm>> -> memref<1x64xf32, #tpu.memory_space<hbm>>
      %dma_start3A_1344 = arith.constant 43 : i32
      %dma_start3A_1345 = arith.constant 0 : i32
      %dma_start3A_1346 = tpu.memref_slice %arg11[%dma_start3A_1344, %dma_start3A_1345] : memref<64x64xf32, #tpu.memory_space<vmem>> -> memref<1x64xf32, #tpu.memory_space<vmem>>
      %dma_start3A_1347 = arith.constant 0 : i32
      %dma_start3A_1348 = tpu.memref_slice %arg5[%squeeze3A_1338, %dma_start3A_1347] : memref<1000000x64xf32, #tpu.memory_space<hbm>> -> memref<1x64xf32, #tpu.memory_space<hbm>>
      tpu.enqueue_dma source(%dma_start3A_1348 : memref<1x64xf32, #tpu.memory_space<hbm>>) target(%dma_start3A_1346 : memref<1x64xf32, #tpu.memory_space<vmem>>) target_semaphore(%arg13 : memref<!tpu.dma_semaphore, #tpu.memory_space<semaphore_mem>>)
      %slice3A_1349 = vector.extract_strided_slice %get3A_1204 {offsets = [12], sizes = [1], strides = [1]} : vector<16xi32> to vector<1xi32>
      %squeeze3A_1350 = vector.extract %slice3A_1349[0] : i32 from vector<1xi32>
      %dma_start3A_1351 = arith.constant 44 : i32
      %dma_start3A_1352 = arith.constant 0 : i32
      %dma_start3A_1353 = tpu.memref_slice %arg11[%dma_start3A_1351, %dma_start3A_1352] : memref<64x64xf32, #tpu.memory_space<vmem>> -> memref<1x64xf32, #tpu.memory_space<vmem>>
      %dma_start3A_1354 = arith.constant 0 : i32
      %dma_start3A_1355 = tpu.memref_slice %arg5[%squeeze3A_1350, %dma_start3A_1354] : memref<1000000x64xf32, #tpu.memory_space<hbm>> -> memref<1x64xf32, #tpu.memory_space<hbm>>
      %dma_start3A_1356 = arith.constant 44 : i32
      %dma_start3A_1357 = arith.constant 0 : i32
      %dma_start3A_1358 = tpu.memref_slice %arg11[%dma_start3A_1356, %dma_start3A_1357] : memref<64x64xf32, #tpu.memory_space<vmem>> -> memref<1x64xf32, #tpu.memory_space<vmem>>
      %dma_start3A_1359 = arith.constant 0 : i32
      %dma_start3A_1360 = tpu.memref_slice %arg5[%squeeze3A_1350, %dma_start3A_1359] : memref<1000000x64xf32, #tpu.memory_space<hbm>> -> memref<1x64xf32, #tpu.memory_space<hbm>>
      tpu.enqueue_dma source(%dma_start3A_1360 : memref<1x64xf32, #tpu.memory_space<hbm>>) target(%dma_start3A_1358 : memref<1x64xf32, #tpu.memory_space<vmem>>) target_semaphore(%arg13 : memref<!tpu.dma_semaphore, #tpu.memory_space<semaphore_mem>>)
      %slice3A_1361 = vector.extract_strided_slice %get3A_1204 {offsets = [13], sizes = [1], strides = [1]} : vector<16xi32> to vector<1xi32>
      %squeeze3A_1362 = vector.extract %slice3A_1361[0] : i32 from vector<1xi32>
      %dma_start3A_1363 = arith.constant 45 : i32
      %dma_start3A_1364 = arith.constant 0 : i32
      %dma_start3A_1365 = tpu.memref_slice %arg11[%dma_start3A_1363, %dma_start3A_1364] : memref<64x64xf32, #tpu.memory_space<vmem>> -> memref<1x64xf32, #tpu.memory_space<vmem>>
      %dma_start3A_1366 = arith.constant 0 : i32
      %dma_start3A_1367 = tpu.memref_slice %arg5[%squeeze3A_1362, %dma_start3A_1366] : memref<1000000x64xf32, #tpu.memory_space<hbm>> -> memref<1x64xf32, #tpu.memory_space<hbm>>
      %dma_start3A_1368 = arith.constant 45 : i32
      %dma_start3A_1369 = arith.constant 0 : i32
      %dma_start3A_1370 = tpu.memref_slice %arg11[%dma_start3A_1368, %dma_start3A_1369] : memref<64x64xf32, #tpu.memory_space<vmem>> -> memref<1x64xf32, #tpu.memory_space<vmem>>
      %dma_start3A_1371 = arith.constant 0 : i32
      %dma_start3A_1372 = tpu.memref_slice %arg5[%squeeze3A_1362, %dma_start3A_1371] : memref<1000000x64xf32, #tpu.memory_space<hbm>> -> memref<1x64xf32, #tpu.memory_space<hbm>>
      tpu.enqueue_dma source(%dma_start3A_1372 : memref<1x64xf32, #tpu.memory_space<hbm>>) target(%dma_start3A_1370 : memref<1x64xf32, #tpu.memory_space<vmem>>) target_semaphore(%arg13 : memref<!tpu.dma_semaphore, #tpu.memory_space<semaphore_mem>>)
      %slice3A_1373 = vector.extract_strided_slice %get3A_1204 {offsets = [14], sizes = [1], strides = [1]} : vector<16xi32> to vector<1xi32>
      %squeeze3A_1374 = vector.extract %slice3A_1373[0] : i32 from vector<1xi32>
      %dma_start3A_1375 = arith.constant 46 : i32
      %dma_start3A_1376 = arith.constant 0 : i32
      %dma_start3A_1377 = tpu.memref_slice %arg11[%dma_start3A_1375, %dma_start3A_1376] : memref<64x64xf32, #tpu.memory_space<vmem>> -> memref<1x64xf32, #tpu.memory_space<vmem>>
      %dma_start3A_1378 = arith.constant 0 : i32
      %dma_start3A_1379 = tpu.memref_slice %arg5[%squeeze3A_1374, %dma_start3A_1378] : memref<1000000x64xf32, #tpu.memory_space<hbm>> -> memref<1x64xf32, #tpu.memory_space<hbm>>
      %dma_start3A_1380 = arith.constant 46 : i32
      %dma_start3A_1381 = arith.constant 0 : i32
      %dma_start3A_1382 = tpu.memref_slice %arg11[%dma_start3A_1380, %dma_start3A_1381] : memref<64x64xf32, #tpu.memory_space<vmem>> -> memref<1x64xf32, #tpu.memory_space<vmem>>
      %dma_start3A_1383 = arith.constant 0 : i32
      %dma_start3A_1384 = tpu.memref_slice %arg5[%squeeze3A_1374, %dma_start3A_1383] : memref<1000000x64xf32, #tpu.memory_space<hbm>> -> memref<1x64xf32, #tpu.memory_space<hbm>>
      tpu.enqueue_dma source(%dma_start3A_1384 : memref<1x64xf32, #tpu.memory_space<hbm>>) target(%dma_start3A_1382 : memref<1x64xf32, #tpu.memory_space<vmem>>) target_semaphore(%arg13 : memref<!tpu.dma_semaphore, #tpu.memory_space<semaphore_mem>>)
      %slice3A_1385 = vector.extract_strided_slice %get3A_1204 {offsets = [15], sizes = [1], strides = [1]} : vector<16xi32> to vector<1xi32>
      %squeeze3A_1386 = vector.extract %slice3A_1385[0] : i32 from vector<1xi32>
      %dma_start3A_1387 = arith.constant 47 : i32
      %dma_start3A_1388 = arith.constant 0 : i32
      %dma_start3A_1389 = tpu.memref_slice %arg11[%dma_start3A_1387, %dma_start3A_1388] : memref<64x64xf32, #tpu.memory_space<vmem>> -> memref<1x64xf32, #tpu.memory_space<vmem>>
      %dma_start3A_1390 = arith.constant 0 : i32
      %dma_start3A_1391 = tpu.memref_slice %arg5[%squeeze3A_1386, %dma_start3A_1390] : memref<1000000x64xf32, #tpu.memory_space<hbm>> -> memref<1x64xf32, #tpu.memory_space<hbm>>
      %dma_start3A_1392 = arith.constant 47 : i32
      %dma_start3A_1393 = arith.constant 0 : i32
      %dma_start3A_1394 = tpu.memref_slice %arg11[%dma_start3A_1392, %dma_start3A_1393] : memref<64x64xf32, #tpu.memory_space<vmem>> -> memref<1x64xf32, #tpu.memory_space<vmem>>
      %dma_start3A_1395 = arith.constant 0 : i32
      %dma_start3A_1396 = tpu.memref_slice %arg5[%squeeze3A_1386, %dma_start3A_1395] : memref<1000000x64xf32, #tpu.memory_space<hbm>> -> memref<1x64xf32, #tpu.memory_space<hbm>>
      tpu.enqueue_dma source(%dma_start3A_1396 : memref<1x64xf32, #tpu.memory_space<hbm>>) target(%dma_start3A_1394 : memref<1x64xf32, #tpu.memory_space<vmem>>) target_semaphore(%arg13 : memref<!tpu.dma_semaphore, #tpu.memory_space<semaphore_mem>>)
      %mul3A_1397 = arith.constant 64 : i32
      %mul3A_1398 = arith.muli %scan3A_7, %mul3A_1397 : i32
      %add3A_1399 = arith.constant 48 : i32
      %add3A_1400 = arith.addi %mul3A_1398, %add3A_1399 : i32
      %get3A_1401 = arith.index_cast %add3A_1400 : i32 to index
      %get3A_1402 = tpu.vector_load %arg9[%get3A_1401] {strides = array<i32>} : memref<512xi32, #tpu.memory_space<vmem>>, vector<16xi32>,
      %get3A_1403 = vector.shape_cast %get3A_1402 : vector<16xi32> to vector<16xi32>
      %slice3A_1404 = vector.extract_strided_slice %get3A_1403 {offsets = [0], sizes = [1], strides = [1]} : vector<16xi32> to vector<1xi32>
      %squeeze3A_1405 = vector.extract %slice3A_1404[0] : i32 from vector<1xi32>
      %dma_start3A_1406 = arith.constant 48 : i32
      %dma_start3A_1407 = arith.constant 0 : i32
      %dma_start3A_1408 = tpu.memref_slice %arg11[%dma_start3A_1406, %dma_start3A_1407] : memref<64x64xf32, #tpu.memory_space<vmem>> -> memref<1x64xf32, #tpu.memory_space<vmem>>
      %dma_start3A_1409 = arith.constant 0 : i32
      %dma_start3A_1410 = tpu.memref_slice %arg5[%squeeze3A_1405, %dma_start3A_1409] : memref<1000000x64xf32, #tpu.memory_space<hbm>> -> memref<1x64xf32, #tpu.memory_space<hbm>>
      %dma_start3A_1411 = arith.constant 48 : i32
      %dma_start3A_1412 = arith.constant 0 : i32
      %dma_start3A_1413 = tpu.memref_slice %arg11[%dma_start3A_1411, %dma_start3A_1412] : memref<64x64xf32, #tpu.memory_space<vmem>> -> memref<1x64xf32, #tpu.memory_space<vmem>>
      %dma_start3A_1414 = arith.constant 0 : i32
      %dma_start3A_1415 = tpu.memref_slice %arg5[%squeeze3A_1405, %dma_start3A_1414] : memref<1000000x64xf32, #tpu.memory_space<hbm>> -> memref<1x64xf32, #tpu.memory_space<hbm>>
      tpu.enqueue_dma source(%dma_start3A_1415 : memref<1x64xf32, #tpu.memory_space<hbm>>) target(%dma_start3A_1413 : memref<1x64xf32, #tpu.memory_space<vmem>>) target_semaphore(%arg13 : memref<!tpu.dma_semaphore, #tpu.memory_space<semaphore_mem>>)
      %slice3A_1416 = vector.extract_strided_slice %get3A_1403 {offsets = [1], sizes = [1], strides = [1]} : vector<16xi32> to vector<1xi32>
      %squeeze3A_1417 = vector.extract %slice3A_1416[0] : i32 from vector<1xi32>
      %dma_start3A_1418 = arith.constant 49 : i32
      %dma_start3A_1419 = arith.constant 0 : i32
      %dma_start3A_1420 = tpu.memref_slice %arg11[%dma_start3A_1418, %dma_start3A_1419] : memref<64x64xf32, #tpu.memory_space<vmem>> -> memref<1x64xf32, #tpu.memory_space<vmem>>
      %dma_start3A_1421 = arith.constant 0 : i32
      %dma_start3A_1422 = tpu.memref_slice %arg5[%squeeze3A_1417, %dma_start3A_1421] : memref<1000000x64xf32, #tpu.memory_space<hbm>> -> memref<1x64xf32, #tpu.memory_space<hbm>>
      %dma_start3A_1423 = arith.constant 49 : i32
      %dma_start3A_1424 = arith.constant 0 : i32
      %dma_start3A_1425 = tpu.memref_slice %arg11[%dma_start3A_1423, %dma_start3A_1424] : memref<64x64xf32, #tpu.memory_space<vmem>> -> memref<1x64xf32, #tpu.memory_space<vmem>>
      %dma_start3A_1426 = arith.constant 0 : i32
      %dma_start3A_1427 = tpu.memref_slice %arg5[%squeeze3A_1417, %dma_start3A_1426] : memref<1000000x64xf32, #tpu.memory_space<hbm>> -> memref<1x64xf32, #tpu.memory_space<hbm>>
      tpu.enqueue_dma source(%dma_start3A_1427 : memref<1x64xf32, #tpu.memory_space<hbm>>) target(%dma_start3A_1425 : memref<1x64xf32, #tpu.memory_space<vmem>>) target_semaphore(%arg13 : memref<!tpu.dma_semaphore, #tpu.memory_space<semaphore_mem>>)
      %slice3A_1428 = vector.extract_strided_slice %get3A_1403 {offsets = [2], sizes = [1], strides = [1]} : vector<16xi32> to vector<1xi32>
      %squeeze3A_1429 = vector.extract %slice3A_1428[0] : i32 from vector<1xi32>
      %dma_start3A_1430 = arith.constant 50 : i32
      %dma_start3A_1431 = arith.constant 0 : i32
      %dma_start3A_1432 = tpu.memref_slice %arg11[%dma_start3A_1430, %dma_start3A_1431] : memref<64x64xf32, #tpu.memory_space<vmem>> -> memref<1x64xf32, #tpu.memory_space<vmem>>
      %dma_start3A_1433 = arith.constant 0 : i32
      %dma_start3A_1434 = tpu.memref_slice %arg5[%squeeze3A_1429, %dma_start3A_1433] : memref<1000000x64xf32, #tpu.memory_space<hbm>> -> memref<1x64xf32, #tpu.memory_space<hbm>>
      %dma_start3A_1435 = arith.constant 50 : i32
      %dma_start3A_1436 = arith.constant 0 : i32
      %dma_start3A_1437 = tpu.memref_slice %arg11[%dma_start3A_1435, %dma_start3A_1436] : memref<64x64xf32, #tpu.memory_space<vmem>> -> memref<1x64xf32, #tpu.memory_space<vmem>>
      %dma_start3A_1438 = arith.constant 0 : i32
      %dma_start3A_1439 = tpu.memref_slice %arg5[%squeeze3A_1429, %dma_start3A_1438] : memref<1000000x64xf32, #tpu.memory_space<hbm>> -> memref<1x64xf32, #tpu.memory_space<hbm>>
      tpu.enqueue_dma source(%dma_start3A_1439 : memref<1x64xf32, #tpu.memory_space<hbm>>) target(%dma_start3A_1437 : memref<1x64xf32, #tpu.memory_space<vmem>>) target_semaphore(%arg13 : memref<!tpu.dma_semaphore, #tpu.memory_space<semaphore_mem>>)
      %slice3A_1440 = vector.extract_strided_slice %get3A_1403 {offsets = [3], sizes = [1], strides = [1]} : vector<16xi32> to vector<1xi32>
      %squeeze3A_1441 = vector.extract %slice3A_1440[0] : i32 from vector<1xi32>
      %dma_start3A_1442 = arith.constant 51 : i32
      %dma_start3A_1443 = arith.constant 0 : i32
      %dma_start3A_1444 = tpu.memref_slice %arg11[%dma_start3A_1442, %dma_start3A_1443] : memref<64x64xf32, #tpu.memory_space<vmem>> -> memref<1x64xf32, #tpu.memory_space<vmem>>
      %dma_start3A_1445 = arith.constant 0 : i32
      %dma_start3A_1446 = tpu.memref_slice %arg5[%squeeze3A_1441, %dma_start3A_1445] : memref<1000000x64xf32, #tpu.memory_space<hbm>> -> memref<1x64xf32, #tpu.memory_space<hbm>>
      %dma_start3A_1447 = arith.constant 51 : i32
      %dma_start3A_1448 = arith.constant 0 : i32
      %dma_start3A_1449 = tpu.memref_slice %arg11[%dma_start3A_1447, %dma_start3A_1448] : memref<64x64xf32, #tpu.memory_space<vmem>> -> memref<1x64xf32, #tpu.memory_space<vmem>>
      %dma_start3A_1450 = arith.constant 0 : i32
      %dma_start3A_1451 = tpu.memref_slice %arg5[%squeeze3A_1441, %dma_start3A_1450] : memref<1000000x64xf32, #tpu.memory_space<hbm>> -> memref<1x64xf32, #tpu.memory_space<hbm>>
      tpu.enqueue_dma source(%dma_start3A_1451 : memref<1x64xf32, #tpu.memory_space<hbm>>) target(%dma_start3A_1449 : memref<1x64xf32, #tpu.memory_space<vmem>>) target_semaphore(%arg13 : memref<!tpu.dma_semaphore, #tpu.memory_space<semaphore_mem>>)
      %slice3A_1452 = vector.extract_strided_slice %get3A_1403 {offsets = [4], sizes = [1], strides = [1]} : vector<16xi32> to vector<1xi32>
      %squeeze3A_1453 = vector.extract %slice3A_1452[0] : i32 from vector<1xi32>
      %dma_start3A_1454 = arith.constant 52 : i32
      %dma_start3A_1455 = arith.constant 0 : i32
      %dma_start3A_1456 = tpu.memref_slice %arg11[%dma_start3A_1454, %dma_start3A_1455] : memref<64x64xf32, #tpu.memory_space<vmem>> -> memref<1x64xf32, #tpu.memory_space<vmem>>
      %dma_start3A_1457 = arith.constant 0 : i32
      %dma_start3A_1458 = tpu.memref_slice %arg5[%squeeze3A_1453, %dma_start3A_1457] : memref<1000000x64xf32, #tpu.memory_space<hbm>> -> memref<1x64xf32, #tpu.memory_space<hbm>>
      %dma_start3A_1459 = arith.constant 52 : i32
      %dma_start3A_1460 = arith.constant 0 : i32
      %dma_start3A_1461 = tpu.memref_slice %arg11[%dma_start3A_1459, %dma_start3A_1460] : memref<64x64xf32, #tpu.memory_space<vmem>> -> memref<1x64xf32, #tpu.memory_space<vmem>>
      %dma_start3A_1462 = arith.constant 0 : i32
      %dma_start3A_1463 = tpu.memref_slice %arg5[%squeeze3A_1453, %dma_start3A_1462] : memref<1000000x64xf32, #tpu.memory_space<hbm>> -> memref<1x64xf32, #tpu.memory_space<hbm>>
      tpu.enqueue_dma source(%dma_start3A_1463 : memref<1x64xf32, #tpu.memory_space<hbm>>) target(%dma_start3A_1461 : memref<1x64xf32, #tpu.memory_space<vmem>>) target_semaphore(%arg13 : memref<!tpu.dma_semaphore, #tpu.memory_space<semaphore_mem>>)
      %slice3A_1464 = vector.extract_strided_slice %get3A_1403 {offsets = [5], sizes = [1], strides = [1]} : vector<16xi32> to vector<1xi32>
      %squeeze3A_1465 = vector.extract %slice3A_1464[0] : i32 from vector<1xi32>
      %dma_start3A_1466 = arith.constant 53 : i32
      %dma_start3A_1467 = arith.constant 0 : i32
      %dma_start3A_1468 = tpu.memref_slice %arg11[%dma_start3A_1466, %dma_start3A_1467] : memref<64x64xf32, #tpu.memory_space<vmem>> -> memref<1x64xf32, #tpu.memory_space<vmem>>
      %dma_start3A_1469 = arith.constant 0 : i32
      %dma_start3A_1470 = tpu.memref_slice %arg5[%squeeze3A_1465, %dma_start3A_1469] : memref<1000000x64xf32, #tpu.memory_space<hbm>> -> memref<1x64xf32, #tpu.memory_space<hbm>>
      %dma_start3A_1471 = arith.constant 53 : i32
      %dma_start3A_1472 = arith.constant 0 : i32
      %dma_start3A_1473 = tpu.memref_slice %arg11[%dma_start3A_1471, %dma_start3A_1472] : memref<64x64xf32, #tpu.memory_space<vmem>> -> memref<1x64xf32, #tpu.memory_space<vmem>>
      %dma_start3A_1474 = arith.constant 0 : i32
      %dma_start3A_1475 = tpu.memref_slice %arg5[%squeeze3A_1465, %dma_start3A_1474] : memref<1000000x64xf32, #tpu.memory_space<hbm>> -> memref<1x64xf32, #tpu.memory_space<hbm>>
      tpu.enqueue_dma source(%dma_start3A_1475 : memref<1x64xf32, #tpu.memory_space<hbm>>) target(%dma_start3A_1473 : memref<1x64xf32, #tpu.memory_space<vmem>>) target_semaphore(%arg13 : memref<!tpu.dma_semaphore, #tpu.memory_space<semaphore_mem>>)
      %slice3A_1476 = vector.extract_strided_slice %get3A_1403 {offsets = [6], sizes = [1], strides = [1]} : vector<16xi32> to vector<1xi32>
      %squeeze3A_1477 = vector.extract %slice3A_1476[0] : i32 from vector<1xi32>
      %dma_start3A_1478 = arith.constant 54 : i32
      %dma_start3A_1479 = arith.constant 0 : i32
      %dma_start3A_1480 = tpu.memref_slice %arg11[%dma_start3A_1478, %dma_start3A_1479] : memref<64x64xf32, #tpu.memory_space<vmem>> -> memref<1x64xf32, #tpu.memory_space<vmem>>
      %dma_start3A_1481 = arith.constant 0 : i32
      %dma_start3A_1482 = tpu.memref_slice %arg5[%squeeze3A_1477, %dma_start3A_1481] : memref<1000000x64xf32, #tpu.memory_space<hbm>> -> memref<1x64xf32, #tpu.memory_space<hbm>>
      %dma_start3A_1483 = arith.constant 54 : i32
      %dma_start3A_1484 = arith.constant 0 : i32
      %dma_start3A_1485 = tpu.memref_slice %arg11[%dma_start3A_1483, %dma_start3A_1484] : memref<64x64xf32, #tpu.memory_space<vmem>> -> memref<1x64xf32, #tpu.memory_space<vmem>>
      %dma_start3A_1486 = arith.constant 0 : i32
      %dma_start3A_1487 = tpu.memref_slice %arg5[%squeeze3A_1477, %dma_start3A_1486] : memref<1000000x64xf32, #tpu.memory_space<hbm>> -> memref<1x64xf32, #tpu.memory_space<hbm>>
      tpu.enqueue_dma source(%dma_start3A_1487 : memref<1x64xf32, #tpu.memory_space<hbm>>) target(%dma_start3A_1485 : memref<1x64xf32, #tpu.memory_space<vmem>>) target_semaphore(%arg13 : memref<!tpu.dma_semaphore, #tpu.memory_space<semaphore_mem>>)
      %slice3A_1488 = vector.extract_strided_slice %get3A_1403 {offsets = [7], sizes = [1], strides = [1]} : vector<16xi32> to vector<1xi32>
      %squeeze3A_1489 = vector.extract %slice3A_1488[0] : i32 from vector<1xi32>
      %dma_start3A_1490 = arith.constant 55 : i32
      %dma_start3A_1491 = arith.constant 0 : i32
      %dma_start3A_1492 = tpu.memref_slice %arg11[%dma_start3A_1490, %dma_start3A_1491] : memref<64x64xf32, #tpu.memory_space<vmem>> -> memref<1x64xf32, #tpu.memory_space<vmem>>
      %dma_start3A_1493 = arith.constant 0 : i32
      %dma_start3A_1494 = tpu.memref_slice %arg5[%squeeze3A_1489, %dma_start3A_1493] : memref<1000000x64xf32, #tpu.memory_space<hbm>> -> memref<1x64xf32, #tpu.memory_space<hbm>>
      %dma_start3A_1495 = arith.constant 55 : i32
      %dma_start3A_1496 = arith.constant 0 : i32
      %dma_start3A_1497 = tpu.memref_slice %arg11[%dma_start3A_1495, %dma_start3A_1496] : memref<64x64xf32, #tpu.memory_space<vmem>> -> memref<1x64xf32, #tpu.memory_space<vmem>>
      %dma_start3A_1498 = arith.constant 0 : i32
      %dma_start3A_1499 = tpu.memref_slice %arg5[%squeeze3A_1489, %dma_start3A_1498] : memref<1000000x64xf32, #tpu.memory_space<hbm>> -> memref<1x64xf32, #tpu.memory_space<hbm>>
      tpu.enqueue_dma source(%dma_start3A_1499 : memref<1x64xf32, #tpu.memory_space<hbm>>) target(%dma_start3A_1497 : memref<1x64xf32, #tpu.memory_space<vmem>>) target_semaphore(%arg13 : memref<!tpu.dma_semaphore, #tpu.memory_space<semaphore_mem>>)
      %slice3A_1500 = vector.extract_strided_slice %get3A_1403 {offsets = [8], sizes = [1], strides = [1]} : vector<16xi32> to vector<1xi32>
      %squeeze3A_1501 = vector.extract %slice3A_1500[0] : i32 from vector<1xi32>
      %dma_start3A_1502 = arith.constant 56 : i32
      %dma_start3A_1503 = arith.constant 0 : i32
      %dma_start3A_1504 = tpu.memref_slice %arg11[%dma_start3A_1502, %dma_start3A_1503] : memref<64x64xf32, #tpu.memory_space<vmem>> -> memref<1x64xf32, #tpu.memory_space<vmem>>
      %dma_start3A_1505 = arith.constant 0 : i32
      %dma_start3A_1506 = tpu.memref_slice %arg5[%squeeze3A_1501, %dma_start3A_1505] : memref<1000000x64xf32, #tpu.memory_space<hbm>> -> memref<1x64xf32, #tpu.memory_space<hbm>>
      %dma_start3A_1507 = arith.constant 56 : i32
      %dma_start3A_1508 = arith.constant 0 : i32
      %dma_start3A_1509 = tpu.memref_slice %arg11[%dma_start3A_1507, %dma_start3A_1508] : memref<64x64xf32, #tpu.memory_space<vmem>> -> memref<1x64xf32, #tpu.memory_space<vmem>>
      %dma_start3A_1510 = arith.constant 0 : i32
      %dma_start3A_1511 = tpu.memref_slice %arg5[%squeeze3A_1501, %dma_start3A_1510] : memref<1000000x64xf32, #tpu.memory_space<hbm>> -> memref<1x64xf32, #tpu.memory_space<hbm>>
      tpu.enqueue_dma source(%dma_start3A_1511 : memref<1x64xf32, #tpu.memory_space<hbm>>) target(%dma_start3A_1509 : memref<1x64xf32, #tpu.memory_space<vmem>>) target_semaphore(%arg13 : memref<!tpu.dma_semaphore, #tpu.memory_space<semaphore_mem>>)
      %slice3A_1512 = vector.extract_strided_slice %get3A_1403 {offsets = [9], sizes = [1], strides = [1]} : vector<16xi32> to vector<1xi32>
      %squeeze3A_1513 = vector.extract %slice3A_1512[0] : i32 from vector<1xi32>
      %dma_start3A_1514 = arith.constant 57 : i32
      %dma_start3A_1515 = arith.constant 0 : i32
      %dma_start3A_1516 = tpu.memref_slice %arg11[%dma_start3A_1514, %dma_start3A_1515] : memref<64x64xf32, #tpu.memory_space<vmem>> -> memref<1x64xf32, #tpu.memory_space<vmem>>
      %dma_start3A_1517 = arith.constant 0 : i32
      %dma_start3A_1518 = tpu.memref_slice %arg5[%squeeze3A_1513, %dma_start3A_1517] : memref<1000000x64xf32, #tpu.memory_space<hbm>> -> memref<1x64xf32, #tpu.memory_space<hbm>>
      %dma_start3A_1519 = arith.constant 57 : i32
      %dma_start3A_1520 = arith.constant 0 : i32
      %dma_start3A_1521 = tpu.memref_slice %arg11[%dma_start3A_1519, %dma_start3A_1520] : memref<64x64xf32, #tpu.memory_space<vmem>> -> memref<1x64xf32, #tpu.memory_space<vmem>>
      %dma_start3A_1522 = arith.constant 0 : i32
      %dma_start3A_1523 = tpu.memref_slice %arg5[%squeeze3A_1513, %dma_start3A_1522] : memref<1000000x64xf32, #tpu.memory_space<hbm>> -> memref<1x64xf32, #tpu.memory_space<hbm>>
      tpu.enqueue_dma source(%dma_start3A_1523 : memref<1x64xf32, #tpu.memory_space<hbm>>) target(%dma_start3A_1521 : memref<1x64xf32, #tpu.memory_space<vmem>>) target_semaphore(%arg13 : memref<!tpu.dma_semaphore, #tpu.memory_space<semaphore_mem>>)
      %slice3A_1524 = vector.extract_strided_slice %get3A_1403 {offsets = [10], sizes = [1], strides = [1]} : vector<16xi32> to vector<1xi32>
      %squeeze3A_1525 = vector.extract %slice3A_1524[0] : i32 from vector<1xi32>
      %dma_start3A_1526 = arith.constant 58 : i32
      %dma_start3A_1527 = arith.constant 0 : i32
      %dma_start3A_1528 = tpu.memref_slice %arg11[%dma_start3A_1526, %dma_start3A_1527] : memref<64x64xf32, #tpu.memory_space<vmem>> -> memref<1x64xf32, #tpu.memory_space<vmem>>
      %dma_start3A_1529 = arith.constant 0 : i32
      %dma_start3A_1530 = tpu.memref_slice %arg5[%squeeze3A_1525, %dma_start3A_1529] : memref<1000000x64xf32, #tpu.memory_space<hbm>> -> memref<1x64xf32, #tpu.memory_space<hbm>>
      %dma_start3A_1531 = arith.constant 58 : i32
      %dma_start3A_1532 = arith.constant 0 : i32
      %dma_start3A_1533 = tpu.memref_slice %arg11[%dma_start3A_1531, %dma_start3A_1532] : memref<64x64xf32, #tpu.memory_space<vmem>> -> memref<1x64xf32, #tpu.memory_space<vmem>>
      %dma_start3A_1534 = arith.constant 0 : i32
      %dma_start3A_1535 = tpu.memref_slice %arg5[%squeeze3A_1525, %dma_start3A_1534] : memref<1000000x64xf32, #tpu.memory_space<hbm>> -> memref<1x64xf32, #tpu.memory_space<hbm>>
      tpu.enqueue_dma source(%dma_start3A_1535 : memref<1x64xf32, #tpu.memory_space<hbm>>) target(%dma_start3A_1533 : memref<1x64xf32, #tpu.memory_space<vmem>>) target_semaphore(%arg13 : memref<!tpu.dma_semaphore, #tpu.memory_space<semaphore_mem>>)
      %slice3A_1536 = vector.extract_strided_slice %get3A_1403 {offsets = [11], sizes = [1], strides = [1]} : vector<16xi32> to vector<1xi32>
      %squeeze3A_1537 = vector.extract %slice3A_1536[0] : i32 from vector<1xi32>
      %dma_start3A_1538 = arith.constant 59 : i32
      %dma_start3A_1539 = arith.constant 0 : i32
      %dma_start3A_1540 = tpu.memref_slice %arg11[%dma_start3A_1538, %dma_start3A_1539] : memref<64x64xf32, #tpu.memory_space<vmem>> -> memref<1x64xf32, #tpu.memory_space<vmem>>
      %dma_start3A_1541 = arith.constant 0 : i32
      %dma_start3A_1542 = tpu.memref_slice %arg5[%squeeze3A_1537, %dma_start3A_1541] : memref<1000000x64xf32, #tpu.memory_space<hbm>> -> memref<1x64xf32, #tpu.memory_space<hbm>>
      %dma_start3A_1543 = arith.constant 59 : i32
      %dma_start3A_1544 = arith.constant 0 : i32
      %dma_start3A_1545 = tpu.memref_slice %arg11[%dma_start3A_1543, %dma_start3A_1544] : memref<64x64xf32, #tpu.memory_space<vmem>> -> memref<1x64xf32, #tpu.memory_space<vmem>>
      %dma_start3A_1546 = arith.constant 0 : i32
      %dma_start3A_1547 = tpu.memref_slice %arg5[%squeeze3A_1537, %dma_start3A_1546] : memref<1000000x64xf32, #tpu.memory_space<hbm>> -> memref<1x64xf32, #tpu.memory_space<hbm>>
      tpu.enqueue_dma source(%dma_start3A_1547 : memref<1x64xf32, #tpu.memory_space<hbm>>) target(%dma_start3A_1545 : memref<1x64xf32, #tpu.memory_space<vmem>>) target_semaphore(%arg13 : memref<!tpu.dma_semaphore, #tpu.memory_space<semaphore_mem>>)
      %slice3A_1548 = vector.extract_strided_slice %get3A_1403 {offsets = [12], sizes = [1], strides = [1]} : vector<16xi32> to vector<1xi32>
      %squeeze3A_1549 = vector.extract %slice3A_1548[0] : i32 from vector<1xi32>
      %dma_start3A_1550 = arith.constant 60 : i32
      %dma_start3A_1551 = arith.constant 0 : i32
      %dma_start3A_1552 = tpu.memref_slice %arg11[%dma_start3A_1550, %dma_start3A_1551] : memref<64x64xf32, #tpu.memory_space<vmem>> -> memref<1x64xf32, #tpu.memory_space<vmem>>
      %dma_start3A_1553 = arith.constant 0 : i32
      %dma_start3A_1554 = tpu.memref_slice %arg5[%squeeze3A_1549, %dma_start3A_1553] : memref<1000000x64xf32, #tpu.memory_space<hbm>> -> memref<1x64xf32, #tpu.memory_space<hbm>>
      %dma_start3A_1555 = arith.constant 60 : i32
      %dma_start3A_1556 = arith.constant 0 : i32
      %dma_start3A_1557 = tpu.memref_slice %arg11[%dma_start3A_1555, %dma_start3A_1556] : memref<64x64xf32, #tpu.memory_space<vmem>> -> memref<1x64xf32, #tpu.memory_space<vmem>>
      %dma_start3A_1558 = arith.constant 0 : i32
      %dma_start3A_1559 = tpu.memref_slice %arg5[%squeeze3A_1549, %dma_start3A_1558] : memref<1000000x64xf32, #tpu.memory_space<hbm>> -> memref<1x64xf32, #tpu.memory_space<hbm>>
      tpu.enqueue_dma source(%dma_start3A_1559 : memref<1x64xf32, #tpu.memory_space<hbm>>) target(%dma_start3A_1557 : memref<1x64xf32, #tpu.memory_space<vmem>>) target_semaphore(%arg13 : memref<!tpu.dma_semaphore, #tpu.memory_space<semaphore_mem>>)
      %slice3A_1560 = vector.extract_strided_slice %get3A_1403 {offsets = [13], sizes = [1], strides = [1]} : vector<16xi32> to vector<1xi32>
      %squeeze3A_1561 = vector.extract %slice3A_1560[0] : i32 from vector<1xi32>
      %dma_start3A_1562 = arith.constant 61 : i32
      %dma_start3A_1563 = arith.constant 0 : i32
      %dma_start3A_1564 = tpu.memref_slice %arg11[%dma_start3A_1562, %dma_start3A_1563] : memref<64x64xf32, #tpu.memory_space<vmem>> -> memref<1x64xf32, #tpu.memory_space<vmem>>
      %dma_start3A_1565 = arith.constant 0 : i32
      %dma_start3A_1566 = tpu.memref_slice %arg5[%squeeze3A_1561, %dma_start3A_1565] : memref<1000000x64xf32, #tpu.memory_space<hbm>> -> memref<1x64xf32, #tpu.memory_space<hbm>>
      %dma_start3A_1567 = arith.constant 61 : i32
      %dma_start3A_1568 = arith.constant 0 : i32
      %dma_start3A_1569 = tpu.memref_slice %arg11[%dma_start3A_1567, %dma_start3A_1568] : memref<64x64xf32, #tpu.memory_space<vmem>> -> memref<1x64xf32, #tpu.memory_space<vmem>>
      %dma_start3A_1570 = arith.constant 0 : i32
      %dma_start3A_1571 = tpu.memref_slice %arg5[%squeeze3A_1561, %dma_start3A_1570] : memref<1000000x64xf32, #tpu.memory_space<hbm>> -> memref<1x64xf32, #tpu.memory_space<hbm>>
      tpu.enqueue_dma source(%dma_start3A_1571 : memref<1x64xf32, #tpu.memory_space<hbm>>) target(%dma_start3A_1569 : memref<1x64xf32, #tpu.memory_space<vmem>>) target_semaphore(%arg13 : memref<!tpu.dma_semaphore, #tpu.memory_space<semaphore_mem>>)
      %slice3A_1572 = vector.extract_strided_slice %get3A_1403 {offsets = [14], sizes = [1], strides = [1]} : vector<16xi32> to vector<1xi32>
      %squeeze3A_1573 = vector.extract %slice3A_1572[0] : i32 from vector<1xi32>
      %dma_start3A_1574 = arith.constant 62 : i32
      %dma_start3A_1575 = arith.constant 0 : i32
      %dma_start3A_1576 = tpu.memref_slice %arg11[%dma_start3A_1574, %dma_start3A_1575] : memref<64x64xf32, #tpu.memory_space<vmem>> -> memref<1x64xf32, #tpu.memory_space<vmem>>
      %dma_start3A_1577 = arith.constant 0 : i32
      %dma_start3A_1578 = tpu.memref_slice %arg5[%squeeze3A_1573, %dma_start3A_1577] : memref<1000000x64xf32, #tpu.memory_space<hbm>> -> memref<1x64xf32, #tpu.memory_space<hbm>>
      %dma_start3A_1579 = arith.constant 62 : i32
      %dma_start3A_1580 = arith.constant 0 : i32
      %dma_start3A_1581 = tpu.memref_slice %arg11[%dma_start3A_1579, %dma_start3A_1580] : memref<64x64xf32, #tpu.memory_space<vmem>> -> memref<1x64xf32, #tpu.memory_space<vmem>>
      %dma_start3A_1582 = arith.constant 0 : i32
      %dma_start3A_1583 = tpu.memref_slice %arg5[%squeeze3A_1573, %dma_start3A_1582] : memref<1000000x64xf32, #tpu.memory_space<hbm>> -> memref<1x64xf32, #tpu.memory_space<hbm>>
      tpu.enqueue_dma source(%dma_start3A_1583 : memref<1x64xf32, #tpu.memory_space<hbm>>) target(%dma_start3A_1581 : memref<1x64xf32, #tpu.memory_space<vmem>>) target_semaphore(%arg13 : memref<!tpu.dma_semaphore, #tpu.memory_space<semaphore_mem>>)
      %slice3A_1584 = vector.extract_strided_slice %get3A_1403 {offsets = [15], sizes = [1], strides = [1]} : vector<16xi32> to vector<1xi32>
      %squeeze3A_1585 = vector.extract %slice3A_1584[0] : i32 from vector<1xi32>
      %dma_start3A_1586 = arith.constant 63 : i32
      %dma_start3A_1587 = arith.constant 0 : i32
      %dma_start3A_1588 = tpu.memref_slice %arg11[%dma_start3A_1586, %dma_start3A_1587] : memref<64x64xf32, #tpu.memory_space<vmem>> -> memref<1x64xf32, #tpu.memory_space<vmem>>
      %dma_start3A_1589 = arith.constant 0 : i32
      %dma_start3A_1590 = tpu.memref_slice %arg5[%squeeze3A_1585, %dma_start3A_1589] : memref<1000000x64xf32, #tpu.memory_space<hbm>> -> memref<1x64xf32, #tpu.memory_space<hbm>>
      %dma_start3A_1591 = arith.constant 63 : i32
      %dma_start3A_1592 = arith.constant 0 : i32
      %dma_start3A_1593 = tpu.memref_slice %arg11[%dma_start3A_1591, %dma_start3A_1592] : memref<64x64xf32, #tpu.memory_space<vmem>> -> memref<1x64xf32, #tpu.memory_space<vmem>>
      %dma_start3A_1594 = arith.constant 0 : i32
      %dma_start3A_1595 = tpu.memref_slice %arg5[%squeeze3A_1585, %dma_start3A_1594] : memref<1000000x64xf32, #tpu.memory_space<hbm>> -> memref<1x64xf32, #tpu.memory_space<hbm>>
      tpu.enqueue_dma source(%dma_start3A_1595 : memref<1x64xf32, #tpu.memory_space<hbm>>) target(%dma_start3A_1593 : memref<1x64xf32, #tpu.memory_space<vmem>>) target_semaphore(%arg13 : memref<!tpu.dma_semaphore, #tpu.memory_space<semaphore_mem>>)
      %dma_wait3A = arith.constant 0 : i32
      %dma_wait3A_1596 = arith.constant 0 : i32
      %dma_wait3A_1597 = tpu.memref_slice %arg10[%dma_wait3A, %dma_wait3A_1596] : memref<64x64xf32, #tpu.memory_space<vmem>> -> memref<1x64xf32, #tpu.memory_space<vmem>>
      %dma_wait3A_1598 = arith.constant 0 : i32
      %dma_wait3A_1599 = tpu.memref_slice %arg4[%squeeze3A, %dma_wait3A_1598] : memref<1000000x64xf32, #tpu.memory_space<hbm>> -> memref<1x64xf32, #tpu.memory_space<hbm>>
      %dma_wait3A_1600 = arith.constant 0 : i32
      %dma_wait3A_1601 = arith.constant 0 : i32
      %dma_wait3A_1602 = tpu.memref_slice %arg10[%dma_wait3A_1600, %dma_wait3A_1601] : memref<64x64xf32, #tpu.memory_space<vmem>> -> memref<1x64xf32, #tpu.memory_space<vmem>>
      %dma_wait3A_1603 = arith.constant 0 : i32
      %dma_wait3A_1604 = tpu.memref_slice %arg4[%squeeze3A, %dma_wait3A_1603] : memref<1000000x64xf32, #tpu.memory_space<hbm>> -> memref<1x64xf32, #tpu.memory_space<hbm>>
      tpu.wait_dma2 semaphore(%arg12 : memref<!tpu.dma_semaphore, #tpu.memory_space<semaphore_mem>>) src(%dma_wait3A_1604 : memref<1x64xf32, #tpu.memory_space<hbm>>) dst(%dma_wait3A_1602 : memref<1x64xf32, #tpu.memory_space<vmem>>)
      %dma_wait3A_1605 = arith.constant 1 : i32
      %dma_wait3A_1606 = arith.constant 0 : i32
      %dma_wait3A_1607 = tpu.memref_slice %arg10[%dma_wait3A_1605, %dma_wait3A_1606] : memref<64x64xf32, #tpu.memory_space<vmem>> -> memref<1x64xf32, #tpu.memory_space<vmem>>
      %dma_wait3A_1608 = arith.constant 0 : i32
      %dma_wait3A_1609 = tpu.memref_slice %arg4[%squeeze3A_24, %dma_wait3A_1608] : memref<1000000x64xf32, #tpu.memory_space<hbm>> -> memref<1x64xf32, #tpu.memory_space<hbm>>
      %dma_wait3A_1610 = arith.constant 1 : i32
      %dma_wait3A_1611 = arith.constant 0 : i32
      %dma_wait3A_1612 = tpu.memref_slice %arg10[%dma_wait3A_1610, %dma_wait3A_1611] : memref<64x64xf32, #tpu.memory_space<vmem>> -> memref<1x64xf32, #tpu.memory_space<vmem>>
      %dma_wait3A_1613 = arith.constant 0 : i32
      %dma_wait3A_1614 = tpu.memref_slice %arg4[%squeeze3A_24, %dma_wait3A_1613] : memref<1000000x64xf32, #tpu.memory_space<hbm>> -> memref<1x64xf32, #tpu.memory_space<hbm>>
      tpu.wait_dma2 semaphore(%arg12 : memref<!tpu.dma_semaphore, #tpu.memory_space<semaphore_mem>>) src(%dma_wait3A_1614 : memref<1x64xf32, #tpu.memory_space<hbm>>) dst(%dma_wait3A_1612 : memref<1x64xf32, #tpu.memory_space<vmem>>)
      %dma_wait3A_1615 = arith.constant 2 : i32
      %dma_wait3A_1616 = arith.constant 0 : i32
      %dma_wait3A_1617 = tpu.memref_slice %arg10[%dma_wait3A_1615, %dma_wait3A_1616] : memref<64x64xf32, #tpu.memory_space<vmem>> -> memref<1x64xf32, #tpu.memory_space<vmem>>
      %dma_wait3A_1618 = arith.constant 0 : i32
      %dma_wait3A_1619 = tpu.memref_slice %arg4[%squeeze3A_36, %dma_wait3A_1618] : memref<1000000x64xf32, #tpu.memory_space<hbm>> -> memref<1x64xf32, #tpu.memory_space<hbm>>
      %dma_wait3A_1620 = arith.constant 2 : i32
      %dma_wait3A_1621 = arith.constant 0 : i32
      %dma_wait3A_1622 = tpu.memref_slice %arg10[%dma_wait3A_1620, %dma_wait3A_1621] : memref<64x64xf32, #tpu.memory_space<vmem>> -> memref<1x64xf32, #tpu.memory_space<vmem>>
      %dma_wait3A_1623 = arith.constant 0 : i32
      %dma_wait3A_1624 = tpu.memref_slice %arg4[%squeeze3A_36, %dma_wait3A_1623] : memref<1000000x64xf32, #tpu.memory_space<hbm>> -> memref<1x64xf32, #tpu.memory_space<hbm>>
      tpu.wait_dma2 semaphore(%arg12 : memref<!tpu.dma_semaphore, #tpu.memory_space<semaphore_mem>>) src(%dma_wait3A_1624 : memref<1x64xf32, #tpu.memory_space<hbm>>) dst(%dma_wait3A_1622 : memref<1x64xf32, #tpu.memory_space<vmem>>)
      %dma_wait3A_1625 = arith.constant 3 : i32
      %dma_wait3A_1626 = arith.constant 0 : i32
      %dma_wait3A_1627 = tpu.memref_slice %arg10[%dma_wait3A_1625, %dma_wait3A_1626] : memref<64x64xf32, #tpu.memory_space<vmem>> -> memref<1x64xf32, #tpu.memory_space<vmem>>
      %dma_wait3A_1628 = arith.constant 0 : i32
      %dma_wait3A_1629 = tpu.memref_slice %arg4[%squeeze3A_48, %dma_wait3A_1628] : memref<1000000x64xf32, #tpu.memory_space<hbm>> -> memref<1x64xf32, #tpu.memory_space<hbm>>
      %dma_wait3A_1630 = arith.constant 3 : i32
      %dma_wait3A_1631 = arith.constant 0 : i32
      %dma_wait3A_1632 = tpu.memref_slice %arg10[%dma_wait3A_1630, %dma_wait3A_1631] : memref<64x64xf32, #tpu.memory_space<vmem>> -> memref<1x64xf32, #tpu.memory_space<vmem>>
      %dma_wait3A_1633 = arith.constant 0 : i32
      %dma_wait3A_1634 = tpu.memref_slice %arg4[%squeeze3A_48, %dma_wait3A_1633] : memref<1000000x64xf32, #tpu.memory_space<hbm>> -> memref<1x64xf32, #tpu.memory_space<hbm>>
      tpu.wait_dma2 semaphore(%arg12 : memref<!tpu.dma_semaphore, #tpu.memory_space<semaphore_mem>>) src(%dma_wait3A_1634 : memref<1x64xf32, #tpu.memory_space<hbm>>) dst(%dma_wait3A_1632 : memref<1x64xf32, #tpu.memory_space<vmem>>)
      %dma_wait3A_1635 = arith.constant 4 : i32
      %dma_wait3A_1636 = arith.constant 0 : i32
      %dma_wait3A_1637 = tpu.memref_slice %arg10[%dma_wait3A_1635, %dma_wait3A_1636] : memref<64x64xf32, #tpu.memory_space<vmem>> -> memref<1x64xf32, #tpu.memory_space<vmem>>
      %dma_wait3A_1638 = arith.constant 0 : i32
      %dma_wait3A_1639 = tpu.memref_slice %arg4[%squeeze3A_60, %dma_wait3A_1638] : memref<1000000x64xf32, #tpu.memory_space<hbm>> -> memref<1x64xf32, #tpu.memory_space<hbm>>
      %dma_wait3A_1640 = arith.constant 4 : i32
      %dma_wait3A_1641 = arith.constant 0 : i32
      %dma_wait3A_1642 = tpu.memref_slice %arg10[%dma_wait3A_1640, %dma_wait3A_1641] : memref<64x64xf32, #tpu.memory_space<vmem>> -> memref<1x64xf32, #tpu.memory_space<vmem>>
      %dma_wait3A_1643 = arith.constant 0 : i32
      %dma_wait3A_1644 = tpu.memref_slice %arg4[%squeeze3A_60, %dma_wait3A_1643] : memref<1000000x64xf32, #tpu.memory_space<hbm>> -> memref<1x64xf32, #tpu.memory_space<hbm>>
      tpu.wait_dma2 semaphore(%arg12 : memref<!tpu.dma_semaphore, #tpu.memory_space<semaphore_mem>>) src(%dma_wait3A_1644 : memref<1x64xf32, #tpu.memory_space<hbm>>) dst(%dma_wait3A_1642 : memref<1x64xf32, #tpu.memory_space<vmem>>)
      %dma_wait3A_1645 = arith.constant 5 : i32
      %dma_wait3A_1646 = arith.constant 0 : i32
      %dma_wait3A_1647 = tpu.memref_slice %arg10[%dma_wait3A_1645, %dma_wait3A_1646] : memref<64x64xf32, #tpu.memory_space<vmem>> -> memref<1x64xf32, #tpu.memory_space<vmem>>
      %dma_wait3A_1648 = arith.constant 0 : i32
      %dma_wait3A_1649 = tpu.memref_slice %arg4[%squeeze3A_72, %dma_wait3A_1648] : memref<1000000x64xf32, #tpu.memory_space<hbm>> -> memref<1x64xf32, #tpu.memory_space<hbm>>
      %dma_wait3A_1650 = arith.constant 5 : i32
      %dma_wait3A_1651 = arith.constant 0 : i32
      %dma_wait3A_1652 = tpu.memref_slice %arg10[%dma_wait3A_1650, %dma_wait3A_1651] : memref<64x64xf32, #tpu.memory_space<vmem>> -> memref<1x64xf32, #tpu.memory_space<vmem>>
      %dma_wait3A_1653 = arith.constant 0 : i32
      %dma_wait3A_1654 = tpu.memref_slice %arg4[%squeeze3A_72, %dma_wait3A_1653] : memref<1000000x64xf32, #tpu.memory_space<hbm>> -> memref<1x64xf32, #tpu.memory_space<hbm>>
      tpu.wait_dma2 semaphore(%arg12 : memref<!tpu.dma_semaphore, #tpu.memory_space<semaphore_mem>>) src(%dma_wait3A_1654 : memref<1x64xf32, #tpu.memory_space<hbm>>) dst(%dma_wait3A_1652 : memref<1x64xf32, #tpu.memory_space<vmem>>)
      %dma_wait3A_1655 = arith.constant 6 : i32
      %dma_wait3A_1656 = arith.constant 0 : i32
      %dma_wait3A_1657 = tpu.memref_slice %arg10[%dma_wait3A_1655, %dma_wait3A_1656] : memref<64x64xf32, #tpu.memory_space<vmem>> -> memref<1x64xf32, #tpu.memory_space<vmem>>
      %dma_wait3A_1658 = arith.constant 0 : i32
      %dma_wait3A_1659 = tpu.memref_slice %arg4[%squeeze3A_84, %dma_wait3A_1658] : memref<1000000x64xf32, #tpu.memory_space<hbm>> -> memref<1x64xf32, #tpu.memory_space<hbm>>
      %dma_wait3A_1660 = arith.constant 6 : i32
      %dma_wait3A_1661 = arith.constant 0 : i32
      %dma_wait3A_1662 = tpu.memref_slice %arg10[%dma_wait3A_1660, %dma_wait3A_1661] : memref<64x64xf32, #tpu.memory_space<vmem>> -> memref<1x64xf32, #tpu.memory_space<vmem>>
      %dma_wait3A_1663 = arith.constant 0 : i32
      %dma_wait3A_1664 = tpu.memref_slice %arg4[%squeeze3A_84, %dma_wait3A_1663] : memref<1000000x64xf32, #tpu.memory_space<hbm>> -> memref<1x64xf32, #tpu.memory_space<hbm>>
      tpu.wait_dma2 semaphore(%arg12 : memref<!tpu.dma_semaphore, #tpu.memory_space<semaphore_mem>>) src(%dma_wait3A_1664 : memref<1x64xf32, #tpu.memory_space<hbm>>) dst(%dma_wait3A_1662 : memref<1x64xf32, #tpu.memory_space<vmem>>)
      %dma_wait3A_1665 = arith.constant 7 : i32
      %dma_wait3A_1666 = arith.constant 0 : i32
      %dma_wait3A_1667 = tpu.memref_slice %arg10[%dma_wait3A_1665, %dma_wait3A_1666] : memref<64x64xf32, #tpu.memory_space<vmem>> -> memref<1x64xf32, #tpu.memory_space<vmem>>
      %dma_wait3A_1668 = arith.constant 0 : i32
      %dma_wait3A_1669 = tpu.memref_slice %arg4[%squeeze3A_96, %dma_wait3A_1668] : memref<1000000x64xf32, #tpu.memory_space<hbm>> -> memref<1x64xf32, #tpu.memory_space<hbm>>
      %dma_wait3A_1670 = arith.constant 7 : i32
      %dma_wait3A_1671 = arith.constant 0 : i32
      %dma_wait3A_1672 = tpu.memref_slice %arg10[%dma_wait3A_1670, %dma_wait3A_1671] : memref<64x64xf32, #tpu.memory_space<vmem>> -> memref<1x64xf32, #tpu.memory_space<vmem>>
      %dma_wait3A_1673 = arith.constant 0 : i32
      %dma_wait3A_1674 = tpu.memref_slice %arg4[%squeeze3A_96, %dma_wait3A_1673] : memref<1000000x64xf32, #tpu.memory_space<hbm>> -> memref<1x64xf32, #tpu.memory_space<hbm>>
      tpu.wait_dma2 semaphore(%arg12 : memref<!tpu.dma_semaphore, #tpu.memory_space<semaphore_mem>>) src(%dma_wait3A_1674 : memref<1x64xf32, #tpu.memory_space<hbm>>) dst(%dma_wait3A_1672 : memref<1x64xf32, #tpu.memory_space<vmem>>)
      %dma_wait3A_1675 = arith.constant 8 : i32
      %dma_wait3A_1676 = arith.constant 0 : i32
      %dma_wait3A_1677 = tpu.memref_slice %arg10[%dma_wait3A_1675, %dma_wait3A_1676] : memref<64x64xf32, #tpu.memory_space<vmem>> -> memref<1x64xf32, #tpu.memory_space<vmem>>
      %dma_wait3A_1678 = arith.constant 0 : i32
      %dma_wait3A_1679 = tpu.memref_slice %arg4[%squeeze3A_108, %dma_wait3A_1678] : memref<1000000x64xf32, #tpu.memory_space<hbm>> -> memref<1x64xf32, #tpu.memory_space<hbm>>
      %dma_wait3A_1680 = arith.constant 8 : i32
      %dma_wait3A_1681 = arith.constant 0 : i32
      %dma_wait3A_1682 = tpu.memref_slice %arg10[%dma_wait3A_1680, %dma_wait3A_1681] : memref<64x64xf32, #tpu.memory_space<vmem>> -> memref<1x64xf32, #tpu.memory_space<vmem>>
      %dma_wait3A_1683 = arith.constant 0 : i32
      %dma_wait3A_1684 = tpu.memref_slice %arg4[%squeeze3A_108, %dma_wait3A_1683] : memref<1000000x64xf32, #tpu.memory_space<hbm>> -> memref<1x64xf32, #tpu.memory_space<hbm>>
      tpu.wait_dma2 semaphore(%arg12 : memref<!tpu.dma_semaphore, #tpu.memory_space<semaphore_mem>>) src(%dma_wait3A_1684 : memref<1x64xf32, #tpu.memory_space<hbm>>) dst(%dma_wait3A_1682 : memref<1x64xf32, #tpu.memory_space<vmem>>)
      %dma_wait3A_1685 = arith.constant 9 : i32
      %dma_wait3A_1686 = arith.constant 0 : i32
      %dma_wait3A_1687 = tpu.memref_slice %arg10[%dma_wait3A_1685, %dma_wait3A_1686] : memref<64x64xf32, #tpu.memory_space<vmem>> -> memref<1x64xf32, #tpu.memory_space<vmem>>
      %dma_wait3A_1688 = arith.constant 0 : i32
      %dma_wait3A_1689 = tpu.memref_slice %arg4[%squeeze3A_120, %dma_wait3A_1688] : memref<1000000x64xf32, #tpu.memory_space<hbm>> -> memref<1x64xf32, #tpu.memory_space<hbm>>
      %dma_wait3A_1690 = arith.constant 9 : i32
      %dma_wait3A_1691 = arith.constant 0 : i32
      %dma_wait3A_1692 = tpu.memref_slice %arg10[%dma_wait3A_1690, %dma_wait3A_1691] : memref<64x64xf32, #tpu.memory_space<vmem>> -> memref<1x64xf32, #tpu.memory_space<vmem>>
      %dma_wait3A_1693 = arith.constant 0 : i32
      %dma_wait3A_1694 = tpu.memref_slice %arg4[%squeeze3A_120, %dma_wait3A_1693] : memref<1000000x64xf32, #tpu.memory_space<hbm>> -> memref<1x64xf32, #tpu.memory_space<hbm>>
      tpu.wait_dma2 semaphore(%arg12 : memref<!tpu.dma_semaphore, #tpu.memory_space<semaphore_mem>>) src(%dma_wait3A_1694 : memref<1x64xf32, #tpu.memory_space<hbm>>) dst(%dma_wait3A_1692 : memref<1x64xf32, #tpu.memory_space<vmem>>)
      %dma_wait3A_1695 = arith.constant 10 : i32
      %dma_wait3A_1696 = arith.constant 0 : i32
      %dma_wait3A_1697 = tpu.memref_slice %arg10[%dma_wait3A_1695, %dma_wait3A_1696] : memref<64x64xf32, #tpu.memory_space<vmem>> -> memref<1x64xf32, #tpu.memory_space<vmem>>
      %dma_wait3A_1698 = arith.constant 0 : i32
      %dma_wait3A_1699 = tpu.memref_slice %arg4[%squeeze3A_132, %dma_wait3A_1698] : memref<1000000x64xf32, #tpu.memory_space<hbm>> -> memref<1x64xf32, #tpu.memory_space<hbm>>
      %dma_wait3A_1700 = arith.constant 10 : i32
      %dma_wait3A_1701 = arith.constant 0 : i32
      %dma_wait3A_1702 = tpu.memref_slice %arg10[%dma_wait3A_1700, %dma_wait3A_1701] : memref<64x64xf32, #tpu.memory_space<vmem>> -> memref<1x64xf32, #tpu.memory_space<vmem>>
      %dma_wait3A_1703 = arith.constant 0 : i32
      %dma_wait3A_1704 = tpu.memref_slice %arg4[%squeeze3A_132, %dma_wait3A_1703] : memref<1000000x64xf32, #tpu.memory_space<hbm>> -> memref<1x64xf32, #tpu.memory_space<hbm>>
      tpu.wait_dma2 semaphore(%arg12 : memref<!tpu.dma_semaphore, #tpu.memory_space<semaphore_mem>>) src(%dma_wait3A_1704 : memref<1x64xf32, #tpu.memory_space<hbm>>) dst(%dma_wait3A_1702 : memref<1x64xf32, #tpu.memory_space<vmem>>)
      %dma_wait3A_1705 = arith.constant 11 : i32
      %dma_wait3A_1706 = arith.constant 0 : i32
      %dma_wait3A_1707 = tpu.memref_slice %arg10[%dma_wait3A_1705, %dma_wait3A_1706] : memref<64x64xf32, #tpu.memory_space<vmem>> -> memref<1x64xf32, #tpu.memory_space<vmem>>
      %dma_wait3A_1708 = arith.constant 0 : i32
      %dma_wait3A_1709 = tpu.memref_slice %arg4[%squeeze3A_144, %dma_wait3A_1708] : memref<1000000x64xf32, #tpu.memory_space<hbm>> -> memref<1x64xf32, #tpu.memory_space<hbm>>
      %dma_wait3A_1710 = arith.constant 11 : i32
      %dma_wait3A_1711 = arith.constant 0 : i32
      %dma_wait3A_1712 = tpu.memref_slice %arg10[%dma_wait3A_1710, %dma_wait3A_1711] : memref<64x64xf32, #tpu.memory_space<vmem>> -> memref<1x64xf32, #tpu.memory_space<vmem>>
      %dma_wait3A_1713 = arith.constant 0 : i32
      %dma_wait3A_1714 = tpu.memref_slice %arg4[%squeeze3A_144, %dma_wait3A_1713] : memref<1000000x64xf32, #tpu.memory_space<hbm>> -> memref<1x64xf32, #tpu.memory_space<hbm>>
      tpu.wait_dma2 semaphore(%arg12 : memref<!tpu.dma_semaphore, #tpu.memory_space<semaphore_mem>>) src(%dma_wait3A_1714 : memref<1x64xf32, #tpu.memory_space<hbm>>) dst(%dma_wait3A_1712 : memref<1x64xf32, #tpu.memory_space<vmem>>)
      %dma_wait3A_1715 = arith.constant 12 : i32
      %dma_wait3A_1716 = arith.constant 0 : i32
      %dma_wait3A_1717 = tpu.memref_slice %arg10[%dma_wait3A_1715, %dma_wait3A_1716] : memref<64x64xf32, #tpu.memory_space<vmem>> -> memref<1x64xf32, #tpu.memory_space<vmem>>
      %dma_wait3A_1718 = arith.constant 0 : i32
      %dma_wait3A_1719 = tpu.memref_slice %arg4[%squeeze3A_156, %dma_wait3A_1718] : memref<1000000x64xf32, #tpu.memory_space<hbm>> -> memref<1x64xf32, #tpu.memory_space<hbm>>
      %dma_wait3A_1720 = arith.constant 12 : i32
      %dma_wait3A_1721 = arith.constant 0 : i32
      %dma_wait3A_1722 = tpu.memref_slice %arg10[%dma_wait3A_1720, %dma_wait3A_1721] : memref<64x64xf32, #tpu.memory_space<vmem>> -> memref<1x64xf32, #tpu.memory_space<vmem>>
      %dma_wait3A_1723 = arith.constant 0 : i32
      %dma_wait3A_1724 = tpu.memref_slice %arg4[%squeeze3A_156, %dma_wait3A_1723] : memref<1000000x64xf32, #tpu.memory_space<hbm>> -> memref<1x64xf32, #tpu.memory_space<hbm>>
      tpu.wait_dma2 semaphore(%arg12 : memref<!tpu.dma_semaphore, #tpu.memory_space<semaphore_mem>>) src(%dma_wait3A_1724 : memref<1x64xf32, #tpu.memory_space<hbm>>) dst(%dma_wait3A_1722 : memref<1x64xf32, #tpu.memory_space<vmem>>)
      %dma_wait3A_1725 = arith.constant 13 : i32
      %dma_wait3A_1726 = arith.constant 0 : i32
      %dma_wait3A_1727 = tpu.memref_slice %arg10[%dma_wait3A_1725, %dma_wait3A_1726] : memref<64x64xf32, #tpu.memory_space<vmem>> -> memref<1x64xf32, #tpu.memory_space<vmem>>
      %dma_wait3A_1728 = arith.constant 0 : i32
      %dma_wait3A_1729 = tpu.memref_slice %arg4[%squeeze3A_168, %dma_wait3A_1728] : memref<1000000x64xf32, #tpu.memory_space<hbm>> -> memref<1x64xf32, #tpu.memory_space<hbm>>
      %dma_wait3A_1730 = arith.constant 13 : i32
      %dma_wait3A_1731 = arith.constant 0 : i32
      %dma_wait3A_1732 = tpu.memref_slice %arg10[%dma_wait3A_1730, %dma_wait3A_1731] : memref<64x64xf32, #tpu.memory_space<vmem>> -> memref<1x64xf32, #tpu.memory_space<vmem>>
      %dma_wait3A_1733 = arith.constant 0 : i32
      %dma_wait3A_1734 = tpu.memref_slice %arg4[%squeeze3A_168, %dma_wait3A_1733] : memref<1000000x64xf32, #tpu.memory_space<hbm>> -> memref<1x64xf32, #tpu.memory_space<hbm>>
      tpu.wait_dma2 semaphore(%arg12 : memref<!tpu.dma_semaphore, #tpu.memory_space<semaphore_mem>>) src(%dma_wait3A_1734 : memref<1x64xf32, #tpu.memory_space<hbm>>) dst(%dma_wait3A_1732 : memref<1x64xf32, #tpu.memory_space<vmem>>)
      %dma_wait3A_1735 = arith.constant 14 : i32
      %dma_wait3A_1736 = arith.constant 0 : i32
      %dma_wait3A_1737 = tpu.memref_slice %arg10[%dma_wait3A_1735, %dma_wait3A_1736] : memref<64x64xf32, #tpu.memory_space<vmem>> -> memref<1x64xf32, #tpu.memory_space<vmem>>
      %dma_wait3A_1738 = arith.constant 0 : i32
      %dma_wait3A_1739 = tpu.memref_slice %arg4[%squeeze3A_180, %dma_wait3A_1738] : memref<1000000x64xf32, #tpu.memory_space<hbm>> -> memref<1x64xf32, #tpu.memory_space<hbm>>
      %dma_wait3A_1740 = arith.constant 14 : i32
      %dma_wait3A_1741 = arith.constant 0 : i32
      %dma_wait3A_1742 = tpu.memref_slice %arg10[%dma_wait3A_1740, %dma_wait3A_1741] : memref<64x64xf32, #tpu.memory_space<vmem>> -> memref<1x64xf32, #tpu.memory_space<vmem>>
      %dma_wait3A_1743 = arith.constant 0 : i32
      %dma_wait3A_1744 = tpu.memref_slice %arg4[%squeeze3A_180, %dma_wait3A_1743] : memref<1000000x64xf32, #tpu.memory_space<hbm>> -> memref<1x64xf32, #tpu.memory_space<hbm>>
      tpu.wait_dma2 semaphore(%arg12 : memref<!tpu.dma_semaphore, #tpu.memory_space<semaphore_mem>>) src(%dma_wait3A_1744 : memref<1x64xf32, #tpu.memory_space<hbm>>) dst(%dma_wait3A_1742 : memref<1x64xf32, #tpu.memory_space<vmem>>)
      %dma_wait3A_1745 = arith.constant 15 : i32
      %dma_wait3A_1746 = arith.constant 0 : i32
      %dma_wait3A_1747 = tpu.memref_slice %arg10[%dma_wait3A_1745, %dma_wait3A_1746] : memref<64x64xf32, #tpu.memory_space<vmem>> -> memref<1x64xf32, #tpu.memory_space<vmem>>
      %dma_wait3A_1748 = arith.constant 0 : i32
      %dma_wait3A_1749 = tpu.memref_slice %arg4[%squeeze3A_192, %dma_wait3A_1748] : memref<1000000x64xf32, #tpu.memory_space<hbm>> -> memref<1x64xf32, #tpu.memory_space<hbm>>
      %dma_wait3A_1750 = arith.constant 15 : i32
      %dma_wait3A_1751 = arith.constant 0 : i32
      %dma_wait3A_1752 = tpu.memref_slice %arg10[%dma_wait3A_1750, %dma_wait3A_1751] : memref<64x64xf32, #tpu.memory_space<vmem>> -> memref<1x64xf32, #tpu.memory_space<vmem>>
      %dma_wait3A_1753 = arith.constant 0 : i32
      %dma_wait3A_1754 = tpu.memref_slice %arg4[%squeeze3A_192, %dma_wait3A_1753] : memref<1000000x64xf32, #tpu.memory_space<hbm>> -> memref<1x64xf32, #tpu.memory_space<hbm>>
      tpu.wait_dma2 semaphore(%arg12 : memref<!tpu.dma_semaphore, #tpu.memory_space<semaphore_mem>>) src(%dma_wait3A_1754 : memref<1x64xf32, #tpu.memory_space<hbm>>) dst(%dma_wait3A_1752 : memref<1x64xf32, #tpu.memory_space<vmem>>)
      %dma_wait3A_1755 = arith.constant 16 : i32
      %dma_wait3A_1756 = arith.constant 0 : i32
      %dma_wait3A_1757 = tpu.memref_slice %arg10[%dma_wait3A_1755, %dma_wait3A_1756] : memref<64x64xf32, #tpu.memory_space<vmem>> -> memref<1x64xf32, #tpu.memory_space<vmem>>
      %dma_wait3A_1758 = arith.constant 0 : i32
      %dma_wait3A_1759 = tpu.memref_slice %arg4[%squeeze3A_211, %dma_wait3A_1758] : memref<1000000x64xf32, #tpu.memory_space<hbm>> -> memref<1x64xf32, #tpu.memory_space<hbm>>
      %dma_wait3A_1760 = arith.constant 16 : i32
      %dma_wait3A_1761 = arith.constant 0 : i32
      %dma_wait3A_1762 = tpu.memref_slice %arg10[%dma_wait3A_1760, %dma_wait3A_1761] : memref<64x64xf32, #tpu.memory_space<vmem>> -> memref<1x64xf32, #tpu.memory_space<vmem>>
      %dma_wait3A_1763 = arith.constant 0 : i32
      %dma_wait3A_1764 = tpu.memref_slice %arg4[%squeeze3A_211, %dma_wait3A_1763] : memref<1000000x64xf32, #tpu.memory_space<hbm>> -> memref<1x64xf32, #tpu.memory_space<hbm>>
      tpu.wait_dma2 semaphore(%arg12 : memref<!tpu.dma_semaphore, #tpu.memory_space<semaphore_mem>>) src(%dma_wait3A_1764 : memref<1x64xf32, #tpu.memory_space<hbm>>) dst(%dma_wait3A_1762 : memref<1x64xf32, #tpu.memory_space<vmem>>)
      %dma_wait3A_1765 = arith.constant 17 : i32
      %dma_wait3A_1766 = arith.constant 0 : i32
      %dma_wait3A_1767 = tpu.memref_slice %arg10[%dma_wait3A_1765, %dma_wait3A_1766] : memref<64x64xf32, #tpu.memory_space<vmem>> -> memref<1x64xf32, #tpu.memory_space<vmem>>
      %dma_wait3A_1768 = arith.constant 0 : i32
      %dma_wait3A_1769 = tpu.memref_slice %arg4[%squeeze3A_223, %dma_wait3A_1768] : memref<1000000x64xf32, #tpu.memory_space<hbm>> -> memref<1x64xf32, #tpu.memory_space<hbm>>
      %dma_wait3A_1770 = arith.constant 17 : i32
      %dma_wait3A_1771 = arith.constant 0 : i32
      %dma_wait3A_1772 = tpu.memref_slice %arg10[%dma_wait3A_1770, %dma_wait3A_1771] : memref<64x64xf32, #tpu.memory_space<vmem>> -> memref<1x64xf32, #tpu.memory_space<vmem>>
      %dma_wait3A_1773 = arith.constant 0 : i32
      %dma_wait3A_1774 = tpu.memref_slice %arg4[%squeeze3A_223, %dma_wait3A_1773] : memref<1000000x64xf32, #tpu.memory_space<hbm>> -> memref<1x64xf32, #tpu.memory_space<hbm>>
      tpu.wait_dma2 semaphore(%arg12 : memref<!tpu.dma_semaphore, #tpu.memory_space<semaphore_mem>>) src(%dma_wait3A_1774 : memref<1x64xf32, #tpu.memory_space<hbm>>) dst(%dma_wait3A_1772 : memref<1x64xf32, #tpu.memory_space<vmem>>)
      %dma_wait3A_1775 = arith.constant 18 : i32
      %dma_wait3A_1776 = arith.constant 0 : i32
      %dma_wait3A_1777 = tpu.memref_slice %arg10[%dma_wait3A_1775, %dma_wait3A_1776] : memref<64x64xf32, #tpu.memory_space<vmem>> -> memref<1x64xf32, #tpu.memory_space<vmem>>
      %dma_wait3A_1778 = arith.constant 0 : i32
      %dma_wait3A_1779 = tpu.memref_slice %arg4[%squeeze3A_235, %dma_wait3A_1778] : memref<1000000x64xf32, #tpu.memory_space<hbm>> -> memref<1x64xf32, #tpu.memory_space<hbm>>
      %dma_wait3A_1780 = arith.constant 18 : i32
      %dma_wait3A_1781 = arith.constant 0 : i32
      %dma_wait3A_1782 = tpu.memref_slice %arg10[%dma_wait3A_1780, %dma_wait3A_1781] : memref<64x64xf32, #tpu.memory_space<vmem>> -> memref<1x64xf32, #tpu.memory_space<vmem>>
      %dma_wait3A_1783 = arith.constant 0 : i32
      %dma_wait3A_1784 = tpu.memref_slice %arg4[%squeeze3A_235, %dma_wait3A_1783] : memref<1000000x64xf32, #tpu.memory_space<hbm>> -> memref<1x64xf32, #tpu.memory_space<hbm>>
      tpu.wait_dma2 semaphore(%arg12 : memref<!tpu.dma_semaphore, #tpu.memory_space<semaphore_mem>>) src(%dma_wait3A_1784 : memref<1x64xf32, #tpu.memory_space<hbm>>) dst(%dma_wait3A_1782 : memref<1x64xf32, #tpu.memory_space<vmem>>)
      %dma_wait3A_1785 = arith.constant 19 : i32
      %dma_wait3A_1786 = arith.constant 0 : i32
      %dma_wait3A_1787 = tpu.memref_slice %arg10[%dma_wait3A_1785, %dma_wait3A_1786] : memref<64x64xf32, #tpu.memory_space<vmem>> -> memref<1x64xf32, #tpu.memory_space<vmem>>
      %dma_wait3A_1788 = arith.constant 0 : i32
      %dma_wait3A_1789 = tpu.memref_slice %arg4[%squeeze3A_247, %dma_wait3A_1788] : memref<1000000x64xf32, #tpu.memory_space<hbm>> -> memref<1x64xf32, #tpu.memory_space<hbm>>
      %dma_wait3A_1790 = arith.constant 19 : i32
      %dma_wait3A_1791 = arith.constant 0 : i32
      %dma_wait3A_1792 = tpu.memref_slice %arg10[%dma_wait3A_1790, %dma_wait3A_1791] : memref<64x64xf32, #tpu.memory_space<vmem>> -> memref<1x64xf32, #tpu.memory_space<vmem>>
      %dma_wait3A_1793 = arith.constant 0 : i32
      %dma_wait3A_1794 = tpu.memref_slice %arg4[%squeeze3A_247, %dma_wait3A_1793] : memref<1000000x64xf32, #tpu.memory_space<hbm>> -> memref<1x64xf32, #tpu.memory_space<hbm>>
      tpu.wait_dma2 semaphore(%arg12 : memref<!tpu.dma_semaphore, #tpu.memory_space<semaphore_mem>>) src(%dma_wait3A_1794 : memref<1x64xf32, #tpu.memory_space<hbm>>) dst(%dma_wait3A_1792 : memref<1x64xf32, #tpu.memory_space<vmem>>)
      %dma_wait3A_1795 = arith.constant 20 : i32
      %dma_wait3A_1796 = arith.constant 0 : i32
      %dma_wait3A_1797 = tpu.memref_slice %arg10[%dma_wait3A_1795, %dma_wait3A_1796] : memref<64x64xf32, #tpu.memory_space<vmem>> -> memref<1x64xf32, #tpu.memory_space<vmem>>
      %dma_wait3A_1798 = arith.constant 0 : i32
      %dma_wait3A_1799 = tpu.memref_slice %arg4[%squeeze3A_259, %dma_wait3A_1798] : memref<1000000x64xf32, #tpu.memory_space<hbm>> -> memref<1x64xf32, #tpu.memory_space<hbm>>
      %dma_wait3A_1800 = arith.constant 20 : i32
      %dma_wait3A_1801 = arith.constant 0 : i32
      %dma_wait3A_1802 = tpu.memref_slice %arg10[%dma_wait3A_1800, %dma_wait3A_1801] : memref<64x64xf32, #tpu.memory_space<vmem>> -> memref<1x64xf32, #tpu.memory_space<vmem>>
      %dma_wait3A_1803 = arith.constant 0 : i32
      %dma_wait3A_1804 = tpu.memref_slice %arg4[%squeeze3A_259, %dma_wait3A_1803] : memref<1000000x64xf32, #tpu.memory_space<hbm>> -> memref<1x64xf32, #tpu.memory_space<hbm>>
      tpu.wait_dma2 semaphore(%arg12 : memref<!tpu.dma_semaphore, #tpu.memory_space<semaphore_mem>>) src(%dma_wait3A_1804 : memref<1x64xf32, #tpu.memory_space<hbm>>) dst(%dma_wait3A_1802 : memref<1x64xf32, #tpu.memory_space<vmem>>)
      %dma_wait3A_1805 = arith.constant 21 : i32
      %dma_wait3A_1806 = arith.constant 0 : i32
      %dma_wait3A_1807 = tpu.memref_slice %arg10[%dma_wait3A_1805, %dma_wait3A_1806] : memref<64x64xf32, #tpu.memory_space<vmem>> -> memref<1x64xf32, #tpu.memory_space<vmem>>
      %dma_wait3A_1808 = arith.constant 0 : i32
      %dma_wait3A_1809 = tpu.memref_slice %arg4[%squeeze3A_271, %dma_wait3A_1808] : memref<1000000x64xf32, #tpu.memory_space<hbm>> -> memref<1x64xf32, #tpu.memory_space<hbm>>
      %dma_wait3A_1810 = arith.constant 21 : i32
      %dma_wait3A_1811 = arith.constant 0 : i32
      %dma_wait3A_1812 = tpu.memref_slice %arg10[%dma_wait3A_1810, %dma_wait3A_1811] : memref<64x64xf32, #tpu.memory_space<vmem>> -> memref<1x64xf32, #tpu.memory_space<vmem>>
      %dma_wait3A_1813 = arith.constant 0 : i32
      %dma_wait3A_1814 = tpu.memref_slice %arg4[%squeeze3A_271, %dma_wait3A_1813] : memref<1000000x64xf32, #tpu.memory_space<hbm>> -> memref<1x64xf32, #tpu.memory_space<hbm>>
      tpu.wait_dma2 semaphore(%arg12 : memref<!tpu.dma_semaphore, #tpu.memory_space<semaphore_mem>>) src(%dma_wait3A_1814 : memref<1x64xf32, #tpu.memory_space<hbm>>) dst(%dma_wait3A_1812 : memref<1x64xf32, #tpu.memory_space<vmem>>)
      %dma_wait3A_1815 = arith.constant 22 : i32
      %dma_wait3A_1816 = arith.constant 0 : i32
      %dma_wait3A_1817 = tpu.memref_slice %arg10[%dma_wait3A_1815, %dma_wait3A_1816] : memref<64x64xf32, #tpu.memory_space<vmem>> -> memref<1x64xf32, #tpu.memory_space<vmem>>
      %dma_wait3A_1818 = arith.constant 0 : i32
      %dma_wait3A_1819 = tpu.memref_slice %arg4[%squeeze3A_283, %dma_wait3A_1818] : memref<1000000x64xf32, #tpu.memory_space<hbm>> -> memref<1x64xf32, #tpu.memory_space<hbm>>
      %dma_wait3A_1820 = arith.constant 22 : i32
      %dma_wait3A_1821 = arith.constant 0 : i32
      %dma_wait3A_1822 = tpu.memref_slice %arg10[%dma_wait3A_1820, %dma_wait3A_1821] : memref<64x64xf32, #tpu.memory_space<vmem>> -> memref<1x64xf32, #tpu.memory_space<vmem>>
      %dma_wait3A_1823 = arith.constant 0 : i32
      %dma_wait3A_1824 = tpu.memref_slice %arg4[%squeeze3A_283, %dma_wait3A_1823] : memref<1000000x64xf32, #tpu.memory_space<hbm>> -> memref<1x64xf32, #tpu.memory_space<hbm>>
      tpu.wait_dma2 semaphore(%arg12 : memref<!tpu.dma_semaphore, #tpu.memory_space<semaphore_mem>>) src(%dma_wait3A_1824 : memref<1x64xf32, #tpu.memory_space<hbm>>) dst(%dma_wait3A_1822 : memref<1x64xf32, #tpu.memory_space<vmem>>)
      %dma_wait3A_1825 = arith.constant 23 : i32
      %dma_wait3A_1826 = arith.constant 0 : i32
      %dma_wait3A_1827 = tpu.memref_slice %arg10[%dma_wait3A_1825, %dma_wait3A_1826] : memref<64x64xf32, #tpu.memory_space<vmem>> -> memref<1x64xf32, #tpu.memory_space<vmem>>
      %dma_wait3A_1828 = arith.constant 0 : i32
      %dma_wait3A_1829 = tpu.memref_slice %arg4[%squeeze3A_295, %dma_wait3A_1828] : memref<1000000x64xf32, #tpu.memory_space<hbm>> -> memref<1x64xf32, #tpu.memory_space<hbm>>
      %dma_wait3A_1830 = arith.constant 23 : i32
      %dma_wait3A_1831 = arith.constant 0 : i32
      %dma_wait3A_1832 = tpu.memref_slice %arg10[%dma_wait3A_1830, %dma_wait3A_1831] : memref<64x64xf32, #tpu.memory_space<vmem>> -> memref<1x64xf32, #tpu.memory_space<vmem>>
      %dma_wait3A_1833 = arith.constant 0 : i32
      %dma_wait3A_1834 = tpu.memref_slice %arg4[%squeeze3A_295, %dma_wait3A_1833] : memref<1000000x64xf32, #tpu.memory_space<hbm>> -> memref<1x64xf32, #tpu.memory_space<hbm>>
      tpu.wait_dma2 semaphore(%arg12 : memref<!tpu.dma_semaphore, #tpu.memory_space<semaphore_mem>>) src(%dma_wait3A_1834 : memref<1x64xf32, #tpu.memory_space<hbm>>) dst(%dma_wait3A_1832 : memref<1x64xf32, #tpu.memory_space<vmem>>)
      %dma_wait3A_1835 = arith.constant 24 : i32
      %dma_wait3A_1836 = arith.constant 0 : i32
      %dma_wait3A_1837 = tpu.memref_slice %arg10[%dma_wait3A_1835, %dma_wait3A_1836] : memref<64x64xf32, #tpu.memory_space<vmem>> -> memref<1x64xf32, #tpu.memory_space<vmem>>
      %dma_wait3A_1838 = arith.constant 0 : i32
      %dma_wait3A_1839 = tpu.memref_slice %arg4[%squeeze3A_307, %dma_wait3A_1838] : memref<1000000x64xf32, #tpu.memory_space<hbm>> -> memref<1x64xf32, #tpu.memory_space<hbm>>
      %dma_wait3A_1840 = arith.constant 24 : i32
      %dma_wait3A_1841 = arith.constant 0 : i32
      %dma_wait3A_1842 = tpu.memref_slice %arg10[%dma_wait3A_1840, %dma_wait3A_1841] : memref<64x64xf32, #tpu.memory_space<vmem>> -> memref<1x64xf32, #tpu.memory_space<vmem>>
      %dma_wait3A_1843 = arith.constant 0 : i32
      %dma_wait3A_1844 = tpu.memref_slice %arg4[%squeeze3A_307, %dma_wait3A_1843] : memref<1000000x64xf32, #tpu.memory_space<hbm>> -> memref<1x64xf32, #tpu.memory_space<hbm>>
      tpu.wait_dma2 semaphore(%arg12 : memref<!tpu.dma_semaphore, #tpu.memory_space<semaphore_mem>>) src(%dma_wait3A_1844 : memref<1x64xf32, #tpu.memory_space<hbm>>) dst(%dma_wait3A_1842 : memref<1x64xf32, #tpu.memory_space<vmem>>)
      %dma_wait3A_1845 = arith.constant 25 : i32
      %dma_wait3A_1846 = arith.constant 0 : i32
      %dma_wait3A_1847 = tpu.memref_slice %arg10[%dma_wait3A_1845, %dma_wait3A_1846] : memref<64x64xf32, #tpu.memory_space<vmem>> -> memref<1x64xf32, #tpu.memory_space<vmem>>
      %dma_wait3A_1848 = arith.constant 0 : i32
      %dma_wait3A_1849 = tpu.memref_slice %arg4[%squeeze3A_319, %dma_wait3A_1848] : memref<1000000x64xf32, #tpu.memory_space<hbm>> -> memref<1x64xf32, #tpu.memory_space<hbm>>
      %dma_wait3A_1850 = arith.constant 25 : i32
      %dma_wait3A_1851 = arith.constant 0 : i32
      %dma_wait3A_1852 = tpu.memref_slice %arg10[%dma_wait3A_1850, %dma_wait3A_1851] : memref<64x64xf32, #tpu.memory_space<vmem>> -> memref<1x64xf32, #tpu.memory_space<vmem>>
      %dma_wait3A_1853 = arith.constant 0 : i32
      %dma_wait3A_1854 = tpu.memref_slice %arg4[%squeeze3A_319, %dma_wait3A_1853] : memref<1000000x64xf32, #tpu.memory_space<hbm>> -> memref<1x64xf32, #tpu.memory_space<hbm>>
      tpu.wait_dma2 semaphore(%arg12 : memref<!tpu.dma_semaphore, #tpu.memory_space<semaphore_mem>>) src(%dma_wait3A_1854 : memref<1x64xf32, #tpu.memory_space<hbm>>) dst(%dma_wait3A_1852 : memref<1x64xf32, #tpu.memory_space<vmem>>)
      %dma_wait3A_1855 = arith.constant 26 : i32
      %dma_wait3A_1856 = arith.constant 0 : i32
      %dma_wait3A_1857 = tpu.memref_slice %arg10[%dma_wait3A_1855, %dma_wait3A_1856] : memref<64x64xf32, #tpu.memory_space<vmem>> -> memref<1x64xf32, #tpu.memory_space<vmem>>
      %dma_wait3A_1858 = arith.constant 0 : i32
      %dma_wait3A_1859 = tpu.memref_slice %arg4[%squeeze3A_331, %dma_wait3A_1858] : memref<1000000x64xf32, #tpu.memory_space<hbm>> -> memref<1x64xf32, #tpu.memory_space<hbm>>
      %dma_wait3A_1860 = arith.constant 26 : i32
      %dma_wait3A_1861 = arith.constant 0 : i32
      %dma_wait3A_1862 = tpu.memref_slice %arg10[%dma_wait3A_1860, %dma_wait3A_1861] : memref<64x64xf32, #tpu.memory_space<vmem>> -> memref<1x64xf32, #tpu.memory_space<vmem>>
      %dma_wait3A_1863 = arith.constant 0 : i32
      %dma_wait3A_1864 = tpu.memref_slice %arg4[%squeeze3A_331, %dma_wait3A_1863] : memref<1000000x64xf32, #tpu.memory_space<hbm>> -> memref<1x64xf32, #tpu.memory_space<hbm>>
      tpu.wait_dma2 semaphore(%arg12 : memref<!tpu.dma_semaphore, #tpu.memory_space<semaphore_mem>>) src(%dma_wait3A_1864 : memref<1x64xf32, #tpu.memory_space<hbm>>) dst(%dma_wait3A_1862 : memref<1x64xf32, #tpu.memory_space<vmem>>)
      %dma_wait3A_1865 = arith.constant 27 : i32
      %dma_wait3A_1866 = arith.constant 0 : i32
      %dma_wait3A_1867 = tpu.memref_slice %arg10[%dma_wait3A_1865, %dma_wait3A_1866] : memref<64x64xf32, #tpu.memory_space<vmem>> -> memref<1x64xf32, #tpu.memory_space<vmem>>
      %dma_wait3A_1868 = arith.constant 0 : i32
      %dma_wait3A_1869 = tpu.memref_slice %arg4[%squeeze3A_343, %dma_wait3A_1868] : memref<1000000x64xf32, #tpu.memory_space<hbm>> -> memref<1x64xf32, #tpu.memory_space<hbm>>
      %dma_wait3A_1870 = arith.constant 27 : i32
      %dma_wait3A_1871 = arith.constant 0 : i32
      %dma_wait3A_1872 = tpu.memref_slice %arg10[%dma_wait3A_1870, %dma_wait3A_1871] : memref<64x64xf32, #tpu.memory_space<vmem>> -> memref<1x64xf32, #tpu.memory_space<vmem>>
      %dma_wait3A_1873 = arith.constant 0 : i32
      %dma_wait3A_1874 = tpu.memref_slice %arg4[%squeeze3A_343, %dma_wait3A_1873] : memref<1000000x64xf32, #tpu.memory_space<hbm>> -> memref<1x64xf32, #tpu.memory_space<hbm>>
      tpu.wait_dma2 semaphore(%arg12 : memref<!tpu.dma_semaphore, #tpu.memory_space<semaphore_mem>>) src(%dma_wait3A_1874 : memref<1x64xf32, #tpu.memory_space<hbm>>) dst(%dma_wait3A_1872 : memref<1x64xf32, #tpu.memory_space<vmem>>)
      %dma_wait3A_1875 = arith.constant 28 : i32
      %dma_wait3A_1876 = arith.constant 0 : i32
      %dma_wait3A_1877 = tpu.memref_slice %arg10[%dma_wait3A_1875, %dma_wait3A_1876] : memref<64x64xf32, #tpu.memory_space<vmem>> -> memref<1x64xf32, #tpu.memory_space<vmem>>
      %dma_wait3A_1878 = arith.constant 0 : i32
      %dma_wait3A_1879 = tpu.memref_slice %arg4[%squeeze3A_355, %dma_wait3A_1878] : memref<1000000x64xf32, #tpu.memory_space<hbm>> -> memref<1x64xf32, #tpu.memory_space<hbm>>
      %dma_wait3A_1880 = arith.constant 28 : i32
      %dma_wait3A_1881 = arith.constant 0 : i32
      %dma_wait3A_1882 = tpu.memref_slice %arg10[%dma_wait3A_1880, %dma_wait3A_1881] : memref<64x64xf32, #tpu.memory_space<vmem>> -> memref<1x64xf32, #tpu.memory_space<vmem>>
      %dma_wait3A_1883 = arith.constant 0 : i32
      %dma_wait3A_1884 = tpu.memref_slice %arg4[%squeeze3A_355, %dma_wait3A_1883] : memref<1000000x64xf32, #tpu.memory_space<hbm>> -> memref<1x64xf32, #tpu.memory_space<hbm>>
      tpu.wait_dma2 semaphore(%arg12 : memref<!tpu.dma_semaphore, #tpu.memory_space<semaphore_mem>>) src(%dma_wait3A_1884 : memref<1x64xf32, #tpu.memory_space<hbm>>) dst(%dma_wait3A_1882 : memref<1x64xf32, #tpu.memory_space<vmem>>)
      %dma_wait3A_1885 = arith.constant 29 : i32
      %dma_wait3A_1886 = arith.constant 0 : i32
      %dma_wait3A_1887 = tpu.memref_slice %arg10[%dma_wait3A_1885, %dma_wait3A_1886] : memref<64x64xf32, #tpu.memory_space<vmem>> -> memref<1x64xf32, #tpu.memory_space<vmem>>
      %dma_wait3A_1888 = arith.constant 0 : i32
      %dma_wait3A_1889 = tpu.memref_slice %arg4[%squeeze3A_367, %dma_wait3A_1888] : memref<1000000x64xf32, #tpu.memory_space<hbm>> -> memref<1x64xf32, #tpu.memory_space<hbm>>
      %dma_wait3A_1890 = arith.constant 29 : i32
      %dma_wait3A_1891 = arith.constant 0 : i32
      %dma_wait3A_1892 = tpu.memref_slice %arg10[%dma_wait3A_1890, %dma_wait3A_1891] : memref<64x64xf32, #tpu.memory_space<vmem>> -> memref<1x64xf32, #tpu.memory_space<vmem>>
      %dma_wait3A_1893 = arith.constant 0 : i32
      %dma_wait3A_1894 = tpu.memref_slice %arg4[%squeeze3A_367, %dma_wait3A_1893] : memref<1000000x64xf32, #tpu.memory_space<hbm>> -> memref<1x64xf32, #tpu.memory_space<hbm>>
      tpu.wait_dma2 semaphore(%arg12 : memref<!tpu.dma_semaphore, #tpu.memory_space<semaphore_mem>>) src(%dma_wait3A_1894 : memref<1x64xf32, #tpu.memory_space<hbm>>) dst(%dma_wait3A_1892 : memref<1x64xf32, #tpu.memory_space<vmem>>)
      %dma_wait3A_1895 = arith.constant 30 : i32
      %dma_wait3A_1896 = arith.constant 0 : i32
      %dma_wait3A_1897 = tpu.memref_slice %arg10[%dma_wait3A_1895, %dma_wait3A_1896] : memref<64x64xf32, #tpu.memory_space<vmem>> -> memref<1x64xf32, #tpu.memory_space<vmem>>
      %dma_wait3A_1898 = arith.constant 0 : i32
      %dma_wait3A_1899 = tpu.memref_slice %arg4[%squeeze3A_379, %dma_wait3A_1898] : memref<1000000x64xf32, #tpu.memory_space<hbm>> -> memref<1x64xf32, #tpu.memory_space<hbm>>
      %dma_wait3A_1900 = arith.constant 30 : i32
      %dma_wait3A_1901 = arith.constant 0 : i32
      %dma_wait3A_1902 = tpu.memref_slice %arg10[%dma_wait3A_1900, %dma_wait3A_1901] : memref<64x64xf32, #tpu.memory_space<vmem>> -> memref<1x64xf32, #tpu.memory_space<vmem>>
      %dma_wait3A_1903 = arith.constant 0 : i32
      %dma_wait3A_1904 = tpu.memref_slice %arg4[%squeeze3A_379, %dma_wait3A_1903] : memref<1000000x64xf32, #tpu.memory_space<hbm>> -> memref<1x64xf32, #tpu.memory_space<hbm>>
      tpu.wait_dma2 semaphore(%arg12 : memref<!tpu.dma_semaphore, #tpu.memory_space<semaphore_mem>>) src(%dma_wait3A_1904 : memref<1x64xf32, #tpu.memory_space<hbm>>) dst(%dma_wait3A_1902 : memref<1x64xf32, #tpu.memory_space<vmem>>)
      %dma_wait3A_1905 = arith.constant 31 : i32
      %dma_wait3A_1906 = arith.constant 0 : i32
      %dma_wait3A_1907 = tpu.memref_slice %arg10[%dma_wait3A_1905, %dma_wait3A_1906] : memref<64x64xf32, #tpu.memory_space<vmem>> -> memref<1x64xf32, #tpu.memory_space<vmem>>
      %dma_wait3A_1908 = arith.constant 0 : i32
      %dma_wait3A_1909 = tpu.memref_slice %arg4[%squeeze3A_391, %dma_wait3A_1908] : memref<1000000x64xf32, #tpu.memory_space<hbm>> -> memref<1x64xf32, #tpu.memory_space<hbm>>
      %dma_wait3A_1910 = arith.constant 31 : i32
      %dma_wait3A_1911 = arith.constant 0 : i32
      %dma_wait3A_1912 = tpu.memref_slice %arg10[%dma_wait3A_1910, %dma_wait3A_1911] : memref<64x64xf32, #tpu.memory_space<vmem>> -> memref<1x64xf32, #tpu.memory_space<vmem>>
      %dma_wait3A_1913 = arith.constant 0 : i32
      %dma_wait3A_1914 = tpu.memref_slice %arg4[%squeeze3A_391, %dma_wait3A_1913] : memref<1000000x64xf32, #tpu.memory_space<hbm>> -> memref<1x64xf32, #tpu.memory_space<hbm>>
      tpu.wait_dma2 semaphore(%arg12 : memref<!tpu.dma_semaphore, #tpu.memory_space<semaphore_mem>>) src(%dma_wait3A_1914 : memref<1x64xf32, #tpu.memory_space<hbm>>) dst(%dma_wait3A_1912 : memref<1x64xf32, #tpu.memory_space<vmem>>)
      %dma_wait3A_1915 = arith.constant 32 : i32
      %dma_wait3A_1916 = arith.constant 0 : i32
      %dma_wait3A_1917 = tpu.memref_slice %arg10[%dma_wait3A_1915, %dma_wait3A_1916] : memref<64x64xf32, #tpu.memory_space<vmem>> -> memref<1x64xf32, #tpu.memory_space<vmem>>
      %dma_wait3A_1918 = arith.constant 0 : i32
      %dma_wait3A_1919 = tpu.memref_slice %arg4[%squeeze3A_410, %dma_wait3A_1918] : memref<1000000x64xf32, #tpu.memory_space<hbm>> -> memref<1x64xf32, #tpu.memory_space<hbm>>
      %dma_wait3A_1920 = arith.constant 32 : i32
      %dma_wait3A_1921 = arith.constant 0 : i32
      %dma_wait3A_1922 = tpu.memref_slice %arg10[%dma_wait3A_1920, %dma_wait3A_1921] : memref<64x64xf32, #tpu.memory_space<vmem>> -> memref<1x64xf32, #tpu.memory_space<vmem>>
      %dma_wait3A_1923 = arith.constant 0 : i32
      %dma_wait3A_1924 = tpu.memref_slice %arg4[%squeeze3A_410, %dma_wait3A_1923] : memref<1000000x64xf32, #tpu.memory_space<hbm>> -> memref<1x64xf32, #tpu.memory_space<hbm>>
      tpu.wait_dma2 semaphore(%arg12 : memref<!tpu.dma_semaphore, #tpu.memory_space<semaphore_mem>>) src(%dma_wait3A_1924 : memref<1x64xf32, #tpu.memory_space<hbm>>) dst(%dma_wait3A_1922 : memref<1x64xf32, #tpu.memory_space<vmem>>)
      %dma_wait3A_1925 = arith.constant 33 : i32
      %dma_wait3A_1926 = arith.constant 0 : i32
      %dma_wait3A_1927 = tpu.memref_slice %arg10[%dma_wait3A_1925, %dma_wait3A_1926] : memref<64x64xf32, #tpu.memory_space<vmem>> -> memref<1x64xf32, #tpu.memory_space<vmem>>
      %dma_wait3A_1928 = arith.constant 0 : i32
      %dma_wait3A_1929 = tpu.memref_slice %arg4[%squeeze3A_422, %dma_wait3A_1928] : memref<1000000x64xf32, #tpu.memory_space<hbm>> -> memref<1x64xf32, #tpu.memory_space<hbm>>
      %dma_wait3A_1930 = arith.constant 33 : i32
      %dma_wait3A_1931 = arith.constant 0 : i32
      %dma_wait3A_1932 = tpu.memref_slice %arg10[%dma_wait3A_1930, %dma_wait3A_1931] : memref<64x64xf32, #tpu.memory_space<vmem>> -> memref<1x64xf32, #tpu.memory_space<vmem>>
      %dma_wait3A_1933 = arith.constant 0 : i32
      %dma_wait3A_1934 = tpu.memref_slice %arg4[%squeeze3A_422, %dma_wait3A_1933] : memref<1000000x64xf32, #tpu.memory_space<hbm>> -> memref<1x64xf32, #tpu.memory_space<hbm>>
      tpu.wait_dma2 semaphore(%arg12 : memref<!tpu.dma_semaphore, #tpu.memory_space<semaphore_mem>>) src(%dma_wait3A_1934 : memref<1x64xf32, #tpu.memory_space<hbm>>) dst(%dma_wait3A_1932 : memref<1x64xf32, #tpu.memory_space<vmem>>)
      %dma_wait3A_1935 = arith.constant 34 : i32
      %dma_wait3A_1936 = arith.constant 0 : i32
      %dma_wait3A_1937 = tpu.memref_slice %arg10[%dma_wait3A_1935, %dma_wait3A_1936] : memref<64x64xf32, #tpu.memory_space<vmem>> -> memref<1x64xf32, #tpu.memory_space<vmem>>
      %dma_wait3A_1938 = arith.constant 0 : i32
      %dma_wait3A_1939 = tpu.memref_slice %arg4[%squeeze3A_434, %dma_wait3A_1938] : memref<1000000x64xf32, #tpu.memory_space<hbm>> -> memref<1x64xf32, #tpu.memory_space<hbm>>
      %dma_wait3A_1940 = arith.constant 34 : i32
      %dma_wait3A_1941 = arith.constant 0 : i32
      %dma_wait3A_1942 = tpu.memref_slice %arg10[%dma_wait3A_1940, %dma_wait3A_1941] : memref<64x64xf32, #tpu.memory_space<vmem>> -> memref<1x64xf32, #tpu.memory_space<vmem>>
      %dma_wait3A_1943 = arith.constant 0 : i32
      %dma_wait3A_1944 = tpu.memref_slice %arg4[%squeeze3A_434, %dma_wait3A_1943] : memref<1000000x64xf32, #tpu.memory_space<hbm>> -> memref<1x64xf32, #tpu.memory_space<hbm>>
      tpu.wait_dma2 semaphore(%arg12 : memref<!tpu.dma_semaphore, #tpu.memory_space<semaphore_mem>>) src(%dma_wait3A_1944 : memref<1x64xf32, #tpu.memory_space<hbm>>) dst(%dma_wait3A_1942 : memref<1x64xf32, #tpu.memory_space<vmem>>)
      %dma_wait3A_1945 = arith.constant 35 : i32
      %dma_wait3A_1946 = arith.constant 0 : i32
      %dma_wait3A_1947 = tpu.memref_slice %arg10[%dma_wait3A_1945, %dma_wait3A_1946] : memref<64x64xf32, #tpu.memory_space<vmem>> -> memref<1x64xf32, #tpu.memory_space<vmem>>
      %dma_wait3A_1948 = arith.constant 0 : i32
      %dma_wait3A_1949 = tpu.memref_slice %arg4[%squeeze3A_446, %dma_wait3A_1948] : memref<1000000x64xf32, #tpu.memory_space<hbm>> -> memref<1x64xf32, #tpu.memory_space<hbm>>
      %dma_wait3A_1950 = arith.constant 35 : i32
      %dma_wait3A_1951 = arith.constant 0 : i32
      %dma_wait3A_1952 = tpu.memref_slice %arg10[%dma_wait3A_1950, %dma_wait3A_1951] : memref<64x64xf32, #tpu.memory_space<vmem>> -> memref<1x64xf32, #tpu.memory_space<vmem>>
      %dma_wait3A_1953 = arith.constant 0 : i32
      %dma_wait3A_1954 = tpu.memref_slice %arg4[%squeeze3A_446, %dma_wait3A_1953] : memref<1000000x64xf32, #tpu.memory_space<hbm>> -> memref<1x64xf32, #tpu.memory_space<hbm>>
      tpu.wait_dma2 semaphore(%arg12 : memref<!tpu.dma_semaphore, #tpu.memory_space<semaphore_mem>>) src(%dma_wait3A_1954 : memref<1x64xf32, #tpu.memory_space<hbm>>) dst(%dma_wait3A_1952 : memref<1x64xf32, #tpu.memory_space<vmem>>)
      %dma_wait3A_1955 = arith.constant 36 : i32
      %dma_wait3A_1956 = arith.constant 0 : i32
      %dma_wait3A_1957 = tpu.memref_slice %arg10[%dma_wait3A_1955, %dma_wait3A_1956] : memref<64x64xf32, #tpu.memory_space<vmem>> -> memref<1x64xf32, #tpu.memory_space<vmem>>
      %dma_wait3A_1958 = arith.constant 0 : i32
      %dma_wait3A_1959 = tpu.memref_slice %arg4[%squeeze3A_458, %dma_wait3A_1958] : memref<1000000x64xf32, #tpu.memory_space<hbm>> -> memref<1x64xf32, #tpu.memory_space<hbm>>
      %dma_wait3A_1960 = arith.constant 36 : i32
      %dma_wait3A_1961 = arith.constant 0 : i32
      %dma_wait3A_1962 = tpu.memref_slice %arg10[%dma_wait3A_1960, %dma_wait3A_1961] : memref<64x64xf32, #tpu.memory_space<vmem>> -> memref<1x64xf32, #tpu.memory_space<vmem>>
      %dma_wait3A_1963 = arith.constant 0 : i32
      %dma_wait3A_1964 = tpu.memref_slice %arg4[%squeeze3A_458, %dma_wait3A_1963] : memref<1000000x64xf32, #tpu.memory_space<hbm>> -> memref<1x64xf32, #tpu.memory_space<hbm>>
      tpu.wait_dma2 semaphore(%arg12 : memref<!tpu.dma_semaphore, #tpu.memory_space<semaphore_mem>>) src(%dma_wait3A_1964 : memref<1x64xf32, #tpu.memory_space<hbm>>) dst(%dma_wait3A_1962 : memref<1x64xf32, #tpu.memory_space<vmem>>)
      %dma_wait3A_1965 = arith.constant 37 : i32
      %dma_wait3A_1966 = arith.constant 0 : i32
      %dma_wait3A_1967 = tpu.memref_slice %arg10[%dma_wait3A_1965, %dma_wait3A_1966] : memref<64x64xf32, #tpu.memory_space<vmem>> -> memref<1x64xf32, #tpu.memory_space<vmem>>
      %dma_wait3A_1968 = arith.constant 0 : i32
      %dma_wait3A_1969 = tpu.memref_slice %arg4[%squeeze3A_470, %dma_wait3A_1968] : memref<1000000x64xf32, #tpu.memory_space<hbm>> -> memref<1x64xf32, #tpu.memory_space<hbm>>
      %dma_wait3A_1970 = arith.constant 37 : i32
      %dma_wait3A_1971 = arith.constant 0 : i32
      %dma_wait3A_1972 = tpu.memref_slice %arg10[%dma_wait3A_1970, %dma_wait3A_1971] : memref<64x64xf32, #tpu.memory_space<vmem>> -> memref<1x64xf32, #tpu.memory_space<vmem>>
      %dma_wait3A_1973 = arith.constant 0 : i32
      %dma_wait3A_1974 = tpu.memref_slice %arg4[%squeeze3A_470, %dma_wait3A_1973] : memref<1000000x64xf32, #tpu.memory_space<hbm>> -> memref<1x64xf32, #tpu.memory_space<hbm>>
      tpu.wait_dma2 semaphore(%arg12 : memref<!tpu.dma_semaphore, #tpu.memory_space<semaphore_mem>>) src(%dma_wait3A_1974 : memref<1x64xf32, #tpu.memory_space<hbm>>) dst(%dma_wait3A_1972 : memref<1x64xf32, #tpu.memory_space<vmem>>)
      %dma_wait3A_1975 = arith.constant 38 : i32
      %dma_wait3A_1976 = arith.constant 0 : i32
      %dma_wait3A_1977 = tpu.memref_slice %arg10[%dma_wait3A_1975, %dma_wait3A_1976] : memref<64x64xf32, #tpu.memory_space<vmem>> -> memref<1x64xf32, #tpu.memory_space<vmem>>
      %dma_wait3A_1978 = arith.constant 0 : i32
      %dma_wait3A_1979 = tpu.memref_slice %arg4[%squeeze3A_482, %dma_wait3A_1978] : memref<1000000x64xf32, #tpu.memory_space<hbm>> -> memref<1x64xf32, #tpu.memory_space<hbm>>
      %dma_wait3A_1980 = arith.constant 38 : i32
      %dma_wait3A_1981 = arith.constant 0 : i32
      %dma_wait3A_1982 = tpu.memref_slice %arg10[%dma_wait3A_1980, %dma_wait3A_1981] : memref<64x64xf32, #tpu.memory_space<vmem>> -> memref<1x64xf32, #tpu.memory_space<vmem>>
      %dma_wait3A_1983 = arith.constant 0 : i32
      %dma_wait3A_1984 = tpu.memref_slice %arg4[%squeeze3A_482, %dma_wait3A_1983] : memref<1000000x64xf32, #tpu.memory_space<hbm>> -> memref<1x64xf32, #tpu.memory_space<hbm>>
      tpu.wait_dma2 semaphore(%arg12 : memref<!tpu.dma_semaphore, #tpu.memory_space<semaphore_mem>>) src(%dma_wait3A_1984 : memref<1x64xf32, #tpu.memory_space<hbm>>) dst(%dma_wait3A_1982 : memref<1x64xf32, #tpu.memory_space<vmem>>)
      %dma_wait3A_1985 = arith.constant 39 : i32
      %dma_wait3A_1986 = arith.constant 0 : i32
      %dma_wait3A_1987 = tpu.memref_slice %arg10[%dma_wait3A_1985, %dma_wait3A_1986] : memref<64x64xf32, #tpu.memory_space<vmem>> -> memref<1x64xf32, #tpu.memory_space<vmem>>
      %dma_wait3A_1988 = arith.constant 0 : i32
      %dma_wait3A_1989 = tpu.memref_slice %arg4[%squeeze3A_494, %dma_wait3A_1988] : memref<1000000x64xf32, #tpu.memory_space<hbm>> -> memref<1x64xf32, #tpu.memory_space<hbm>>
      %dma_wait3A_1990 = arith.constant 39 : i32
      %dma_wait3A_1991 = arith.constant 0 : i32
      %dma_wait3A_1992 = tpu.memref_slice %arg10[%dma_wait3A_1990, %dma_wait3A_1991] : memref<64x64xf32, #tpu.memory_space<vmem>> -> memref<1x64xf32, #tpu.memory_space<vmem>>
      %dma_wait3A_1993 = arith.constant 0 : i32
      %dma_wait3A_1994 = tpu.memref_slice %arg4[%squeeze3A_494, %dma_wait3A_1993] : memref<1000000x64xf32, #tpu.memory_space<hbm>> -> memref<1x64xf32, #tpu.memory_space<hbm>>
      tpu.wait_dma2 semaphore(%arg12 : memref<!tpu.dma_semaphore, #tpu.memory_space<semaphore_mem>>) src(%dma_wait3A_1994 : memref<1x64xf32, #tpu.memory_space<hbm>>) dst(%dma_wait3A_1992 : memref<1x64xf32, #tpu.memory_space<vmem>>)
      %dma_wait3A_1995 = arith.constant 40 : i32
      %dma_wait3A_1996 = arith.constant 0 : i32
      %dma_wait3A_1997 = tpu.memref_slice %arg10[%dma_wait3A_1995, %dma_wait3A_1996] : memref<64x64xf32, #tpu.memory_space<vmem>> -> memref<1x64xf32, #tpu.memory_space<vmem>>
      %dma_wait3A_1998 = arith.constant 0 : i32
      %dma_wait3A_1999 = tpu.memref_slice %arg4[%squeeze3A_506, %dma_wait3A_1998] : memref<1000000x64xf32, #tpu.memory_space<hbm>> -> memref<1x64xf32, #tpu.memory_space<hbm>>
      %dma_wait3A_2000 = arith.constant 40 : i32
      %dma_wait3A_2001 = arith.constant 0 : i32
      %dma_wait3A_2002 = tpu.memref_slice %arg10[%dma_wait3A_2000, %dma_wait3A_2001] : memref<64x64xf32, #tpu.memory_space<vmem>> -> memref<1x64xf32, #tpu.memory_space<vmem>>
      %dma_wait3A_2003 = arith.constant 0 : i32
      %dma_wait3A_2004 = tpu.memref_slice %arg4[%squeeze3A_506, %dma_wait3A_2003] : memref<1000000x64xf32, #tpu.memory_space<hbm>> -> memref<1x64xf32, #tpu.memory_space<hbm>>
      tpu.wait_dma2 semaphore(%arg12 : memref<!tpu.dma_semaphore, #tpu.memory_space<semaphore_mem>>) src(%dma_wait3A_2004 : memref<1x64xf32, #tpu.memory_space<hbm>>) dst(%dma_wait3A_2002 : memref<1x64xf32, #tpu.memory_space<vmem>>)
      %dma_wait3A_2005 = arith.constant 41 : i32
      %dma_wait3A_2006 = arith.constant 0 : i32
      %dma_wait3A_2007 = tpu.memref_slice %arg10[%dma_wait3A_2005, %dma_wait3A_2006] : memref<64x64xf32, #tpu.memory_space<vmem>> -> memref<1x64xf32, #tpu.memory_space<vmem>>
      %dma_wait3A_2008 = arith.constant 0 : i32
      %dma_wait3A_2009 = tpu.memref_slice %arg4[%squeeze3A_518, %dma_wait3A_2008] : memref<1000000x64xf32, #tpu.memory_space<hbm>> -> memref<1x64xf32, #tpu.memory_space<hbm>>
      %dma_wait3A_2010 = arith.constant 41 : i32
      %dma_wait3A_2011 = arith.constant 0 : i32
      %dma_wait3A_2012 = tpu.memref_slice %arg10[%dma_wait3A_2010, %dma_wait3A_2011] : memref<64x64xf32, #tpu.memory_space<vmem>> -> memref<1x64xf32, #tpu.memory_space<vmem>>
      %dma_wait3A_2013 = arith.constant 0 : i32
      %dma_wait3A_2014 = tpu.memref_slice %arg4[%squeeze3A_518, %dma_wait3A_2013] : memref<1000000x64xf32, #tpu.memory_space<hbm>> -> memref<1x64xf32, #tpu.memory_space<hbm>>
      tpu.wait_dma2 semaphore(%arg12 : memref<!tpu.dma_semaphore, #tpu.memory_space<semaphore_mem>>) src(%dma_wait3A_2014 : memref<1x64xf32, #tpu.memory_space<hbm>>) dst(%dma_wait3A_2012 : memref<1x64xf32, #tpu.memory_space<vmem>>)
      %dma_wait3A_2015 = arith.constant 42 : i32
      %dma_wait3A_2016 = arith.constant 0 : i32
      %dma_wait3A_2017 = tpu.memref_slice %arg10[%dma_wait3A_2015, %dma_wait3A_2016] : memref<64x64xf32, #tpu.memory_space<vmem>> -> memref<1x64xf32, #tpu.memory_space<vmem>>
      %dma_wait3A_2018 = arith.constant 0 : i32
      %dma_wait3A_2019 = tpu.memref_slice %arg4[%squeeze3A_530, %dma_wait3A_2018] : memref<1000000x64xf32, #tpu.memory_space<hbm>> -> memref<1x64xf32, #tpu.memory_space<hbm>>
      %dma_wait3A_2020 = arith.constant 42 : i32
      %dma_wait3A_2021 = arith.constant 0 : i32
      %dma_wait3A_2022 = tpu.memref_slice %arg10[%dma_wait3A_2020, %dma_wait3A_2021] : memref<64x64xf32, #tpu.memory_space<vmem>> -> memref<1x64xf32, #tpu.memory_space<vmem>>
      %dma_wait3A_2023 = arith.constant 0 : i32
      %dma_wait3A_2024 = tpu.memref_slice %arg4[%squeeze3A_530, %dma_wait3A_2023] : memref<1000000x64xf32, #tpu.memory_space<hbm>> -> memref<1x64xf32, #tpu.memory_space<hbm>>
      tpu.wait_dma2 semaphore(%arg12 : memref<!tpu.dma_semaphore, #tpu.memory_space<semaphore_mem>>) src(%dma_wait3A_2024 : memref<1x64xf32, #tpu.memory_space<hbm>>) dst(%dma_wait3A_2022 : memref<1x64xf32, #tpu.memory_space<vmem>>)
      %dma_wait3A_2025 = arith.constant 43 : i32
      %dma_wait3A_2026 = arith.constant 0 : i32
      %dma_wait3A_2027 = tpu.memref_slice %arg10[%dma_wait3A_2025, %dma_wait3A_2026] : memref<64x64xf32, #tpu.memory_space<vmem>> -> memref<1x64xf32, #tpu.memory_space<vmem>>
      %dma_wait3A_2028 = arith.constant 0 : i32
      %dma_wait3A_2029 = tpu.memref_slice %arg4[%squeeze3A_542, %dma_wait3A_2028] : memref<1000000x64xf32, #tpu.memory_space<hbm>> -> memref<1x64xf32, #tpu.memory_space<hbm>>
      %dma_wait3A_2030 = arith.constant 43 : i32
      %dma_wait3A_2031 = arith.constant 0 : i32
      %dma_wait3A_2032 = tpu.memref_slice %arg10[%dma_wait3A_2030, %dma_wait3A_2031] : memref<64x64xf32, #tpu.memory_space<vmem>> -> memref<1x64xf32, #tpu.memory_space<vmem>>
      %dma_wait3A_2033 = arith.constant 0 : i32
      %dma_wait3A_2034 = tpu.memref_slice %arg4[%squeeze3A_542, %dma_wait3A_2033] : memref<1000000x64xf32, #tpu.memory_space<hbm>> -> memref<1x64xf32, #tpu.memory_space<hbm>>
      tpu.wait_dma2 semaphore(%arg12 : memref<!tpu.dma_semaphore, #tpu.memory_space<semaphore_mem>>) src(%dma_wait3A_2034 : memref<1x64xf32, #tpu.memory_space<hbm>>) dst(%dma_wait3A_2032 : memref<1x64xf32, #tpu.memory_space<vmem>>)
      %dma_wait3A_2035 = arith.constant 44 : i32
      %dma_wait3A_2036 = arith.constant 0 : i32
      %dma_wait3A_2037 = tpu.memref_slice %arg10[%dma_wait3A_2035, %dma_wait3A_2036] : memref<64x64xf32, #tpu.memory_space<vmem>> -> memref<1x64xf32, #tpu.memory_space<vmem>>
      %dma_wait3A_2038 = arith.constant 0 : i32
      %dma_wait3A_2039 = tpu.memref_slice %arg4[%squeeze3A_554, %dma_wait3A_2038] : memref<1000000x64xf32, #tpu.memory_space<hbm>> -> memref<1x64xf32, #tpu.memory_space<hbm>>
      %dma_wait3A_2040 = arith.constant 44 : i32
      %dma_wait3A_2041 = arith.constant 0 : i32
      %dma_wait3A_2042 = tpu.memref_slice %arg10[%dma_wait3A_2040, %dma_wait3A_2041] : memref<64x64xf32, #tpu.memory_space<vmem>> -> memref<1x64xf32, #tpu.memory_space<vmem>>
      %dma_wait3A_2043 = arith.constant 0 : i32
      %dma_wait3A_2044 = tpu.memref_slice %arg4[%squeeze3A_554, %dma_wait3A_2043] : memref<1000000x64xf32, #tpu.memory_space<hbm>> -> memref<1x64xf32, #tpu.memory_space<hbm>>
      tpu.wait_dma2 semaphore(%arg12 : memref<!tpu.dma_semaphore, #tpu.memory_space<semaphore_mem>>) src(%dma_wait3A_2044 : memref<1x64xf32, #tpu.memory_space<hbm>>) dst(%dma_wait3A_2042 : memref<1x64xf32, #tpu.memory_space<vmem>>)
      %dma_wait3A_2045 = arith.constant 45 : i32
      %dma_wait3A_2046 = arith.constant 0 : i32
      %dma_wait3A_2047 = tpu.memref_slice %arg10[%dma_wait3A_2045, %dma_wait3A_2046] : memref<64x64xf32, #tpu.memory_space<vmem>> -> memref<1x64xf32, #tpu.memory_space<vmem>>
      %dma_wait3A_2048 = arith.constant 0 : i32
      %dma_wait3A_2049 = tpu.memref_slice %arg4[%squeeze3A_566, %dma_wait3A_2048] : memref<1000000x64xf32, #tpu.memory_space<hbm>> -> memref<1x64xf32, #tpu.memory_space<hbm>>
      %dma_wait3A_2050 = arith.constant 45 : i32
      %dma_wait3A_2051 = arith.constant 0 : i32
      %dma_wait3A_2052 = tpu.memref_slice %arg10[%dma_wait3A_2050, %dma_wait3A_2051] : memref<64x64xf32, #tpu.memory_space<vmem>> -> memref<1x64xf32, #tpu.memory_space<vmem>>
      %dma_wait3A_2053 = arith.constant 0 : i32
      %dma_wait3A_2054 = tpu.memref_slice %arg4[%squeeze3A_566, %dma_wait3A_2053] : memref<1000000x64xf32, #tpu.memory_space<hbm>> -> memref<1x64xf32, #tpu.memory_space<hbm>>
      tpu.wait_dma2 semaphore(%arg12 : memref<!tpu.dma_semaphore, #tpu.memory_space<semaphore_mem>>) src(%dma_wait3A_2054 : memref<1x64xf32, #tpu.memory_space<hbm>>) dst(%dma_wait3A_2052 : memref<1x64xf32, #tpu.memory_space<vmem>>)
      %dma_wait3A_2055 = arith.constant 46 : i32
      %dma_wait3A_2056 = arith.constant 0 : i32
      %dma_wait3A_2057 = tpu.memref_slice %arg10[%dma_wait3A_2055, %dma_wait3A_2056] : memref<64x64xf32, #tpu.memory_space<vmem>> -> memref<1x64xf32, #tpu.memory_space<vmem>>
      %dma_wait3A_2058 = arith.constant 0 : i32
      %dma_wait3A_2059 = tpu.memref_slice %arg4[%squeeze3A_578, %dma_wait3A_2058] : memref<1000000x64xf32, #tpu.memory_space<hbm>> -> memref<1x64xf32, #tpu.memory_space<hbm>>
      %dma_wait3A_2060 = arith.constant 46 : i32
      %dma_wait3A_2061 = arith.constant 0 : i32
      %dma_wait3A_2062 = tpu.memref_slice %arg10[%dma_wait3A_2060, %dma_wait3A_2061] : memref<64x64xf32, #tpu.memory_space<vmem>> -> memref<1x64xf32, #tpu.memory_space<vmem>>
      %dma_wait3A_2063 = arith.constant 0 : i32
      %dma_wait3A_2064 = tpu.memref_slice %arg4[%squeeze3A_578, %dma_wait3A_2063] : memref<1000000x64xf32, #tpu.memory_space<hbm>> -> memref<1x64xf32, #tpu.memory_space<hbm>>
      tpu.wait_dma2 semaphore(%arg12 : memref<!tpu.dma_semaphore, #tpu.memory_space<semaphore_mem>>) src(%dma_wait3A_2064 : memref<1x64xf32, #tpu.memory_space<hbm>>) dst(%dma_wait3A_2062 : memref<1x64xf32, #tpu.memory_space<vmem>>)
      %dma_wait3A_2065 = arith.constant 47 : i32
      %dma_wait3A_2066 = arith.constant 0 : i32
      %dma_wait3A_2067 = tpu.memref_slice %arg10[%dma_wait3A_2065, %dma_wait3A_2066] : memref<64x64xf32, #tpu.memory_space<vmem>> -> memref<1x64xf32, #tpu.memory_space<vmem>>
      %dma_wait3A_2068 = arith.constant 0 : i32
      %dma_wait3A_2069 = tpu.memref_slice %arg4[%squeeze3A_590, %dma_wait3A_2068] : memref<1000000x64xf32, #tpu.memory_space<hbm>> -> memref<1x64xf32, #tpu.memory_space<hbm>>
      %dma_wait3A_2070 = arith.constant 47 : i32
      %dma_wait3A_2071 = arith.constant 0 : i32
      %dma_wait3A_2072 = tpu.memref_slice %arg10[%dma_wait3A_2070, %dma_wait3A_2071] : memref<64x64xf32, #tpu.memory_space<vmem>> -> memref<1x64xf32, #tpu.memory_space<vmem>>
      %dma_wait3A_2073 = arith.constant 0 : i32
      %dma_wait3A_2074 = tpu.memref_slice %arg4[%squeeze3A_590, %dma_wait3A_2073] : memref<1000000x64xf32, #tpu.memory_space<hbm>> -> memref<1x64xf32, #tpu.memory_space<hbm>>
      tpu.wait_dma2 semaphore(%arg12 : memref<!tpu.dma_semaphore, #tpu.memory_space<semaphore_mem>>) src(%dma_wait3A_2074 : memref<1x64xf32, #tpu.memory_space<hbm>>) dst(%dma_wait3A_2072 : memref<1x64xf32, #tpu.memory_space<vmem>>)
      %dma_wait3A_2075 = arith.constant 48 : i32
      %dma_wait3A_2076 = arith.constant 0 : i32
      %dma_wait3A_2077 = tpu.memref_slice %arg10[%dma_wait3A_2075, %dma_wait3A_2076] : memref<64x64xf32, #tpu.memory_space<vmem>> -> memref<1x64xf32, #tpu.memory_space<vmem>>
      %dma_wait3A_2078 = arith.constant 0 : i32
      %dma_wait3A_2079 = tpu.memref_slice %arg4[%squeeze3A_609, %dma_wait3A_2078] : memref<1000000x64xf32, #tpu.memory_space<hbm>> -> memref<1x64xf32, #tpu.memory_space<hbm>>
      %dma_wait3A_2080 = arith.constant 48 : i32
      %dma_wait3A_2081 = arith.constant 0 : i32
      %dma_wait3A_2082 = tpu.memref_slice %arg10[%dma_wait3A_2080, %dma_wait3A_2081] : memref<64x64xf32, #tpu.memory_space<vmem>> -> memref<1x64xf32, #tpu.memory_space<vmem>>
      %dma_wait3A_2083 = arith.constant 0 : i32
      %dma_wait3A_2084 = tpu.memref_slice %arg4[%squeeze3A_609, %dma_wait3A_2083] : memref<1000000x64xf32, #tpu.memory_space<hbm>> -> memref<1x64xf32, #tpu.memory_space<hbm>>
      tpu.wait_dma2 semaphore(%arg12 : memref<!tpu.dma_semaphore, #tpu.memory_space<semaphore_mem>>) src(%dma_wait3A_2084 : memref<1x64xf32, #tpu.memory_space<hbm>>) dst(%dma_wait3A_2082 : memref<1x64xf32, #tpu.memory_space<vmem>>)
      %dma_wait3A_2085 = arith.constant 49 : i32
      %dma_wait3A_2086 = arith.constant 0 : i32
      %dma_wait3A_2087 = tpu.memref_slice %arg10[%dma_wait3A_2085, %dma_wait3A_2086] : memref<64x64xf32, #tpu.memory_space<vmem>> -> memref<1x64xf32, #tpu.memory_space<vmem>>
      %dma_wait3A_2088 = arith.constant 0 : i32
      %dma_wait3A_2089 = tpu.memref_slice %arg4[%squeeze3A_621, %dma_wait3A_2088] : memref<1000000x64xf32, #tpu.memory_space<hbm>> -> memref<1x64xf32, #tpu.memory_space<hbm>>
      %dma_wait3A_2090 = arith.constant 49 : i32
      %dma_wait3A_2091 = arith.constant 0 : i32
      %dma_wait3A_2092 = tpu.memref_slice %arg10[%dma_wait3A_2090, %dma_wait3A_2091] : memref<64x64xf32, #tpu.memory_space<vmem>> -> memref<1x64xf32, #tpu.memory_space<vmem>>
      %dma_wait3A_2093 = arith.constant 0 : i32
      %dma_wait3A_2094 = tpu.memref_slice %arg4[%squeeze3A_621, %dma_wait3A_2093] : memref<1000000x64xf32, #tpu.memory_space<hbm>> -> memref<1x64xf32, #tpu.memory_space<hbm>>
      tpu.wait_dma2 semaphore(%arg12 : memref<!tpu.dma_semaphore, #tpu.memory_space<semaphore_mem>>) src(%dma_wait3A_2094 : memref<1x64xf32, #tpu.memory_space<hbm>>) dst(%dma_wait3A_2092 : memref<1x64xf32, #tpu.memory_space<vmem>>)
      %dma_wait3A_2095 = arith.constant 50 : i32
      %dma_wait3A_2096 = arith.constant 0 : i32
      %dma_wait3A_2097 = tpu.memref_slice %arg10[%dma_wait3A_2095, %dma_wait3A_2096] : memref<64x64xf32, #tpu.memory_space<vmem>> -> memref<1x64xf32, #tpu.memory_space<vmem>>
      %dma_wait3A_2098 = arith.constant 0 : i32
      %dma_wait3A_2099 = tpu.memref_slice %arg4[%squeeze3A_633, %dma_wait3A_2098] : memref<1000000x64xf32, #tpu.memory_space<hbm>> -> memref<1x64xf32, #tpu.memory_space<hbm>>
      %dma_wait3A_2100 = arith.constant 50 : i32
      %dma_wait3A_2101 = arith.constant 0 : i32
      %dma_wait3A_2102 = tpu.memref_slice %arg10[%dma_wait3A_2100, %dma_wait3A_2101] : memref<64x64xf32, #tpu.memory_space<vmem>> -> memref<1x64xf32, #tpu.memory_space<vmem>>
      %dma_wait3A_2103 = arith.constant 0 : i32
      %dma_wait3A_2104 = tpu.memref_slice %arg4[%squeeze3A_633, %dma_wait3A_2103] : memref<1000000x64xf32, #tpu.memory_space<hbm>> -> memref<1x64xf32, #tpu.memory_space<hbm>>
      tpu.wait_dma2 semaphore(%arg12 : memref<!tpu.dma_semaphore, #tpu.memory_space<semaphore_mem>>) src(%dma_wait3A_2104 : memref<1x64xf32, #tpu.memory_space<hbm>>) dst(%dma_wait3A_2102 : memref<1x64xf32, #tpu.memory_space<vmem>>)
      %dma_wait3A_2105 = arith.constant 51 : i32
      %dma_wait3A_2106 = arith.constant 0 : i32
      %dma_wait3A_2107 = tpu.memref_slice %arg10[%dma_wait3A_2105, %dma_wait3A_2106] : memref<64x64xf32, #tpu.memory_space<vmem>> -> memref<1x64xf32, #tpu.memory_space<vmem>>
      %dma_wait3A_2108 = arith.constant 0 : i32
      %dma_wait3A_2109 = tpu.memref_slice %arg4[%squeeze3A_645, %dma_wait3A_2108] : memref<1000000x64xf32, #tpu.memory_space<hbm>> -> memref<1x64xf32, #tpu.memory_space<hbm>>
      %dma_wait3A_2110 = arith.constant 51 : i32
      %dma_wait3A_2111 = arith.constant 0 : i32
      %dma_wait3A_2112 = tpu.memref_slice %arg10[%dma_wait3A_2110, %dma_wait3A_2111] : memref<64x64xf32, #tpu.memory_space<vmem>> -> memref<1x64xf32, #tpu.memory_space<vmem>>
      %dma_wait3A_2113 = arith.constant 0 : i32
      %dma_wait3A_2114 = tpu.memref_slice %arg4[%squeeze3A_645, %dma_wait3A_2113] : memref<1000000x64xf32, #tpu.memory_space<hbm>> -> memref<1x64xf32, #tpu.memory_space<hbm>>
      tpu.wait_dma2 semaphore(%arg12 : memref<!tpu.dma_semaphore, #tpu.memory_space<semaphore_mem>>) src(%dma_wait3A_2114 : memref<1x64xf32, #tpu.memory_space<hbm>>) dst(%dma_wait3A_2112 : memref<1x64xf32, #tpu.memory_space<vmem>>)
      %dma_wait3A_2115 = arith.constant 52 : i32
      %dma_wait3A_2116 = arith.constant 0 : i32
      %dma_wait3A_2117 = tpu.memref_slice %arg10[%dma_wait3A_2115, %dma_wait3A_2116] : memref<64x64xf32, #tpu.memory_space<vmem>> -> memref<1x64xf32, #tpu.memory_space<vmem>>
      %dma_wait3A_2118 = arith.constant 0 : i32
      %dma_wait3A_2119 = tpu.memref_slice %arg4[%squeeze3A_657, %dma_wait3A_2118] : memref<1000000x64xf32, #tpu.memory_space<hbm>> -> memref<1x64xf32, #tpu.memory_space<hbm>>
      %dma_wait3A_2120 = arith.constant 52 : i32
      %dma_wait3A_2121 = arith.constant 0 : i32
      %dma_wait3A_2122 = tpu.memref_slice %arg10[%dma_wait3A_2120, %dma_wait3A_2121] : memref<64x64xf32, #tpu.memory_space<vmem>> -> memref<1x64xf32, #tpu.memory_space<vmem>>
      %dma_wait3A_2123 = arith.constant 0 : i32
      %dma_wait3A_2124 = tpu.memref_slice %arg4[%squeeze3A_657, %dma_wait3A_2123] : memref<1000000x64xf32, #tpu.memory_space<hbm>> -> memref<1x64xf32, #tpu.memory_space<hbm>>
      tpu.wait_dma2 semaphore(%arg12 : memref<!tpu.dma_semaphore, #tpu.memory_space<semaphore_mem>>) src(%dma_wait3A_2124 : memref<1x64xf32, #tpu.memory_space<hbm>>) dst(%dma_wait3A_2122 : memref<1x64xf32, #tpu.memory_space<vmem>>)
      %dma_wait3A_2125 = arith.constant 53 : i32
      %dma_wait3A_2126 = arith.constant 0 : i32
      %dma_wait3A_2127 = tpu.memref_slice %arg10[%dma_wait3A_2125, %dma_wait3A_2126] : memref<64x64xf32, #tpu.memory_space<vmem>> -> memref<1x64xf32, #tpu.memory_space<vmem>>
      %dma_wait3A_2128 = arith.constant 0 : i32
      %dma_wait3A_2129 = tpu.memref_slice %arg4[%squeeze3A_669, %dma_wait3A_2128] : memref<1000000x64xf32, #tpu.memory_space<hbm>> -> memref<1x64xf32, #tpu.memory_space<hbm>>
      %dma_wait3A_2130 = arith.constant 53 : i32
      %dma_wait3A_2131 = arith.constant 0 : i32
      %dma_wait3A_2132 = tpu.memref_slice %arg10[%dma_wait3A_2130, %dma_wait3A_2131] : memref<64x64xf32, #tpu.memory_space<vmem>> -> memref<1x64xf32, #tpu.memory_space<vmem>>
      %dma_wait3A_2133 = arith.constant 0 : i32
      %dma_wait3A_2134 = tpu.memref_slice %arg4[%squeeze3A_669, %dma_wait3A_2133] : memref<1000000x64xf32, #tpu.memory_space<hbm>> -> memref<1x64xf32, #tpu.memory_space<hbm>>
      tpu.wait_dma2 semaphore(%arg12 : memref<!tpu.dma_semaphore, #tpu.memory_space<semaphore_mem>>) src(%dma_wait3A_2134 : memref<1x64xf32, #tpu.memory_space<hbm>>) dst(%dma_wait3A_2132 : memref<1x64xf32, #tpu.memory_space<vmem>>)
      %dma_wait3A_2135 = arith.constant 54 : i32
      %dma_wait3A_2136 = arith.constant 0 : i32
      %dma_wait3A_2137 = tpu.memref_slice %arg10[%dma_wait3A_2135, %dma_wait3A_2136] : memref<64x64xf32, #tpu.memory_space<vmem>> -> memref<1x64xf32, #tpu.memory_space<vmem>>
      %dma_wait3A_2138 = arith.constant 0 : i32
      %dma_wait3A_2139 = tpu.memref_slice %arg4[%squeeze3A_681, %dma_wait3A_2138] : memref<1000000x64xf32, #tpu.memory_space<hbm>> -> memref<1x64xf32, #tpu.memory_space<hbm>>
      %dma_wait3A_2140 = arith.constant 54 : i32
      %dma_wait3A_2141 = arith.constant 0 : i32
      %dma_wait3A_2142 = tpu.memref_slice %arg10[%dma_wait3A_2140, %dma_wait3A_2141] : memref<64x64xf32, #tpu.memory_space<vmem>> -> memref<1x64xf32, #tpu.memory_space<vmem>>
      %dma_wait3A_2143 = arith.constant 0 : i32
      %dma_wait3A_2144 = tpu.memref_slice %arg4[%squeeze3A_681, %dma_wait3A_2143] : memref<1000000x64xf32, #tpu.memory_space<hbm>> -> memref<1x64xf32, #tpu.memory_space<hbm>>
      tpu.wait_dma2 semaphore(%arg12 : memref<!tpu.dma_semaphore, #tpu.memory_space<semaphore_mem>>) src(%dma_wait3A_2144 : memref<1x64xf32, #tpu.memory_space<hbm>>) dst(%dma_wait3A_2142 : memref<1x64xf32, #tpu.memory_space<vmem>>)
      %dma_wait3A_2145 = arith.constant 55 : i32
      %dma_wait3A_2146 = arith.constant 0 : i32
      %dma_wait3A_2147 = tpu.memref_slice %arg10[%dma_wait3A_2145, %dma_wait3A_2146] : memref<64x64xf32, #tpu.memory_space<vmem>> -> memref<1x64xf32, #tpu.memory_space<vmem>>
      %dma_wait3A_2148 = arith.constant 0 : i32
      %dma_wait3A_2149 = tpu.memref_slice %arg4[%squeeze3A_693, %dma_wait3A_2148] : memref<1000000x64xf32, #tpu.memory_space<hbm>> -> memref<1x64xf32, #tpu.memory_space<hbm>>
      %dma_wait3A_2150 = arith.constant 55 : i32
      %dma_wait3A_2151 = arith.constant 0 : i32
      %dma_wait3A_2152 = tpu.memref_slice %arg10[%dma_wait3A_2150, %dma_wait3A_2151] : memref<64x64xf32, #tpu.memory_space<vmem>> -> memref<1x64xf32, #tpu.memory_space<vmem>>
      %dma_wait3A_2153 = arith.constant 0 : i32
      %dma_wait3A_2154 = tpu.memref_slice %arg4[%squeeze3A_693, %dma_wait3A_2153] : memref<1000000x64xf32, #tpu.memory_space<hbm>> -> memref<1x64xf32, #tpu.memory_space<hbm>>
      tpu.wait_dma2 semaphore(%arg12 : memref<!tpu.dma_semaphore, #tpu.memory_space<semaphore_mem>>) src(%dma_wait3A_2154 : memref<1x64xf32, #tpu.memory_space<hbm>>) dst(%dma_wait3A_2152 : memref<1x64xf32, #tpu.memory_space<vmem>>)
      %dma_wait3A_2155 = arith.constant 56 : i32
      %dma_wait3A_2156 = arith.constant 0 : i32
      %dma_wait3A_2157 = tpu.memref_slice %arg10[%dma_wait3A_2155, %dma_wait3A_2156] : memref<64x64xf32, #tpu.memory_space<vmem>> -> memref<1x64xf32, #tpu.memory_space<vmem>>
      %dma_wait3A_2158 = arith.constant 0 : i32
      %dma_wait3A_2159 = tpu.memref_slice %arg4[%squeeze3A_705, %dma_wait3A_2158] : memref<1000000x64xf32, #tpu.memory_space<hbm>> -> memref<1x64xf32, #tpu.memory_space<hbm>>
      %dma_wait3A_2160 = arith.constant 56 : i32
      %dma_wait3A_2161 = arith.constant 0 : i32
      %dma_wait3A_2162 = tpu.memref_slice %arg10[%dma_wait3A_2160, %dma_wait3A_2161] : memref<64x64xf32, #tpu.memory_space<vmem>> -> memref<1x64xf32, #tpu.memory_space<vmem>>
      %dma_wait3A_2163 = arith.constant 0 : i32
      %dma_wait3A_2164 = tpu.memref_slice %arg4[%squeeze3A_705, %dma_wait3A_2163] : memref<1000000x64xf32, #tpu.memory_space<hbm>> -> memref<1x64xf32, #tpu.memory_space<hbm>>
      tpu.wait_dma2 semaphore(%arg12 : memref<!tpu.dma_semaphore, #tpu.memory_space<semaphore_mem>>) src(%dma_wait3A_2164 : memref<1x64xf32, #tpu.memory_space<hbm>>) dst(%dma_wait3A_2162 : memref<1x64xf32, #tpu.memory_space<vmem>>)
      %dma_wait3A_2165 = arith.constant 57 : i32
      %dma_wait3A_2166 = arith.constant 0 : i32
      %dma_wait3A_2167 = tpu.memref_slice %arg10[%dma_wait3A_2165, %dma_wait3A_2166] : memref<64x64xf32, #tpu.memory_space<vmem>> -> memref<1x64xf32, #tpu.memory_space<vmem>>
      %dma_wait3A_2168 = arith.constant 0 : i32
      %dma_wait3A_2169 = tpu.memref_slice %arg4[%squeeze3A_717, %dma_wait3A_2168] : memref<1000000x64xf32, #tpu.memory_space<hbm>> -> memref<1x64xf32, #tpu.memory_space<hbm>>
      %dma_wait3A_2170 = arith.constant 57 : i32
      %dma_wait3A_2171 = arith.constant 0 : i32
      %dma_wait3A_2172 = tpu.memref_slice %arg10[%dma_wait3A_2170, %dma_wait3A_2171] : memref<64x64xf32, #tpu.memory_space<vmem>> -> memref<1x64xf32, #tpu.memory_space<vmem>>
      %dma_wait3A_2173 = arith.constant 0 : i32
      %dma_wait3A_2174 = tpu.memref_slice %arg4[%squeeze3A_717, %dma_wait3A_2173] : memref<1000000x64xf32, #tpu.memory_space<hbm>> -> memref<1x64xf32, #tpu.memory_space<hbm>>
      tpu.wait_dma2 semaphore(%arg12 : memref<!tpu.dma_semaphore, #tpu.memory_space<semaphore_mem>>) src(%dma_wait3A_2174 : memref<1x64xf32, #tpu.memory_space<hbm>>) dst(%dma_wait3A_2172 : memref<1x64xf32, #tpu.memory_space<vmem>>)
      %dma_wait3A_2175 = arith.constant 58 : i32
      %dma_wait3A_2176 = arith.constant 0 : i32
      %dma_wait3A_2177 = tpu.memref_slice %arg10[%dma_wait3A_2175, %dma_wait3A_2176] : memref<64x64xf32, #tpu.memory_space<vmem>> -> memref<1x64xf32, #tpu.memory_space<vmem>>
      %dma_wait3A_2178 = arith.constant 0 : i32
      %dma_wait3A_2179 = tpu.memref_slice %arg4[%squeeze3A_729, %dma_wait3A_2178] : memref<1000000x64xf32, #tpu.memory_space<hbm>> -> memref<1x64xf32, #tpu.memory_space<hbm>>
      %dma_wait3A_2180 = arith.constant 58 : i32
      %dma_wait3A_2181 = arith.constant 0 : i32
      %dma_wait3A_2182 = tpu.memref_slice %arg10[%dma_wait3A_2180, %dma_wait3A_2181] : memref<64x64xf32, #tpu.memory_space<vmem>> -> memref<1x64xf32, #tpu.memory_space<vmem>>
      %dma_wait3A_2183 = arith.constant 0 : i32
      %dma_wait3A_2184 = tpu.memref_slice %arg4[%squeeze3A_729, %dma_wait3A_2183] : memref<1000000x64xf32, #tpu.memory_space<hbm>> -> memref<1x64xf32, #tpu.memory_space<hbm>>
      tpu.wait_dma2 semaphore(%arg12 : memref<!tpu.dma_semaphore, #tpu.memory_space<semaphore_mem>>) src(%dma_wait3A_2184 : memref<1x64xf32, #tpu.memory_space<hbm>>) dst(%dma_wait3A_2182 : memref<1x64xf32, #tpu.memory_space<vmem>>)
      %dma_wait3A_2185 = arith.constant 59 : i32
      %dma_wait3A_2186 = arith.constant 0 : i32
      %dma_wait3A_2187 = tpu.memref_slice %arg10[%dma_wait3A_2185, %dma_wait3A_2186] : memref<64x64xf32, #tpu.memory_space<vmem>> -> memref<1x64xf32, #tpu.memory_space<vmem>>
      %dma_wait3A_2188 = arith.constant 0 : i32
      %dma_wait3A_2189 = tpu.memref_slice %arg4[%squeeze3A_741, %dma_wait3A_2188] : memref<1000000x64xf32, #tpu.memory_space<hbm>> -> memref<1x64xf32, #tpu.memory_space<hbm>>
      %dma_wait3A_2190 = arith.constant 59 : i32
      %dma_wait3A_2191 = arith.constant 0 : i32
      %dma_wait3A_2192 = tpu.memref_slice %arg10[%dma_wait3A_2190, %dma_wait3A_2191] : memref<64x64xf32, #tpu.memory_space<vmem>> -> memref<1x64xf32, #tpu.memory_space<vmem>>
      %dma_wait3A_2193 = arith.constant 0 : i32
      %dma_wait3A_2194 = tpu.memref_slice %arg4[%squeeze3A_741, %dma_wait3A_2193] : memref<1000000x64xf32, #tpu.memory_space<hbm>> -> memref<1x64xf32, #tpu.memory_space<hbm>>
      tpu.wait_dma2 semaphore(%arg12 : memref<!tpu.dma_semaphore, #tpu.memory_space<semaphore_mem>>) src(%dma_wait3A_2194 : memref<1x64xf32, #tpu.memory_space<hbm>>) dst(%dma_wait3A_2192 : memref<1x64xf32, #tpu.memory_space<vmem>>)
      %dma_wait3A_2195 = arith.constant 60 : i32
      %dma_wait3A_2196 = arith.constant 0 : i32
      %dma_wait3A_2197 = tpu.memref_slice %arg10[%dma_wait3A_2195, %dma_wait3A_2196] : memref<64x64xf32, #tpu.memory_space<vmem>> -> memref<1x64xf32, #tpu.memory_space<vmem>>
      %dma_wait3A_2198 = arith.constant 0 : i32
      %dma_wait3A_2199 = tpu.memref_slice %arg4[%squeeze3A_753, %dma_wait3A_2198] : memref<1000000x64xf32, #tpu.memory_space<hbm>> -> memref<1x64xf32, #tpu.memory_space<hbm>>
      %dma_wait3A_2200 = arith.constant 60 : i32
      %dma_wait3A_2201 = arith.constant 0 : i32
      %dma_wait3A_2202 = tpu.memref_slice %arg10[%dma_wait3A_2200, %dma_wait3A_2201] : memref<64x64xf32, #tpu.memory_space<vmem>> -> memref<1x64xf32, #tpu.memory_space<vmem>>
      %dma_wait3A_2203 = arith.constant 0 : i32
      %dma_wait3A_2204 = tpu.memref_slice %arg4[%squeeze3A_753, %dma_wait3A_2203] : memref<1000000x64xf32, #tpu.memory_space<hbm>> -> memref<1x64xf32, #tpu.memory_space<hbm>>
      tpu.wait_dma2 semaphore(%arg12 : memref<!tpu.dma_semaphore, #tpu.memory_space<semaphore_mem>>) src(%dma_wait3A_2204 : memref<1x64xf32, #tpu.memory_space<hbm>>) dst(%dma_wait3A_2202 : memref<1x64xf32, #tpu.memory_space<vmem>>)
      %dma_wait3A_2205 = arith.constant 61 : i32
      %dma_wait3A_2206 = arith.constant 0 : i32
      %dma_wait3A_2207 = tpu.memref_slice %arg10[%dma_wait3A_2205, %dma_wait3A_2206] : memref<64x64xf32, #tpu.memory_space<vmem>> -> memref<1x64xf32, #tpu.memory_space<vmem>>
      %dma_wait3A_2208 = arith.constant 0 : i32
      %dma_wait3A_2209 = tpu.memref_slice %arg4[%squeeze3A_765, %dma_wait3A_2208] : memref<1000000x64xf32, #tpu.memory_space<hbm>> -> memref<1x64xf32, #tpu.memory_space<hbm>>
      %dma_wait3A_2210 = arith.constant 61 : i32
      %dma_wait3A_2211 = arith.constant 0 : i32
      %dma_wait3A_2212 = tpu.memref_slice %arg10[%dma_wait3A_2210, %dma_wait3A_2211] : memref<64x64xf32, #tpu.memory_space<vmem>> -> memref<1x64xf32, #tpu.memory_space<vmem>>
      %dma_wait3A_2213 = arith.constant 0 : i32
      %dma_wait3A_2214 = tpu.memref_slice %arg4[%squeeze3A_765, %dma_wait3A_2213] : memref<1000000x64xf32, #tpu.memory_space<hbm>> -> memref<1x64xf32, #tpu.memory_space<hbm>>
      tpu.wait_dma2 semaphore(%arg12 : memref<!tpu.dma_semaphore, #tpu.memory_space<semaphore_mem>>) src(%dma_wait3A_2214 : memref<1x64xf32, #tpu.memory_space<hbm>>) dst(%dma_wait3A_2212 : memref<1x64xf32, #tpu.memory_space<vmem>>)
      %dma_wait3A_2215 = arith.constant 62 : i32
      %dma_wait3A_2216 = arith.constant 0 : i32
      %dma_wait3A_2217 = tpu.memref_slice %arg10[%dma_wait3A_2215, %dma_wait3A_2216] : memref<64x64xf32, #tpu.memory_space<vmem>> -> memref<1x64xf32, #tpu.memory_space<vmem>>
      %dma_wait3A_2218 = arith.constant 0 : i32
      %dma_wait3A_2219 = tpu.memref_slice %arg4[%squeeze3A_777, %dma_wait3A_2218] : memref<1000000x64xf32, #tpu.memory_space<hbm>> -> memref<1x64xf32, #tpu.memory_space<hbm>>
      %dma_wait3A_2220 = arith.constant 62 : i32
      %dma_wait3A_2221 = arith.constant 0 : i32
      %dma_wait3A_2222 = tpu.memref_slice %arg10[%dma_wait3A_2220, %dma_wait3A_2221] : memref<64x64xf32, #tpu.memory_space<vmem>> -> memref<1x64xf32, #tpu.memory_space<vmem>>
      %dma_wait3A_2223 = arith.constant 0 : i32
      %dma_wait3A_2224 = tpu.memref_slice %arg4[%squeeze3A_777, %dma_wait3A_2223] : memref<1000000x64xf32, #tpu.memory_space<hbm>> -> memref<1x64xf32, #tpu.memory_space<hbm>>
      tpu.wait_dma2 semaphore(%arg12 : memref<!tpu.dma_semaphore, #tpu.memory_space<semaphore_mem>>) src(%dma_wait3A_2224 : memref<1x64xf32, #tpu.memory_space<hbm>>) dst(%dma_wait3A_2222 : memref<1x64xf32, #tpu.memory_space<vmem>>)
      %dma_wait3A_2225 = arith.constant 63 : i32
      %dma_wait3A_2226 = arith.constant 0 : i32
      %dma_wait3A_2227 = tpu.memref_slice %arg10[%dma_wait3A_2225, %dma_wait3A_2226] : memref<64x64xf32, #tpu.memory_space<vmem>> -> memref<1x64xf32, #tpu.memory_space<vmem>>
      %dma_wait3A_2228 = arith.constant 0 : i32
      %dma_wait3A_2229 = tpu.memref_slice %arg4[%squeeze3A_789, %dma_wait3A_2228] : memref<1000000x64xf32, #tpu.memory_space<hbm>> -> memref<1x64xf32, #tpu.memory_space<hbm>>
      %dma_wait3A_2230 = arith.constant 63 : i32
      %dma_wait3A_2231 = arith.constant 0 : i32
      %dma_wait3A_2232 = tpu.memref_slice %arg10[%dma_wait3A_2230, %dma_wait3A_2231] : memref<64x64xf32, #tpu.memory_space<vmem>> -> memref<1x64xf32, #tpu.memory_space<vmem>>
      %dma_wait3A_2233 = arith.constant 0 : i32
      %dma_wait3A_2234 = tpu.memref_slice %arg4[%squeeze3A_789, %dma_wait3A_2233] : memref<1000000x64xf32, #tpu.memory_space<hbm>> -> memref<1x64xf32, #tpu.memory_space<hbm>>
      tpu.wait_dma2 semaphore(%arg12 : memref<!tpu.dma_semaphore, #tpu.memory_space<semaphore_mem>>) src(%dma_wait3A_2234 : memref<1x64xf32, #tpu.memory_space<hbm>>) dst(%dma_wait3A_2232 : memref<1x64xf32, #tpu.memory_space<vmem>>)
      %mul3A_2235 = arith.constant 64 : i32
      %mul3A_2236 = arith.muli %scan3A_7, %mul3A_2235 : i32
      %add3A_2237 = arith.addi %mul3A_2, %mul3A_2236 : i32
      "tpu.region"() ({
        %run_scoped3A = tpu.sem_alloc : memref<!tpu.dma_semaphore, #tpu.memory_space<semaphore_mem>>
        %dma_start3A_2881 = arith.constant 0 : i32
        %dma_start3A_2882 = tpu.memref_slice %arg6[%add3A_2237, %dma_start3A_2881] : memref<16384x64xf32, #tpu.memory_space<hbm>> -> memref<64x64xf32, #tpu.memory_space<hbm>>
        %dma_start3A_2883 = arith.constant 0 : i32
        %dma_start3A_2884 = tpu.memref_slice %arg6[%add3A_2237, %dma_start3A_2883] : memref<16384x64xf32, #tpu.memory_space<hbm>> -> memref<64x64xf32, #tpu.memory_space<hbm>>
        tpu.enqueue_dma source(%arg10 : memref<64x64xf32, #tpu.memory_space<vmem>>) target(%dma_start3A_2884 : memref<64x64xf32, #tpu.memory_space<hbm>>) target_semaphore(%run_scoped3A : memref<!tpu.dma_semaphore, #tpu.memory_space<semaphore_mem>>)
        %dma_wait3A_2885 = arith.constant 0 : i32
        %dma_wait3A_2886 = tpu.memref_slice %arg6[%add3A_2237, %dma_wait3A_2885] : memref<16384x64xf32, #tpu.memory_space<hbm>> -> memref<64x64xf32, #tpu.memory_space<hbm>>
        %dma_wait3A_2887 = arith.constant 0 : i32
        %dma_wait3A_2888 = tpu.memref_slice %arg6[%add3A_2237, %dma_wait3A_2887] : memref<16384x64xf32, #tpu.memory_space<hbm>> -> memref<64x64xf32, #tpu.memory_space<hbm>>
        tpu.wait_dma2 semaphore(%run_scoped3A : memref<!tpu.dma_semaphore, #tpu.memory_space<semaphore_mem>>) src(%arg10 : memref<64x64xf32, #tpu.memory_space<vmem>>) dst(%dma_wait3A_2888 : memref<64x64xf32, #tpu.memory_space<hbm>>)
        tpu.yield
      }) : () -> ()
      %dma_wait3A_2238 = arith.constant 0 : i32
      %dma_wait3A_2239 = arith.constant 0 : i32
      %dma_wait3A_2240 = tpu.memref_slice %arg11[%dma_wait3A_2238, %dma_wait3A_2239] : memref<64x64xf32, #tpu.memory_space<vmem>> -> memref<1x64xf32, #tpu.memory_space<vmem>>
      %dma_wait3A_2241 = arith.constant 0 : i32
      %dma_wait3A_2242 = tpu.memref_slice %arg5[%squeeze3A_808, %dma_wait3A_2241] : memref<1000000x64xf32, #tpu.memory_space<hbm>> -> memref<1x64xf32, #tpu.memory_space<hbm>>
      %dma_wait3A_2243 = arith.constant 0 : i32
      %dma_wait3A_2244 = arith.constant 0 : i32
      %dma_wait3A_2245 = tpu.memref_slice %arg11[%dma_wait3A_2243, %dma_wait3A_2244] : memref<64x64xf32, #tpu.memory_space<vmem>> -> memref<1x64xf32, #tpu.memory_space<vmem>>
      %dma_wait3A_2246 = arith.constant 0 : i32
      %dma_wait3A_2247 = tpu.memref_slice %arg5[%squeeze3A_808, %dma_wait3A_2246] : memref<1000000x64xf32, #tpu.memory_space<hbm>> -> memref<1x64xf32, #tpu.memory_space<hbm>>
      tpu.wait_dma2 semaphore(%arg13 : memref<!tpu.dma_semaphore, #tpu.memory_space<semaphore_mem>>) src(%dma_wait3A_2247 : memref<1x64xf32, #tpu.memory_space<hbm>>) dst(%dma_wait3A_2245 : memref<1x64xf32, #tpu.memory_space<vmem>>)
      %dma_wait3A_2248 = arith.constant 1 : i32
      %dma_wait3A_2249 = arith.constant 0 : i32
      %dma_wait3A_2250 = tpu.memref_slice %arg11[%dma_wait3A_2248, %dma_wait3A_2249] : memref<64x64xf32, #tpu.memory_space<vmem>> -> memref<1x64xf32, #tpu.memory_space<vmem>>
      %dma_wait3A_2251 = arith.constant 0 : i32
      %dma_wait3A_2252 = tpu.memref_slice %arg5[%squeeze3A_820, %dma_wait3A_2251] : memref<1000000x64xf32, #tpu.memory_space<hbm>> -> memref<1x64xf32, #tpu.memory_space<hbm>>
      %dma_wait3A_2253 = arith.constant 1 : i32
      %dma_wait3A_2254 = arith.constant 0 : i32
      %dma_wait3A_2255 = tpu.memref_slice %arg11[%dma_wait3A_2253, %dma_wait3A_2254] : memref<64x64xf32, #tpu.memory_space<vmem>> -> memref<1x64xf32, #tpu.memory_space<vmem>>
      %dma_wait3A_2256 = arith.constant 0 : i32
      %dma_wait3A_2257 = tpu.memref_slice %arg5[%squeeze3A_820, %dma_wait3A_2256] : memref<1000000x64xf32, #tpu.memory_space<hbm>> -> memref<1x64xf32, #tpu.memory_space<hbm>>
      tpu.wait_dma2 semaphore(%arg13 : memref<!tpu.dma_semaphore, #tpu.memory_space<semaphore_mem>>) src(%dma_wait3A_2257 : memref<1x64xf32, #tpu.memory_space<hbm>>) dst(%dma_wait3A_2255 : memref<1x64xf32, #tpu.memory_space<vmem>>)
      %dma_wait3A_2258 = arith.constant 2 : i32
      %dma_wait3A_2259 = arith.constant 0 : i32
      %dma_wait3A_2260 = tpu.memref_slice %arg11[%dma_wait3A_2258, %dma_wait3A_2259] : memref<64x64xf32, #tpu.memory_space<vmem>> -> memref<1x64xf32, #tpu.memory_space<vmem>>
      %dma_wait3A_2261 = arith.constant 0 : i32
      %dma_wait3A_2262 = tpu.memref_slice %arg5[%squeeze3A_832, %dma_wait3A_2261] : memref<1000000x64xf32, #tpu.memory_space<hbm>> -> memref<1x64xf32, #tpu.memory_space<hbm>>
      %dma_wait3A_2263 = arith.constant 2 : i32
      %dma_wait3A_2264 = arith.constant 0 : i32
      %dma_wait3A_2265 = tpu.memref_slice %arg11[%dma_wait3A_2263, %dma_wait3A_2264] : memref<64x64xf32, #tpu.memory_space<vmem>> -> memref<1x64xf32, #tpu.memory_space<vmem>>
      %dma_wait3A_2266 = arith.constant 0 : i32
      %dma_wait3A_2267 = tpu.memref_slice %arg5[%squeeze3A_832, %dma_wait3A_2266] : memref<1000000x64xf32, #tpu.memory_space<hbm>> -> memref<1x64xf32, #tpu.memory_space<hbm>>
      tpu.wait_dma2 semaphore(%arg13 : memref<!tpu.dma_semaphore, #tpu.memory_space<semaphore_mem>>) src(%dma_wait3A_2267 : memref<1x64xf32, #tpu.memory_space<hbm>>) dst(%dma_wait3A_2265 : memref<1x64xf32, #tpu.memory_space<vmem>>)
      %dma_wait3A_2268 = arith.constant 3 : i32
      %dma_wait3A_2269 = arith.constant 0 : i32
      %dma_wait3A_2270 = tpu.memref_slice %arg11[%dma_wait3A_2268, %dma_wait3A_2269] : memref<64x64xf32, #tpu.memory_space<vmem>> -> memref<1x64xf32, #tpu.memory_space<vmem>>
      %dma_wait3A_2271 = arith.constant 0 : i32
      %dma_wait3A_2272 = tpu.memref_slice %arg5[%squeeze3A_844, %dma_wait3A_2271] : memref<1000000x64xf32, #tpu.memory_space<hbm>> -> memref<1x64xf32, #tpu.memory_space<hbm>>
      %dma_wait3A_2273 = arith.constant 3 : i32
      %dma_wait3A_2274 = arith.constant 0 : i32
      %dma_wait3A_2275 = tpu.memref_slice %arg11[%dma_wait3A_2273, %dma_wait3A_2274] : memref<64x64xf32, #tpu.memory_space<vmem>> -> memref<1x64xf32, #tpu.memory_space<vmem>>
      %dma_wait3A_2276 = arith.constant 0 : i32
      %dma_wait3A_2277 = tpu.memref_slice %arg5[%squeeze3A_844, %dma_wait3A_2276] : memref<1000000x64xf32, #tpu.memory_space<hbm>> -> memref<1x64xf32, #tpu.memory_space<hbm>>
      tpu.wait_dma2 semaphore(%arg13 : memref<!tpu.dma_semaphore, #tpu.memory_space<semaphore_mem>>) src(%dma_wait3A_2277 : memref<1x64xf32, #tpu.memory_space<hbm>>) dst(%dma_wait3A_2275 : memref<1x64xf32, #tpu.memory_space<vmem>>)
      %dma_wait3A_2278 = arith.constant 4 : i32
      %dma_wait3A_2279 = arith.constant 0 : i32
      %dma_wait3A_2280 = tpu.memref_slice %arg11[%dma_wait3A_2278, %dma_wait3A_2279] : memref<64x64xf32, #tpu.memory_space<vmem>> -> memref<1x64xf32, #tpu.memory_space<vmem>>
      %dma_wait3A_2281 = arith.constant 0 : i32
      %dma_wait3A_2282 = tpu.memref_slice %arg5[%squeeze3A_856, %dma_wait3A_2281] : memref<1000000x64xf32, #tpu.memory_space<hbm>> -> memref<1x64xf32, #tpu.memory_space<hbm>>
      %dma_wait3A_2283 = arith.constant 4 : i32
      %dma_wait3A_2284 = arith.constant 0 : i32
      %dma_wait3A_2285 = tpu.memref_slice %arg11[%dma_wait3A_2283, %dma_wait3A_2284] : memref<64x64xf32, #tpu.memory_space<vmem>> -> memref<1x64xf32, #tpu.memory_space<vmem>>
      %dma_wait3A_2286 = arith.constant 0 : i32
      %dma_wait3A_2287 = tpu.memref_slice %arg5[%squeeze3A_856, %dma_wait3A_2286] : memref<1000000x64xf32, #tpu.memory_space<hbm>> -> memref<1x64xf32, #tpu.memory_space<hbm>>
      tpu.wait_dma2 semaphore(%arg13 : memref<!tpu.dma_semaphore, #tpu.memory_space<semaphore_mem>>) src(%dma_wait3A_2287 : memref<1x64xf32, #tpu.memory_space<hbm>>) dst(%dma_wait3A_2285 : memref<1x64xf32, #tpu.memory_space<vmem>>)
      %dma_wait3A_2288 = arith.constant 5 : i32
      %dma_wait3A_2289 = arith.constant 0 : i32
      %dma_wait3A_2290 = tpu.memref_slice %arg11[%dma_wait3A_2288, %dma_wait3A_2289] : memref<64x64xf32, #tpu.memory_space<vmem>> -> memref<1x64xf32, #tpu.memory_space<vmem>>
      %dma_wait3A_2291 = arith.constant 0 : i32
      %dma_wait3A_2292 = tpu.memref_slice %arg5[%squeeze3A_868, %dma_wait3A_2291] : memref<1000000x64xf32, #tpu.memory_space<hbm>> -> memref<1x64xf32, #tpu.memory_space<hbm>>
      %dma_wait3A_2293 = arith.constant 5 : i32
      %dma_wait3A_2294 = arith.constant 0 : i32
      %dma_wait3A_2295 = tpu.memref_slice %arg11[%dma_wait3A_2293, %dma_wait3A_2294] : memref<64x64xf32, #tpu.memory_space<vmem>> -> memref<1x64xf32, #tpu.memory_space<vmem>>
      %dma_wait3A_2296 = arith.constant 0 : i32
      %dma_wait3A_2297 = tpu.memref_slice %arg5[%squeeze3A_868, %dma_wait3A_2296] : memref<1000000x64xf32, #tpu.memory_space<hbm>> -> memref<1x64xf32, #tpu.memory_space<hbm>>
      tpu.wait_dma2 semaphore(%arg13 : memref<!tpu.dma_semaphore, #tpu.memory_space<semaphore_mem>>) src(%dma_wait3A_2297 : memref<1x64xf32, #tpu.memory_space<hbm>>) dst(%dma_wait3A_2295 : memref<1x64xf32, #tpu.memory_space<vmem>>)
      %dma_wait3A_2298 = arith.constant 6 : i32
      %dma_wait3A_2299 = arith.constant 0 : i32
      %dma_wait3A_2300 = tpu.memref_slice %arg11[%dma_wait3A_2298, %dma_wait3A_2299] : memref<64x64xf32, #tpu.memory_space<vmem>> -> memref<1x64xf32, #tpu.memory_space<vmem>>
      %dma_wait3A_2301 = arith.constant 0 : i32
      %dma_wait3A_2302 = tpu.memref_slice %arg5[%squeeze3A_880, %dma_wait3A_2301] : memref<1000000x64xf32, #tpu.memory_space<hbm>> -> memref<1x64xf32, #tpu.memory_space<hbm>>
      %dma_wait3A_2303 = arith.constant 6 : i32
      %dma_wait3A_2304 = arith.constant 0 : i32
      %dma_wait3A_2305 = tpu.memref_slice %arg11[%dma_wait3A_2303, %dma_wait3A_2304] : memref<64x64xf32, #tpu.memory_space<vmem>> -> memref<1x64xf32, #tpu.memory_space<vmem>>
      %dma_wait3A_2306 = arith.constant 0 : i32
      %dma_wait3A_2307 = tpu.memref_slice %arg5[%squeeze3A_880, %dma_wait3A_2306] : memref<1000000x64xf32, #tpu.memory_space<hbm>> -> memref<1x64xf32, #tpu.memory_space<hbm>>
      tpu.wait_dma2 semaphore(%arg13 : memref<!tpu.dma_semaphore, #tpu.memory_space<semaphore_mem>>) src(%dma_wait3A_2307 : memref<1x64xf32, #tpu.memory_space<hbm>>) dst(%dma_wait3A_2305 : memref<1x64xf32, #tpu.memory_space<vmem>>)
      %dma_wait3A_2308 = arith.constant 7 : i32
      %dma_wait3A_2309 = arith.constant 0 : i32
      %dma_wait3A_2310 = tpu.memref_slice %arg11[%dma_wait3A_2308, %dma_wait3A_2309] : memref<64x64xf32, #tpu.memory_space<vmem>> -> memref<1x64xf32, #tpu.memory_space<vmem>>
      %dma_wait3A_2311 = arith.constant 0 : i32
      %dma_wait3A_2312 = tpu.memref_slice %arg5[%squeeze3A_892, %dma_wait3A_2311] : memref<1000000x64xf32, #tpu.memory_space<hbm>> -> memref<1x64xf32, #tpu.memory_space<hbm>>
      %dma_wait3A_2313 = arith.constant 7 : i32
      %dma_wait3A_2314 = arith.constant 0 : i32
      %dma_wait3A_2315 = tpu.memref_slice %arg11[%dma_wait3A_2313, %dma_wait3A_2314] : memref<64x64xf32, #tpu.memory_space<vmem>> -> memref<1x64xf32, #tpu.memory_space<vmem>>
      %dma_wait3A_2316 = arith.constant 0 : i32
      %dma_wait3A_2317 = tpu.memref_slice %arg5[%squeeze3A_892, %dma_wait3A_2316] : memref<1000000x64xf32, #tpu.memory_space<hbm>> -> memref<1x64xf32, #tpu.memory_space<hbm>>
      tpu.wait_dma2 semaphore(%arg13 : memref<!tpu.dma_semaphore, #tpu.memory_space<semaphore_mem>>) src(%dma_wait3A_2317 : memref<1x64xf32, #tpu.memory_space<hbm>>) dst(%dma_wait3A_2315 : memref<1x64xf32, #tpu.memory_space<vmem>>)
      %dma_wait3A_2318 = arith.constant 8 : i32
      %dma_wait3A_2319 = arith.constant 0 : i32
      %dma_wait3A_2320 = tpu.memref_slice %arg11[%dma_wait3A_2318, %dma_wait3A_2319] : memref<64x64xf32, #tpu.memory_space<vmem>> -> memref<1x64xf32, #tpu.memory_space<vmem>>
      %dma_wait3A_2321 = arith.constant 0 : i32
      %dma_wait3A_2322 = tpu.memref_slice %arg5[%squeeze3A_904, %dma_wait3A_2321] : memref<1000000x64xf32, #tpu.memory_space<hbm>> -> memref<1x64xf32, #tpu.memory_space<hbm>>
      %dma_wait3A_2323 = arith.constant 8 : i32
      %dma_wait3A_2324 = arith.constant 0 : i32
      %dma_wait3A_2325 = tpu.memref_slice %arg11[%dma_wait3A_2323, %dma_wait3A_2324] : memref<64x64xf32, #tpu.memory_space<vmem>> -> memref<1x64xf32, #tpu.memory_space<vmem>>
      %dma_wait3A_2326 = arith.constant 0 : i32
      %dma_wait3A_2327 = tpu.memref_slice %arg5[%squeeze3A_904, %dma_wait3A_2326] : memref<1000000x64xf32, #tpu.memory_space<hbm>> -> memref<1x64xf32, #tpu.memory_space<hbm>>
      tpu.wait_dma2 semaphore(%arg13 : memref<!tpu.dma_semaphore, #tpu.memory_space<semaphore_mem>>) src(%dma_wait3A_2327 : memref<1x64xf32, #tpu.memory_space<hbm>>) dst(%dma_wait3A_2325 : memref<1x64xf32, #tpu.memory_space<vmem>>)
      %dma_wait3A_2328 = arith.constant 9 : i32
      %dma_wait3A_2329 = arith.constant 0 : i32
      %dma_wait3A_2330 = tpu.memref_slice %arg11[%dma_wait3A_2328, %dma_wait3A_2329] : memref<64x64xf32, #tpu.memory_space<vmem>> -> memref<1x64xf32, #tpu.memory_space<vmem>>
      %dma_wait3A_2331 = arith.constant 0 : i32
      %dma_wait3A_2332 = tpu.memref_slice %arg5[%squeeze3A_916, %dma_wait3A_2331] : memref<1000000x64xf32, #tpu.memory_space<hbm>> -> memref<1x64xf32, #tpu.memory_space<hbm>>
      %dma_wait3A_2333 = arith.constant 9 : i32
      %dma_wait3A_2334 = arith.constant 0 : i32
      %dma_wait3A_2335 = tpu.memref_slice %arg11[%dma_wait3A_2333, %dma_wait3A_2334] : memref<64x64xf32, #tpu.memory_space<vmem>> -> memref<1x64xf32, #tpu.memory_space<vmem>>
      %dma_wait3A_2336 = arith.constant 0 : i32
      %dma_wait3A_2337 = tpu.memref_slice %arg5[%squeeze3A_916, %dma_wait3A_2336] : memref<1000000x64xf32, #tpu.memory_space<hbm>> -> memref<1x64xf32, #tpu.memory_space<hbm>>
      tpu.wait_dma2 semaphore(%arg13 : memref<!tpu.dma_semaphore, #tpu.memory_space<semaphore_mem>>) src(%dma_wait3A_2337 : memref<1x64xf32, #tpu.memory_space<hbm>>) dst(%dma_wait3A_2335 : memref<1x64xf32, #tpu.memory_space<vmem>>)
      %dma_wait3A_2338 = arith.constant 10 : i32
      %dma_wait3A_2339 = arith.constant 0 : i32
      %dma_wait3A_2340 = tpu.memref_slice %arg11[%dma_wait3A_2338, %dma_wait3A_2339] : memref<64x64xf32, #tpu.memory_space<vmem>> -> memref<1x64xf32, #tpu.memory_space<vmem>>
      %dma_wait3A_2341 = arith.constant 0 : i32
      %dma_wait3A_2342 = tpu.memref_slice %arg5[%squeeze3A_928, %dma_wait3A_2341] : memref<1000000x64xf32, #tpu.memory_space<hbm>> -> memref<1x64xf32, #tpu.memory_space<hbm>>
      %dma_wait3A_2343 = arith.constant 10 : i32
      %dma_wait3A_2344 = arith.constant 0 : i32
      %dma_wait3A_2345 = tpu.memref_slice %arg11[%dma_wait3A_2343, %dma_wait3A_2344] : memref<64x64xf32, #tpu.memory_space<vmem>> -> memref<1x64xf32, #tpu.memory_space<vmem>>
      %dma_wait3A_2346 = arith.constant 0 : i32
      %dma_wait3A_2347 = tpu.memref_slice %arg5[%squeeze3A_928, %dma_wait3A_2346] : memref<1000000x64xf32, #tpu.memory_space<hbm>> -> memref<1x64xf32, #tpu.memory_space<hbm>>
      tpu.wait_dma2 semaphore(%arg13 : memref<!tpu.dma_semaphore, #tpu.memory_space<semaphore_mem>>) src(%dma_wait3A_2347 : memref<1x64xf32, #tpu.memory_space<hbm>>) dst(%dma_wait3A_2345 : memref<1x64xf32, #tpu.memory_space<vmem>>)
      %dma_wait3A_2348 = arith.constant 11 : i32
      %dma_wait3A_2349 = arith.constant 0 : i32
      %dma_wait3A_2350 = tpu.memref_slice %arg11[%dma_wait3A_2348, %dma_wait3A_2349] : memref<64x64xf32, #tpu.memory_space<vmem>> -> memref<1x64xf32, #tpu.memory_space<vmem>>
      %dma_wait3A_2351 = arith.constant 0 : i32
      %dma_wait3A_2352 = tpu.memref_slice %arg5[%squeeze3A_940, %dma_wait3A_2351] : memref<1000000x64xf32, #tpu.memory_space<hbm>> -> memref<1x64xf32, #tpu.memory_space<hbm>>
      %dma_wait3A_2353 = arith.constant 11 : i32
      %dma_wait3A_2354 = arith.constant 0 : i32
      %dma_wait3A_2355 = tpu.memref_slice %arg11[%dma_wait3A_2353, %dma_wait3A_2354] : memref<64x64xf32, #tpu.memory_space<vmem>> -> memref<1x64xf32, #tpu.memory_space<vmem>>
      %dma_wait3A_2356 = arith.constant 0 : i32
      %dma_wait3A_2357 = tpu.memref_slice %arg5[%squeeze3A_940, %dma_wait3A_2356] : memref<1000000x64xf32, #tpu.memory_space<hbm>> -> memref<1x64xf32, #tpu.memory_space<hbm>>
      tpu.wait_dma2 semaphore(%arg13 : memref<!tpu.dma_semaphore, #tpu.memory_space<semaphore_mem>>) src(%dma_wait3A_2357 : memref<1x64xf32, #tpu.memory_space<hbm>>) dst(%dma_wait3A_2355 : memref<1x64xf32, #tpu.memory_space<vmem>>)
      %dma_wait3A_2358 = arith.constant 12 : i32
      %dma_wait3A_2359 = arith.constant 0 : i32
      %dma_wait3A_2360 = tpu.memref_slice %arg11[%dma_wait3A_2358, %dma_wait3A_2359] : memref<64x64xf32, #tpu.memory_space<vmem>> -> memref<1x64xf32, #tpu.memory_space<vmem>>
      %dma_wait3A_2361 = arith.constant 0 : i32
      %dma_wait3A_2362 = tpu.memref_slice %arg5[%squeeze3A_952, %dma_wait3A_2361] : memref<1000000x64xf32, #tpu.memory_space<hbm>> -> memref<1x64xf32, #tpu.memory_space<hbm>>
      %dma_wait3A_2363 = arith.constant 12 : i32
      %dma_wait3A_2364 = arith.constant 0 : i32
      %dma_wait3A_2365 = tpu.memref_slice %arg11[%dma_wait3A_2363, %dma_wait3A_2364] : memref<64x64xf32, #tpu.memory_space<vmem>> -> memref<1x64xf32, #tpu.memory_space<vmem>>
      %dma_wait3A_2366 = arith.constant 0 : i32
      %dma_wait3A_2367 = tpu.memref_slice %arg5[%squeeze3A_952, %dma_wait3A_2366] : memref<1000000x64xf32, #tpu.memory_space<hbm>> -> memref<1x64xf32, #tpu.memory_space<hbm>>
      tpu.wait_dma2 semaphore(%arg13 : memref<!tpu.dma_semaphore, #tpu.memory_space<semaphore_mem>>) src(%dma_wait3A_2367 : memref<1x64xf32, #tpu.memory_space<hbm>>) dst(%dma_wait3A_2365 : memref<1x64xf32, #tpu.memory_space<vmem>>)
      %dma_wait3A_2368 = arith.constant 13 : i32
      %dma_wait3A_2369 = arith.constant 0 : i32
      %dma_wait3A_2370 = tpu.memref_slice %arg11[%dma_wait3A_2368, %dma_wait3A_2369] : memref<64x64xf32, #tpu.memory_space<vmem>> -> memref<1x64xf32, #tpu.memory_space<vmem>>
      %dma_wait3A_2371 = arith.constant 0 : i32
      %dma_wait3A_2372 = tpu.memref_slice %arg5[%squeeze3A_964, %dma_wait3A_2371] : memref<1000000x64xf32, #tpu.memory_space<hbm>> -> memref<1x64xf32, #tpu.memory_space<hbm>>
      %dma_wait3A_2373 = arith.constant 13 : i32
      %dma_wait3A_2374 = arith.constant 0 : i32
      %dma_wait3A_2375 = tpu.memref_slice %arg11[%dma_wait3A_2373, %dma_wait3A_2374] : memref<64x64xf32, #tpu.memory_space<vmem>> -> memref<1x64xf32, #tpu.memory_space<vmem>>
      %dma_wait3A_2376 = arith.constant 0 : i32
      %dma_wait3A_2377 = tpu.memref_slice %arg5[%squeeze3A_964, %dma_wait3A_2376] : memref<1000000x64xf32, #tpu.memory_space<hbm>> -> memref<1x64xf32, #tpu.memory_space<hbm>>
      tpu.wait_dma2 semaphore(%arg13 : memref<!tpu.dma_semaphore, #tpu.memory_space<semaphore_mem>>) src(%dma_wait3A_2377 : memref<1x64xf32, #tpu.memory_space<hbm>>) dst(%dma_wait3A_2375 : memref<1x64xf32, #tpu.memory_space<vmem>>)
      %dma_wait3A_2378 = arith.constant 14 : i32
      %dma_wait3A_2379 = arith.constant 0 : i32
      %dma_wait3A_2380 = tpu.memref_slice %arg11[%dma_wait3A_2378, %dma_wait3A_2379] : memref<64x64xf32, #tpu.memory_space<vmem>> -> memref<1x64xf32, #tpu.memory_space<vmem>>
      %dma_wait3A_2381 = arith.constant 0 : i32
      %dma_wait3A_2382 = tpu.memref_slice %arg5[%squeeze3A_976, %dma_wait3A_2381] : memref<1000000x64xf32, #tpu.memory_space<hbm>> -> memref<1x64xf32, #tpu.memory_space<hbm>>
      %dma_wait3A_2383 = arith.constant 14 : i32
      %dma_wait3A_2384 = arith.constant 0 : i32
      %dma_wait3A_2385 = tpu.memref_slice %arg11[%dma_wait3A_2383, %dma_wait3A_2384] : memref<64x64xf32, #tpu.memory_space<vmem>> -> memref<1x64xf32, #tpu.memory_space<vmem>>
      %dma_wait3A_2386 = arith.constant 0 : i32
      %dma_wait3A_2387 = tpu.memref_slice %arg5[%squeeze3A_976, %dma_wait3A_2386] : memref<1000000x64xf32, #tpu.memory_space<hbm>> -> memref<1x64xf32, #tpu.memory_space<hbm>>
      tpu.wait_dma2 semaphore(%arg13 : memref<!tpu.dma_semaphore, #tpu.memory_space<semaphore_mem>>) src(%dma_wait3A_2387 : memref<1x64xf32, #tpu.memory_space<hbm>>) dst(%dma_wait3A_2385 : memref<1x64xf32, #tpu.memory_space<vmem>>)
      %dma_wait3A_2388 = arith.constant 15 : i32
      %dma_wait3A_2389 = arith.constant 0 : i32
      %dma_wait3A_2390 = tpu.memref_slice %arg11[%dma_wait3A_2388, %dma_wait3A_2389] : memref<64x64xf32, #tpu.memory_space<vmem>> -> memref<1x64xf32, #tpu.memory_space<vmem>>
      %dma_wait3A_2391 = arith.constant 0 : i32
      %dma_wait3A_2392 = tpu.memref_slice %arg5[%squeeze3A_988, %dma_wait3A_2391] : memref<1000000x64xf32, #tpu.memory_space<hbm>> -> memref<1x64xf32, #tpu.memory_space<hbm>>
      %dma_wait3A_2393 = arith.constant 15 : i32
      %dma_wait3A_2394 = arith.constant 0 : i32
      %dma_wait3A_2395 = tpu.memref_slice %arg11[%dma_wait3A_2393, %dma_wait3A_2394] : memref<64x64xf32, #tpu.memory_space<vmem>> -> memref<1x64xf32, #tpu.memory_space<vmem>>
      %dma_wait3A_2396 = arith.constant 0 : i32
      %dma_wait3A_2397 = tpu.memref_slice %arg5[%squeeze3A_988, %dma_wait3A_2396] : memref<1000000x64xf32, #tpu.memory_space<hbm>> -> memref<1x64xf32, #tpu.memory_space<hbm>>
      tpu.wait_dma2 semaphore(%arg13 : memref<!tpu.dma_semaphore, #tpu.memory_space<semaphore_mem>>) src(%dma_wait3A_2397 : memref<1x64xf32, #tpu.memory_space<hbm>>) dst(%dma_wait3A_2395 : memref<1x64xf32, #tpu.memory_space<vmem>>)
      %dma_wait3A_2398 = arith.constant 16 : i32
      %dma_wait3A_2399 = arith.constant 0 : i32
      %dma_wait3A_2400 = tpu.memref_slice %arg11[%dma_wait3A_2398, %dma_wait3A_2399] : memref<64x64xf32, #tpu.memory_space<vmem>> -> memref<1x64xf32, #tpu.memory_space<vmem>>
      %dma_wait3A_2401 = arith.constant 0 : i32
      %dma_wait3A_2402 = tpu.memref_slice %arg5[%squeeze3A_1007, %dma_wait3A_2401] : memref<1000000x64xf32, #tpu.memory_space<hbm>> -> memref<1x64xf32, #tpu.memory_space<hbm>>
      %dma_wait3A_2403 = arith.constant 16 : i32
      %dma_wait3A_2404 = arith.constant 0 : i32
      %dma_wait3A_2405 = tpu.memref_slice %arg11[%dma_wait3A_2403, %dma_wait3A_2404] : memref<64x64xf32, #tpu.memory_space<vmem>> -> memref<1x64xf32, #tpu.memory_space<vmem>>
      %dma_wait3A_2406 = arith.constant 0 : i32
      %dma_wait3A_2407 = tpu.memref_slice %arg5[%squeeze3A_1007, %dma_wait3A_2406] : memref<1000000x64xf32, #tpu.memory_space<hbm>> -> memref<1x64xf32, #tpu.memory_space<hbm>>
      tpu.wait_dma2 semaphore(%arg13 : memref<!tpu.dma_semaphore, #tpu.memory_space<semaphore_mem>>) src(%dma_wait3A_2407 : memref<1x64xf32, #tpu.memory_space<hbm>>) dst(%dma_wait3A_2405 : memref<1x64xf32, #tpu.memory_space<vmem>>)
      %dma_wait3A_2408 = arith.constant 17 : i32
      %dma_wait3A_2409 = arith.constant 0 : i32
      %dma_wait3A_2410 = tpu.memref_slice %arg11[%dma_wait3A_2408, %dma_wait3A_2409] : memref<64x64xf32, #tpu.memory_space<vmem>> -> memref<1x64xf32, #tpu.memory_space<vmem>>
      %dma_wait3A_2411 = arith.constant 0 : i32
      %dma_wait3A_2412 = tpu.memref_slice %arg5[%squeeze3A_1019, %dma_wait3A_2411] : memref<1000000x64xf32, #tpu.memory_space<hbm>> -> memref<1x64xf32, #tpu.memory_space<hbm>>
      %dma_wait3A_2413 = arith.constant 17 : i32
      %dma_wait3A_2414 = arith.constant 0 : i32
      %dma_wait3A_2415 = tpu.memref_slice %arg11[%dma_wait3A_2413, %dma_wait3A_2414] : memref<64x64xf32, #tpu.memory_space<vmem>> -> memref<1x64xf32, #tpu.memory_space<vmem>>
      %dma_wait3A_2416 = arith.constant 0 : i32
      %dma_wait3A_2417 = tpu.memref_slice %arg5[%squeeze3A_1019, %dma_wait3A_2416] : memref<1000000x64xf32, #tpu.memory_space<hbm>> -> memref<1x64xf32, #tpu.memory_space<hbm>>
      tpu.wait_dma2 semaphore(%arg13 : memref<!tpu.dma_semaphore, #tpu.memory_space<semaphore_mem>>) src(%dma_wait3A_2417 : memref<1x64xf32, #tpu.memory_space<hbm>>) dst(%dma_wait3A_2415 : memref<1x64xf32, #tpu.memory_space<vmem>>)
      %dma_wait3A_2418 = arith.constant 18 : i32
      %dma_wait3A_2419 = arith.constant 0 : i32
      %dma_wait3A_2420 = tpu.memref_slice %arg11[%dma_wait3A_2418, %dma_wait3A_2419] : memref<64x64xf32, #tpu.memory_space<vmem>> -> memref<1x64xf32, #tpu.memory_space<vmem>>
      %dma_wait3A_2421 = arith.constant 0 : i32
      %dma_wait3A_2422 = tpu.memref_slice %arg5[%squeeze3A_1031, %dma_wait3A_2421] : memref<1000000x64xf32, #tpu.memory_space<hbm>> -> memref<1x64xf32, #tpu.memory_space<hbm>>
      %dma_wait3A_2423 = arith.constant 18 : i32
      %dma_wait3A_2424 = arith.constant 0 : i32
      %dma_wait3A_2425 = tpu.memref_slice %arg11[%dma_wait3A_2423, %dma_wait3A_2424] : memref<64x64xf32, #tpu.memory_space<vmem>> -> memref<1x64xf32, #tpu.memory_space<vmem>>
      %dma_wait3A_2426 = arith.constant 0 : i32
      %dma_wait3A_2427 = tpu.memref_slice %arg5[%squeeze3A_1031, %dma_wait3A_2426] : memref<1000000x64xf32, #tpu.memory_space<hbm>> -> memref<1x64xf32, #tpu.memory_space<hbm>>
      tpu.wait_dma2 semaphore(%arg13 : memref<!tpu.dma_semaphore, #tpu.memory_space<semaphore_mem>>) src(%dma_wait3A_2427 : memref<1x64xf32, #tpu.memory_space<hbm>>) dst(%dma_wait3A_2425 : memref<1x64xf32, #tpu.memory_space<vmem>>)
      %dma_wait3A_2428 = arith.constant 19 : i32
      %dma_wait3A_2429 = arith.constant 0 : i32
      %dma_wait3A_2430 = tpu.memref_slice %arg11[%dma_wait3A_2428, %dma_wait3A_2429] : memref<64x64xf32, #tpu.memory_space<vmem>> -> memref<1x64xf32, #tpu.memory_space<vmem>>
      %dma_wait3A_2431 = arith.constant 0 : i32
      %dma_wait3A_2432 = tpu.memref_slice %arg5[%squeeze3A_1043, %dma_wait3A_2431] : memref<1000000x64xf32, #tpu.memory_space<hbm>> -> memref<1x64xf32, #tpu.memory_space<hbm>>
      %dma_wait3A_2433 = arith.constant 19 : i32
      %dma_wait3A_2434 = arith.constant 0 : i32
      %dma_wait3A_2435 = tpu.memref_slice %arg11[%dma_wait3A_2433, %dma_wait3A_2434] : memref<64x64xf32, #tpu.memory_space<vmem>> -> memref<1x64xf32, #tpu.memory_space<vmem>>
      %dma_wait3A_2436 = arith.constant 0 : i32
      %dma_wait3A_2437 = tpu.memref_slice %arg5[%squeeze3A_1043, %dma_wait3A_2436] : memref<1000000x64xf32, #tpu.memory_space<hbm>> -> memref<1x64xf32, #tpu.memory_space<hbm>>
      tpu.wait_dma2 semaphore(%arg13 : memref<!tpu.dma_semaphore, #tpu.memory_space<semaphore_mem>>) src(%dma_wait3A_2437 : memref<1x64xf32, #tpu.memory_space<hbm>>) dst(%dma_wait3A_2435 : memref<1x64xf32, #tpu.memory_space<vmem>>)
      %dma_wait3A_2438 = arith.constant 20 : i32
      %dma_wait3A_2439 = arith.constant 0 : i32
      %dma_wait3A_2440 = tpu.memref_slice %arg11[%dma_wait3A_2438, %dma_wait3A_2439] : memref<64x64xf32, #tpu.memory_space<vmem>> -> memref<1x64xf32, #tpu.memory_space<vmem>>
      %dma_wait3A_2441 = arith.constant 0 : i32
      %dma_wait3A_2442 = tpu.memref_slice %arg5[%squeeze3A_1055, %dma_wait3A_2441] : memref<1000000x64xf32, #tpu.memory_space<hbm>> -> memref<1x64xf32, #tpu.memory_space<hbm>>
      %dma_wait3A_2443 = arith.constant 20 : i32
      %dma_wait3A_2444 = arith.constant 0 : i32
      %dma_wait3A_2445 = tpu.memref_slice %arg11[%dma_wait3A_2443, %dma_wait3A_2444] : memref<64x64xf32, #tpu.memory_space<vmem>> -> memref<1x64xf32, #tpu.memory_space<vmem>>
      %dma_wait3A_2446 = arith.constant 0 : i32
      %dma_wait3A_2447 = tpu.memref_slice %arg5[%squeeze3A_1055, %dma_wait3A_2446] : memref<1000000x64xf32, #tpu.memory_space<hbm>> -> memref<1x64xf32, #tpu.memory_space<hbm>>
      tpu.wait_dma2 semaphore(%arg13 : memref<!tpu.dma_semaphore, #tpu.memory_space<semaphore_mem>>) src(%dma_wait3A_2447 : memref<1x64xf32, #tpu.memory_space<hbm>>) dst(%dma_wait3A_2445 : memref<1x64xf32, #tpu.memory_space<vmem>>)
      %dma_wait3A_2448 = arith.constant 21 : i32
      %dma_wait3A_2449 = arith.constant 0 : i32
      %dma_wait3A_2450 = tpu.memref_slice %arg11[%dma_wait3A_2448, %dma_wait3A_2449] : memref<64x64xf32, #tpu.memory_space<vmem>> -> memref<1x64xf32, #tpu.memory_space<vmem>>
      %dma_wait3A_2451 = arith.constant 0 : i32
      %dma_wait3A_2452 = tpu.memref_slice %arg5[%squeeze3A_1067, %dma_wait3A_2451] : memref<1000000x64xf32, #tpu.memory_space<hbm>> -> memref<1x64xf32, #tpu.memory_space<hbm>>
      %dma_wait3A_2453 = arith.constant 21 : i32
      %dma_wait3A_2454 = arith.constant 0 : i32
      %dma_wait3A_2455 = tpu.memref_slice %arg11[%dma_wait3A_2453, %dma_wait3A_2454] : memref<64x64xf32, #tpu.memory_space<vmem>> -> memref<1x64xf32, #tpu.memory_space<vmem>>
      %dma_wait3A_2456 = arith.constant 0 : i32
      %dma_wait3A_2457 = tpu.memref_slice %arg5[%squeeze3A_1067, %dma_wait3A_2456] : memref<1000000x64xf32, #tpu.memory_space<hbm>> -> memref<1x64xf32, #tpu.memory_space<hbm>>
      tpu.wait_dma2 semaphore(%arg13 : memref<!tpu.dma_semaphore, #tpu.memory_space<semaphore_mem>>) src(%dma_wait3A_2457 : memref<1x64xf32, #tpu.memory_space<hbm>>) dst(%dma_wait3A_2455 : memref<1x64xf32, #tpu.memory_space<vmem>>)
      %dma_wait3A_2458 = arith.constant 22 : i32
      %dma_wait3A_2459 = arith.constant 0 : i32
      %dma_wait3A_2460 = tpu.memref_slice %arg11[%dma_wait3A_2458, %dma_wait3A_2459] : memref<64x64xf32, #tpu.memory_space<vmem>> -> memref<1x64xf32, #tpu.memory_space<vmem>>
      %dma_wait3A_2461 = arith.constant 0 : i32
      %dma_wait3A_2462 = tpu.memref_slice %arg5[%squeeze3A_1079, %dma_wait3A_2461] : memref<1000000x64xf32, #tpu.memory_space<hbm>> -> memref<1x64xf32, #tpu.memory_space<hbm>>
      %dma_wait3A_2463 = arith.constant 22 : i32
      %dma_wait3A_2464 = arith.constant 0 : i32
      %dma_wait3A_2465 = tpu.memref_slice %arg11[%dma_wait3A_2463, %dma_wait3A_2464] : memref<64x64xf32, #tpu.memory_space<vmem>> -> memref<1x64xf32, #tpu.memory_space<vmem>>
      %dma_wait3A_2466 = arith.constant 0 : i32
      %dma_wait3A_2467 = tpu.memref_slice %arg5[%squeeze3A_1079, %dma_wait3A_2466] : memref<1000000x64xf32, #tpu.memory_space<hbm>> -> memref<1x64xf32, #tpu.memory_space<hbm>>
      tpu.wait_dma2 semaphore(%arg13 : memref<!tpu.dma_semaphore, #tpu.memory_space<semaphore_mem>>) src(%dma_wait3A_2467 : memref<1x64xf32, #tpu.memory_space<hbm>>) dst(%dma_wait3A_2465 : memref<1x64xf32, #tpu.memory_space<vmem>>)
      %dma_wait3A_2468 = arith.constant 23 : i32
      %dma_wait3A_2469 = arith.constant 0 : i32
      %dma_wait3A_2470 = tpu.memref_slice %arg11[%dma_wait3A_2468, %dma_wait3A_2469] : memref<64x64xf32, #tpu.memory_space<vmem>> -> memref<1x64xf32, #tpu.memory_space<vmem>>
      %dma_wait3A_2471 = arith.constant 0 : i32
      %dma_wait3A_2472 = tpu.memref_slice %arg5[%squeeze3A_1091, %dma_wait3A_2471] : memref<1000000x64xf32, #tpu.memory_space<hbm>> -> memref<1x64xf32, #tpu.memory_space<hbm>>
      %dma_wait3A_2473 = arith.constant 23 : i32
      %dma_wait3A_2474 = arith.constant 0 : i32
      %dma_wait3A_2475 = tpu.memref_slice %arg11[%dma_wait3A_2473, %dma_wait3A_2474] : memref<64x64xf32, #tpu.memory_space<vmem>> -> memref<1x64xf32, #tpu.memory_space<vmem>>
      %dma_wait3A_2476 = arith.constant 0 : i32
      %dma_wait3A_2477 = tpu.memref_slice %arg5[%squeeze3A_1091, %dma_wait3A_2476] : memref<1000000x64xf32, #tpu.memory_space<hbm>> -> memref<1x64xf32, #tpu.memory_space<hbm>>
      tpu.wait_dma2 semaphore(%arg13 : memref<!tpu.dma_semaphore, #tpu.memory_space<semaphore_mem>>) src(%dma_wait3A_2477 : memref<1x64xf32, #tpu.memory_space<hbm>>) dst(%dma_wait3A_2475 : memref<1x64xf32, #tpu.memory_space<vmem>>)
      %dma_wait3A_2478 = arith.constant 24 : i32
      %dma_wait3A_2479 = arith.constant 0 : i32
      %dma_wait3A_2480 = tpu.memref_slice %arg11[%dma_wait3A_2478, %dma_wait3A_2479] : memref<64x64xf32, #tpu.memory_space<vmem>> -> memref<1x64xf32, #tpu.memory_space<vmem>>
      %dma_wait3A_2481 = arith.constant 0 : i32
      %dma_wait3A_2482 = tpu.memref_slice %arg5[%squeeze3A_1103, %dma_wait3A_2481] : memref<1000000x64xf32, #tpu.memory_space<hbm>> -> memref<1x64xf32, #tpu.memory_space<hbm>>
      %dma_wait3A_2483 = arith.constant 24 : i32
      %dma_wait3A_2484 = arith.constant 0 : i32
      %dma_wait3A_2485 = tpu.memref_slice %arg11[%dma_wait3A_2483, %dma_wait3A_2484] : memref<64x64xf32, #tpu.memory_space<vmem>> -> memref<1x64xf32, #tpu.memory_space<vmem>>
      %dma_wait3A_2486 = arith.constant 0 : i32
      %dma_wait3A_2487 = tpu.memref_slice %arg5[%squeeze3A_1103, %dma_wait3A_2486] : memref<1000000x64xf32, #tpu.memory_space<hbm>> -> memref<1x64xf32, #tpu.memory_space<hbm>>
      tpu.wait_dma2 semaphore(%arg13 : memref<!tpu.dma_semaphore, #tpu.memory_space<semaphore_mem>>) src(%dma_wait3A_2487 : memref<1x64xf32, #tpu.memory_space<hbm>>) dst(%dma_wait3A_2485 : memref<1x64xf32, #tpu.memory_space<vmem>>)
      %dma_wait3A_2488 = arith.constant 25 : i32
      %dma_wait3A_2489 = arith.constant 0 : i32
      %dma_wait3A_2490 = tpu.memref_slice %arg11[%dma_wait3A_2488, %dma_wait3A_2489] : memref<64x64xf32, #tpu.memory_space<vmem>> -> memref<1x64xf32, #tpu.memory_space<vmem>>
      %dma_wait3A_2491 = arith.constant 0 : i32
      %dma_wait3A_2492 = tpu.memref_slice %arg5[%squeeze3A_1115, %dma_wait3A_2491] : memref<1000000x64xf32, #tpu.memory_space<hbm>> -> memref<1x64xf32, #tpu.memory_space<hbm>>
      %dma_wait3A_2493 = arith.constant 25 : i32
      %dma_wait3A_2494 = arith.constant 0 : i32
      %dma_wait3A_2495 = tpu.memref_slice %arg11[%dma_wait3A_2493, %dma_wait3A_2494] : memref<64x64xf32, #tpu.memory_space<vmem>> -> memref<1x64xf32, #tpu.memory_space<vmem>>
      %dma_wait3A_2496 = arith.constant 0 : i32
      %dma_wait3A_2497 = tpu.memref_slice %arg5[%squeeze3A_1115, %dma_wait3A_2496] : memref<1000000x64xf32, #tpu.memory_space<hbm>> -> memref<1x64xf32, #tpu.memory_space<hbm>>
      tpu.wait_dma2 semaphore(%arg13 : memref<!tpu.dma_semaphore, #tpu.memory_space<semaphore_mem>>) src(%dma_wait3A_2497 : memref<1x64xf32, #tpu.memory_space<hbm>>) dst(%dma_wait3A_2495 : memref<1x64xf32, #tpu.memory_space<vmem>>)
      %dma_wait3A_2498 = arith.constant 26 : i32
      %dma_wait3A_2499 = arith.constant 0 : i32
      %dma_wait3A_2500 = tpu.memref_slice %arg11[%dma_wait3A_2498, %dma_wait3A_2499] : memref<64x64xf32, #tpu.memory_space<vmem>> -> memref<1x64xf32, #tpu.memory_space<vmem>>
      %dma_wait3A_2501 = arith.constant 0 : i32
      %dma_wait3A_2502 = tpu.memref_slice %arg5[%squeeze3A_1127, %dma_wait3A_2501] : memref<1000000x64xf32, #tpu.memory_space<hbm>> -> memref<1x64xf32, #tpu.memory_space<hbm>>
      %dma_wait3A_2503 = arith.constant 26 : i32
      %dma_wait3A_2504 = arith.constant 0 : i32
      %dma_wait3A_2505 = tpu.memref_slice %arg11[%dma_wait3A_2503, %dma_wait3A_2504] : memref<64x64xf32, #tpu.memory_space<vmem>> -> memref<1x64xf32, #tpu.memory_space<vmem>>
      %dma_wait3A_2506 = arith.constant 0 : i32
      %dma_wait3A_2507 = tpu.memref_slice %arg5[%squeeze3A_1127, %dma_wait3A_2506] : memref<1000000x64xf32, #tpu.memory_space<hbm>> -> memref<1x64xf32, #tpu.memory_space<hbm>>
      tpu.wait_dma2 semaphore(%arg13 : memref<!tpu.dma_semaphore, #tpu.memory_space<semaphore_mem>>) src(%dma_wait3A_2507 : memref<1x64xf32, #tpu.memory_space<hbm>>) dst(%dma_wait3A_2505 : memref<1x64xf32, #tpu.memory_space<vmem>>)
      %dma_wait3A_2508 = arith.constant 27 : i32
      %dma_wait3A_2509 = arith.constant 0 : i32
      %dma_wait3A_2510 = tpu.memref_slice %arg11[%dma_wait3A_2508, %dma_wait3A_2509] : memref<64x64xf32, #tpu.memory_space<vmem>> -> memref<1x64xf32, #tpu.memory_space<vmem>>
      %dma_wait3A_2511 = arith.constant 0 : i32
      %dma_wait3A_2512 = tpu.memref_slice %arg5[%squeeze3A_1139, %dma_wait3A_2511] : memref<1000000x64xf32, #tpu.memory_space<hbm>> -> memref<1x64xf32, #tpu.memory_space<hbm>>
      %dma_wait3A_2513 = arith.constant 27 : i32
      %dma_wait3A_2514 = arith.constant 0 : i32
      %dma_wait3A_2515 = tpu.memref_slice %arg11[%dma_wait3A_2513, %dma_wait3A_2514] : memref<64x64xf32, #tpu.memory_space<vmem>> -> memref<1x64xf32, #tpu.memory_space<vmem>>
      %dma_wait3A_2516 = arith.constant 0 : i32
      %dma_wait3A_2517 = tpu.memref_slice %arg5[%squeeze3A_1139, %dma_wait3A_2516] : memref<1000000x64xf32, #tpu.memory_space<hbm>> -> memref<1x64xf32, #tpu.memory_space<hbm>>
      tpu.wait_dma2 semaphore(%arg13 : memref<!tpu.dma_semaphore, #tpu.memory_space<semaphore_mem>>) src(%dma_wait3A_2517 : memref<1x64xf32, #tpu.memory_space<hbm>>) dst(%dma_wait3A_2515 : memref<1x64xf32, #tpu.memory_space<vmem>>)
      %dma_wait3A_2518 = arith.constant 28 : i32
      %dma_wait3A_2519 = arith.constant 0 : i32
      %dma_wait3A_2520 = tpu.memref_slice %arg11[%dma_wait3A_2518, %dma_wait3A_2519] : memref<64x64xf32, #tpu.memory_space<vmem>> -> memref<1x64xf32, #tpu.memory_space<vmem>>
      %dma_wait3A_2521 = arith.constant 0 : i32
      %dma_wait3A_2522 = tpu.memref_slice %arg5[%squeeze3A_1151, %dma_wait3A_2521] : memref<1000000x64xf32, #tpu.memory_space<hbm>> -> memref<1x64xf32, #tpu.memory_space<hbm>>
      %dma_wait3A_2523 = arith.constant 28 : i32
      %dma_wait3A_2524 = arith.constant 0 : i32
      %dma_wait3A_2525 = tpu.memref_slice %arg11[%dma_wait3A_2523, %dma_wait3A_2524] : memref<64x64xf32, #tpu.memory_space<vmem>> -> memref<1x64xf32, #tpu.memory_space<vmem>>
      %dma_wait3A_2526 = arith.constant 0 : i32
      %dma_wait3A_2527 = tpu.memref_slice %arg5[%squeeze3A_1151, %dma_wait3A_2526] : memref<1000000x64xf32, #tpu.memory_space<hbm>> -> memref<1x64xf32, #tpu.memory_space<hbm>>
      tpu.wait_dma2 semaphore(%arg13 : memref<!tpu.dma_semaphore, #tpu.memory_space<semaphore_mem>>) src(%dma_wait3A_2527 : memref<1x64xf32, #tpu.memory_space<hbm>>) dst(%dma_wait3A_2525 : memref<1x64xf32, #tpu.memory_space<vmem>>)
      %dma_wait3A_2528 = arith.constant 29 : i32
      %dma_wait3A_2529 = arith.constant 0 : i32
      %dma_wait3A_2530 = tpu.memref_slice %arg11[%dma_wait3A_2528, %dma_wait3A_2529] : memref<64x64xf32, #tpu.memory_space<vmem>> -> memref<1x64xf32, #tpu.memory_space<vmem>>
      %dma_wait3A_2531 = arith.constant 0 : i32
      %dma_wait3A_2532 = tpu.memref_slice %arg5[%squeeze3A_1163, %dma_wait3A_2531] : memref<1000000x64xf32, #tpu.memory_space<hbm>> -> memref<1x64xf32, #tpu.memory_space<hbm>>
      %dma_wait3A_2533 = arith.constant 29 : i32
      %dma_wait3A_2534 = arith.constant 0 : i32
      %dma_wait3A_2535 = tpu.memref_slice %arg11[%dma_wait3A_2533, %dma_wait3A_2534] : memref<64x64xf32, #tpu.memory_space<vmem>> -> memref<1x64xf32, #tpu.memory_space<vmem>>
      %dma_wait3A_2536 = arith.constant 0 : i32
      %dma_wait3A_2537 = tpu.memref_slice %arg5[%squeeze3A_1163, %dma_wait3A_2536] : memref<1000000x64xf32, #tpu.memory_space<hbm>> -> memref<1x64xf32, #tpu.memory_space<hbm>>
      tpu.wait_dma2 semaphore(%arg13 : memref<!tpu.dma_semaphore, #tpu.memory_space<semaphore_mem>>) src(%dma_wait3A_2537 : memref<1x64xf32, #tpu.memory_space<hbm>>) dst(%dma_wait3A_2535 : memref<1x64xf32, #tpu.memory_space<vmem>>)
      %dma_wait3A_2538 = arith.constant 30 : i32
      %dma_wait3A_2539 = arith.constant 0 : i32
      %dma_wait3A_2540 = tpu.memref_slice %arg11[%dma_wait3A_2538, %dma_wait3A_2539] : memref<64x64xf32, #tpu.memory_space<vmem>> -> memref<1x64xf32, #tpu.memory_space<vmem>>
      %dma_wait3A_2541 = arith.constant 0 : i32
      %dma_wait3A_2542 = tpu.memref_slice %arg5[%squeeze3A_1175, %dma_wait3A_2541] : memref<1000000x64xf32, #tpu.memory_space<hbm>> -> memref<1x64xf32, #tpu.memory_space<hbm>>
      %dma_wait3A_2543 = arith.constant 30 : i32
      %dma_wait3A_2544 = arith.constant 0 : i32
      %dma_wait3A_2545 = tpu.memref_slice %arg11[%dma_wait3A_2543, %dma_wait3A_2544] : memref<64x64xf32, #tpu.memory_space<vmem>> -> memref<1x64xf32, #tpu.memory_space<vmem>>
      %dma_wait3A_2546 = arith.constant 0 : i32
      %dma_wait3A_2547 = tpu.memref_slice %arg5[%squeeze3A_1175, %dma_wait3A_2546] : memref<1000000x64xf32, #tpu.memory_space<hbm>> -> memref<1x64xf32, #tpu.memory_space<hbm>>
      tpu.wait_dma2 semaphore(%arg13 : memref<!tpu.dma_semaphore, #tpu.memory_space<semaphore_mem>>) src(%dma_wait3A_2547 : memref<1x64xf32, #tpu.memory_space<hbm>>) dst(%dma_wait3A_2545 : memref<1x64xf32, #tpu.memory_space<vmem>>)
      %dma_wait3A_2548 = arith.constant 31 : i32
      %dma_wait3A_2549 = arith.constant 0 : i32
      %dma_wait3A_2550 = tpu.memref_slice %arg11[%dma_wait3A_2548, %dma_wait3A_2549] : memref<64x64xf32, #tpu.memory_space<vmem>> -> memref<1x64xf32, #tpu.memory_space<vmem>>
      %dma_wait3A_2551 = arith.constant 0 : i32
      %dma_wait3A_2552 = tpu.memref_slice %arg5[%squeeze3A_1187, %dma_wait3A_2551] : memref<1000000x64xf32, #tpu.memory_space<hbm>> -> memref<1x64xf32, #tpu.memory_space<hbm>>
      %dma_wait3A_2553 = arith.constant 31 : i32
      %dma_wait3A_2554 = arith.constant 0 : i32
      %dma_wait3A_2555 = tpu.memref_slice %arg11[%dma_wait3A_2553, %dma_wait3A_2554] : memref<64x64xf32, #tpu.memory_space<vmem>> -> memref<1x64xf32, #tpu.memory_space<vmem>>
      %dma_wait3A_2556 = arith.constant 0 : i32
      %dma_wait3A_2557 = tpu.memref_slice %arg5[%squeeze3A_1187, %dma_wait3A_2556] : memref<1000000x64xf32, #tpu.memory_space<hbm>> -> memref<1x64xf32, #tpu.memory_space<hbm>>
      tpu.wait_dma2 semaphore(%arg13 : memref<!tpu.dma_semaphore, #tpu.memory_space<semaphore_mem>>) src(%dma_wait3A_2557 : memref<1x64xf32, #tpu.memory_space<hbm>>) dst(%dma_wait3A_2555 : memref<1x64xf32, #tpu.memory_space<vmem>>)
      %dma_wait3A_2558 = arith.constant 32 : i32
      %dma_wait3A_2559 = arith.constant 0 : i32
      %dma_wait3A_2560 = tpu.memref_slice %arg11[%dma_wait3A_2558, %dma_wait3A_2559] : memref<64x64xf32, #tpu.memory_space<vmem>> -> memref<1x64xf32, #tpu.memory_space<vmem>>
      %dma_wait3A_2561 = arith.constant 0 : i32
      %dma_wait3A_2562 = tpu.memref_slice %arg5[%squeeze3A_1206, %dma_wait3A_2561] : memref<1000000x64xf32, #tpu.memory_space<hbm>> -> memref<1x64xf32, #tpu.memory_space<hbm>>
      %dma_wait3A_2563 = arith.constant 32 : i32
      %dma_wait3A_2564 = arith.constant 0 : i32
      %dma_wait3A_2565 = tpu.memref_slice %arg11[%dma_wait3A_2563, %dma_wait3A_2564] : memref<64x64xf32, #tpu.memory_space<vmem>> -> memref<1x64xf32, #tpu.memory_space<vmem>>
      %dma_wait3A_2566 = arith.constant 0 : i32
      %dma_wait3A_2567 = tpu.memref_slice %arg5[%squeeze3A_1206, %dma_wait3A_2566] : memref<1000000x64xf32, #tpu.memory_space<hbm>> -> memref<1x64xf32, #tpu.memory_space<hbm>>
      tpu.wait_dma2 semaphore(%arg13 : memref<!tpu.dma_semaphore, #tpu.memory_space<semaphore_mem>>) src(%dma_wait3A_2567 : memref<1x64xf32, #tpu.memory_space<hbm>>) dst(%dma_wait3A_2565 : memref<1x64xf32, #tpu.memory_space<vmem>>)
      %dma_wait3A_2568 = arith.constant 33 : i32
      %dma_wait3A_2569 = arith.constant 0 : i32
      %dma_wait3A_2570 = tpu.memref_slice %arg11[%dma_wait3A_2568, %dma_wait3A_2569] : memref<64x64xf32, #tpu.memory_space<vmem>> -> memref<1x64xf32, #tpu.memory_space<vmem>>
      %dma_wait3A_2571 = arith.constant 0 : i32
      %dma_wait3A_2572 = tpu.memref_slice %arg5[%squeeze3A_1218, %dma_wait3A_2571] : memref<1000000x64xf32, #tpu.memory_space<hbm>> -> memref<1x64xf32, #tpu.memory_space<hbm>>
      %dma_wait3A_2573 = arith.constant 33 : i32
      %dma_wait3A_2574 = arith.constant 0 : i32
      %dma_wait3A_2575 = tpu.memref_slice %arg11[%dma_wait3A_2573, %dma_wait3A_2574] : memref<64x64xf32, #tpu.memory_space<vmem>> -> memref<1x64xf32, #tpu.memory_space<vmem>>
      %dma_wait3A_2576 = arith.constant 0 : i32
      %dma_wait3A_2577 = tpu.memref_slice %arg5[%squeeze3A_1218, %dma_wait3A_2576] : memref<1000000x64xf32, #tpu.memory_space<hbm>> -> memref<1x64xf32, #tpu.memory_space<hbm>>
      tpu.wait_dma2 semaphore(%arg13 : memref<!tpu.dma_semaphore, #tpu.memory_space<semaphore_mem>>) src(%dma_wait3A_2577 : memref<1x64xf32, #tpu.memory_space<hbm>>) dst(%dma_wait3A_2575 : memref<1x64xf32, #tpu.memory_space<vmem>>)
      %dma_wait3A_2578 = arith.constant 34 : i32
      %dma_wait3A_2579 = arith.constant 0 : i32
      %dma_wait3A_2580 = tpu.memref_slice %arg11[%dma_wait3A_2578, %dma_wait3A_2579] : memref<64x64xf32, #tpu.memory_space<vmem>> -> memref<1x64xf32, #tpu.memory_space<vmem>>
      %dma_wait3A_2581 = arith.constant 0 : i32
      %dma_wait3A_2582 = tpu.memref_slice %arg5[%squeeze3A_1230, %dma_wait3A_2581] : memref<1000000x64xf32, #tpu.memory_space<hbm>> -> memref<1x64xf32, #tpu.memory_space<hbm>>
      %dma_wait3A_2583 = arith.constant 34 : i32
      %dma_wait3A_2584 = arith.constant 0 : i32
      %dma_wait3A_2585 = tpu.memref_slice %arg11[%dma_wait3A_2583, %dma_wait3A_2584] : memref<64x64xf32, #tpu.memory_space<vmem>> -> memref<1x64xf32, #tpu.memory_space<vmem>>
      %dma_wait3A_2586 = arith.constant 0 : i32
      %dma_wait3A_2587 = tpu.memref_slice %arg5[%squeeze3A_1230, %dma_wait3A_2586] : memref<1000000x64xf32, #tpu.memory_space<hbm>> -> memref<1x64xf32, #tpu.memory_space<hbm>>
      tpu.wait_dma2 semaphore(%arg13 : memref<!tpu.dma_semaphore, #tpu.memory_space<semaphore_mem>>) src(%dma_wait3A_2587 : memref<1x64xf32, #tpu.memory_space<hbm>>) dst(%dma_wait3A_2585 : memref<1x64xf32, #tpu.memory_space<vmem>>)
      %dma_wait3A_2588 = arith.constant 35 : i32
      %dma_wait3A_2589 = arith.constant 0 : i32
      %dma_wait3A_2590 = tpu.memref_slice %arg11[%dma_wait3A_2588, %dma_wait3A_2589] : memref<64x64xf32, #tpu.memory_space<vmem>> -> memref<1x64xf32, #tpu.memory_space<vmem>>
      %dma_wait3A_2591 = arith.constant 0 : i32
      %dma_wait3A_2592 = tpu.memref_slice %arg5[%squeeze3A_1242, %dma_wait3A_2591] : memref<1000000x64xf32, #tpu.memory_space<hbm>> -> memref<1x64xf32, #tpu.memory_space<hbm>>
      %dma_wait3A_2593 = arith.constant 35 : i32
      %dma_wait3A_2594 = arith.constant 0 : i32
      %dma_wait3A_2595 = tpu.memref_slice %arg11[%dma_wait3A_2593, %dma_wait3A_2594] : memref<64x64xf32, #tpu.memory_space<vmem>> -> memref<1x64xf32, #tpu.memory_space<vmem>>
      %dma_wait3A_2596 = arith.constant 0 : i32
      %dma_wait3A_2597 = tpu.memref_slice %arg5[%squeeze3A_1242, %dma_wait3A_2596] : memref<1000000x64xf32, #tpu.memory_space<hbm>> -> memref<1x64xf32, #tpu.memory_space<hbm>>
      tpu.wait_dma2 semaphore(%arg13 : memref<!tpu.dma_semaphore, #tpu.memory_space<semaphore_mem>>) src(%dma_wait3A_2597 : memref<1x64xf32, #tpu.memory_space<hbm>>) dst(%dma_wait3A_2595 : memref<1x64xf32, #tpu.memory_space<vmem>>)
      %dma_wait3A_2598 = arith.constant 36 : i32
      %dma_wait3A_2599 = arith.constant 0 : i32
      %dma_wait3A_2600 = tpu.memref_slice %arg11[%dma_wait3A_2598, %dma_wait3A_2599] : memref<64x64xf32, #tpu.memory_space<vmem>> -> memref<1x64xf32, #tpu.memory_space<vmem>>
      %dma_wait3A_2601 = arith.constant 0 : i32
      %dma_wait3A_2602 = tpu.memref_slice %arg5[%squeeze3A_1254, %dma_wait3A_2601] : memref<1000000x64xf32, #tpu.memory_space<hbm>> -> memref<1x64xf32, #tpu.memory_space<hbm>>
      %dma_wait3A_2603 = arith.constant 36 : i32
      %dma_wait3A_2604 = arith.constant 0 : i32
      %dma_wait3A_2605 = tpu.memref_slice %arg11[%dma_wait3A_2603, %dma_wait3A_2604] : memref<64x64xf32, #tpu.memory_space<vmem>> -> memref<1x64xf32, #tpu.memory_space<vmem>>
      %dma_wait3A_2606 = arith.constant 0 : i32
      %dma_wait3A_2607 = tpu.memref_slice %arg5[%squeeze3A_1254, %dma_wait3A_2606] : memref<1000000x64xf32, #tpu.memory_space<hbm>> -> memref<1x64xf32, #tpu.memory_space<hbm>>
      tpu.wait_dma2 semaphore(%arg13 : memref<!tpu.dma_semaphore, #tpu.memory_space<semaphore_mem>>) src(%dma_wait3A_2607 : memref<1x64xf32, #tpu.memory_space<hbm>>) dst(%dma_wait3A_2605 : memref<1x64xf32, #tpu.memory_space<vmem>>)
      %dma_wait3A_2608 = arith.constant 37 : i32
      %dma_wait3A_2609 = arith.constant 0 : i32
      %dma_wait3A_2610 = tpu.memref_slice %arg11[%dma_wait3A_2608, %dma_wait3A_2609] : memref<64x64xf32, #tpu.memory_space<vmem>> -> memref<1x64xf32, #tpu.memory_space<vmem>>
      %dma_wait3A_2611 = arith.constant 0 : i32
      %dma_wait3A_2612 = tpu.memref_slice %arg5[%squeeze3A_1266, %dma_wait3A_2611] : memref<1000000x64xf32, #tpu.memory_space<hbm>> -> memref<1x64xf32, #tpu.memory_space<hbm>>
      %dma_wait3A_2613 = arith.constant 37 : i32
      %dma_wait3A_2614 = arith.constant 0 : i32
      %dma_wait3A_2615 = tpu.memref_slice %arg11[%dma_wait3A_2613, %dma_wait3A_2614] : memref<64x64xf32, #tpu.memory_space<vmem>> -> memref<1x64xf32, #tpu.memory_space<vmem>>
      %dma_wait3A_2616 = arith.constant 0 : i32
      %dma_wait3A_2617 = tpu.memref_slice %arg5[%squeeze3A_1266, %dma_wait3A_2616] : memref<1000000x64xf32, #tpu.memory_space<hbm>> -> memref<1x64xf32, #tpu.memory_space<hbm>>
      tpu.wait_dma2 semaphore(%arg13 : memref<!tpu.dma_semaphore, #tpu.memory_space<semaphore_mem>>) src(%dma_wait3A_2617 : memref<1x64xf32, #tpu.memory_space<hbm>>) dst(%dma_wait3A_2615 : memref<1x64xf32, #tpu.memory_space<vmem>>)
      %dma_wait3A_2618 = arith.constant 38 : i32
      %dma_wait3A_2619 = arith.constant 0 : i32
      %dma_wait3A_2620 = tpu.memref_slice %arg11[%dma_wait3A_2618, %dma_wait3A_2619] : memref<64x64xf32, #tpu.memory_space<vmem>> -> memref<1x64xf32, #tpu.memory_space<vmem>>
      %dma_wait3A_2621 = arith.constant 0 : i32
      %dma_wait3A_2622 = tpu.memref_slice %arg5[%squeeze3A_1278, %dma_wait3A_2621] : memref<1000000x64xf32, #tpu.memory_space<hbm>> -> memref<1x64xf32, #tpu.memory_space<hbm>>
      %dma_wait3A_2623 = arith.constant 38 : i32
      %dma_wait3A_2624 = arith.constant 0 : i32
      %dma_wait3A_2625 = tpu.memref_slice %arg11[%dma_wait3A_2623, %dma_wait3A_2624] : memref<64x64xf32, #tpu.memory_space<vmem>> -> memref<1x64xf32, #tpu.memory_space<vmem>>
      %dma_wait3A_2626 = arith.constant 0 : i32
      %dma_wait3A_2627 = tpu.memref_slice %arg5[%squeeze3A_1278, %dma_wait3A_2626] : memref<1000000x64xf32, #tpu.memory_space<hbm>> -> memref<1x64xf32, #tpu.memory_space<hbm>>
      tpu.wait_dma2 semaphore(%arg13 : memref<!tpu.dma_semaphore, #tpu.memory_space<semaphore_mem>>) src(%dma_wait3A_2627 : memref<1x64xf32, #tpu.memory_space<hbm>>) dst(%dma_wait3A_2625 : memref<1x64xf32, #tpu.memory_space<vmem>>)
      %dma_wait3A_2628 = arith.constant 39 : i32
      %dma_wait3A_2629 = arith.constant 0 : i32
      %dma_wait3A_2630 = tpu.memref_slice %arg11[%dma_wait3A_2628, %dma_wait3A_2629] : memref<64x64xf32, #tpu.memory_space<vmem>> -> memref<1x64xf32, #tpu.memory_space<vmem>>
      %dma_wait3A_2631 = arith.constant 0 : i32
      %dma_wait3A_2632 = tpu.memref_slice %arg5[%squeeze3A_1290, %dma_wait3A_2631] : memref<1000000x64xf32, #tpu.memory_space<hbm>> -> memref<1x64xf32, #tpu.memory_space<hbm>>
      %dma_wait3A_2633 = arith.constant 39 : i32
      %dma_wait3A_2634 = arith.constant 0 : i32
      %dma_wait3A_2635 = tpu.memref_slice %arg11[%dma_wait3A_2633, %dma_wait3A_2634] : memref<64x64xf32, #tpu.memory_space<vmem>> -> memref<1x64xf32, #tpu.memory_space<vmem>>
      %dma_wait3A_2636 = arith.constant 0 : i32
      %dma_wait3A_2637 = tpu.memref_slice %arg5[%squeeze3A_1290, %dma_wait3A_2636] : memref<1000000x64xf32, #tpu.memory_space<hbm>> -> memref<1x64xf32, #tpu.memory_space<hbm>>
      tpu.wait_dma2 semaphore(%arg13 : memref<!tpu.dma_semaphore, #tpu.memory_space<semaphore_mem>>) src(%dma_wait3A_2637 : memref<1x64xf32, #tpu.memory_space<hbm>>) dst(%dma_wait3A_2635 : memref<1x64xf32, #tpu.memory_space<vmem>>)
      %dma_wait3A_2638 = arith.constant 40 : i32
      %dma_wait3A_2639 = arith.constant 0 : i32
      %dma_wait3A_2640 = tpu.memref_slice %arg11[%dma_wait3A_2638, %dma_wait3A_2639] : memref<64x64xf32, #tpu.memory_space<vmem>> -> memref<1x64xf32, #tpu.memory_space<vmem>>
      %dma_wait3A_2641 = arith.constant 0 : i32
      %dma_wait3A_2642 = tpu.memref_slice %arg5[%squeeze3A_1302, %dma_wait3A_2641] : memref<1000000x64xf32, #tpu.memory_space<hbm>> -> memref<1x64xf32, #tpu.memory_space<hbm>>
      %dma_wait3A_2643 = arith.constant 40 : i32
      %dma_wait3A_2644 = arith.constant 0 : i32
      %dma_wait3A_2645 = tpu.memref_slice %arg11[%dma_wait3A_2643, %dma_wait3A_2644] : memref<64x64xf32, #tpu.memory_space<vmem>> -> memref<1x64xf32, #tpu.memory_space<vmem>>
      %dma_wait3A_2646 = arith.constant 0 : i32
      %dma_wait3A_2647 = tpu.memref_slice %arg5[%squeeze3A_1302, %dma_wait3A_2646] : memref<1000000x64xf32, #tpu.memory_space<hbm>> -> memref<1x64xf32, #tpu.memory_space<hbm>>
      tpu.wait_dma2 semaphore(%arg13 : memref<!tpu.dma_semaphore, #tpu.memory_space<semaphore_mem>>) src(%dma_wait3A_2647 : memref<1x64xf32, #tpu.memory_space<hbm>>) dst(%dma_wait3A_2645 : memref<1x64xf32, #tpu.memory_space<vmem>>)
      %dma_wait3A_2648 = arith.constant 41 : i32
      %dma_wait3A_2649 = arith.constant 0 : i32
      %dma_wait3A_2650 = tpu.memref_slice %arg11[%dma_wait3A_2648, %dma_wait3A_2649] : memref<64x64xf32, #tpu.memory_space<vmem>> -> memref<1x64xf32, #tpu.memory_space<vmem>>
      %dma_wait3A_2651 = arith.constant 0 : i32
      %dma_wait3A_2652 = tpu.memref_slice %arg5[%squeeze3A_1314, %dma_wait3A_2651] : memref<1000000x64xf32, #tpu.memory_space<hbm>> -> memref<1x64xf32, #tpu.memory_space<hbm>>
      %dma_wait3A_2653 = arith.constant 41 : i32
      %dma_wait3A_2654 = arith.constant 0 : i32
      %dma_wait3A_2655 = tpu.memref_slice %arg11[%dma_wait3A_2653, %dma_wait3A_2654] : memref<64x64xf32, #tpu.memory_space<vmem>> -> memref<1x64xf32, #tpu.memory_space<vmem>>
      %dma_wait3A_2656 = arith.constant 0 : i32
      %dma_wait3A_2657 = tpu.memref_slice %arg5[%squeeze3A_1314, %dma_wait3A_2656] : memref<1000000x64xf32, #tpu.memory_space<hbm>> -> memref<1x64xf32, #tpu.memory_space<hbm>>
      tpu.wait_dma2 semaphore(%arg13 : memref<!tpu.dma_semaphore, #tpu.memory_space<semaphore_mem>>) src(%dma_wait3A_2657 : memref<1x64xf32, #tpu.memory_space<hbm>>) dst(%dma_wait3A_2655 : memref<1x64xf32, #tpu.memory_space<vmem>>)
      %dma_wait3A_2658 = arith.constant 42 : i32
      %dma_wait3A_2659 = arith.constant 0 : i32
      %dma_wait3A_2660 = tpu.memref_slice %arg11[%dma_wait3A_2658, %dma_wait3A_2659] : memref<64x64xf32, #tpu.memory_space<vmem>> -> memref<1x64xf32, #tpu.memory_space<vmem>>
      %dma_wait3A_2661 = arith.constant 0 : i32
      %dma_wait3A_2662 = tpu.memref_slice %arg5[%squeeze3A_1326, %dma_wait3A_2661] : memref<1000000x64xf32, #tpu.memory_space<hbm>> -> memref<1x64xf32, #tpu.memory_space<hbm>>
      %dma_wait3A_2663 = arith.constant 42 : i32
      %dma_wait3A_2664 = arith.constant 0 : i32
      %dma_wait3A_2665 = tpu.memref_slice %arg11[%dma_wait3A_2663, %dma_wait3A_2664] : memref<64x64xf32, #tpu.memory_space<vmem>> -> memref<1x64xf32, #tpu.memory_space<vmem>>
      %dma_wait3A_2666 = arith.constant 0 : i32
      %dma_wait3A_2667 = tpu.memref_slice %arg5[%squeeze3A_1326, %dma_wait3A_2666] : memref<1000000x64xf32, #tpu.memory_space<hbm>> -> memref<1x64xf32, #tpu.memory_space<hbm>>
      tpu.wait_dma2 semaphore(%arg13 : memref<!tpu.dma_semaphore, #tpu.memory_space<semaphore_mem>>) src(%dma_wait3A_2667 : memref<1x64xf32, #tpu.memory_space<hbm>>) dst(%dma_wait3A_2665 : memref<1x64xf32, #tpu.memory_space<vmem>>)
      %dma_wait3A_2668 = arith.constant 43 : i32
      %dma_wait3A_2669 = arith.constant 0 : i32
      %dma_wait3A_2670 = tpu.memref_slice %arg11[%dma_wait3A_2668, %dma_wait3A_2669] : memref<64x64xf32, #tpu.memory_space<vmem>> -> memref<1x64xf32, #tpu.memory_space<vmem>>
      %dma_wait3A_2671 = arith.constant 0 : i32
      %dma_wait3A_2672 = tpu.memref_slice %arg5[%squeeze3A_1338, %dma_wait3A_2671] : memref<1000000x64xf32, #tpu.memory_space<hbm>> -> memref<1x64xf32, #tpu.memory_space<hbm>>
      %dma_wait3A_2673 = arith.constant 43 : i32
      %dma_wait3A_2674 = arith.constant 0 : i32
      %dma_wait3A_2675 = tpu.memref_slice %arg11[%dma_wait3A_2673, %dma_wait3A_2674] : memref<64x64xf32, #tpu.memory_space<vmem>> -> memref<1x64xf32, #tpu.memory_space<vmem>>
      %dma_wait3A_2676 = arith.constant 0 : i32
      %dma_wait3A_2677 = tpu.memref_slice %arg5[%squeeze3A_1338, %dma_wait3A_2676] : memref<1000000x64xf32, #tpu.memory_space<hbm>> -> memref<1x64xf32, #tpu.memory_space<hbm>>
      tpu.wait_dma2 semaphore(%arg13 : memref<!tpu.dma_semaphore, #tpu.memory_space<semaphore_mem>>) src(%dma_wait3A_2677 : memref<1x64xf32, #tpu.memory_space<hbm>>) dst(%dma_wait3A_2675 : memref<1x64xf32, #tpu.memory_space<vmem>>)
      %dma_wait3A_2678 = arith.constant 44 : i32
      %dma_wait3A_2679 = arith.constant 0 : i32
      %dma_wait3A_2680 = tpu.memref_slice %arg11[%dma_wait3A_2678, %dma_wait3A_2679] : memref<64x64xf32, #tpu.memory_space<vmem>> -> memref<1x64xf32, #tpu.memory_space<vmem>>
      %dma_wait3A_2681 = arith.constant 0 : i32
      %dma_wait3A_2682 = tpu.memref_slice %arg5[%squeeze3A_1350, %dma_wait3A_2681] : memref<1000000x64xf32, #tpu.memory_space<hbm>> -> memref<1x64xf32, #tpu.memory_space<hbm>>
      %dma_wait3A_2683 = arith.constant 44 : i32
      %dma_wait3A_2684 = arith.constant 0 : i32
      %dma_wait3A_2685 = tpu.memref_slice %arg11[%dma_wait3A_2683, %dma_wait3A_2684] : memref<64x64xf32, #tpu.memory_space<vmem>> -> memref<1x64xf32, #tpu.memory_space<vmem>>
      %dma_wait3A_2686 = arith.constant 0 : i32
      %dma_wait3A_2687 = tpu.memref_slice %arg5[%squeeze3A_1350, %dma_wait3A_2686] : memref<1000000x64xf32, #tpu.memory_space<hbm>> -> memref<1x64xf32, #tpu.memory_space<hbm>>
      tpu.wait_dma2 semaphore(%arg13 : memref<!tpu.dma_semaphore, #tpu.memory_space<semaphore_mem>>) src(%dma_wait3A_2687 : memref<1x64xf32, #tpu.memory_space<hbm>>) dst(%dma_wait3A_2685 : memref<1x64xf32, #tpu.memory_space<vmem>>)
      %dma_wait3A_2688 = arith.constant 45 : i32
      %dma_wait3A_2689 = arith.constant 0 : i32
      %dma_wait3A_2690 = tpu.memref_slice %arg11[%dma_wait3A_2688, %dma_wait3A_2689] : memref<64x64xf32, #tpu.memory_space<vmem>> -> memref<1x64xf32, #tpu.memory_space<vmem>>
      %dma_wait3A_2691 = arith.constant 0 : i32
      %dma_wait3A_2692 = tpu.memref_slice %arg5[%squeeze3A_1362, %dma_wait3A_2691] : memref<1000000x64xf32, #tpu.memory_space<hbm>> -> memref<1x64xf32, #tpu.memory_space<hbm>>
      %dma_wait3A_2693 = arith.constant 45 : i32
      %dma_wait3A_2694 = arith.constant 0 : i32
      %dma_wait3A_2695 = tpu.memref_slice %arg11[%dma_wait3A_2693, %dma_wait3A_2694] : memref<64x64xf32, #tpu.memory_space<vmem>> -> memref<1x64xf32, #tpu.memory_space<vmem>>
      %dma_wait3A_2696 = arith.constant 0 : i32
      %dma_wait3A_2697 = tpu.memref_slice %arg5[%squeeze3A_1362, %dma_wait3A_2696] : memref<1000000x64xf32, #tpu.memory_space<hbm>> -> memref<1x64xf32, #tpu.memory_space<hbm>>
      tpu.wait_dma2 semaphore(%arg13 : memref<!tpu.dma_semaphore, #tpu.memory_space<semaphore_mem>>) src(%dma_wait3A_2697 : memref<1x64xf32, #tpu.memory_space<hbm>>) dst(%dma_wait3A_2695 : memref<1x64xf32, #tpu.memory_space<vmem>>)
      %dma_wait3A_2698 = arith.constant 46 : i32
      %dma_wait3A_2699 = arith.constant 0 : i32
      %dma_wait3A_2700 = tpu.memref_slice %arg11[%dma_wait3A_2698, %dma_wait3A_2699] : memref<64x64xf32, #tpu.memory_space<vmem>> -> memref<1x64xf32, #tpu.memory_space<vmem>>
      %dma_wait3A_2701 = arith.constant 0 : i32
      %dma_wait3A_2702 = tpu.memref_slice %arg5[%squeeze3A_1374, %dma_wait3A_2701] : memref<1000000x64xf32, #tpu.memory_space<hbm>> -> memref<1x64xf32, #tpu.memory_space<hbm>>
      %dma_wait3A_2703 = arith.constant 46 : i32
      %dma_wait3A_2704 = arith.constant 0 : i32
      %dma_wait3A_2705 = tpu.memref_slice %arg11[%dma_wait3A_2703, %dma_wait3A_2704] : memref<64x64xf32, #tpu.memory_space<vmem>> -> memref<1x64xf32, #tpu.memory_space<vmem>>
      %dma_wait3A_2706 = arith.constant 0 : i32
      %dma_wait3A_2707 = tpu.memref_slice %arg5[%squeeze3A_1374, %dma_wait3A_2706] : memref<1000000x64xf32, #tpu.memory_space<hbm>> -> memref<1x64xf32, #tpu.memory_space<hbm>>
      tpu.wait_dma2 semaphore(%arg13 : memref<!tpu.dma_semaphore, #tpu.memory_space<semaphore_mem>>) src(%dma_wait3A_2707 : memref<1x64xf32, #tpu.memory_space<hbm>>) dst(%dma_wait3A_2705 : memref<1x64xf32, #tpu.memory_space<vmem>>)
      %dma_wait3A_2708 = arith.constant 47 : i32
      %dma_wait3A_2709 = arith.constant 0 : i32
      %dma_wait3A_2710 = tpu.memref_slice %arg11[%dma_wait3A_2708, %dma_wait3A_2709] : memref<64x64xf32, #tpu.memory_space<vmem>> -> memref<1x64xf32, #tpu.memory_space<vmem>>
      %dma_wait3A_2711 = arith.constant 0 : i32
      %dma_wait3A_2712 = tpu.memref_slice %arg5[%squeeze3A_1386, %dma_wait3A_2711] : memref<1000000x64xf32, #tpu.memory_space<hbm>> -> memref<1x64xf32, #tpu.memory_space<hbm>>
      %dma_wait3A_2713 = arith.constant 47 : i32
      %dma_wait3A_2714 = arith.constant 0 : i32
      %dma_wait3A_2715 = tpu.memref_slice %arg11[%dma_wait3A_2713, %dma_wait3A_2714] : memref<64x64xf32, #tpu.memory_space<vmem>> -> memref<1x64xf32, #tpu.memory_space<vmem>>
      %dma_wait3A_2716 = arith.constant 0 : i32
      %dma_wait3A_2717 = tpu.memref_slice %arg5[%squeeze3A_1386, %dma_wait3A_2716] : memref<1000000x64xf32, #tpu.memory_space<hbm>> -> memref<1x64xf32, #tpu.memory_space<hbm>>
      tpu.wait_dma2 semaphore(%arg13 : memref<!tpu.dma_semaphore, #tpu.memory_space<semaphore_mem>>) src(%dma_wait3A_2717 : memref<1x64xf32, #tpu.memory_space<hbm>>) dst(%dma_wait3A_2715 : memref<1x64xf32, #tpu.memory_space<vmem>>)
      %dma_wait3A_2718 = arith.constant 48 : i32
      %dma_wait3A_2719 = arith.constant 0 : i32
      %dma_wait3A_2720 = tpu.memref_slice %arg11[%dma_wait3A_2718, %dma_wait3A_2719] : memref<64x64xf32, #tpu.memory_space<vmem>> -> memref<1x64xf32, #tpu.memory_space<vmem>>
      %dma_wait3A_2721 = arith.constant 0 : i32
      %dma_wait3A_2722 = tpu.memref_slice %arg5[%squeeze3A_1405, %dma_wait3A_2721] : memref<1000000x64xf32, #tpu.memory_space<hbm>> -> memref<1x64xf32, #tpu.memory_space<hbm>>
      %dma_wait3A_2723 = arith.constant 48 : i32
      %dma_wait3A_2724 = arith.constant 0 : i32
      %dma_wait3A_2725 = tpu.memref_slice %arg11[%dma_wait3A_2723, %dma_wait3A_2724] : memref<64x64xf32, #tpu.memory_space<vmem>> -> memref<1x64xf32, #tpu.memory_space<vmem>>
      %dma_wait3A_2726 = arith.constant 0 : i32
      %dma_wait3A_2727 = tpu.memref_slice %arg5[%squeeze3A_1405, %dma_wait3A_2726] : memref<1000000x64xf32, #tpu.memory_space<hbm>> -> memref<1x64xf32, #tpu.memory_space<hbm>>
      tpu.wait_dma2 semaphore(%arg13 : memref<!tpu.dma_semaphore, #tpu.memory_space<semaphore_mem>>) src(%dma_wait3A_2727 : memref<1x64xf32, #tpu.memory_space<hbm>>) dst(%dma_wait3A_2725 : memref<1x64xf32, #tpu.memory_space<vmem>>)
      %dma_wait3A_2728 = arith.constant 49 : i32
      %dma_wait3A_2729 = arith.constant 0 : i32
      %dma_wait3A_2730 = tpu.memref_slice %arg11[%dma_wait3A_2728, %dma_wait3A_2729] : memref<64x64xf32, #tpu.memory_space<vmem>> -> memref<1x64xf32, #tpu.memory_space<vmem>>
      %dma_wait3A_2731 = arith.constant 0 : i32
      %dma_wait3A_2732 = tpu.memref_slice %arg5[%squeeze3A_1417, %dma_wait3A_2731] : memref<1000000x64xf32, #tpu.memory_space<hbm>> -> memref<1x64xf32, #tpu.memory_space<hbm>>
      %dma_wait3A_2733 = arith.constant 49 : i32
      %dma_wait3A_2734 = arith.constant 0 : i32
      %dma_wait3A_2735 = tpu.memref_slice %arg11[%dma_wait3A_2733, %dma_wait3A_2734] : memref<64x64xf32, #tpu.memory_space<vmem>> -> memref<1x64xf32, #tpu.memory_space<vmem>>
      %dma_wait3A_2736 = arith.constant 0 : i32
      %dma_wait3A_2737 = tpu.memref_slice %arg5[%squeeze3A_1417, %dma_wait3A_2736] : memref<1000000x64xf32, #tpu.memory_space<hbm>> -> memref<1x64xf32, #tpu.memory_space<hbm>>
      tpu.wait_dma2 semaphore(%arg13 : memref<!tpu.dma_semaphore, #tpu.memory_space<semaphore_mem>>) src(%dma_wait3A_2737 : memref<1x64xf32, #tpu.memory_space<hbm>>) dst(%dma_wait3A_2735 : memref<1x64xf32, #tpu.memory_space<vmem>>)
      %dma_wait3A_2738 = arith.constant 50 : i32
      %dma_wait3A_2739 = arith.constant 0 : i32
      %dma_wait3A_2740 = tpu.memref_slice %arg11[%dma_wait3A_2738, %dma_wait3A_2739] : memref<64x64xf32, #tpu.memory_space<vmem>> -> memref<1x64xf32, #tpu.memory_space<vmem>>
      %dma_wait3A_2741 = arith.constant 0 : i32
      %dma_wait3A_2742 = tpu.memref_slice %arg5[%squeeze3A_1429, %dma_wait3A_2741] : memref<1000000x64xf32, #tpu.memory_space<hbm>> -> memref<1x64xf32, #tpu.memory_space<hbm>>
      %dma_wait3A_2743 = arith.constant 50 : i32
      %dma_wait3A_2744 = arith.constant 0 : i32
      %dma_wait3A_2745 = tpu.memref_slice %arg11[%dma_wait3A_2743, %dma_wait3A_2744] : memref<64x64xf32, #tpu.memory_space<vmem>> -> memref<1x64xf32, #tpu.memory_space<vmem>>
      %dma_wait3A_2746 = arith.constant 0 : i32
      %dma_wait3A_2747 = tpu.memref_slice %arg5[%squeeze3A_1429, %dma_wait3A_2746] : memref<1000000x64xf32, #tpu.memory_space<hbm>> -> memref<1x64xf32, #tpu.memory_space<hbm>>
      tpu.wait_dma2 semaphore(%arg13 : memref<!tpu.dma_semaphore, #tpu.memory_space<semaphore_mem>>) src(%dma_wait3A_2747 : memref<1x64xf32, #tpu.memory_space<hbm>>) dst(%dma_wait3A_2745 : memref<1x64xf32, #tpu.memory_space<vmem>>)
      %dma_wait3A_2748 = arith.constant 51 : i32
      %dma_wait3A_2749 = arith.constant 0 : i32
      %dma_wait3A_2750 = tpu.memref_slice %arg11[%dma_wait3A_2748, %dma_wait3A_2749] : memref<64x64xf32, #tpu.memory_space<vmem>> -> memref<1x64xf32, #tpu.memory_space<vmem>>
      %dma_wait3A_2751 = arith.constant 0 : i32
      %dma_wait3A_2752 = tpu.memref_slice %arg5[%squeeze3A_1441, %dma_wait3A_2751] : memref<1000000x64xf32, #tpu.memory_space<hbm>> -> memref<1x64xf32, #tpu.memory_space<hbm>>
      %dma_wait3A_2753 = arith.constant 51 : i32
      %dma_wait3A_2754 = arith.constant 0 : i32
      %dma_wait3A_2755 = tpu.memref_slice %arg11[%dma_wait3A_2753, %dma_wait3A_2754] : memref<64x64xf32, #tpu.memory_space<vmem>> -> memref<1x64xf32, #tpu.memory_space<vmem>>
      %dma_wait3A_2756 = arith.constant 0 : i32
      %dma_wait3A_2757 = tpu.memref_slice %arg5[%squeeze3A_1441, %dma_wait3A_2756] : memref<1000000x64xf32, #tpu.memory_space<hbm>> -> memref<1x64xf32, #tpu.memory_space<hbm>>
      tpu.wait_dma2 semaphore(%arg13 : memref<!tpu.dma_semaphore, #tpu.memory_space<semaphore_mem>>) src(%dma_wait3A_2757 : memref<1x64xf32, #tpu.memory_space<hbm>>) dst(%dma_wait3A_2755 : memref<1x64xf32, #tpu.memory_space<vmem>>)
      %dma_wait3A_2758 = arith.constant 52 : i32
      %dma_wait3A_2759 = arith.constant 0 : i32
      %dma_wait3A_2760 = tpu.memref_slice %arg11[%dma_wait3A_2758, %dma_wait3A_2759] : memref<64x64xf32, #tpu.memory_space<vmem>> -> memref<1x64xf32, #tpu.memory_space<vmem>>
      %dma_wait3A_2761 = arith.constant 0 : i32
      %dma_wait3A_2762 = tpu.memref_slice %arg5[%squeeze3A_1453, %dma_wait3A_2761] : memref<1000000x64xf32, #tpu.memory_space<hbm>> -> memref<1x64xf32, #tpu.memory_space<hbm>>
      %dma_wait3A_2763 = arith.constant 52 : i32
      %dma_wait3A_2764 = arith.constant 0 : i32
      %dma_wait3A_2765 = tpu.memref_slice %arg11[%dma_wait3A_2763, %dma_wait3A_2764] : memref<64x64xf32, #tpu.memory_space<vmem>> -> memref<1x64xf32, #tpu.memory_space<vmem>>
      %dma_wait3A_2766 = arith.constant 0 : i32
      %dma_wait3A_2767 = tpu.memref_slice %arg5[%squeeze3A_1453, %dma_wait3A_2766] : memref<1000000x64xf32, #tpu.memory_space<hbm>> -> memref<1x64xf32, #tpu.memory_space<hbm>>
      tpu.wait_dma2 semaphore(%arg13 : memref<!tpu.dma_semaphore, #tpu.memory_space<semaphore_mem>>) src(%dma_wait3A_2767 : memref<1x64xf32, #tpu.memory_space<hbm>>) dst(%dma_wait3A_2765 : memref<1x64xf32, #tpu.memory_space<vmem>>)
      %dma_wait3A_2768 = arith.constant 53 : i32
      %dma_wait3A_2769 = arith.constant 0 : i32
      %dma_wait3A_2770 = tpu.memref_slice %arg11[%dma_wait3A_2768, %dma_wait3A_2769] : memref<64x64xf32, #tpu.memory_space<vmem>> -> memref<1x64xf32, #tpu.memory_space<vmem>>
      %dma_wait3A_2771 = arith.constant 0 : i32
      %dma_wait3A_2772 = tpu.memref_slice %arg5[%squeeze3A_1465, %dma_wait3A_2771] : memref<1000000x64xf32, #tpu.memory_space<hbm>> -> memref<1x64xf32, #tpu.memory_space<hbm>>
      %dma_wait3A_2773 = arith.constant 53 : i32
      %dma_wait3A_2774 = arith.constant 0 : i32
      %dma_wait3A_2775 = tpu.memref_slice %arg11[%dma_wait3A_2773, %dma_wait3A_2774] : memref<64x64xf32, #tpu.memory_space<vmem>> -> memref<1x64xf32, #tpu.memory_space<vmem>>
      %dma_wait3A_2776 = arith.constant 0 : i32
      %dma_wait3A_2777 = tpu.memref_slice %arg5[%squeeze3A_1465, %dma_wait3A_2776] : memref<1000000x64xf32, #tpu.memory_space<hbm>> -> memref<1x64xf32, #tpu.memory_space<hbm>>
      tpu.wait_dma2 semaphore(%arg13 : memref<!tpu.dma_semaphore, #tpu.memory_space<semaphore_mem>>) src(%dma_wait3A_2777 : memref<1x64xf32, #tpu.memory_space<hbm>>) dst(%dma_wait3A_2775 : memref<1x64xf32, #tpu.memory_space<vmem>>)
      %dma_wait3A_2778 = arith.constant 54 : i32
      %dma_wait3A_2779 = arith.constant 0 : i32
      %dma_wait3A_2780 = tpu.memref_slice %arg11[%dma_wait3A_2778, %dma_wait3A_2779] : memref<64x64xf32, #tpu.memory_space<vmem>> -> memref<1x64xf32, #tpu.memory_space<vmem>>
      %dma_wait3A_2781 = arith.constant 0 : i32
      %dma_wait3A_2782 = tpu.memref_slice %arg5[%squeeze3A_1477, %dma_wait3A_2781] : memref<1000000x64xf32, #tpu.memory_space<hbm>> -> memref<1x64xf32, #tpu.memory_space<hbm>>
      %dma_wait3A_2783 = arith.constant 54 : i32
      %dma_wait3A_2784 = arith.constant 0 : i32
      %dma_wait3A_2785 = tpu.memref_slice %arg11[%dma_wait3A_2783, %dma_wait3A_2784] : memref<64x64xf32, #tpu.memory_space<vmem>> -> memref<1x64xf32, #tpu.memory_space<vmem>>
      %dma_wait3A_2786 = arith.constant 0 : i32
      %dma_wait3A_2787 = tpu.memref_slice %arg5[%squeeze3A_1477, %dma_wait3A_2786] : memref<1000000x64xf32, #tpu.memory_space<hbm>> -> memref<1x64xf32, #tpu.memory_space<hbm>>
      tpu.wait_dma2 semaphore(%arg13 : memref<!tpu.dma_semaphore, #tpu.memory_space<semaphore_mem>>) src(%dma_wait3A_2787 : memref<1x64xf32, #tpu.memory_space<hbm>>) dst(%dma_wait3A_2785 : memref<1x64xf32, #tpu.memory_space<vmem>>)
      %dma_wait3A_2788 = arith.constant 55 : i32
      %dma_wait3A_2789 = arith.constant 0 : i32
      %dma_wait3A_2790 = tpu.memref_slice %arg11[%dma_wait3A_2788, %dma_wait3A_2789] : memref<64x64xf32, #tpu.memory_space<vmem>> -> memref<1x64xf32, #tpu.memory_space<vmem>>
      %dma_wait3A_2791 = arith.constant 0 : i32
      %dma_wait3A_2792 = tpu.memref_slice %arg5[%squeeze3A_1489, %dma_wait3A_2791] : memref<1000000x64xf32, #tpu.memory_space<hbm>> -> memref<1x64xf32, #tpu.memory_space<hbm>>
      %dma_wait3A_2793 = arith.constant 55 : i32
      %dma_wait3A_2794 = arith.constant 0 : i32
      %dma_wait3A_2795 = tpu.memref_slice %arg11[%dma_wait3A_2793, %dma_wait3A_2794] : memref<64x64xf32, #tpu.memory_space<vmem>> -> memref<1x64xf32, #tpu.memory_space<vmem>>
      %dma_wait3A_2796 = arith.constant 0 : i32
      %dma_wait3A_2797 = tpu.memref_slice %arg5[%squeeze3A_1489, %dma_wait3A_2796] : memref<1000000x64xf32, #tpu.memory_space<hbm>> -> memref<1x64xf32, #tpu.memory_space<hbm>>
      tpu.wait_dma2 semaphore(%arg13 : memref<!tpu.dma_semaphore, #tpu.memory_space<semaphore_mem>>) src(%dma_wait3A_2797 : memref<1x64xf32, #tpu.memory_space<hbm>>) dst(%dma_wait3A_2795 : memref<1x64xf32, #tpu.memory_space<vmem>>)
      %dma_wait3A_2798 = arith.constant 56 : i32
      %dma_wait3A_2799 = arith.constant 0 : i32
      %dma_wait3A_2800 = tpu.memref_slice %arg11[%dma_wait3A_2798, %dma_wait3A_2799] : memref<64x64xf32, #tpu.memory_space<vmem>> -> memref<1x64xf32, #tpu.memory_space<vmem>>
      %dma_wait3A_2801 = arith.constant 0 : i32
      %dma_wait3A_2802 = tpu.memref_slice %arg5[%squeeze3A_1501, %dma_wait3A_2801] : memref<1000000x64xf32, #tpu.memory_space<hbm>> -> memref<1x64xf32, #tpu.memory_space<hbm>>
      %dma_wait3A_2803 = arith.constant 56 : i32
      %dma_wait3A_2804 = arith.constant 0 : i32
      %dma_wait3A_2805 = tpu.memref_slice %arg11[%dma_wait3A_2803, %dma_wait3A_2804] : memref<64x64xf32, #tpu.memory_space<vmem>> -> memref<1x64xf32, #tpu.memory_space<vmem>>
      %dma_wait3A_2806 = arith.constant 0 : i32
      %dma_wait3A_2807 = tpu.memref_slice %arg5[%squeeze3A_1501, %dma_wait3A_2806] : memref<1000000x64xf32, #tpu.memory_space<hbm>> -> memref<1x64xf32, #tpu.memory_space<hbm>>
      tpu.wait_dma2 semaphore(%arg13 : memref<!tpu.dma_semaphore, #tpu.memory_space<semaphore_mem>>) src(%dma_wait3A_2807 : memref<1x64xf32, #tpu.memory_space<hbm>>) dst(%dma_wait3A_2805 : memref<1x64xf32, #tpu.memory_space<vmem>>)
      %dma_wait3A_2808 = arith.constant 57 : i32
      %dma_wait3A_2809 = arith.constant 0 : i32
      %dma_wait3A_2810 = tpu.memref_slice %arg11[%dma_wait3A_2808, %dma_wait3A_2809] : memref<64x64xf32, #tpu.memory_space<vmem>> -> memref<1x64xf32, #tpu.memory_space<vmem>>
      %dma_wait3A_2811 = arith.constant 0 : i32
      %dma_wait3A_2812 = tpu.memref_slice %arg5[%squeeze3A_1513, %dma_wait3A_2811] : memref<1000000x64xf32, #tpu.memory_space<hbm>> -> memref<1x64xf32, #tpu.memory_space<hbm>>
      %dma_wait3A_2813 = arith.constant 57 : i32
      %dma_wait3A_2814 = arith.constant 0 : i32
      %dma_wait3A_2815 = tpu.memref_slice %arg11[%dma_wait3A_2813, %dma_wait3A_2814] : memref<64x64xf32, #tpu.memory_space<vmem>> -> memref<1x64xf32, #tpu.memory_space<vmem>>
      %dma_wait3A_2816 = arith.constant 0 : i32
      %dma_wait3A_2817 = tpu.memref_slice %arg5[%squeeze3A_1513, %dma_wait3A_2816] : memref<1000000x64xf32, #tpu.memory_space<hbm>> -> memref<1x64xf32, #tpu.memory_space<hbm>>
      tpu.wait_dma2 semaphore(%arg13 : memref<!tpu.dma_semaphore, #tpu.memory_space<semaphore_mem>>) src(%dma_wait3A_2817 : memref<1x64xf32, #tpu.memory_space<hbm>>) dst(%dma_wait3A_2815 : memref<1x64xf32, #tpu.memory_space<vmem>>)
      %dma_wait3A_2818 = arith.constant 58 : i32
      %dma_wait3A_2819 = arith.constant 0 : i32
      %dma_wait3A_2820 = tpu.memref_slice %arg11[%dma_wait3A_2818, %dma_wait3A_2819] : memref<64x64xf32, #tpu.memory_space<vmem>> -> memref<1x64xf32, #tpu.memory_space<vmem>>
      %dma_wait3A_2821 = arith.constant 0 : i32
      %dma_wait3A_2822 = tpu.memref_slice %arg5[%squeeze3A_1525, %dma_wait3A_2821] : memref<1000000x64xf32, #tpu.memory_space<hbm>> -> memref<1x64xf32, #tpu.memory_space<hbm>>
      %dma_wait3A_2823 = arith.constant 58 : i32
      %dma_wait3A_2824 = arith.constant 0 : i32
      %dma_wait3A_2825 = tpu.memref_slice %arg11[%dma_wait3A_2823, %dma_wait3A_2824] : memref<64x64xf32, #tpu.memory_space<vmem>> -> memref<1x64xf32, #tpu.memory_space<vmem>>
      %dma_wait3A_2826 = arith.constant 0 : i32
      %dma_wait3A_2827 = tpu.memref_slice %arg5[%squeeze3A_1525, %dma_wait3A_2826] : memref<1000000x64xf32, #tpu.memory_space<hbm>> -> memref<1x64xf32, #tpu.memory_space<hbm>>
      tpu.wait_dma2 semaphore(%arg13 : memref<!tpu.dma_semaphore, #tpu.memory_space<semaphore_mem>>) src(%dma_wait3A_2827 : memref<1x64xf32, #tpu.memory_space<hbm>>) dst(%dma_wait3A_2825 : memref<1x64xf32, #tpu.memory_space<vmem>>)
      %dma_wait3A_2828 = arith.constant 59 : i32
      %dma_wait3A_2829 = arith.constant 0 : i32
      %dma_wait3A_2830 = tpu.memref_slice %arg11[%dma_wait3A_2828, %dma_wait3A_2829] : memref<64x64xf32, #tpu.memory_space<vmem>> -> memref<1x64xf32, #tpu.memory_space<vmem>>
      %dma_wait3A_2831 = arith.constant 0 : i32
      %dma_wait3A_2832 = tpu.memref_slice %arg5[%squeeze3A_1537, %dma_wait3A_2831] : memref<1000000x64xf32, #tpu.memory_space<hbm>> -> memref<1x64xf32, #tpu.memory_space<hbm>>
      %dma_wait3A_2833 = arith.constant 59 : i32
      %dma_wait3A_2834 = arith.constant 0 : i32
      %dma_wait3A_2835 = tpu.memref_slice %arg11[%dma_wait3A_2833, %dma_wait3A_2834] : memref<64x64xf32, #tpu.memory_space<vmem>> -> memref<1x64xf32, #tpu.memory_space<vmem>>
      %dma_wait3A_2836 = arith.constant 0 : i32
      %dma_wait3A_2837 = tpu.memref_slice %arg5[%squeeze3A_1537, %dma_wait3A_2836] : memref<1000000x64xf32, #tpu.memory_space<hbm>> -> memref<1x64xf32, #tpu.memory_space<hbm>>
      tpu.wait_dma2 semaphore(%arg13 : memref<!tpu.dma_semaphore, #tpu.memory_space<semaphore_mem>>) src(%dma_wait3A_2837 : memref<1x64xf32, #tpu.memory_space<hbm>>) dst(%dma_wait3A_2835 : memref<1x64xf32, #tpu.memory_space<vmem>>)
      %dma_wait3A_2838 = arith.constant 60 : i32
      %dma_wait3A_2839 = arith.constant 0 : i32
      %dma_wait3A_2840 = tpu.memref_slice %arg11[%dma_wait3A_2838, %dma_wait3A_2839] : memref<64x64xf32, #tpu.memory_space<vmem>> -> memref<1x64xf32, #tpu.memory_space<vmem>>
      %dma_wait3A_2841 = arith.constant 0 : i32
      %dma_wait3A_2842 = tpu.memref_slice %arg5[%squeeze3A_1549, %dma_wait3A_2841] : memref<1000000x64xf32, #tpu.memory_space<hbm>> -> memref<1x64xf32, #tpu.memory_space<hbm>>
      %dma_wait3A_2843 = arith.constant 60 : i32
      %dma_wait3A_2844 = arith.constant 0 : i32
      %dma_wait3A_2845 = tpu.memref_slice %arg11[%dma_wait3A_2843, %dma_wait3A_2844] : memref<64x64xf32, #tpu.memory_space<vmem>> -> memref<1x64xf32, #tpu.memory_space<vmem>>
      %dma_wait3A_2846 = arith.constant 0 : i32
      %dma_wait3A_2847 = tpu.memref_slice %arg5[%squeeze3A_1549, %dma_wait3A_2846] : memref<1000000x64xf32, #tpu.memory_space<hbm>> -> memref<1x64xf32, #tpu.memory_space<hbm>>
      tpu.wait_dma2 semaphore(%arg13 : memref<!tpu.dma_semaphore, #tpu.memory_space<semaphore_mem>>) src(%dma_wait3A_2847 : memref<1x64xf32, #tpu.memory_space<hbm>>) dst(%dma_wait3A_2845 : memref<1x64xf32, #tpu.memory_space<vmem>>)
      %dma_wait3A_2848 = arith.constant 61 : i32
      %dma_wait3A_2849 = arith.constant 0 : i32
      %dma_wait3A_2850 = tpu.memref_slice %arg11[%dma_wait3A_2848, %dma_wait3A_2849] : memref<64x64xf32, #tpu.memory_space<vmem>> -> memref<1x64xf32, #tpu.memory_space<vmem>>
      %dma_wait3A_2851 = arith.constant 0 : i32
      %dma_wait3A_2852 = tpu.memref_slice %arg5[%squeeze3A_1561, %dma_wait3A_2851] : memref<1000000x64xf32, #tpu.memory_space<hbm>> -> memref<1x64xf32, #tpu.memory_space<hbm>>
      %dma_wait3A_2853 = arith.constant 61 : i32
      %dma_wait3A_2854 = arith.constant 0 : i32
      %dma_wait3A_2855 = tpu.memref_slice %arg11[%dma_wait3A_2853, %dma_wait3A_2854] : memref<64x64xf32, #tpu.memory_space<vmem>> -> memref<1x64xf32, #tpu.memory_space<vmem>>
      %dma_wait3A_2856 = arith.constant 0 : i32
      %dma_wait3A_2857 = tpu.memref_slice %arg5[%squeeze3A_1561, %dma_wait3A_2856] : memref<1000000x64xf32, #tpu.memory_space<hbm>> -> memref<1x64xf32, #tpu.memory_space<hbm>>
      tpu.wait_dma2 semaphore(%arg13 : memref<!tpu.dma_semaphore, #tpu.memory_space<semaphore_mem>>) src(%dma_wait3A_2857 : memref<1x64xf32, #tpu.memory_space<hbm>>) dst(%dma_wait3A_2855 : memref<1x64xf32, #tpu.memory_space<vmem>>)
      %dma_wait3A_2858 = arith.constant 62 : i32
      %dma_wait3A_2859 = arith.constant 0 : i32
      %dma_wait3A_2860 = tpu.memref_slice %arg11[%dma_wait3A_2858, %dma_wait3A_2859] : memref<64x64xf32, #tpu.memory_space<vmem>> -> memref<1x64xf32, #tpu.memory_space<vmem>>
      %dma_wait3A_2861 = arith.constant 0 : i32
      %dma_wait3A_2862 = tpu.memref_slice %arg5[%squeeze3A_1573, %dma_wait3A_2861] : memref<1000000x64xf32, #tpu.memory_space<hbm>> -> memref<1x64xf32, #tpu.memory_space<hbm>>
      %dma_wait3A_2863 = arith.constant 62 : i32
      %dma_wait3A_2864 = arith.constant 0 : i32
      %dma_wait3A_2865 = tpu.memref_slice %arg11[%dma_wait3A_2863, %dma_wait3A_2864] : memref<64x64xf32, #tpu.memory_space<vmem>> -> memref<1x64xf32, #tpu.memory_space<vmem>>
      %dma_wait3A_2866 = arith.constant 0 : i32
      %dma_wait3A_2867 = tpu.memref_slice %arg5[%squeeze3A_1573, %dma_wait3A_2866] : memref<1000000x64xf32, #tpu.memory_space<hbm>> -> memref<1x64xf32, #tpu.memory_space<hbm>>
      tpu.wait_dma2 semaphore(%arg13 : memref<!tpu.dma_semaphore, #tpu.memory_space<semaphore_mem>>) src(%dma_wait3A_2867 : memref<1x64xf32, #tpu.memory_space<hbm>>) dst(%dma_wait3A_2865 : memref<1x64xf32, #tpu.memory_space<vmem>>)
      %dma_wait3A_2868 = arith.constant 63 : i32
      %dma_wait3A_2869 = arith.constant 0 : i32
      %dma_wait3A_2870 = tpu.memref_slice %arg11[%dma_wait3A_2868, %dma_wait3A_2869] : memref<64x64xf32, #tpu.memory_space<vmem>> -> memref<1x64xf32, #tpu.memory_space<vmem>>
      %dma_wait3A_2871 = arith.constant 0 : i32
      %dma_wait3A_2872 = tpu.memref_slice %arg5[%squeeze3A_1585, %dma_wait3A_2871] : memref<1000000x64xf32, #tpu.memory_space<hbm>> -> memref<1x64xf32, #tpu.memory_space<hbm>>
      %dma_wait3A_2873 = arith.constant 63 : i32
      %dma_wait3A_2874 = arith.constant 0 : i32
      %dma_wait3A_2875 = tpu.memref_slice %arg11[%dma_wait3A_2873, %dma_wait3A_2874] : memref<64x64xf32, #tpu.memory_space<vmem>> -> memref<1x64xf32, #tpu.memory_space<vmem>>
      %dma_wait3A_2876 = arith.constant 0 : i32
      %dma_wait3A_2877 = tpu.memref_slice %arg5[%squeeze3A_1585, %dma_wait3A_2876] : memref<1000000x64xf32, #tpu.memory_space<hbm>> -> memref<1x64xf32, #tpu.memory_space<hbm>>
      tpu.wait_dma2 semaphore(%arg13 : memref<!tpu.dma_semaphore, #tpu.memory_space<semaphore_mem>>) src(%dma_wait3A_2877 : memref<1x64xf32, #tpu.memory_space<hbm>>) dst(%dma_wait3A_2875 : memref<1x64xf32, #tpu.memory_space<vmem>>)
      %mul3A_2878 = arith.constant 64 : i32
      %mul3A_2879 = arith.muli %scan3A_7, %mul3A_2878 : i32
      %add3A_2880 = arith.addi %mul3A_2, %mul3A_2879 : i32
      "tpu.region"() ({
        %run_scoped3A = tpu.sem_alloc : memref<!tpu.dma_semaphore, #tpu.memory_space<semaphore_mem>>
        %dma_start3A_2881 = arith.constant 0 : i32
        %dma_start3A_2882 = tpu.memref_slice %arg7[%add3A_2880, %dma_start3A_2881] : memref<16384x64xf32, #tpu.memory_space<hbm>> -> memref<64x64xf32, #tpu.memory_space<hbm>>
        %dma_start3A_2883 = arith.constant 0 : i32
        %dma_start3A_2884 = tpu.memref_slice %arg7[%add3A_2880, %dma_start3A_2883] : memref<16384x64xf32, #tpu.memory_space<hbm>> -> memref<64x64xf32, #tpu.memory_space<hbm>>
        tpu.enqueue_dma source(%arg11 : memref<64x64xf32, #tpu.memory_space<vmem>>) target(%dma_start3A_2884 : memref<64x64xf32, #tpu.memory_space<hbm>>) target_semaphore(%run_scoped3A : memref<!tpu.dma_semaphore, #tpu.memory_space<semaphore_mem>>)
        %dma_wait3A_2885 = arith.constant 0 : i32
        %dma_wait3A_2886 = tpu.memref_slice %arg7[%add3A_2880, %dma_wait3A_2885] : memref<16384x64xf32, #tpu.memory_space<hbm>> -> memref<64x64xf32, #tpu.memory_space<hbm>>
        %dma_wait3A_2887 = arith.constant 0 : i32
        %dma_wait3A_2888 = tpu.memref_slice %arg7[%add3A_2880, %dma_wait3A_2887] : memref<16384x64xf32, #tpu.memory_space<hbm>> -> memref<64x64xf32, #tpu.memory_space<hbm>>
        tpu.wait_dma2 semaphore(%run_scoped3A : memref<!tpu.dma_semaphore, #tpu.memory_space<semaphore_mem>>) src(%arg11 : memref<64x64xf32, #tpu.memory_space<vmem>>) dst(%dma_wait3A_2888 : memref<64x64xf32, #tpu.memory_space<hbm>>)
        tpu.yield
      }) : () -> ()
    }
    %scan3A_6 = arith.constant 8 : i32
    return
  }
}

module attributes {stable_mosaic.version = 14 : i64} {
  func.func @_mlp_body(%arg0: i32, %arg1: memref<2048x64xf32, #tpu.memory_space<vmem>>, %arg2: memref<2048x64xf32, #tpu.memory_space<vmem>>, %arg3: memref<64x64xf32, #tpu.memory_space<vmem>>, %arg4: memref<64x64xf32, #tpu.memory_space<vmem>>, %arg5: memref<1x64xf32, #tpu.memory_space<vmem>>, %arg6: memref<64x32xf32, #tpu.memory_space<vmem>>, %arg7: memref<1x32xf32, #tpu.memory_space<vmem>>, %arg8: memref<32x1xf32, #tpu.memory_space<vmem>>, %arg9: memref<1x1xf32, #tpu.memory_space<vmem>>, %arg10: memref<2048x1xf32, #tpu.memory_space<vmem>>) attributes {dimension_semantics = [#tpu.dimension_semantics<arbitrary>], iteration_bounds = array<i64: 8>, scalar_prefetch = 0 : i64, scratch_operands = 0 : i64, tpu.core_type = #tpu.core_type<tc>, window_params = [{transform_indices = @transform_0, window_bounds = array<i64: 2048, 64>}, {transform_indices = @transform_1, window_bounds = array<i64: 2048, 64>}, {pipeline_mode = #tpu.pipeline_mode<synchronous>, transform_indices = @transform_2, window_bounds = array<i64: 64, 64>}, {pipeline_mode = #tpu.pipeline_mode<synchronous>, transform_indices = @transform_3, window_bounds = array<i64: 64, 64>}, {pipeline_mode = #tpu.pipeline_mode<synchronous>, transform_indices = @transform_4, window_bounds = array<i64: 1, 64>}, {pipeline_mode = #tpu.pipeline_mode<synchronous>, transform_indices = @transform_5, window_bounds = array<i64: 64, 32>}, {pipeline_mode = #tpu.pipeline_mode<synchronous>, transform_indices = @transform_6, window_bounds = array<i64: 1, 32>}, {pipeline_mode = #tpu.pipeline_mode<synchronous>, transform_indices = @transform_7, window_bounds = array<i64: 32, 1>}, {pipeline_mode = #tpu.pipeline_mode<synchronous>, transform_indices = @transform_8, window_bounds = array<i64: 1, 1>}, {transform_indices = @transform_9, window_bounds = array<i64: 2048, 1>}]} {
    %get3A = arith.constant 0 : index
    %get3A_0 = arith.constant 0 : index
    %get3A_1 = vector.load %arg1[%get3A, %get3A_0] : memref<2048x64xf32, #tpu.memory_space<vmem>>, vector<2048x64xf32>
    %get3A_2 = arith.constant 0 : index
    %get3A_3 = arith.constant 0 : index
    %get3A_4 = vector.load %arg3[%get3A_2, %get3A_3] : memref<64x64xf32, #tpu.memory_space<vmem>>, vector<64x64xf32>
    %dot_general3A = arith.constant dense<0.000000e+00> : vector<2048x64xf32>
    %dot_general3A_5 = tpu.matmul %get3A_1, %get3A_4, %dot_general3A {dimension_numbers = #tpu.dot_dimension_numbers<[1], [0], [0], [1], [0, 0, 1, 1], [], []>, transpose_lhs_hint = false} : vector<2048x64xf32>, vector<64x64xf32>, vector<2048x64xf32> -> vector<2048x64xf32>
    %get3A_6 = arith.constant 0 : index
    %get3A_7 = arith.constant 0 : index
    %get3A_8 = vector.load %arg2[%get3A_6, %get3A_7] : memref<2048x64xf32, #tpu.memory_space<vmem>>, vector<2048x64xf32>
    %get3A_9 = arith.constant 0 : index
    %get3A_10 = arith.constant 0 : index
    %get3A_11 = vector.load %arg4[%get3A_9, %get3A_10] : memref<64x64xf32, #tpu.memory_space<vmem>>, vector<64x64xf32>
    %dot_general3A_12 = arith.constant dense<0.000000e+00> : vector<2048x64xf32>
    %dot_general3A_13 = tpu.matmul %get3A_8, %get3A_11, %dot_general3A_12 {dimension_numbers = #tpu.dot_dimension_numbers<[1], [0], [0], [1], [0, 0, 1, 1], [], []>, transpose_lhs_hint = false} : vector<2048x64xf32>, vector<64x64xf32>, vector<2048x64xf32> -> vector<2048x64xf32>
    %add3A = arith.addf %dot_general3A_5, %dot_general3A_13 : vector<2048x64xf32>
    %get3A_14 = arith.constant 0 : index
    %get3A_15 = arith.constant 0 : index
    %get3A_16 = vector.load %arg5[%get3A_14, %get3A_15] : memref<1x64xf32, #tpu.memory_space<vmem>>, vector<1x64xf32>
    %add3A_17 = vector.broadcast %get3A_16 : vector<1x64xf32> to vector<2048x64xf32>
    %add3A_18 = arith.addf %add3A, %add3A_17 : vector<2048x64xf32>
    %max3A = arith.constant 0.000000e+00 : f32
    %max3A_19 = vector.broadcast %max3A : f32 to vector<2048x64xf32>
    %max3A_20 = arith.maximumf %add3A_18, %max3A_19 : vector<2048x64xf32>
    %get3A_21 = arith.constant 0 : index
    %get3A_22 = arith.constant 0 : index
    %get3A_23 = vector.load %arg6[%get3A_21, %get3A_22] : memref<64x32xf32, #tpu.memory_space<vmem>>, vector<64x32xf32>
    %dot_general3A_24 = arith.constant dense<0.000000e+00> : vector<2048x32xf32>
    %dot_general3A_25 = tpu.matmul %max3A_20, %get3A_23, %dot_general3A_24 {dimension_numbers = #tpu.dot_dimension_numbers<[1], [0], [0], [1], [0, 0, 1, 1], [], []>, transpose_lhs_hint = false} : vector<2048x64xf32>, vector<64x32xf32>, vector<2048x32xf32> -> vector<2048x32xf32>
    %get3A_26 = arith.constant 0 : index
    %get3A_27 = arith.constant 0 : index
    %get3A_28 = vector.load %arg7[%get3A_26, %get3A_27] : memref<1x32xf32, #tpu.memory_space<vmem>>, vector<1x32xf32>
    %add3A_29 = vector.broadcast %get3A_28 : vector<1x32xf32> to vector<2048x32xf32>
    %add3A_30 = arith.addf %dot_general3A_25, %add3A_29 : vector<2048x32xf32>
    %max3A_31 = arith.constant 0.000000e+00 : f32
    %max3A_32 = vector.broadcast %max3A_31 : f32 to vector<2048x32xf32>
    %max3A_33 = arith.maximumf %add3A_30, %max3A_32 : vector<2048x32xf32>
    %get3A_34 = arith.constant 0 : index
    %get3A_35 = arith.constant 0 : index
    %get3A_36 = vector.load %arg8[%get3A_34, %get3A_35] : memref<32x1xf32, #tpu.memory_space<vmem>>, vector<32x1xf32>
    %dot_general3A_37 = arith.constant dense<0.000000e+00> : vector<2048x1xf32>
    %dot_general3A_38 = tpu.matmul %max3A_33, %get3A_36, %dot_general3A_37 {dimension_numbers = #tpu.dot_dimension_numbers<[1], [0], [0], [1], [0, 0, 1, 1], [], []>, transpose_lhs_hint = false} : vector<2048x32xf32>, vector<32x1xf32>, vector<2048x1xf32> -> vector<2048x1xf32>
    %get3A_39 = arith.constant 0 : index
    %get3A_40 = arith.constant 0 : index
    %get3A_41 = vector.load %arg9[%get3A_39, %get3A_40] : memref<1x1xf32, #tpu.memory_space<vmem>>, vector<1x1xf32>
    %add3A_42 = vector.broadcast %get3A_41 : vector<1x1xf32> to vector<2048x1xf32>
    %add3A_43 = arith.addf %dot_general3A_38, %add3A_42 : vector<2048x1xf32>
    %swap3A = arith.constant 0 : index
    %swap3A_44 = arith.constant 0 : index
    %swap3A_45 = vector.load %arg10[%swap3A, %swap3A_44] : memref<2048x1xf32, #tpu.memory_space<vmem>>, vector<2048x1xf32>
    tpu.vector_store %arg10[%swap3A, %swap3A_44], %add3A_43 {strides = array<i32>} : memref<2048x1xf32, #tpu.memory_space<vmem>>, vector<2048x1xf32>,
    return
  }
  func.func @transform_0(%arg0: i32) -> (i32, i32) {
    %c0_i32 = arith.constant 0 : i32
    %c0_i32_0 = arith.constant 0 : i32
    return %arg0, %c0_i32 : i32, i32
  }
  func.func @transform_1(%arg0: i32) -> (i32, i32) {
    %c0_i32 = arith.constant 0 : i32
    %c0_i32_0 = arith.constant 0 : i32
    return %arg0, %c0_i32 : i32, i32
  }
  func.func @transform_2(%arg0: i32) -> (i32, i32) {
    %c0_i32 = arith.constant 0 : i32
    %c0_i32_0 = arith.constant 0 : i32
    %c0_i32_1 = arith.constant 0 : i32
    return %c0_i32, %c0_i32_0 : i32, i32
  }
  func.func @transform_3(%arg0: i32) -> (i32, i32) {
    %c0_i32 = arith.constant 0 : i32
    %c0_i32_0 = arith.constant 0 : i32
    %c0_i32_1 = arith.constant 0 : i32
    return %c0_i32, %c0_i32_0 : i32, i32
  }
  func.func @transform_4(%arg0: i32) -> (i32, i32) {
    %c0_i32 = arith.constant 0 : i32
    %c0_i32_0 = arith.constant 0 : i32
    %c0_i32_1 = arith.constant 0 : i32
    return %c0_i32, %c0_i32_0 : i32, i32
  }
  func.func @transform_5(%arg0: i32) -> (i32, i32) {
    %c0_i32 = arith.constant 0 : i32
    %c0_i32_0 = arith.constant 0 : i32
    %c0_i32_1 = arith.constant 0 : i32
    return %c0_i32, %c0_i32_0 : i32, i32
  }
  func.func @transform_6(%arg0: i32) -> (i32, i32) {
    %c0_i32 = arith.constant 0 : i32
    %c0_i32_0 = arith.constant 0 : i32
    %c0_i32_1 = arith.constant 0 : i32
    return %c0_i32, %c0_i32_0 : i32, i32
  }
  func.func @transform_7(%arg0: i32) -> (i32, i32) {
    %c0_i32 = arith.constant 0 : i32
    %c0_i32_0 = arith.constant 0 : i32
    %c0_i32_1 = arith.constant 0 : i32
    return %c0_i32, %c0_i32_0 : i32, i32
  }
  func.func @transform_8(%arg0: i32) -> (i32, i32) {
    %c0_i32 = arith.constant 0 : i32
    %c0_i32_0 = arith.constant 0 : i32
    %c0_i32_1 = arith.constant 0 : i32
    return %c0_i32, %c0_i32_0 : i32, i32
  }
  func.func @transform_9(%arg0: i32) -> (i32, i32) {
    %c0_i32 = arith.constant 0 : i32
    %c0_i32_0 = arith.constant 0 : i32
    return %arg0, %c0_i32 : i32, i32
  }
}

</mosaic_0001>

<sc_bundles>
// kernel: kernel.4.cloned.1.call-start
scs
__scs_entry_jumppad:
0x0: {  	(pc) =	sbr.rel $0x88, $3  }
0x1: {  	(tag) =	ssettag $0x0;
	lr =	simm.s32 $0x1  }
0x2: {  	[smem:$0x3F97] =	sst lr;
	_ =	strace $0xD0000000  }
0x3: {  	_ = 	snop  }
0x4: {  	_ = 	snop  }
0x5: {  	_ = 	snop  }
0x6: {  	_ = 	snop  }
0x7: {  	_ = 	snop  }
__scs_overlays_trampoline_lowered:
0x8: {  	[smem:$0x3FA6] =	sst s0  }
0x9: {  	[smem:$0x3FA7] =	sst s1  }
0xa: {  	[smem:$0x3FA8] =	sst s2  }
0xb: {  	[smem:$0x3FA9] =	sst s3  }
0xc: {  	[smem:$0x3FAA] =	sst s4  }
0xd: {  	[smem:$0x3FAB] =	sst s5  }
0xe: {  	[smem:$0x3FAC] =	sst s6  }
0xf: {  	[smem:$0x3FAD] =	sst s7  }
0x10: {  	[smem:$0x3FAE] =	sst s8  }
0x11: {  	[smem:$0x3FAF] =	sst s9;
	s0 =	simm.s32 @!p0 $0x0  }
0x12: {  	s1 =	sld [smem:$0x3F95];
	s0 =	simm.s32 @p0 $0x1  }
0x13: {  	[smem:$0x3FB0] =	sst s0;
	s0 =	simm.s32 @!p1 $0x0  }
0x14: {  	s2 =	sld [smem:$0x3F94];
	s0 =	simm.s32 @p1 $0x1  }
0x15: {  	[smem:$0x3FB1] =	sst s0;
	s0 =	simm.s32 @!p2 $0x0  }
0x16: {  	s3 =	sld [smem:$0x3FDB];
	s0 =	simm.s32 @p2 $0x1  }
0x17: {  	s4 =	simm.s32 $0x1BF5;
	[smem:$0x3FB3] =	sst s0  }
0x18: {  	s0 =	sld [smem:$0x3F96];
	_ =	swait.ge [sflag:s4], $0x0  }
0x19: {  	s7 =	sld [smem:$0x3F97]  }
0x1a: {  	s8 =	sadd.s32 $0xFFFFE003, lr  }
0x1b: {  	s9 =	sadd.s32 $0xFFFFFEF7, lr;
	s5 =	simm.s32 $0xFFFFFFFF;
	p2 =	slt.u32 s8, $0xFFFFF086  }
0x1c: {  	p1 =	slt.u32 s9, $0xF7A;
	s5 =	simm.s32 @!p2 $0x0  }
0x1d: {  	s5 =	simm.s32 @p1 $0x1;
	p0 =	seq.s32 s7, s2  }
0x1e: {  	s7 =	smul.u32 @!p0 $0xF7A, s2;
	p2 =	seq.s32 @!p0 s5, $0x0  }
0x1f: {  	s9 =	smul.u32 $0xF7A, s1;
	s8 =	simm.s32 @!p0 $0x1BF5;
	p2 =	por !p2, p0  }
0x20: {  	[sflag:s8] =	ssyncset.s32 @!p0 $0xFFFFF086;
	s6 =	sadd.s32 @!p0 s3, s7;
	s7 =	simm.s32 @!p0 $0x108  }
0x21: {  	s3 =	sadd.s32 s3, s9;
	s6 =	sadd.s32 @!p0 $0x88, s6;
	s7 =	simm.s32 @p2 $0x1082  }
0x22: {  	[simem:s7], [sflag:s8] =	dma.local @!p0 [hbm:s6], $0xF7A  }
0x23: {  	s9 =	sor.u32 $0xD0000000, s2;
	s6 =	simm.s32 $0x108;
	_ =	swait.ge @!p0 [sflag:s8], $0x0  }
0x24: {  	s3 =	sadd.s32 $0x88, s3;
	s6 =	simm.s32 @!p1 $0x1082;
	[sflag:s4] =	ssyncset.s32 $0xFFFFF086  }
0x25: {  	[simem:s6], [sflag:s4] =	dma.local [hbm:s3], $0xF7A  }
0x26: {  	[smem:$0x3F97] =	sst s1;
	(tag) =	ssettag s2;
	_ =	strace s9  }
0x27: {  	s1 =	sld [smem:$0x3FA7]  }
0x28: {  	s2 =	sld [smem:$0x3FA8]  }
0x29: {  	s4 =	sld [smem:$0x3FAA]  }
0x2a: {  	p0 =	seq.s32 s5, $0x0;
	s5 =	sld [smem:$0x3FAB]  }
0x2b: {  	s6 =	sld [smem:$0x3FAC]  }
0x2c: {  	s7 =	sld [smem:$0x3FAD]  }
0x2d: {  	s3 =	simm.s32 $0x108;
	s8 =	sld [smem:$0x3FAE]  }
0x2e: {  	s3 =	simm.s32 @!p0 $0x1082;
	s9 =	sld [smem:$0x3FAF]  }
0x2f: {  	lr =	sadd.s32 s0, s3;
	s0 =	sld [smem:$0x3FA6]  }
0x30: {  	s3 =	sld [smem:$0x3FA9]  }
0x31: {  	[smem:$0x3FB2] =	sst s10  }
0x32: {  	s10 =	sld [smem:$0x3FB0];
	_ =	sdelay $0x3  }
0x33: {  	p0 =	seq.s32 s10, $0x1;
	s10 =	sld [smem:$0x3FB2];
	_ =	sdelay $0x3  }
0x34: {  	[smem:$0x3FB2] =	sst s10  }
0x35: {  	s10 =	sld [smem:$0x3FB1];
	_ =	sdelay $0x3  }
0x36: {  	p1 =	seq.s32 s10, $0x1;
	s10 =	sld [smem:$0x3FB2];
	_ =	sdelay $0x3  }
0x37: {  	[smem:$0x3FB2] =	sst s10  }
0x38: {  	s10 =	sld [smem:$0x3FB3]  }
0x39: {  	_ = 	snop;
	(pc) =	sbr.ind lr, $3  }
0x3a: {  	_ = 	snop  }
0x3b: {  	_ = 	snop  }
0x3c: {  	p2 =	seq.s32 s10, $0x1;
	s10 =	sld [smem:$0x3FB2]  }
0x3d: {  	_ =	shalt  }
0x3e: {  	_ =	shalt  }
0x3f: {  	_ =	shalt  }
0x40: {  	_ =	shalt  }
0x41: {  	_ =	shalt  }
0x42: {  	_ =	shalt  }
0x43: {  	_ =	shalt  }
0x44: {  	_ =	shalt  }
0x45: {  	_ =	shalt  }
0x46: {  	_ =	shalt  }
0x47: {  	_ =	shalt  }
0x48: {  	_ =	shalt  }
0x49: {  	_ =	shalt  }
0x4a: {  	_ =	shalt  }
0x4b: {  	_ =	shalt  }
0x4c: {  	_ =	shalt  }
0x4d: {  	_ =	shalt  }
0x4e: {  	_ =	shalt  }
0x4f: {  	_ =	shalt  }
0x50: {  	_ =	shalt  }
0x51: {  	_ =	shalt  }
0x52: {  	_ =	shalt  }
0x53: {  	_ =	shalt  }
0x54: {  	_ =	shalt  }
0x55: {  	_ =	shalt  }
0x56: {  	_ =	shalt  }
0x57: {  	_ =	shalt  }
0x58: {  	_ =	shalt  }
0x59: {  	_ =	shalt  }
0x5a: {  	_ =	shalt  }
0x5b: {  	_ =	shalt  }
0x5c: {  	_ =	shalt  }
0x5d: {  	_ =	shalt  }
0x5e: {  	_ =	shalt  }
0x5f: {  	_ =	shalt  }
0x60: {  	_ =	shalt  }
0x61: {  	_ =	shalt  }
0x62: {  	_ =	shalt  }
0x63: {  	_ =	shalt  }
0x64: {  	_ =	shalt  }
0x65: {  	_ =	shalt  }
0x66: {  	_ =	shalt  }
0x67: {  	_ =	shalt  }
0x68: {  	_ =	shalt  }
0x69: {  	_ =	shalt  }
0x6a: {  	_ =	shalt  }
0x6b: {  	_ =	shalt  }
0x6c: {  	_ =	shalt  }
0x6d: {  	_ =	shalt  }
0x6e: {  	_ =	shalt  }
0x6f: {  	_ =	shalt  }
0x70: {  	_ =	shalt  }
0x71: {  	_ =	shalt  }
0x72: {  	_ =	shalt  }
0x73: {  	_ =	shalt  }
0x74: {  	_ =	shalt  }
0x75: {  	_ =	shalt  }
0x76: {  	_ =	shalt  }
0x77: {  	_ =	shalt  }
0x78: {  	_ =	shalt  }
0x79: {  	_ =	shalt  }
0x7a: {  	_ =	shalt  }
0x7b: {  	_ =	shalt  }
0x7c: {  	_ =	shalt  }
0x7d: {  	_ =	shalt  }
0x7e: {  	_ =	shalt  }
0x7f: {  	_ =	shalt  }
0x80: {  	_ =	shalt  }
0x81: {  	_ =	shalt  }
0x82: {  	_ =	shalt  }
0x83: {  	_ =	shalt  }
0x84: {  	_ =	shalt  }
0x85: {  	_ =	shalt  }
0x86: {  	_ =	shalt  }
0x87: {  	_ =	shalt  }
.Lfunc_end0:
.L_simem_size_0:
called_computation_lowered:
.L_overlay_start_0:
0x88: {  	s2 =	sld [smem:$0x3FD9]  }
0x89: {  	s3 =	sld [smem:$0x3FFE];
	_ =	sdelay $0x1  }
0x8a: {  	s1 =	srdreg.scid  }
0x8b: {  	s0 =	sand.u32 $0x1, s1  }
0x8c: {  	s17 =	sshll.u32 s0, $0xA;
	s2 =	sadd.s32 s3, s2  }
0x8d: {  	s2 =	sadd.s32 s2, s17  }
0x8e: {  	[smem:$0x3FBE] =	sst s2  }
0x8f: {  	_ = 	snop  }
0x90: {  	s2 =	sld [smem:$0x3FC9]  }
0x91: {  	s18 =	sld [smem:$0x3FC8];
	(tm) =	ssettm $0x1  }
0x92: {  	s4 =	sld [smem:$0x3FFB];
	_ =	sdelay $0x3  }
0x93: {  	_ =	strace s4  }
0x94: {  	s4 =	sld [smem:$0x3FFC];
	_ =	sdelay $0x3  }
0x95: {  	_ =	strace s4  }
0x96: {  	s4 =	sld [smem:$0x3FFD];
	_ =	sdelay $0x3  }
0x97: {  	_ =	strace s4  }
0x98: {  	_ =	strace $0x8FFFFFFF  }
0x99: {  	s19 =	sld [smem:$0x3FDB];
	_ =	sdelay $0x1  }
0x9a: {  	s5 =	simm.s32 $_scs_section_size  }
0x9b: {  	s6 =	simm.s32 $_size__tile_overlayer_lowered;
	s7 =	simm.s32 $_tile_overlayer_lowered  }
0x9c: {  	s22 =	simm.s32 $0x1BFF;
	s21 =	sshll.u32 s7, $0x1;
	s4 =	sadd.s32 s5, s19  }
0x9d: {  	s8 =	simm.s32 $0x0;
	s20 =	sshll.u32 s6, $0x1;
	s6 =	sadd.s32 s21, s4  }
0x9e: {  	[timem:s8], [sflag:s22] =	dma.local [hbm:s6], s20  }
0x9f: {  	_ =	swait.ge [sflag:s22], s20  }
0xa0: {  	s5 =	ssub.s32 $0x0, s20;
	[sflag:s22] =	ssyncset.done $0x0  }
0xa1: {  	[sflag:s22] =	ssyncadd.s32 s5;
	_ =	sdelay $0x1  }
0xa2: {  	s23 =	simm.s32 $0x1B8B  }
0xa3: {  	_ =	swait.ge [sflag:s23], $0x1  }
0xa4: {  	[sflag:s23] =	ssyncset.done $0x0  }
0xa5: {  	s25 =	simm.s32 $0x1B8E;
	s24 =	sld [smem:$0x3FFE];
	[sflag:s23] =	ssyncadd.s32 $0xFFFFFFFF  }
0xa6: {  	s26 =	simm.s32 $execute0_lowered;
	[smem:$0x3FD2] =	sst s25  }
0xa7: {  	s6 =	sshll.u32 s26, $0x1;
	_ =	strace $0x80000046;
	[dreg:$0x1] =	wrdreg $0xFFFFFFFF  }
0xa8: {  	s28 =	simm.s32 $_size_execute0_lowered;
	s4 =	sadd.s32 s4, s6;
	[dreg:$0x0] =	wrdreg $0x0  }
0xa9: {  	s6 =	sshll.u32 s28, $0x1;
	[dreg:$0x2] =	wrdreg s4  }
0xaa: {  	[dreg:$0x3] =	wrdreg s6  }
0xab: {  	[dreg:$0x4] =	wrdreg $0xC0  }
0xac: {  	_ =	task [dreg:s8], $0x5FFFF  }
0xad: {  	[dreg:$0x1] =	wrdreg $0xFFFFFFFF  }
0xae: {  	[dreg:$0x0] =	wrdreg $0x60  }
0xaf: {  	[dreg:$0x2] =	wrdreg s2  }
0xb0: {  	[dreg:$0x3] =	wrdreg s18  }
0xb1: {  	[dreg:$0x4] =	wrdreg s24  }
0xb2: {  	[dreg:$0x5] =	wrdreg $0x9  }
0xb3: {  	_ =	task.clear_ibuf [dreg:s8], $0x6FFFF;
	_ =	strace $0x90000046  }
0xb4: {  	s29 =	simm.s32 $0x9;
	_ =	strace $0x80000048  }
0xb5: {  	_ =	swait.ge [sflag:s29], $0x1  }
0xb6: {  	[sflag:s29] =	ssyncadd.s32 $0xFFFFFFFF  }
0xb7: {  	_ =	strace $0x90000048  }
0xb8: {  	_ =	sfence  }
0xb9: {  	s30 =	sld [smem:$0x0];
	_ =	sdelay $0x2  }
0xba: {  	s31 =	sshll.u32 s1, $0xD;
	s1 =	sshrl.u32 s1, $0x2  }
0xbb: {  	s3 =	sand.u32 $0x4000, s31;
	s1 =	sadd.s32 s1, s30  }
0xbc: {  	s0 =	sor.u32 s3, s0;
	s1 =	sshll.u32 s1, $0x11  }
0xbd: {  	s0 =	sor.u32 s1, s0  }
0xbe: {  	s0 =	sadd.s32 $0x8F2B, s0  }
0xbf: {  	[sflag:s0] =	ssyncadd.remote.s32 $0x1  }
0xc0: {  	_ =	sfence.sel $0xFFFF  }
0xc1: {  	[dreg:$0x0] =	wrdreg $0xFFFFFFFF;
	(pc) =	sbr.abs _section_cstart, $3  }
0xc2: {  	[dreg:$0x1] =	wrdreg $0xFFFFFFFF  }
0xc3: {  	_ =	task.clear_ibuf [dreg:s8], $0x2FFFF;
	_ =	strace $0x9FFFFFFF  }
0xc4: {  	(tm) =	ssettm $0x7FFFFFFF  }
0xc5: {  	_ =	shalt  }
tec
execute0_lowered:
.L_overlay_start_1:
0x0: {  	(tag) =	ssettag $0x1  }
0x1: {  	s5 =	rddreg [dreg:$0x0]  }
0x2: {  	s6 =	rddreg [dreg:$0x1]  }
0x3: {  	s4 =	rddreg [dreg:$0x2];
	s2 =	srdreg.scid  }
0x4: {  	s0 =	rddreg [dreg:$0x3];
	s7 =	sand.u32 $0x1, s2;
	s2 =	simm.s32 $0x0  }
0x5: {  	s20 =	simm.s32 $0x480;
	[smem:$0x7FF] =	sst s2  }
0x6: {  	s21 =	simm.s32 $0x500;
	_ =	strace $0x80000047;
	[dreg:$0x6] =	wrdreg s20  }
0x7: {  	s22 =	simm.s32 $0x580;
	[dreg:$0x7] =	wrdreg s21  }
0x8: {  	s23 =	simm.s32 $0x600;
	[dreg:$0x8] =	wrdreg s22  }
0x9: {  	s24 =	simm.s32 $0x680;
	[dreg:$0x9] =	wrdreg s23  }
0xa: {  	s25 =	simm.s32 $0x700;
	[dreg:$0xa] =	wrdreg s24  }
0xb: {  	s26 =	simm.s32 $0x780;
	[dreg:$0xb] =	wrdreg s25  }
0xc: {  	s28 =	simm.s32 $0x800;
	[dreg:$0xc] =	wrdreg s26  }
0xd: {  	s29 =	simm.s32 $0x880;
	[dreg:$0xd] =	wrdreg s28  }
0xe: {  	s30 =	simm.s32 $0x900;
	[dreg:$0xe] =	wrdreg s29  }
0xf: {  	s31 =	simm.s32 $0x980;
	[dreg:$0xf] =	wrdreg s30  }
0x10: {  	s9 =	simm.s32 $0xA80;
	[dreg:$0x10] =	wrdreg s31  }
0x11: {  	s10 =	simm.s32 $0xB00;
	[dreg:$0x12] =	wrdreg s9  }
0x12: {  	s11 =	simm.s32 $0xB80;
	[dreg:$0x13] =	wrdreg s10  }
0x13: {  	s12 =	simm.s32 $0xC00;
	[dreg:$0x14] =	wrdreg s11  }
0x14: {  	s13 =	simm.s32 $0xC80;
	[dreg:$0x15] =	wrdreg s12  }
0x15: {  	s14 =	simm.s32 $0xD00;
	[dreg:$0x16] =	wrdreg s13  }
0x16: {  	s15 =	simm.s32 $0xD80;
	[dreg:$0x17] =	wrdreg s14  }
0x17: {  	s16 =	simm.s32 $0xE00;
	[dreg:$0x18] =	wrdreg s15  }
0x18: {  	s17 =	simm.s32 $0xE80;
	[dreg:$0x19] =	wrdreg s16  }
0x19: {  	s18 =	simm.s32 $0xF00;
	[dreg:$0x1a] =	wrdreg s17  }
0x1a: {  	s19 =	simm.s32 $0xF80;
	[dreg:$0x1b] =	wrdreg s18  }
0x1b: {  	[dreg:$0x1c] =	wrdreg s19;
	s20 =	simm.s32 $0x1000  }
0x1c: {  	s21 =	simm.s32 $0x1080;
	[dreg:$0x1d] =	wrdreg s20  }
0x1d: {  	s22 =	simm.s32 $0x1100;
	[dreg:$0x1e] =	wrdreg s21  }
0x1e: {  	s23 =	simm.s32 $0x1180;
	[dreg:$0x1f] =	wrdreg s22  }
0x1f: {  	s24 =	simm.s32 $0x1200;
	[smem:$0x79A] =	sst s23  }
0x20: {  	s25 =	simm.s32 $0x1280;
	[smem:$0x79B] =	sst s24  }
0x21: {  	s26 =	simm.s32 $0x1300;
	[smem:$0x79C] =	sst s25  }
0x22: {  	s28 =	simm.s32 $0x1380;
	[smem:$0x79D] =	sst s26  }
0x23: {  	s29 =	simm.s32 $0x1400;
	[smem:$0x79E] =	sst s28  }
0x24: {  	s30 =	simm.s32 $0x1480;
	[smem:$0x79F] =	sst s29  }
0x25: {  	s31 =	simm.s32 $0x1500;
	[smem:$0x7A0] =	sst s30  }
0x26: {  	s9 =	simm.s32 $0x1600;
	[smem:$0x7A1] =	sst s31  }
0x27: {  	s10 =	simm.s32 $0x1680;
	[smem:$0x7A3] =	sst s9  }
0x28: {  	s11 =	simm.s32 $0x1700;
	[smem:$0x7A4] =	sst s10  }
0x29: {  	s12 =	simm.s32 $0x1780;
	[smem:$0x7A5] =	sst s11  }
0x2a: {  	s13 =	simm.s32 $0x1800;
	[smem:$0x7A6] =	sst s12  }
0x2b: {  	s14 =	simm.s32 $0x1880;
	[smem:$0x7A7] =	sst s13  }
0x2c: {  	s1 =	stileid.u32;
	s15 =	simm.s32 $0x1900;
	[smem:$0x7A8] =	sst s14  }
0x2d: {  	s3 =	sshll.u32 s1, $0xE;
	s16 =	simm.s32 $0x1980;
	[smem:$0x7A9] =	sst s15  }
0x2e: {  	s3 =	sadd.s32 s3, s4;
	s17 =	simm.s32 $0x1A00;
	[smem:$0x7AA] =	sst s16  }
0x2f: {  	s8 =	sshll.u32 s7, $0xD;
	s18 =	simm.s32 $0x1A80;
	[smem:$0x7AB] =	sst s17  }
0x30: {  	s3 =	sadd.s32 s8, s3;
	s19 =	simm.s32 $0x1B00;
	[smem:$0x7AC] =	sst s18  }
0x31: {  	s8 =	sadd.s32 $0x1E85E00, s3;
	[smem:$0x7AD] =	sst s19  }
0x32: {  	s3 =	sadd.s32 $0x1EC5E00, s3;
	[dreg:$0x4] =	wrdreg s8  }
0x33: {  	s20 =	simm.s32 $0x1B80;
	[dreg:$0x5] =	wrdreg s3  }
0x34: {  	s21 =	simm.s32 $0x1C00;
	[smem:$0x7AE] =	sst s20  }
0x35: {  	s22 =	simm.s32 $0x1C80;
	[smem:$0x7AF] =	sst s21  }
0x36: {  	s23 =	simm.s32 $0x1D00;
	[smem:$0x7B0] =	sst s22  }
0x37: {  	s24 =	simm.s32 $0x1D80;
	[smem:$0x7B1] =	sst s23  }
0x38: {  	s25 =	simm.s32 $0x1E00;
	[smem:$0x7B2] =	sst s24  }
0x39: {  	s26 =	simm.s32 $0x1E80;
	[smem:$0x7B3] =	sst s25  }
0x3a: {  	s28 =	simm.s32 $0x1F00;
	[smem:$0x7B4] =	sst s26  }
0x3b: {  	s29 =	simm.s32 $0x1F80;
	[smem:$0x7B5] =	sst s28  }
0x3c: {  	s30 =	simm.s32 $0x2000;
	[smem:$0x7B6] =	sst s29  }
0x3d: {  	s31 =	simm.s32 $0x2080;
	[smem:$0x7B7] =	sst s30  }
0x3e: {  	s9 =	simm.s32 $0x2180;
	[smem:$0x7B8] =	sst s31  }
0x3f: {  	s10 =	simm.s32 $0x2200;
	[smem:$0x7BA] =	sst s9  }
0x40: {  	s11 =	simm.s32 $0x2280;
	[smem:$0x7BB] =	sst s10  }
0x41: {  	s12 =	simm.s32 $0x2300;
	[smem:$0x7BC] =	sst s11  }
0x42: {  	s13 =	simm.s32 $0x2380;
	[smem:$0x7BD] =	sst s12  }
0x43: {  	s14 =	simm.s32 $0x2480;
	[smem:$0x7BE] =	sst s13  }
0x44: {  	s15 =	simm.s32 $0x2500;
	[smem:$0x7BF] =	sst s14  }
0x45: {  	s16 =	simm.s32 $0x2580;
	[smem:$0x7C0] =	sst s15  }
0x46: {  	s17 =	simm.s32 $0x2600;
	[smem:$0x7C1] =	sst s16  }
0x47: {  	s18 =	simm.s32 $0x2680;
	[smem:$0x7C2] =	sst s17  }
0x48: {  	s19 =	simm.s32 $0x2700;
	[smem:$0x7C3] =	sst s18  }
0x49: {  	s8 =	simm.s32 $0xA00;
	[smem:$0x7C4] =	sst s19  }
0x4a: {  	s20 =	simm.s32 $0x2780;
	[dreg:$0x11] =	wrdreg s8  }
0x4b: {  	s21 =	simm.s32 $0x2800;
	[smem:$0x7C5] =	sst s20  }
0x4c: {  	s22 =	simm.s32 $0x2880;
	[smem:$0x7C6] =	sst s21  }
0x4d: {  	s23 =	simm.s32 $0x2900;
	[smem:$0x7C7] =	sst s22  }
0x4e: {  	s24 =	simm.s32 $0x2980;
	[smem:$0x7C8] =	sst s23  }
0x4f: {  	s25 =	simm.s32 $0x2A00;
	[smem:$0x7C9] =	sst s24  }
0x50: {  	s26 =	simm.s32 $0x2A80;
	[smem:$0x7CA] =	sst s25  }
0x51: {  	s28 =	simm.s32 $0x2B00;
	[smem:$0x7CB] =	sst s26  }
0x52: {  	s29 =	simm.s32 $0x2B80;
	[smem:$0x7CC] =	sst s28  }
0x53: {  	s30 =	simm.s32 $0x2C00;
	[smem:$0x7CD] =	sst s29  }
0x54: {  	s31 =	simm.s32 $0x2C80;
	[smem:$0x7CE] =	sst s30  }
0x55: {  	s9 =	simm.s32 $0x2D80;
	[smem:$0x7CF] =	sst s31  }
0x56: {  	s10 =	simm.s32 $0x2E00;
	[smem:$0x7D1] =	sst s9  }
0x57: {  	s11 =	simm.s32 $0x2E80;
	[smem:$0x7D2] =	sst s10  }
0x58: {  	s12 =	simm.s32 $0x2F00;
	[smem:$0x7D3] =	sst s11  }
0x59: {  	s13 =	simm.s32 $0x2F80;
	[smem:$0x7D4] =	sst s12  }
0x5a: {  	s14 =	simm.s32 $0x3000;
	[smem:$0x7D5] =	sst s13  }
0x5b: {  	s15 =	simm.s32 $0x3080;
	[smem:$0x7D6] =	sst s14  }
0x5c: {  	s16 =	simm.s32 $0x3100;
	[smem:$0x7D7] =	sst s15  }
0x5d: {  	s17 =	simm.s32 $0x3180;
	[smem:$0x7D8] =	sst s16  }
0x5e: {  	s18 =	simm.s32 $0x3200;
	[smem:$0x7D9] =	sst s17  }
0x5f: {  	s19 =	simm.s32 $0x3280;
	[smem:$0x7DA] =	sst s18  }
0x60: {  	s8 =	simm.s32 $0x1580;
	[smem:$0x7DB] =	sst s19  }
0x61: {  	s20 =	simm.s32 $0x3300;
	[smem:$0x7A2] =	sst s8  }
0x62: {  	s21 =	simm.s32 $0x3380;
	[smem:$0x7DC] =	sst s20  }
0x63: {  	s22 =	simm.s32 $0x3400;
	[smem:$0x7DD] =	sst s21  }
0x64: {  	s23 =	simm.s32 $0x3480;
	[smem:$0x7DE] =	sst s22  }
0x65: {  	s24 =	simm.s32 $0x3500;
	[smem:$0x7DF] =	sst s23  }
0x66: {  	s25 =	simm.s32 $0x3580;
	[smem:$0x7E0] =	sst s24  }
0x67: {  	s26 =	simm.s32 $0x3600;
	[smem:$0x7E1] =	sst s25  }
0x68: {  	s28 =	simm.s32 $0x3680;
	[smem:$0x7E2] =	sst s26  }
0x69: {  	s29 =	simm.s32 $0x3700;
	[smem:$0x7E3] =	sst s28  }
0x6a: {  	s30 =	simm.s32 $0x3780;
	[smem:$0x7E4] =	sst s29  }
0x6b: {  	s31 =	simm.s32 $0x3800;
	[smem:$0x7E5] =	sst s30  }
0x6c: {  	s9 =	simm.s32 $0x3900;
	[smem:$0x7E6] =	sst s31  }
0x6d: {  	s10 =	simm.s32 $0x3980;
	[smem:$0x7E8] =	sst s9  }
0x6e: {  	s11 =	simm.s32 $0x3A00;
	[smem:$0x7E9] =	sst s10  }
0x6f: {  	s12 =	simm.s32 $0x3A80;
	[smem:$0x7EA] =	sst s11  }
0x70: {  	s13 =	simm.s32 $0x3B00;
	[smem:$0x7EB] =	sst s12  }
0x71: {  	s14 =	simm.s32 $0x3B80;
	[smem:$0x7EC] =	sst s13  }
0x72: {  	s15 =	simm.s32 $0x3C00;
	[smem:$0x7ED] =	sst s14  }
0x73: {  	s16 =	simm.s32 $0x3C80;
	[smem:$0x7EE] =	sst s15  }
0x74: {  	s17 =	simm.s32 $0x3D00;
	[smem:$0x7EF] =	sst s16  }
0x75: {  	s18 =	simm.s32 $0x3D80;
	[smem:$0x7F0] =	sst s17  }
0x76: {  	s19 =	simm.s32 $0x3E00;
	[smem:$0x7F1] =	sst s18  }
0x77: {  	s8 =	simm.s32 $0x2100;
	[smem:$0x7F2] =	sst s19  }
0x78: {  	s20 =	simm.s32 $0x3E80;
	[smem:$0x7B9] =	sst s8  }
0x79: {  	s21 =	simm.s32 $0x3F00;
	[smem:$0x7F3] =	sst s20  }
0x7a: {  	s3 =	sadd.s32 $0x1600, s4;
	s23 =	simm.s32 $0x3F80;
	[smem:$0x7F4] =	sst s21  }
0x7b: {  	s4 =	sadd.s32 $0xF43A00, s4;
	s24 =	simm.s32 $0x4000;
	[smem:$0x7F5] =	sst s23  }
0x7c: {  	s9 =	ssub.s32 $0x2, s7;
	s25 =	simm.s32 $0x4080;
	[smem:$0x7F6] =	sst s24  }
0x7d: {  	s22 =	sshll.u32 s1, $0xA;
	s26 =	simm.s32 $0x4100;
	[smem:$0x7F7] =	sst s25  }
0x7e: {  	s7 =	sshll.u32 s7, $0x9;
	s28 =	simm.s32 $0x4180;
	[smem:$0x7F8] =	sst s26  }
0x7f: {  	s29 =	simm.s32 $0x4200;
	s30 =	simm.s32 $0x4280;
	[smem:$0x7F9] =	sst s28  }
0x80: {  	s31 =	simm.s32 $0x4300;
	s12 =	simm.s32 $0x4380;
	[smem:$0x7FA] =	sst s29  }
0x81: {  	s11 =	simm.s32 $0x2400;
	s13 =	simm.s32 $0x2;
	[smem:$0x7FB] =	sst s30  }
0x82: {  	s14 =	simm.s32 $0x0;
	s8 =	simm.s32 $0x2D00;
	[smem:$0x7FC] =	sst s31  }
0x83: {  	s10 =	sshrl.u32 s9, $0x1;
	s7 =	sor.u32 s7, s22;
	[smem:$0x7FD] =	sst s12  }
0x84: {  	s12 =	simm.s32 $0x1;
	[smem:$0x7D0] =	sst s8;
	s8 =	simm.s32 $0x3880  }
0x85: {  	s9 =	ssub.s32 s9, s10;
	s7 =	sshrl.u32 s7, $0x3;
	s10 =	simm.s32 $0x400  }
0x86: {  	[smem:$0x7E7] =	sst s8;
	s5 =	sadd.s32 s5, s7;
	s6 =	sadd.s32 s6, s7  }
0x87: {  	s7 =	smax.u32 s9, $0x1;
	s8 =	simm.s32 $0x3;
	s9 =	simm.s32 $0x200  }
.LBB2_1:
0x88: {  	[tilespmem:s2], [sflag:$0x3] =	stream.linear.gather [hbm4b:s5+s2], $0x200, $0x38;
	[tilespmem:$0x4400] =	vst v63  }
0x89: {  	_ =	swait.ge [sflag:s8], $0x200  }
0x8a: {  	[sflag:s8] =	ssyncset.done $0x0  }
0x8b: {  	[sflag:s8] =	ssyncadd.s32 $0xFFFFFE00  }
0x8c: {  	[tilespmem:s9], [sflag:$0x3] =	stream.linear.gather [hbm4b:s6+s2], $0x200, $0x38;
	[tilespmem:$0x4400] =	vst v63  }
0x8d: {  	_ =	swait.ge [sflag:s8], $0x200  }
0x8e: {  	s15 =	simm.s32 $0x220;
	[sflag:s8] =	ssyncset.done $0x0  }
0x8f: {  	s16 =	simm.s32 $0x20;
	s17 =	simm.s32 $0x0;
	[sflag:s8] =	ssyncadd.s32 $0xFFFFFE00  }
.LBB2_2:
0x90: {  	v0 =	vld [tilespmem:s16+$0xFFFFFFE0];
	_ =	sdelay $0x4  }
0x91: {  	v0 =	vshll.u32 v0, $0x4  }
0x92: {  	(v2sf) =	vpush v0, $0x0;
	_ =	sdelay $0x1  }
0x93: {  	(v2sf) =	vpush v0, $0x1;
	_ =	sdelay $0x4  }
0x94: {  	(v2sf) =	vpush v0, $0x2;
	_ =	sdelay $0x1  }
0x95: {  	(v2sf) =	vpush v0, $0x3;
	_ =	sdelay $0x5  }
0x96: {  	s18 =	spop (v2sf);
	(v2sf) =	vpush v0, $0x4  }
0x97: {  	s18 =	sand.u32 $0x1FFFFFF0, s18  }
0x98: {  	s31 =	spop (v2sf);
	(v2sf) =	vpush v0, $0x5;
	s18 =	sadd.s32 s3, s18  }
0x99: {  	[tilespmem:s10], [sflag:$0x1] =	stream.linear.gather [hbm4b:s18+s2], $0x80, $0x38;
	[tilespmem:$0x4400] =	vst v63  }
0x9a: {  	s18 =	sand.u32 $0x1FFFFFF0, s31  }
0x9b: {  	s19 =	rddreg [dreg:$0x6];
	s18 =	sadd.s32 s3, s18  }
0x9c: {  	[tilespmem:s19], [sflag:$0x1] =	stream.linear.gather [hbm4b:s18+s2], $0x80, $0x38;
	[tilespmem:$0x4400] =	vst v63  }
0x9d: {  	s19 =	spop (v2sf);
	(v2sf) =	vpush v0, $0x6;
	_ =	sdelay $0x1  }
0x9e: {  	s21 =	spop (v2sf);
	(v2sf) =	vpush v0, $0x7;
	_ =	sdelay $0x2  }
0x9f: {  	s18 =	sand.u32 $0x1FFFFFF0, s19  }
0xa0: {  	s20 =	rddreg [dreg:$0x7];
	s18 =	sadd.s32 s3, s18  }
0xa1: {  	[tilespmem:s20], [sflag:$0x1] =	stream.linear.gather [hbm4b:s18+s2], $0x80, $0x38;
	[tilespmem:$0x4400] =	vst v63  }
0xa2: {  	s23 =	spop (v2sf);
	(v2sf) =	vpush v0, $0x8  }
0xa3: {  	s18 =	sand.u32 $0x1FFFFFF0, s21  }
0xa4: {  	s22 =	rddreg [dreg:$0x8];
	s18 =	sadd.s32 s3, s18;
	s25 =	spop (v2sf);
	(v2sf) =	vpush v0, $0x9  }
0xa5: {  	[tilespmem:s22], [sflag:$0x1] =	stream.linear.gather [hbm4b:s18+s2], $0x80, $0x38;
	[tilespmem:$0x4400] =	vst v63  }
0xa6: {  	s18 =	sand.u32 $0x1FFFFFF0, s23  }
0xa7: {  	s24 =	rddreg [dreg:$0x9];
	s18 =	sadd.s32 s3, s18  }
0xa8: {  	[tilespmem:s24], [sflag:$0x1] =	stream.linear.gather [hbm4b:s18+s2], $0x80, $0x38;
	[tilespmem:$0x4400] =	vst v63  }
0xa9: {  	s28 =	spop (v2sf);
	(v2sf) =	vpush v0, $0xA  }
0xaa: {  	s18 =	sand.u32 $0x1FFFFFF0, s25  }
0xab: {  	s26 =	rddreg [dreg:$0xa];
	s18 =	sadd.s32 s3, s18;
	s30 =	spop (v2sf);
	(v2sf) =	vpush v0, $0xB  }
0xac: {  	[tilespmem:s26], [sflag:$0x1] =	stream.linear.gather [hbm4b:s18+s2], $0x80, $0x38;
	[tilespmem:$0x4400] =	vst v63  }
0xad: {  	s18 =	sand.u32 $0x1FFFFFF0, s28  }
0xae: {  	s29 =	rddreg [dreg:$0xb];
	s18 =	sadd.s32 s3, s18  }
0xaf: {  	[tilespmem:s29], [sflag:$0x1] =	stream.linear.gather [hbm4b:s18+s2], $0x80, $0x38;
	[tilespmem:$0x4400] =	vst v63  }
0xb0: {  	s18 =	sand.u32 $0x1FFFFFF0, s30  }
0xb1: {  	s31 =	rddreg [dreg:$0xc];
	s18 =	sadd.s32 s3, s18;
	s19 =	spop (v2sf);
	(v2sf) =	vpush v0, $0xC  }
0xb2: {  	[tilespmem:s31], [sflag:$0x1] =	stream.linear.gather [hbm4b:s18+s2], $0x80, $0x38;
	[tilespmem:$0x4400] =	vst v63  }
0xb3: {  	s21 =	spop (v2sf);
	(v2sf) =	vpush v0, $0xD  }
0xb4: {  	s18 =	sand.u32 $0x1FFFFFF0, s19  }
0xb5: {  	s20 =	rddreg [dreg:$0xd];
	s18 =	sadd.s32 s3, s18  }
0xb6: {  	[tilespmem:s20], [sflag:$0x1] =	stream.linear.gather [hbm4b:s18+s2], $0x80, $0x38;
	[tilespmem:$0x4400] =	vst v63  }
0xb7: {  	s18 =	sand.u32 $0x1FFFFFF0, s21  }
0xb8: {  	s22 =	rddreg [dreg:$0xe];
	s18 =	sadd.s32 s3, s18;
	s23 =	spop (v2sf);
	(v2sf) =	vpush v0, $0xE  }
0xb9: {  	[tilespmem:s22], [sflag:$0x1] =	stream.linear.gather [hbm4b:s18+s2], $0x80, $0x38;
	[tilespmem:$0x4400] =	vst v63  }
0xba: {  	s18 =	sand.u32 $0x1FFFFFF0, s23;
	s25 =	spop (v2sf);
	(v2sf) =	vpush v0, $0xF  }
0xbb: {  	s24 =	rddreg [dreg:$0xf];
	s18 =	sadd.s32 s3, s18  }
0xbc: {  	[tilespmem:s24], [sflag:$0x1] =	stream.linear.gather [hbm4b:s18+s2], $0x80, $0x38;
	[tilespmem:$0x4400] =	vst v63  }
0xbd: {  	s18 =	sand.u32 $0x1FFFFFF0, s25  }
0xbe: {  	s26 =	rddreg [dreg:$0x10];
	s18 =	sadd.s32 s3, s18  }
0xbf: {  	[tilespmem:s26], [sflag:$0x1] =	stream.linear.gather [hbm4b:s18+s2], $0x80, $0x38;
	[tilespmem:$0x4400] =	vst v63  }
0xc0: {  	s28 =	spop (v2sf)  }
0xc1: {  	s18 =	sand.u32 $0x1FFFFFF0, s28  }
0xc2: {  	s29 =	rddreg [dreg:$0x11];
	s30 =	spop (v2sf);
	s18 =	sadd.s32 s3, s18  }
0xc3: {  	[tilespmem:s29], [sflag:$0x1] =	stream.linear.gather [hbm4b:s18+s2], $0x80, $0x38;
	[tilespmem:$0x4400] =	vst v63  }
0xc4: {  	s18 =	sand.u32 $0x1FFFFFF0, s30  }
0xc5: {  	s31 =	rddreg [dreg:$0x12];
	s18 =	sadd.s32 s3, s18  }
0xc6: {  	[tilespmem:s31], [sflag:$0x1] =	stream.linear.gather [hbm4b:s18+s2], $0x80, $0x38;
	[tilespmem:$0x4400] =	vst v63  }
0xc7: {  	s19 =	spop (v2sf)  }
0xc8: {  	s18 =	sand.u32 $0x1FFFFFF0, s19  }
0xc9: {  	s20 =	rddreg [dreg:$0x13];
	s21 =	spop (v2sf);
	s18 =	sadd.s32 s3, s18  }
0xca: {  	[tilespmem:s20], [sflag:$0x1] =	stream.linear.gather [hbm4b:s18+s2], $0x80, $0x38;
	[tilespmem:$0x4400] =	vst v63  }
0xcb: {  	s18 =	sand.u32 $0x1FFFFFF0, s21  }
0xcc: {  	s22 =	rddreg [dreg:$0x14];
	s18 =	sadd.s32 s3, s18  }
0xcd: {  	[tilespmem:s22], [sflag:$0x1] =	stream.linear.gather [hbm4b:s18+s2], $0x80, $0x38;
	[tilespmem:$0x4400] =	vst v63  }
0xce: {  	v57 =	vld [tilespmem:s16+$0xFFFFFFF0];
	_ =	sdelay $0x4  }
0xcf: {  	v0 =	vshll.u32 v57, $0x4  }
0xd0: {  	(v2sf) =	vpush v0, $0x0;
	_ =	sdelay $0x1  }
0xd1: {  	(v2sf) =	vpush v0, $0x1;
	_ =	sdelay $0x1  }
0xd2: {  	(v2sf) =	vpush v0, $0x2;
	_ =	sdelay $0x2  }
0xd3: {  	(v2sf) =	vpush v0, $0x3;
	_ =	sdelay $0x7  }
0xd4: {  	s23 =	spop (v2sf);
	(v2sf) =	vpush v0, $0x4;
	_ =	sdelay $0x1  }
0xd5: {  	s25 =	spop (v2sf);
	(v2sf) =	vpush v0, $0x5;
	_ =	sdelay $0x1  }
0xd6: {  	s28 =	spop (v2sf);
	(v2sf) =	vpush v0, $0x6;
	_ =	sdelay $0x1  }
0xd7: {  	s18 =	sand.u32 $0x1FFFFFF0, s23  }
0xd8: {  	s24 =	rddreg [dreg:$0x15];
	s18 =	sadd.s32 s3, s18;
	s30 =	spop (v2sf);
	(v2sf) =	vpush v0, $0x7  }
0xd9: {  	[tilespmem:s24], [sflag:$0x1] =	stream.linear.gather [hbm4b:s18+s2], $0x80, $0x38;
	[tilespmem:$0x4400] =	vst v63  }
0xda: {  	s18 =	sand.u32 $0x1FFFFFF0, s25  }
0xdb: {  	s26 =	rddreg [dreg:$0x16];
	s18 =	sadd.s32 s3, s18  }
0xdc: {  	[tilespmem:s26], [sflag:$0x1] =	stream.linear.gather [hbm4b:s18+s2], $0x80, $0x38;
	[tilespmem:$0x4400] =	vst v63  }
0xdd: {  	s18 =	sand.u32 $0x1FFFFFF0, s28  }
0xde: {  	s29 =	rddreg [dreg:$0x17];
	s18 =	sadd.s32 s3, s18  }
0xdf: {  	[tilespmem:s29], [sflag:$0x1] =	stream.linear.gather [hbm4b:s18+s2], $0x80, $0x38;
	[tilespmem:$0x4400] =	vst v63  }
0xe0: {  	s19 =	spop (v2sf);
	(v2sf) =	vpush v0, $0x8  }
0xe1: {  	s18 =	sand.u32 $0x1FFFFFF0, s30  }
0xe2: {  	s31 =	rddreg [dreg:$0x18];
	s18 =	sadd.s32 s3, s18;
	s21 =	spop (v2sf);
	(v2sf) =	vpush v0, $0x9  }
0xe3: {  	[tilespmem:s31], [sflag:$0x1] =	stream.linear.gather [hbm4b:s18+s2], $0x80, $0x38;
	[tilespmem:$0x4400] =	vst v63  }
0xe4: {  	s18 =	sand.u32 $0x1FFFFFF0, s19;
	s23 =	spop (v2sf);
	(v2sf) =	vpush v0, $0xA  }
0xe5: {  	s20 =	rddreg [dreg:$0x19];
	s18 =	sadd.s32 s3, s18  }
0xe6: {  	[tilespmem:s20], [sflag:$0x1] =	stream.linear.gather [hbm4b:s18+s2], $0x80, $0x38;
	[tilespmem:$0x4400] =	vst v63  }
0xe7: {  	s25 =	spop (v2sf);
	(v2sf) =	vpush v0, $0xB  }
0xe8: {  	s18 =	sand.u32 $0x1FFFFFF0, s21  }
0xe9: {  	s22 =	rddreg [dreg:$0x1a];
	s18 =	sadd.s32 s3, s18  }
0xea: {  	[tilespmem:s22], [sflag:$0x1] =	stream.linear.gather [hbm4b:s18+s2], $0x80, $0x38;
	[tilespmem:$0x4400] =	vst v63  }
0xeb: {  	s18 =	sand.u32 $0x1FFFFFF0, s23  }
0xec: {  	s24 =	rddreg [dreg:$0x1b];
	s18 =	sadd.s32 s3, s18  }
0xed: {  	[tilespmem:s24], [sflag:$0x1] =	stream.linear.gather [hbm4b:s18+s2], $0x80, $0x38;
	[tilespmem:$0x4400] =	vst v63  }
0xee: {  	s18 =	sand.u32 $0x1FFFFFF0, s25  }
0xef: {  	s26 =	rddreg [dreg:$0x1c];
	s18 =	sadd.s32 s3, s18;
	s28 =	spop (v2sf);
	(v2sf) =	vpush v0, $0xC  }
0xf0: {  	[tilespmem:s26], [sflag:$0x1] =	stream.linear.gather [hbm4b:s18+s2], $0x80, $0x38;
	[tilespmem:$0x4400] =	vst v63  }
0xf1: {  	s30 =	spop (v2sf);
	(v2sf) =	vpush v0, $0xD  }
0xf2: {  	s18 =	sand.u32 $0x1FFFFFF0, s28  }
0xf3: {  	s29 =	rddreg [dreg:$0x1d];
	s18 =	sadd.s32 s3, s18;
	s19 =	spop (v2sf)  }
0xf4: {  	(v2sf) =	vpush v0, $0xE;
	[tilespmem:s29], [sflag:$0x1] =	stream.linear.gather [hbm4b:s18+s2], $0x80, $0x38;
	[tilespmem:$0x4400] =	vst v63  }
0xf5: {  	s18 =	sand.u32 $0x1FFFFFF0, s30  }
0xf6: {  	s31 =	rddreg [dreg:$0x1e];
	s21 =	spop (v2sf);
	s18 =	sadd.s32 s3, s18  }
0xf7: {  	(v2sf) =	vpush v0, $0xF;
	[tilespmem:s31], [sflag:$0x1] =	stream.linear.gather [hbm4b:s18+s2], $0x80, $0x38;
	[tilespmem:$0x4400] =	vst v63  }
0xf8: {  	s20 =	rddreg [dreg:$0x1f];
	s18 =	sand.u32 $0x1FFFFFF0, s19  }
0xf9: {  	s22 =	sld [smem:$0x79A];
	s18 =	sadd.s32 s3, s18  }
0xfa: {  	[tilespmem:s20], [sflag:$0x1] =	stream.linear.gather [hbm4b:s18+s2], $0x80, $0x38;
	[tilespmem:$0x4400] =	vst v63  }
0xfb: {  	s18 =	sand.u32 $0x1FFFFFF0, s21  }
0xfc: {  	s18 =	sadd.s32 s3, s18  }
0xfd: {  	[tilespmem:s22], [sflag:$0x1] =	stream.linear.gather [hbm4b:s18+s2], $0x80, $0x38;
	[tilespmem:$0x4400] =	vst v63  }
0xfe: {  	s24 =	sld [smem:$0x79B];
	s23 =	spop (v2sf)  }
0xff: {  	s18 =	sand.u32 $0x1FFFFFF0, s23  }
0x100: {  	s26 =	sld [smem:$0x79C];
	s25 =	spop (v2sf);
	s18 =	sadd.s32 s3, s18  }
0x101: {  	[tilespmem:s24], [sflag:$0x1] =	stream.linear.gather [hbm4b:s18+s2], $0x80, $0x38;
	[tilespmem:$0x4400] =	vst v63  }
0x102: {  	s18 =	sand.u32 $0x1FFFFFF0, s25  }
0x103: {  	s29 =	sld [smem:$0x79D];
	s28 =	spop (v2sf);
	s18 =	sadd.s32 s3, s18  }
0x104: {  	[tilespmem:s26], [sflag:$0x1] =	stream.linear.gather [hbm4b:s18+s2], $0x80, $0x38;
	[tilespmem:$0x4400] =	vst v63  }
0x105: {  	s18 =	sand.u32 $0x1FFFFFF0, s28  }
0x106: {  	s31 =	sld [smem:$0x79E];
	s30 =	spop (v2sf);
	s18 =	sadd.s32 s3, s18  }
0x107: {  	[tilespmem:s29], [sflag:$0x1] =	stream.linear.gather [hbm4b:s18+s2], $0x80, $0x38;
	[tilespmem:$0x4400] =	vst v63  }
0x108: {  	s18 =	sand.u32 $0x1FFFFFF0, s30  }
0x109: {  	s18 =	sadd.s32 s3, s18  }
0x10a: {  	[tilespmem:s31], [sflag:$0x1] =	stream.linear.gather [hbm4b:s18+s2], $0x80, $0x38;
	[tilespmem:$0x4400] =	vst v63  }
0x10b: {  	v58 =	vld [tilespmem:s16+$0x0];
	_ =	sdelay $0x4  }
0x10c: {  	v0 =	vshll.u32 v58, $0x4  }
0x10d: {  	(v2sf) =	vpush v0, $0x0;
	_ =	sdelay $0x1  }
0x10e: {  	(v2sf) =	vpush v0, $0x1;
	_ =	sdelay $0x1  }
0x10f: {  	(v2sf) =	vpush v0, $0x2;
	_ =	sdelay $0x2  }
0x110: {  	(v2sf) =	vpush v0, $0x3;
	_ =	sdelay $0x7  }
0x111: {  	s19 =	spop (v2sf);
	(v2sf) =	vpush v0, $0x4;
	_ =	sdelay $0x1  }
0x112: {  	s21 =	spop (v2sf);
	(v2sf) =	vpush v0, $0x5;
	_ =	sdelay $0x1  }
0x113: {  	s23 =	spop (v2sf);
	(v2sf) =	vpush v0, $0x6  }
0x114: {  	s20 =	sld [smem:$0x79F]  }
0x115: {  	s18 =	sand.u32 $0x1FFFFFF0, s19  }
0x116: {  	s22 =	sld [smem:$0x7A0];
	s18 =	sadd.s32 s3, s18;
	s25 =	spop (v2sf);
	(v2sf) =	vpush v0, $0x7  }
0x117: {  	[tilespmem:s20], [sflag:$0x1] =	stream.linear.gather [hbm4b:s18+s2], $0x80, $0x38;
	[tilespmem:$0x4400] =	vst v63  }
0x118: {  	s18 =	sand.u32 $0x1FFFFFF0, s21  }
0x119: {  	s24 =	sld [smem:$0x7A1];
	s18 =	sadd.s32 s3, s18  }
0x11a: {  	[tilespmem:s22], [sflag:$0x1] =	stream.linear.gather [hbm4b:s18+s2], $0x80, $0x38;
	[tilespmem:$0x4400] =	vst v63  }
0x11b: {  	s18 =	sand.u32 $0x1FFFFFF0, s23  }
0x11c: {  	s18 =	sadd.s32 s3, s18  }
0x11d: {  	[tilespmem:s24], [sflag:$0x1] =	stream.linear.gather [hbm4b:s18+s2], $0x80, $0x38;
	[tilespmem:$0x4400] =	vst v63  }
0x11e: {  	s26 =	sld [smem:$0x7A2];
	s28 =	spop (v2sf);
	(v2sf) =	vpush v0, $0x8  }
0x11f: {  	s18 =	sand.u32 $0x1FFFFFF0, s25  }
0x120: {  	s29 =	sld [smem:$0x7A3];
	s18 =	sadd.s32 s3, s18;
	s30 =	spop (v2sf);
	(v2sf) =	vpush v0, $0x9  }
0x121: {  	[tilespmem:s26], [sflag:$0x1] =	stream.linear.gather [hbm4b:s18+s2], $0x80, $0x38;
	[tilespmem:$0x4400] =	vst v63  }
0x122: {  	s18 =	sand.u32 $0x1FFFFFF0, s28;
	s19 =	spop (v2sf);
	(v2sf) =	vpush v0, $0xA  }
0x123: {  	s18 =	sadd.s32 s3, s18  }
0x124: {  	[tilespmem:s29], [sflag:$0x1] =	stream.linear.gather [hbm4b:s18+s2], $0x80, $0x38;
	[tilespmem:$0x4400] =	vst v63  }
0x125: {  	s31 =	sld [smem:$0x7A4];
	s21 =	spop (v2sf);
	(v2sf) =	vpush v0, $0xB  }
0x126: {  	s18 =	sand.u32 $0x1FFFFFF0, s30  }
0x127: {  	s20 =	sld [smem:$0x7A5];
	s18 =	sadd.s32 s3, s18  }
0x128: {  	[tilespmem:s31], [sflag:$0x1] =	stream.linear.gather [hbm4b:s18+s2], $0x80, $0x38;
	[tilespmem:$0x4400] =	vst v63  }
0x129: {  	s18 =	sand.u32 $0x1FFFFFF0, s19  }
0x12a: {  	s22 =	sld [smem:$0x7A6];
	s18 =	sadd.s32 s3, s18  }
0x12b: {  	[tilespmem:s20], [sflag:$0x1] =	stream.linear.gather [hbm4b:s18+s2], $0x80, $0x38;
	[tilespmem:$0x4400] =	vst v63  }
0x12c: {  	s18 =	sand.u32 $0x1FFFFFF0, s21  }
0x12d: {  	s18 =	sadd.s32 s3, s18;
	s23 =	spop (v2sf);
	(v2sf) =	vpush v0, $0xC  }
0x12e: {  	[tilespmem:s22], [sflag:$0x1] =	stream.linear.gather [hbm4b:s18+s2], $0x80, $0x38;
	[tilespmem:$0x4400] =	vst v63  }
0x12f: {  	s24 =	sld [smem:$0x7A7];
	s25 =	spop (v2sf);
	(v2sf) =	vpush v0, $0xD  }
0x130: {  	s18 =	sand.u32 $0x1FFFFFF0, s23  }
0x131: {  	s26 =	sld [smem:$0x7A8];
	s18 =	sadd.s32 s3, s18;
	s28 =	spop (v2sf)  }
0x132: {  	(v2sf) =	vpush v0, $0xE;
	[tilespmem:s24], [sflag:$0x1] =	stream.linear.gather [hbm4b:s18+s2], $0x80, $0x38;
	[tilespmem:$0x4400] =	vst v63  }
0x133: {  	s18 =	sand.u32 $0x1FFFFFF0, s25  }
0x134: {  	s29 =	sld [smem:$0x7A9];
	s30 =	spop (v2sf);
	s18 =	sadd.s32 s3, s18  }
0x135: {  	(v2sf) =	vpush v0, $0xF;
	[tilespmem:s26], [sflag:$0x1] =	stream.linear.gather [hbm4b:s18+s2], $0x80, $0x38;
	[tilespmem:$0x4400] =	vst v63  }
0x136: {  	s18 =	sand.u32 $0x1FFFFFF0, s28  }
0x137: {  	s31 =	sld [smem:$0x7AA];
	s18 =	sadd.s32 s3, s18  }
0x138: {  	[tilespmem:s29], [sflag:$0x1] =	stream.linear.gather [hbm4b:s18+s2], $0x80, $0x38;
	[tilespmem:$0x4400] =	vst v63  }
0x139: {  	s18 =	sand.u32 $0x1FFFFFF0, s30  }
0x13a: {  	s18 =	sadd.s32 s3, s18  }
0x13b: {  	[tilespmem:s31], [sflag:$0x1] =	stream.linear.gather [hbm4b:s18+s2], $0x80, $0x38;
	[tilespmem:$0x4400] =	vst v63  }
0x13c: {  	s20 =	sld [smem:$0x7AB];
	s19 =	spop (v2sf)  }
0x13d: {  	s18 =	sand.u32 $0x1FFFFFF0, s19  }
0x13e: {  	s22 =	sld [smem:$0x7AC];
	s21 =	spop (v2sf);
	s18 =	sadd.s32 s3, s18  }
0x13f: {  	[tilespmem:s20], [sflag:$0x1] =	stream.linear.gather [hbm4b:s18+s2], $0x80, $0x38;
	[tilespmem:$0x4400] =	vst v63  }
0x140: {  	s18 =	sand.u32 $0x1FFFFFF0, s21  }
0x141: {  	s24 =	sld [smem:$0x7AD];
	s23 =	spop (v2sf);
	s18 =	sadd.s32 s3, s18  }
0x142: {  	[tilespmem:s22], [sflag:$0x1] =	stream.linear.gather [hbm4b:s18+s2], $0x80, $0x38;
	[tilespmem:$0x4400] =	vst v63  }
0x143: {  	s18 =	sand.u32 $0x1FFFFFF0, s23  }
0x144: {  	s26 =	sld [smem:$0x7AE];
	s25 =	spop (v2sf);
	s18 =	sadd.s32 s3, s18  }
0x145: {  	[tilespmem:s24], [sflag:$0x1] =	stream.linear.gather [hbm4b:s18+s2], $0x80, $0x38;
	[tilespmem:$0x4400] =	vst v63  }
0x146: {  	s18 =	sand.u32 $0x1FFFFFF0, s25  }
0x147: {  	s18 =	sadd.s32 s3, s18  }
0x148: {  	[tilespmem:s26], [sflag:$0x1] =	stream.linear.gather [hbm4b:s18+s2], $0x80, $0x38;
	[tilespmem:$0x4400] =	vst v63  }
0x149: {  	v59 =	vld [tilespmem:s16+$0x10];
	_ =	sdelay $0x4  }
0x14a: {  	v0 =	vshll.u32 v59, $0x4  }
0x14b: {  	(v2sf) =	vpush v0, $0x0;
	_ =	sdelay $0x1  }
0x14c: {  	(v2sf) =	vpush v0, $0x1;
	_ =	sdelay $0x1  }
0x14d: {  	(v2sf) =	vpush v0, $0x2;
	_ =	sdelay $0x2  }
0x14e: {  	(v2sf) =	vpush v0, $0x3;
	_ =	sdelay $0x7  }
0x14f: {  	s28 =	spop (v2sf);
	(v2sf) =	vpush v0, $0x4;
	_ =	sdelay $0x1  }
0x150: {  	s30 =	spop (v2sf);
	(v2sf) =	vpush v0, $0x5;
	_ =	sdelay $0x1  }
0x151: {  	s19 =	spop (v2sf);
	(v2sf) =	vpush v0, $0x6  }
0x152: {  	s29 =	sld [smem:$0x7AF]  }
0x153: {  	s18 =	sand.u32 $0x1FFFFFF0, s28  }
0x154: {  	s31 =	sld [smem:$0x7B0];
	s18 =	sadd.s32 s3, s18;
	s21 =	spop (v2sf);
	(v2sf) =	vpush v0, $0x7  }
0x155: {  	[tilespmem:s29], [sflag:$0x1] =	stream.linear.gather [hbm4b:s18+s2], $0x80, $0x38;
	[tilespmem:$0x4400] =	vst v63  }
0x156: {  	s18 =	sand.u32 $0x1FFFFFF0, s30  }
0x157: {  	s20 =	sld [smem:$0x7B1];
	s18 =	sadd.s32 s3, s18  }
0x158: {  	[tilespmem:s31], [sflag:$0x1] =	stream.linear.gather [hbm4b:s18+s2], $0x80, $0x38;
	[tilespmem:$0x4400] =	vst v63  }
0x159: {  	s18 =	sand.u32 $0x1FFFFFF0, s19  }
0x15a: {  	s18 =	sadd.s32 s3, s18  }
0x15b: {  	[tilespmem:s20], [sflag:$0x1] =	stream.linear.gather [hbm4b:s18+s2], $0x80, $0x38;
	[tilespmem:$0x4400] =	vst v63  }
0x15c: {  	s22 =	sld [smem:$0x7B2];
	s23 =	spop (v2sf);
	(v2sf) =	vpush v0, $0x8  }
0x15d: {  	s18 =	sand.u32 $0x1FFFFFF0, s21  }
0x15e: {  	s24 =	sld [smem:$0x7B3];
	s18 =	sadd.s32 s3, s18;
	s25 =	spop (v2sf);
	(v2sf) =	vpush v0, $0x9  }
0x15f: {  	[tilespmem:s22], [sflag:$0x1] =	stream.linear.gather [hbm4b:s18+s2], $0x80, $0x38;
	[tilespmem:$0x4400] =	vst v63  }
0x160: {  	s18 =	sand.u32 $0x1FFFFFF0, s23;
	s28 =	spop (v2sf);
	(v2sf) =	vpush v0, $0xA  }
0x161: {  	s18 =	sadd.s32 s3, s18  }
0x162: {  	[tilespmem:s24], [sflag:$0x1] =	stream.linear.gather [hbm4b:s18+s2], $0x80, $0x38;
	[tilespmem:$0x4400] =	vst v63  }
0x163: {  	s26 =	sld [smem:$0x7B4];
	s30 =	spop (v2sf);
	(v2sf) =	vpush v0, $0xB  }
0x164: {  	s18 =	sand.u32 $0x1FFFFFF0, s25  }
0x165: {  	s29 =	sld [smem:$0x7B5];
	s18 =	sadd.s32 s3, s18  }
0x166: {  	[tilespmem:s26], [sflag:$0x1] =	stream.linear.gather [hbm4b:s18+s2], $0x80, $0x38;
	[tilespmem:$0x4400] =	vst v63  }
0x167: {  	s18 =	sand.u32 $0x1FFFFFF0, s28  }
0x168: {  	s31 =	sld [smem:$0x7B6];
	s18 =	sadd.s32 s3, s18  }
0x169: {  	[tilespmem:s29], [sflag:$0x1] =	stream.linear.gather [hbm4b:s18+s2], $0x80, $0x38;
	[tilespmem:$0x4400] =	vst v63  }
0x16a: {  	s18 =	sand.u32 $0x1FFFFFF0, s30  }
0x16b: {  	s18 =	sadd.s32 s3, s18;
	s19 =	spop (v2sf);
	(v2sf) =	vpush v0, $0xC  }
0x16c: {  	[tilespmem:s31], [sflag:$0x1] =	stream.linear.gather [hbm4b:s18+s2], $0x80, $0x38;
	[tilespmem:$0x4400] =	vst v63  }
0x16d: {  	s20 =	sld [smem:$0x7B7];
	s21 =	spop (v2sf);
	(v2sf) =	vpush v0, $0xD  }
0x16e: {  	s18 =	sand.u32 $0x1FFFFFF0, s19  }
0x16f: {  	s22 =	sld [smem:$0x7B8];
	s18 =	sadd.s32 s3, s18;
	s23 =	spop (v2sf)  }
0x170: {  	(v2sf) =	vpush v0, $0xE;
	[tilespmem:s20], [sflag:$0x1] =	stream.linear.gather [hbm4b:s18+s2], $0x80, $0x38;
	[tilespmem:$0x4400] =	vst v63  }
0x171: {  	s18 =	sand.u32 $0x1FFFFFF0, s21  }
0x172: {  	s24 =	sld [smem:$0x7B9];
	s25 =	spop (v2sf);
	s18 =	sadd.s32 s3, s18  }
0x173: {  	(v2sf) =	vpush v0, $0xF;
	[tilespmem:s22], [sflag:$0x1] =	stream.linear.gather [hbm4b:s18+s2], $0x80, $0x38;
	[tilespmem:$0x4400] =	vst v63  }
0x174: {  	s18 =	sand.u32 $0x1FFFFFF0, s23  }
0x175: {  	s26 =	sld [smem:$0x7BA];
	s18 =	sadd.s32 s3, s18  }
0x176: {  	[tilespmem:s24], [sflag:$0x1] =	stream.linear.gather [hbm4b:s18+s2], $0x80, $0x38;
	[tilespmem:$0x4400] =	vst v63  }
0x177: {  	s18 =	sand.u32 $0x1FFFFFF0, s25  }
0x178: {  	s18 =	sadd.s32 s3, s18  }
0x179: {  	[tilespmem:s26], [sflag:$0x1] =	stream.linear.gather [hbm4b:s18+s2], $0x80, $0x38;
	[tilespmem:$0x4400] =	vst v63  }
0x17a: {  	s29 =	sld [smem:$0x7BB];
	s28 =	spop (v2sf)  }
0x17b: {  	s18 =	sand.u32 $0x1FFFFFF0, s28  }
0x17c: {  	s31 =	sld [smem:$0x7BC];
	s30 =	spop (v2sf);
	s18 =	sadd.s32 s3, s18  }
0x17d: {  	[tilespmem:s29], [sflag:$0x1] =	stream.linear.gather [hbm4b:s18+s2], $0x80, $0x38;
	[tilespmem:$0x4400] =	vst v63  }
0x17e: {  	s18 =	sand.u32 $0x1FFFFFF0, s30  }
0x17f: {  	s21 =	sld [smem:$0x7BD];
	s20 =	spop (v2sf);
	s18 =	sadd.s32 s3, s18  }
0x180: {  	[tilespmem:s31], [sflag:$0x1] =	stream.linear.gather [hbm4b:s18+s2], $0x80, $0x38;
	[tilespmem:$0x4400] =	vst v63  }
0x181: {  	s18 =	sand.u32 $0x1FFFFFF0, s20  }
0x182: {  	s23 =	sld [smem:$0x7BE];
	s22 =	spop (v2sf);
	s18 =	sadd.s32 s3, s18  }
0x183: {  	[tilespmem:s21], [sflag:$0x1] =	stream.linear.gather [hbm4b:s18+s2], $0x80, $0x38;
	[tilespmem:$0x4400] =	vst v63  }
0x184: {  	s18 =	sand.u32 $0x1FFFFFF0, s22  }
0x185: {  	s18 =	sadd.s32 s3, s18  }
0x186: {  	[tilespmem:s23], [sflag:$0x1] =	stream.linear.gather [hbm4b:s18+s2], $0x80, $0x38;
	[tilespmem:$0x4400] =	vst v63  }
0x187: {  	v60 =	vld [tilespmem:s15+$0xFFFFFFE0];
	_ =	sdelay $0x4  }
0x188: {  	v0 =	vshll.u32 v60, $0x4  }
0x189: {  	(v2sf) =	vpush v0, $0x0;
	_ =	sdelay $0x1  }
0x18a: {  	(v2sf) =	vpush v0, $0x1;
	_ =	sdelay $0x4  }
0x18b: {  	(v2sf) =	vpush v0, $0x2;
	_ =	sdelay $0x2  }
0x18c: {  	(v2sf) =	vpush v0, $0x3;
	_ =	sdelay $0x4  }
0x18d: {  	s24 =	spop (v2sf);
	(v2sf) =	vpush v0, $0x4;
	_ =	sdelay $0x1  }
0x18e: {  	s25 =	spop (v2sf);
	(v2sf) =	vpush v0, $0x5  }
0x18f: {  	s18 =	sand.u32 $0x1FFFFFF0, s24  }
0x190: {  	s26 =	sld [smem:$0x7BF];
	s18 =	sadd.s32 s4, s18  }
0x191: {  	[tilespmem:s11], [sflag:$0x2] =	stream.linear.gather [hbm4b:s18+s2], $0x80, $0x38;
	[tilespmem:$0x4400] =	vst v63  }
0x192: {  	s18 =	sand.u32 $0x1FFFFFF0, s25  }
0x193: {  	s29 =	sld [smem:$0x7C0];
	s28 =	spop (v2sf);
	s18 =	sadd.s32 s4, s18  }
0x194: {  	[tilespmem:s26], [sflag:$0x2] =	stream.linear.gather [hbm4b:s18+s2], $0x80, $0x38;
	[tilespmem:$0x4400] =	vst v63  }
0x195: {  	s18 =	sand.u32 $0x1FFFFFF0, s28  }
0x196: {  	s31 =	sld [smem:$0x7C1];
	s30 =	spop (v2sf);
	s18 =	sadd.s32 s4, s18  }
0x197: {  	[tilespmem:s29], [sflag:$0x2] =	stream.linear.gather [hbm4b:s18+s2], $0x80, $0x38;
	[tilespmem:$0x4400] =	vst v63  }
0x198: {  	s18 =	sand.u32 $0x1FFFFFF0, s30  }
0x199: {  	s18 =	sadd.s32 s4, s18  }
0x19a: {  	[tilespmem:s31], [sflag:$0x2] =	stream.linear.gather [hbm4b:s18+s2], $0x80, $0x38;
	[tilespmem:$0x4400] =	vst v63  }
0x19b: {  	s20 =	sld [smem:$0x7C2];
	s19 =	spop (v2sf)  }
0x19c: {  	s18 =	sand.u32 $0x1FFFFFF0, s19  }
0x19d: {  	s22 =	sld [smem:$0x7C3];
	s21 =	spop (v2sf);
	s18 =	sadd.s32 s4, s18  }
0x19e: {  	[tilespmem:s20], [sflag:$0x2] =	stream.linear.gather [hbm4b:s18+s2], $0x80, $0x38;
	[tilespmem:$0x4400] =	vst v63  }
0x19f: {  	s18 =	sand.u32 $0x1FFFFFF0, s21  }
0x1a0: {  	s18 =	sadd.s32 s4, s18  }
0x1a1: {  	[tilespmem:s22], [sflag:$0x2] =	stream.linear.gather [hbm4b:s18+s2], $0x80, $0x38;
	[tilespmem:$0x4400] =	vst v63  }
0x1a2: {  	(v2sf) =	vpush v0, $0x6;
	_ =	sdelay $0x1  }
0x1a3: {  	(v2sf) =	vpush v0, $0x7;
	_ =	sdelay $0x3  }
0x1a4: {  	(v2sf) =	vpush v0, $0x8;
	_ =	sdelay $0x2  }
0x1a5: {  	(v2sf) =	vpush v0, $0x9;
	_ =	sdelay $0x5  }
0x1a6: {  	s18 =	spop (v2sf);
	(v2sf) =	vpush v0, $0xA;
	_ =	sdelay $0x1  }
0x1a7: {  	s23 =	spop (v2sf);
	(v2sf) =	vpush v0, $0xB;
	_ =	sdelay $0x1  }
0x1a8: {  	s19 =	sld [smem:$0x7C4]  }
0x1a9: {  	s18 =	sand.u32 $0x1FFFFFF0, s18  }
0x1aa: {  	s24 =	sld [smem:$0x7C5];
	s18 =	sadd.s32 s4, s18;
	s25 =	spop (v2sf)  }
0x1ab: {  	(v2sf) =	vpush v0, $0xC;
	[tilespmem:s19], [sflag:$0x2] =	stream.linear.gather [hbm4b:s18+s2], $0x80, $0x38;
	[tilespmem:$0x4400] =	vst v63  }
0x1ac: {  	s18 =	sand.u32 $0x1FFFFFF0, s23  }
0x1ad: {  	s26 =	sld [smem:$0x7C6];
	s28 =	spop (v2sf);
	s18 =	sadd.s32 s4, s18  }
0x1ae: {  	(v2sf) =	vpush v0, $0xD;
	[tilespmem:s24], [sflag:$0x2] =	stream.linear.gather [hbm4b:s18+s2], $0x80, $0x38;
	[tilespmem:$0x4400] =	vst v63  }
0x1af: {  	s18 =	sand.u32 $0x1FFFFFF0, s25  }
0x1b0: {  	s29 =	sld [smem:$0x7C7];
	s18 =	sadd.s32 s4, s18  }
0x1b1: {  	[tilespmem:s26], [sflag:$0x2] =	stream.linear.gather [hbm4b:s18+s2], $0x80, $0x38;
	[tilespmem:$0x4400] =	vst v63  }
0x1b2: {  	s18 =	sand.u32 $0x1FFFFFF0, s28  }
0x1b3: {  	s18 =	sadd.s32 s4, s18;
	s30 =	spop (v2sf);
	(v2sf) =	vpush v0, $0xE  }
0x1b4: {  	[tilespmem:s29], [sflag:$0x2] =	stream.linear.gather [hbm4b:s18+s2], $0x80, $0x38;
	[tilespmem:$0x4400] =	vst v63  }
0x1b5: {  	s31 =	sld [smem:$0x7C8];
	s19 =	spop (v2sf);
	(v2sf) =	vpush v0, $0xF  }
0x1b6: {  	s18 =	sand.u32 $0x1FFFFFF0, s30  }
0x1b7: {  	s20 =	sld [smem:$0x7C9];
	s18 =	sadd.s32 s4, s18  }
0x1b8: {  	[tilespmem:s31], [sflag:$0x2] =	stream.linear.gather [hbm4b:s18+s2], $0x80, $0x38;
	[tilespmem:$0x4400] =	vst v63  }
0x1b9: {  	s18 =	sand.u32 $0x1FFFFFF0, s19  }
0x1ba: {  	s22 =	sld [smem:$0x7CA];
	s21 =	spop (v2sf);
	s18 =	sadd.s32 s4, s18  }
0x1bb: {  	[tilespmem:s20], [sflag:$0x2] =	stream.linear.gather [hbm4b:s18+s2], $0x80, $0x38;
	[tilespmem:$0x4400] =	vst v63  }
0x1bc: {  	s18 =	sand.u32 $0x1FFFFFF0, s21  }
0x1bd: {  	s24 =	sld [smem:$0x7CB];
	s23 =	spop (v2sf);
	s18 =	sadd.s32 s4, s18  }
0x1be: {  	[tilespmem:s22], [sflag:$0x2] =	stream.linear.gather [hbm4b:s18+s2], $0x80, $0x38;
	[tilespmem:$0x4400] =	vst v63  }
0x1bf: {  	s18 =	sand.u32 $0x1FFFFFF0, s23  }
0x1c0: {  	s18 =	sadd.s32 s4, s18  }
0x1c1: {  	[tilespmem:s24], [sflag:$0x2] =	stream.linear.gather [hbm4b:s18+s2], $0x80, $0x38;
	[tilespmem:$0x4400] =	vst v63  }
0x1c2: {  	s26 =	sld [smem:$0x7CC];
	s25 =	spop (v2sf)  }
0x1c3: {  	s18 =	sand.u32 $0x1FFFFFF0, s25  }
0x1c4: {  	s29 =	sld [smem:$0x7CD];
	s28 =	spop (v2sf);
	s18 =	sadd.s32 s4, s18  }
0x1c5: {  	[tilespmem:s26], [sflag:$0x2] =	stream.linear.gather [hbm4b:s18+s2], $0x80, $0x38;
	[tilespmem:$0x4400] =	vst v63  }
0x1c6: {  	s18 =	sand.u32 $0x1FFFFFF0, s28  }
0x1c7: {  	s18 =	sadd.s32 s4, s18  }
0x1c8: {  	[tilespmem:s29], [sflag:$0x2] =	stream.linear.gather [hbm4b:s18+s2], $0x80, $0x38;
	[tilespmem:$0x4400] =	vst v63  }
0x1c9: {  	v61 =	vld [tilespmem:s15+$0xFFFFFFF0];
	_ =	sdelay $0x4  }
0x1ca: {  	v0 =	vshll.u32 v61, $0x4  }
0x1cb: {  	(v2sf) =	vpush v0, $0x0;
	_ =	sdelay $0x1  }
0x1cc: {  	(v2sf) =	vpush v0, $0x1;
	_ =	sdelay $0x1  }
0x1cd: {  	(v2sf) =	vpush v0, $0x2;
	_ =	sdelay $0x2  }
0x1ce: {  	(v2sf) =	vpush v0, $0x3;
	_ =	sdelay $0x7  }
0x1cf: {  	s30 =	spop (v2sf);
	(v2sf) =	vpush v0, $0x4;
	_ =	sdelay $0x1  }
0x1d0: {  	s19 =	spop (v2sf);
	(v2sf) =	vpush v0, $0x5;
	_ =	sdelay $0x1  }
0x1d1: {  	s21 =	spop (v2sf);
	(v2sf) =	vpush v0, $0x6  }
0x1d2: {  	s31 =	sld [smem:$0x7CE]  }
0x1d3: {  	s18 =	sand.u32 $0x1FFFFFF0, s30  }
0x1d4: {  	s20 =	sld [smem:$0x7CF];
	s18 =	sadd.s32 s4, s18;
	s23 =	spop (v2sf);
	(v2sf) =	vpush v0, $0x7  }
0x1d5: {  	[tilespmem:s31], [sflag:$0x2] =	stream.linear.gather [hbm4b:s18+s2], $0x80, $0x38;
	[tilespmem:$0x4400] =	vst v63  }
0x1d6: {  	s18 =	sand.u32 $0x1FFFFFF0, s19  }
0x1d7: {  	s22 =	sld [smem:$0x7D0];
	s18 =	sadd.s32 s4, s18  }
0x1d8: {  	[tilespmem:s20], [sflag:$0x2] =	stream.linear.gather [hbm4b:s18+s2], $0x80, $0x38;
	[tilespmem:$0x4400] =	vst v63  }
0x1d9: {  	s18 =	sand.u32 $0x1FFFFFF0, s21  }
0x1da: {  	s18 =	sadd.s32 s4, s18  }
0x1db: {  	[tilespmem:s22], [sflag:$0x2] =	stream.linear.gather [hbm4b:s18+s2], $0x80, $0x38;
	[tilespmem:$0x4400] =	vst v63  }
0x1dc: {  	s24 =	sld [smem:$0x7D1];
	s25 =	spop (v2sf);
	(v2sf) =	vpush v0, $0x8  }
0x1dd: {  	s18 =	sand.u32 $0x1FFFFFF0, s23  }
0x1de: {  	s26 =	sld [smem:$0x7D2];
	s18 =	sadd.s32 s4, s18;
	s28 =	spop (v2sf);
	(v2sf) =	vpush v0, $0x9  }
0x1df: {  	[tilespmem:s24], [sflag:$0x2] =	stream.linear.gather [hbm4b:s18+s2], $0x80, $0x38;
	[tilespmem:$0x4400] =	vst v63  }
0x1e0: {  	s18 =	sand.u32 $0x1FFFFFF0, s25;
	s30 =	spop (v2sf);
	(v2sf) =	vpush v0, $0xA  }
0x1e1: {  	s18 =	sadd.s32 s4, s18  }
0x1e2: {  	[tilespmem:s26], [sflag:$0x2] =	stream.linear.gather [hbm4b:s18+s2], $0x80, $0x38;
	[tilespmem:$0x4400] =	vst v63  }
0x1e3: {  	s29 =	sld [smem:$0x7D3];
	s19 =	spop (v2sf);
	(v2sf) =	vpush v0, $0xB  }
0x1e4: {  	s18 =	sand.u32 $0x1FFFFFF0, s28  }
0x1e5: {  	s31 =	sld [smem:$0x7D4];
	s18 =	sadd.s32 s4, s18  }
0x1e6: {  	[tilespmem:s29], [sflag:$0x2] =	stream.linear.gather [hbm4b:s18+s2], $0x80, $0x38;
	[tilespmem:$0x4400] =	vst v63  }
0x1e7: {  	s18 =	sand.u32 $0x1FFFFFF0, s30  }
0x1e8: {  	s20 =	sld [smem:$0x7D5];
	s18 =	sadd.s32 s4, s18  }
0x1e9: {  	[tilespmem:s31], [sflag:$0x2] =	stream.linear.gather [hbm4b:s18+s2], $0x80, $0x38;
	[tilespmem:$0x4400] =	vst v63  }
0x1ea: {  	s18 =	sand.u32 $0x1FFFFFF0, s19  }
0x1eb: {  	s18 =	sadd.s32 s4, s18;
	s21 =	spop (v2sf);
	(v2sf) =	vpush v0, $0xC  }
0x1ec: {  	[tilespmem:s20], [sflag:$0x2] =	stream.linear.gather [hbm4b:s18+s2], $0x80, $0x38;
	[tilespmem:$0x4400] =	vst v63  }
0x1ed: {  	s22 =	sld [smem:$0x7D6];
	s23 =	spop (v2sf);
	(v2sf) =	vpush v0, $0xD  }
0x1ee: {  	s18 =	sand.u32 $0x1FFFFFF0, s21  }
0x1ef: {  	s24 =	sld [smem:$0x7D7];
	s18 =	sadd.s32 s4, s18;
	s25 =	spop (v2sf)  }
0x1f0: {  	(v2sf) =	vpush v0, $0xE;
	[tilespmem:s22], [sflag:$0x2] =	stream.linear.gather [hbm4b:s18+s2], $0x80, $0x38;
	[tilespmem:$0x4400] =	vst v63  }
0x1f1: {  	s18 =	sand.u32 $0x1FFFFFF0, s23  }
0x1f2: {  	s26 =	sld [smem:$0x7D8];
	s28 =	spop (v2sf);
	s18 =	sadd.s32 s4, s18  }
0x1f3: {  	(v2sf) =	vpush v0, $0xF;
	[tilespmem:s24], [sflag:$0x2] =	stream.linear.gather [hbm4b:s18+s2], $0x80, $0x38;
	[tilespmem:$0x4400] =	vst v63  }
0x1f4: {  	s18 =	sand.u32 $0x1FFFFFF0, s25  }
0x1f5: {  	s29 =	sld [smem:$0x7D9];
	s18 =	sadd.s32 s4, s18  }
0x1f6: {  	[tilespmem:s26], [sflag:$0x2] =	stream.linear.gather [hbm4b:s18+s2], $0x80, $0x38;
	[tilespmem:$0x4400] =	vst v63  }
0x1f7: {  	s18 =	sand.u32 $0x1FFFFFF0, s28  }
0x1f8: {  	s18 =	sadd.s32 s4, s18  }
0x1f9: {  	[tilespmem:s29], [sflag:$0x2] =	stream.linear.gather [hbm4b:s18+s2], $0x80, $0x38;
	[tilespmem:$0x4400] =	vst v63  }
0x1fa: {  	s31 =	sld [smem:$0x7DA];
	s30 =	spop (v2sf)  }
0x1fb: {  	s18 =	sand.u32 $0x1FFFFFF0, s30  }
0x1fc: {  	s20 =	sld [smem:$0x7DB];
	s19 =	spop (v2sf);
	s18 =	sadd.s32 s4, s18  }
0x1fd: {  	[tilespmem:s31], [sflag:$0x2] =	stream.linear.gather [hbm4b:s18+s2], $0x80, $0x38;
	[tilespmem:$0x4400] =	vst v63  }
0x1fe: {  	s18 =	sand.u32 $0x1FFFFFF0, s19  }
0x1ff: {  	s22 =	sld [smem:$0x7DC];
	s21 =	spop (v2sf);
	s18 =	sadd.s32 s4, s18  }
0x200: {  	[tilespmem:s20], [sflag:$0x2] =	stream.linear.gather [hbm4b:s18+s2], $0x80, $0x38;
	[tilespmem:$0x4400] =	vst v63  }
0x201: {  	s18 =	sand.u32 $0x1FFFFFF0, s21  }
0x202: {  	s24 =	sld [smem:$0x7DD];
	s23 =	spop (v2sf);
	s18 =	sadd.s32 s4, s18  }
0x203: {  	[tilespmem:s22], [sflag:$0x2] =	stream.linear.gather [hbm4b:s18+s2], $0x80, $0x38;
	[tilespmem:$0x4400] =	vst v63  }
0x204: {  	s18 =	sand.u32 $0x1FFFFFF0, s23  }
0x205: {  	s18 =	sadd.s32 s4, s18  }
0x206: {  	[tilespmem:s24], [sflag:$0x2] =	stream.linear.gather [hbm4b:s18+s2], $0x80, $0x38;
	[tilespmem:$0x4400] =	vst v63  }
0x207: {  	v62 =	vld [tilespmem:s15+$0x0];
	_ =	sdelay $0x4  }
0x208: {  	v0 =	vshll.u32 v62, $0x4  }
0x209: {  	(v2sf) =	vpush v0, $0x0;
	_ =	sdelay $0x1  }
0x20a: {  	(v2sf) =	vpush v0, $0x1;
	_ =	sdelay $0x1  }
0x20b: {  	(v2sf) =	vpush v0, $0x2;
	_ =	sdelay $0x2  }
0x20c: {  	(v2sf) =	vpush v0, $0x3;
	_ =	sdelay $0x7  }
0x20d: {  	s25 =	spop (v2sf);
	(v2sf) =	vpush v0, $0x4;
	_ =	sdelay $0x1  }
0x20e: {  	s28 =	spop (v2sf);
	(v2sf) =	vpush v0, $0x5;
	_ =	sdelay $0x1  }
0x20f: {  	s30 =	spop (v2sf);
	(v2sf) =	vpush v0, $0x6  }
0x210: {  	s26 =	sld [smem:$0x7DE]  }
0x211: {  	s18 =	sand.u32 $0x1FFFFFF0, s25  }
0x212: {  	s29 =	sld [smem:$0x7DF];
	s18 =	sadd.s32 s4, s18;
	s19 =	spop (v2sf);
	(v2sf) =	vpush v0, $0x7  }
0x213: {  	[tilespmem:s26], [sflag:$0x2] =	stream.linear.gather [hbm4b:s18+s2], $0x80, $0x38;
	[tilespmem:$0x4400] =	vst v63  }
0x214: {  	s18 =	sand.u32 $0x1FFFFFF0, s28  }
0x215: {  	s31 =	sld [smem:$0x7E0];
	s18 =	sadd.s32 s4, s18  }
0x216: {  	[tilespmem:s29], [sflag:$0x2] =	stream.linear.gather [hbm4b:s18+s2], $0x80, $0x38;
	[tilespmem:$0x4400] =	vst v63  }
0x217: {  	s18 =	sand.u32 $0x1FFFFFF0, s30  }
0x218: {  	s18 =	sadd.s32 s4, s18  }
0x219: {  	[tilespmem:s31], [sflag:$0x2] =	stream.linear.gather [hbm4b:s18+s2], $0x80, $0x38;
	[tilespmem:$0x4400] =	vst v63  }
0x21a: {  	s20 =	sld [smem:$0x7E1];
	s21 =	spop (v2sf);
	(v2sf) =	vpush v0, $0x8  }
0x21b: {  	s18 =	sand.u32 $0x1FFFFFF0, s19  }
0x21c: {  	s22 =	sld [smem:$0x7E2];
	s18 =	sadd.s32 s4, s18;
	s23 =	spop (v2sf);
	(v2sf) =	vpush v0, $0x9  }
0x21d: {  	[tilespmem:s20], [sflag:$0x2] =	stream.linear.gather [hbm4b:s18+s2], $0x80, $0x38;
	[tilespmem:$0x4400] =	vst v63  }
0x21e: {  	s18 =	sand.u32 $0x1FFFFFF0, s21;
	s25 =	spop (v2sf);
	(v2sf) =	vpush v0, $0xA  }
0x21f: {  	s18 =	sadd.s32 s4, s18  }
0x220: {  	[tilespmem:s22], [sflag:$0x2] =	stream.linear.gather [hbm4b:s18+s2], $0x80, $0x38;
	[tilespmem:$0x4400] =	vst v63  }
0x221: {  	s24 =	sld [smem:$0x7E3];
	s28 =	spop (v2sf);
	(v2sf) =	vpush v0, $0xB  }
0x222: {  	s18 =	sand.u32 $0x1FFFFFF0, s23  }
0x223: {  	s26 =	sld [smem:$0x7E4];
	s18 =	sadd.s32 s4, s18  }
0x224: {  	[tilespmem:s24], [sflag:$0x2] =	stream.linear.gather [hbm4b:s18+s2], $0x80, $0x38;
	[tilespmem:$0x4400] =	vst v63  }
0x225: {  	s18 =	sand.u32 $0x1FFFFFF0, s25  }
0x226: {  	s29 =	sld [smem:$0x7E5];
	s18 =	sadd.s32 s4, s18  }
0x227: {  	[tilespmem:s26], [sflag:$0x2] =	stream.linear.gather [hbm4b:s18+s2], $0x80, $0x38;
	[tilespmem:$0x4400] =	vst v63  }
0x228: {  	s18 =	sand.u32 $0x1FFFFFF0, s28  }
0x229: {  	s18 =	sadd.s32 s4, s18;
	s30 =	spop (v2sf);
	(v2sf) =	vpush v0, $0xC  }
0x22a: {  	[tilespmem:s29], [sflag:$0x2] =	stream.linear.gather [hbm4b:s18+s2], $0x80, $0x38;
	[tilespmem:$0x4400] =	vst v63  }
0x22b: {  	s31 =	sld [smem:$0x7E6];
	s19 =	spop (v2sf);
	(v2sf) =	vpush v0, $0xD  }
0x22c: {  	s18 =	sand.u32 $0x1FFFFFF0, s30  }
0x22d: {  	s20 =	sld [smem:$0x7E7];
	s18 =	sadd.s32 s4, s18;
	s21 =	spop (v2sf)  }
0x22e: {  	(v2sf) =	vpush v0, $0xE;
	[tilespmem:s31], [sflag:$0x2] =	stream.linear.gather [hbm4b:s18+s2], $0x80, $0x38;
	[tilespmem:$0x4400] =	vst v63  }
0x22f: {  	s18 =	sand.u32 $0x1FFFFFF0, s19  }
0x230: {  	s22 =	sld [smem:$0x7E8];
	s23 =	spop (v2sf);
	s18 =	sadd.s32 s4, s18  }
0x231: {  	(v2sf) =	vpush v0, $0xF;
	[tilespmem:s20], [sflag:$0x2] =	stream.linear.gather [hbm4b:s18+s2], $0x80, $0x38;
	[tilespmem:$0x4400] =	vst v63  }
0x232: {  	s18 =	sand.u32 $0x1FFFFFF0, s21  }
0x233: {  	s24 =	sld [smem:$0x7E9];
	s18 =	sadd.s32 s4, s18  }
0x234: {  	[tilespmem:s22], [sflag:$0x2] =	stream.linear.gather [hbm4b:s18+s2], $0x80, $0x38;
	[tilespmem:$0x4400] =	vst v63  }
0x235: {  	s18 =	sand.u32 $0x1FFFFFF0, s23  }
0x236: {  	s18 =	sadd.s32 s4, s18  }
0x237: {  	[tilespmem:s24], [sflag:$0x2] =	stream.linear.gather [hbm4b:s18+s2], $0x80, $0x38;
	[tilespmem:$0x4400] =	vst v63  }
0x238: {  	s26 =	sld [smem:$0x7EA];
	s25 =	spop (v2sf)  }
0x239: {  	s18 =	sand.u32 $0x1FFFFFF0, s25  }
0x23a: {  	s29 =	sld [smem:$0x7EB];
	s28 =	spop (v2sf);
	s18 =	sadd.s32 s4, s18  }
0x23b: {  	[tilespmem:s26], [sflag:$0x2] =	stream.linear.gather [hbm4b:s18+s2], $0x80, $0x38;
	[tilespmem:$0x4400] =	vst v63  }
0x23c: {  	s18 =	sand.u32 $0x1FFFFFF0, s28  }
0x23d: {  	s31 =	sld [smem:$0x7EC];
	s30 =	spop (v2sf);
	s18 =	sadd.s32 s4, s18  }
0x23e: {  	[tilespmem:s29], [sflag:$0x2] =	stream.linear.gather [hbm4b:s18+s2], $0x80, $0x38;
	[tilespmem:$0x4400] =	vst v63  }
0x23f: {  	s18 =	sand.u32 $0x1FFFFFF0, s30  }
0x240: {  	s20 =	sld [smem:$0x7ED];
	s19 =	spop (v2sf);
	s18 =	sadd.s32 s4, s18  }
0x241: {  	[tilespmem:s31], [sflag:$0x2] =	stream.linear.gather [hbm4b:s18+s2], $0x80, $0x38;
	[tilespmem:$0x4400] =	vst v63  }
0x242: {  	s18 =	sand.u32 $0x1FFFFFF0, s19  }
0x243: {  	s18 =	sadd.s32 s4, s18  }
0x244: {  	[tilespmem:s20], [sflag:$0x2] =	stream.linear.gather [hbm4b:s18+s2], $0x80, $0x38;
	[tilespmem:$0x4400] =	vst v63  }
0x245: {  	v63 =	vld [tilespmem:s15+$0x10];
	_ =	sdelay $0x4  }
0x246: {  	v0 =	vshll.u32 v63, $0x4  }
0x247: {  	(v2sf) =	vpush v0, $0x0;
	_ =	sdelay $0x1  }
0x248: {  	(v2sf) =	vpush v0, $0x1;
	_ =	sdelay $0x1  }
0x249: {  	(v2sf) =	vpush v0, $0x2;
	_ =	sdelay $0x2  }
0x24a: {  	(v2sf) =	vpush v0, $0x3;
	_ =	sdelay $0x7  }
0x24b: {  	s21 =	spop (v2sf);
	(v2sf) =	vpush v0, $0x4;
	_ =	sdelay $0x1  }
0x24c: {  	s23 =	spop (v2sf);
	(v2sf) =	vpush v0, $0x5;
	_ =	sdelay $0x1  }
0x24d: {  	s25 =	spop (v2sf);
	(v2sf) =	vpush v0, $0x6  }
0x24e: {  	s22 =	sld [smem:$0x7EE]  }
0x24f: {  	s18 =	sand.u32 $0x1FFFFFF0, s21  }
0x250: {  	s24 =	sld [smem:$0x7EF];
	s18 =	sadd.s32 s4, s18;
	s28 =	spop (v2sf);
	(v2sf) =	vpush v0, $0x7  }
0x251: {  	[tilespmem:s22], [sflag:$0x2] =	stream.linear.gather [hbm4b:s18+s2], $0x80, $0x38;
	[tilespmem:$0x4400] =	vst v63  }
0x252: {  	s18 =	sand.u32 $0x1FFFFFF0, s23  }
0x253: {  	s26 =	sld [smem:$0x7F0];
	s18 =	sadd.s32 s4, s18  }
0x254: {  	[tilespmem:s24], [sflag:$0x2] =	stream.linear.gather [hbm4b:s18+s2], $0x80, $0x38;
	[tilespmem:$0x4400] =	vst v63  }
0x255: {  	s18 =	sand.u32 $0x1FFFFFF0, s25  }
0x256: {  	s18 =	sadd.s32 s4, s18  }
0x257: {  	[tilespmem:s26], [sflag:$0x2] =	stream.linear.gather [hbm4b:s18+s2], $0x80, $0x38;
	[tilespmem:$0x4400] =	vst v63  }
0x258: {  	s29 =	sld [smem:$0x7F1];
	s30 =	spop (v2sf);
	(v2sf) =	vpush v0, $0x8  }
0x259: {  	s18 =	sand.u32 $0x1FFFFFF0, s28  }
0x25a: {  	s31 =	sld [smem:$0x7F2];
	s18 =	sadd.s32 s4, s18;
	s19 =	spop (v2sf);
	(v2sf) =	vpush v0, $0x9  }
0x25b: {  	[tilespmem:s29], [sflag:$0x2] =	stream.linear.gather [hbm4b:s18+s2], $0x80, $0x38;
	[tilespmem:$0x4400] =	vst v63  }
0x25c: {  	s18 =	sand.u32 $0x1FFFFFF0, s30;
	s21 =	spop (v2sf);
	(v2sf) =	vpush v0, $0xA  }
0x25d: {  	s18 =	sadd.s32 s4, s18  }
0x25e: {  	[tilespmem:s31], [sflag:$0x2] =	stream.linear.gather [hbm4b:s18+s2], $0x80, $0x38;
	[tilespmem:$0x4400] =	vst v63  }
0x25f: {  	s20 =	sld [smem:$0x7F3];
	s23 =	spop (v2sf);
	(v2sf) =	vpush v0, $0xB  }
0x260: {  	s18 =	sand.u32 $0x1FFFFFF0, s19  }
0x261: {  	s22 =	sld [smem:$0x7F4];
	s18 =	sadd.s32 s4, s18  }
0x262: {  	[tilespmem:s20], [sflag:$0x2] =	stream.linear.gather [hbm4b:s18+s2], $0x80, $0x38;
	[tilespmem:$0x4400] =	vst v63  }
0x263: {  	s18 =	sand.u32 $0x1FFFFFF0, s21  }
0x264: {  	s24 =	sld [smem:$0x7F5];
	s18 =	sadd.s32 s4, s18  }
0x265: {  	[tilespmem:s22], [sflag:$0x2] =	stream.linear.gather [hbm4b:s18+s2], $0x80, $0x38;
	[tilespmem:$0x4400] =	vst v63  }
0x266: {  	s18 =	sand.u32 $0x1FFFFFF0, s23  }
0x267: {  	s18 =	sadd.s32 s4, s18;
	s25 =	spop (v2sf);
	(v2sf) =	vpush v0, $0xC  }
0x268: {  	[tilespmem:s24], [sflag:$0x2] =	stream.linear.gather [hbm4b:s18+s2], $0x80, $0x38;
	[tilespmem:$0x4400] =	vst v63  }
0x269: {  	s26 =	sld [smem:$0x7F6];
	s28 =	spop (v2sf);
	(v2sf) =	vpush v0, $0xD  }
0x26a: {  	s18 =	sand.u32 $0x1FFFFFF0, s25  }
0x26b: {  	s29 =	sld [smem:$0x7F7];
	s18 =	sadd.s32 s4, s18;
	s30 =	spop (v2sf)  }
0x26c: {  	(v2sf) =	vpush v0, $0xE;
	[tilespmem:s26], [sflag:$0x2] =	stream.linear.gather [hbm4b:s18+s2], $0x80, $0x38;
	[tilespmem:$0x4400] =	vst v63  }
0x26d: {  	s18 =	sand.u32 $0x1FFFFFF0, s28  }
0x26e: {  	s31 =	sld [smem:$0x7F8];
	s19 =	spop (v2sf);
	s18 =	sadd.s32 s4, s18  }
0x26f: {  	(v2sf) =	vpush v0, $0xF;
	[tilespmem:s29], [sflag:$0x2] =	stream.linear.gather [hbm4b:s18+s2], $0x80, $0x38;
	[tilespmem:$0x4400] =	vst v63  }
0x270: {  	s18 =	sand.u32 $0x1FFFFFF0, s30  }
0x271: {  	s20 =	sld [smem:$0x7F9];
	s18 =	sadd.s32 s4, s18  }
0x272: {  	[tilespmem:s31], [sflag:$0x2] =	stream.linear.gather [hbm4b:s18+s2], $0x80, $0x38;
	[tilespmem:$0x4400] =	vst v63  }
0x273: {  	s18 =	sand.u32 $0x1FFFFFF0, s19  }
0x274: {  	s18 =	sadd.s32 s4, s18  }
0x275: {  	[tilespmem:s20], [sflag:$0x2] =	stream.linear.gather [hbm4b:s18+s2], $0x80, $0x38;
	[tilespmem:$0x4400] =	vst v63  }
0x276: {  	s22 =	sld [smem:$0x7FA];
	s21 =	spop (v2sf)  }
0x277: {  	s18 =	sand.u32 $0x1FFFFFF0, s21  }
0x278: {  	s24 =	sld [smem:$0x7FB];
	s23 =	spop (v2sf);
	s18 =	sadd.s32 s4, s18  }
0x279: {  	[tilespmem:s22], [sflag:$0x2] =	stream.linear.gather [hbm4b:s18+s2], $0x80, $0x38;
	[tilespmem:$0x4400] =	vst v63  }
0x27a: {  	s18 =	sand.u32 $0x1FFFFFF0, s23  }
0x27b: {  	s26 =	sld [smem:$0x7FC];
	s25 =	spop (v2sf);
	s18 =	sadd.s32 s4, s18  }
0x27c: {  	[tilespmem:s24], [sflag:$0x2] =	stream.linear.gather [hbm4b:s18+s2], $0x80, $0x38;
	[tilespmem:$0x4400] =	vst v63  }
0x27d: {  	s18 =	sand.u32 $0x1FFFFFF0, s25  }
0x27e: {  	s29 =	sld [smem:$0x7FD];
	s28 =	spop (v2sf);
	s18 =	sadd.s32 s4, s18  }
0x27f: {  	[tilespmem:s26], [sflag:$0x2] =	stream.linear.gather [hbm4b:s18+s2], $0x80, $0x38;
	[tilespmem:$0x4400] =	vst v63  }
0x280: {  	s18 =	sand.u32 $0x1FFFFFF0, s28  }
0x281: {  	s18 =	sadd.s32 s4, s18  }
0x282: {  	[tilespmem:s29], [sflag:$0x2] =	stream.linear.gather [hbm4b:s18+s2], $0x80, $0x38;
	[tilespmem:$0x4400] =	vst v63  }
0x283: {  	_ =	swait.ge [sflag:s12], $0x80  }
0x284: {  	[sflag:s12] =	ssyncset.done $0x0  }
0x285: {  	[sflag:s12] =	ssyncadd.s32 $0xFFFFFF80  }
0x286: {  	_ =	swait.ge [sflag:s12], $0x80  }
0x287: {  	[sflag:s12] =	ssyncset.done $0x0  }
0x288: {  	[sflag:s12] =	ssyncadd.s32 $0xFFFFFF80  }
0x289: {  	_ =	swait.ge [sflag:s12], $0x80  }
0x28a: {  	[sflag:s12] =	ssyncset.done $0x0  }
0x28b: {  	[sflag:s12] =	ssyncadd.s32 $0xFFFFFF80  }
0x28c: {  	_ =	swait.ge [sflag:s12], $0x80  }
0x28d: {  	[sflag:s12] =	ssyncset.done $0x0  }
0x28e: {  	[sflag:s12] =	ssyncadd.s32 $0xFFFFFF80  }
0x28f: {  	_ =	swait.ge [sflag:s12], $0x80  }
0x290: {  	[sflag:s12] =	ssyncset.done $0x0  }
0x291: {  	[sflag:s12] =	ssyncadd.s32 $0xFFFFFF80  }
0x292: {  	_ =	swait.ge [sflag:s12], $0x80  }
0x293: {  	[sflag:s12] =	ssyncset.done $0x0  }
0x294: {  	[sflag:s12] =	ssyncadd.s32 $0xFFFFFF80  }
0x295: {  	_ =	swait.ge [sflag:s12], $0x80  }
0x296: {  	[sflag:s12] =	ssyncset.done $0x0  }
0x297: {  	[sflag:s12] =	ssyncadd.s32 $0xFFFFFF80  }
0x298: {  	_ =	swait.ge [sflag:s12], $0x80  }
0x299: {  	[sflag:s12] =	ssyncset.done $0x0  }
0x29a: {  	[sflag:s12] =	ssyncadd.s32 $0xFFFFFF80  }
0x29b: {  	_ =	swait.ge [sflag:s12], $0x80  }
0x29c: {  	[sflag:s12] =	ssyncset.done $0x0  }
0x29d: {  	[sflag:s12] =	ssyncadd.s32 $0xFFFFFF80  }
0x29e: {  	_ =	swait.ge [sflag:s12], $0x80  }
0x29f: {  	[sflag:s12] =	ssyncset.done $0x0  }
0x2a0: {  	[sflag:s12] =	ssyncadd.s32 $0xFFFFFF80  }
0x2a1: {  	_ =	swait.ge [sflag:s12], $0x80  }
0x2a2: {  	[sflag:s12] =	ssyncset.done $0x0  }
0x2a3: {  	[sflag:s12] =	ssyncadd.s32 $0xFFFFFF80  }
0x2a4: {  	_ =	swait.ge [sflag:s12], $0x80  }
0x2a5: {  	[sflag:s12] =	ssyncset.done $0x0  }
0x2a6: {  	[sflag:s12] =	ssyncadd.s32 $0xFFFFFF80  }
0x2a7: {  	_ =	swait.ge [sflag:s12], $0x80  }
0x2a8: {  	[sflag:s12] =	ssyncset.done $0x0  }
0x2a9: {  	[sflag:s12] =	ssyncadd.s32 $0xFFFFFF80  }
0x2aa: {  	_ =	swait.ge [sflag:s12], $0x80  }
0x2ab: {  	[sflag:s12] =	ssyncset.done $0x0  }
0x2ac: {  	[sflag:s12] =	ssyncadd.s32 $0xFFFFFF80  }
0x2ad: {  	_ =	swait.ge [sflag:s12], $0x80  }
0x2ae: {  	[sflag:s12] =	ssyncset.done $0x0  }
0x2af: {  	[sflag:s12] =	ssyncadd.s32 $0xFFFFFF80  }
0x2b0: {  	_ =	swait.ge [sflag:s12], $0x80  }
0x2b1: {  	[sflag:s12] =	ssyncset.done $0x0  }
0x2b2: {  	[sflag:s12] =	ssyncadd.s32 $0xFFFFFF80  }
0x2b3: {  	_ =	swait.ge [sflag:s12], $0x80  }
0x2b4: {  	[sflag:s12] =	ssyncset.done $0x0  }
0x2b5: {  	[sflag:s12] =	ssyncadd.s32 $0xFFFFFF80  }
0x2b6: {  	_ =	swait.ge [sflag:s12], $0x80  }
0x2b7: {  	[sflag:s12] =	ssyncset.done $0x0  }
0x2b8: {  	[sflag:s12] =	ssyncadd.s32 $0xFFFFFF80  }
0x2b9: {  	_ =	swait.ge [sflag:s12], $0x80  }
0x2ba: {  	[sflag:s12] =	ssyncset.done $0x0  }
0x2bb: {  	[sflag:s12] =	ssyncadd.s32 $0xFFFFFF80  }
0x2bc: {  	_ =	swait.ge [sflag:s12], $0x80  }
0x2bd: {  	[sflag:s12] =	ssyncset.done $0x0  }
0x2be: {  	[sflag:s12] =	ssyncadd.s32 $0xFFFFFF80  }
0x2bf: {  	_ =	swait.ge [sflag:s12], $0x80  }
0x2c0: {  	[sflag:s12] =	ssyncset.done $0x0  }
0x2c1: {  	[sflag:s12] =	ssyncadd.s32 $0xFFFFFF80  }
0x2c2: {  	_ =	swait.ge [sflag:s12], $0x80  }
0x2c3: {  	[sflag:s12] =	ssyncset.done $0x0  }
0x2c4: {  	[sflag:s12] =	ssyncadd.s32 $0xFFFFFF80  }
0x2c5: {  	_ =	swait.ge [sflag:s12], $0x80  }
0x2c6: {  	[sflag:s12] =	ssyncset.done $0x0  }
0x2c7: {  	[sflag:s12] =	ssyncadd.s32 $0xFFFFFF80  }
0x2c8: {  	_ =	swait.ge [sflag:s12], $0x80  }
0x2c9: {  	[sflag:s12] =	ssyncset.done $0x0  }
0x2ca: {  	[sflag:s12] =	ssyncadd.s32 $0xFFFFFF80  }
0x2cb: {  	_ =	swait.ge [sflag:s12], $0x80  }
0x2cc: {  	[sflag:s12] =	ssyncset.done $0x0  }
0x2cd: {  	[sflag:s12] =	ssyncadd.s32 $0xFFFFFF80  }
0x2ce: {  	_ =	swait.ge [sflag:s12], $0x80  }
0x2cf: {  	[sflag:s12] =	ssyncset.done $0x0  }
0x2d0: {  	[sflag:s12] =	ssyncadd.s32 $0xFFFFFF80  }
0x2d1: {  	_ =	swait.ge [sflag:s12], $0x80  }
0x2d2: {  	[sflag:s12] =	ssyncset.done $0x0  }
0x2d3: {  	[sflag:s12] =	ssyncadd.s32 $0xFFFFFF80  }
0x2d4: {  	_ =	swait.ge [sflag:s12], $0x80  }
0x2d5: {  	[sflag:s12] =	ssyncset.done $0x0  }
0x2d6: {  	[sflag:s12] =	ssyncadd.s32 $0xFFFFFF80  }
0x2d7: {  	_ =	swait.ge [sflag:s12], $0x80  }
0x2d8: {  	[sflag:s12] =	ssyncset.done $0x0  }
0x2d9: {  	[sflag:s12] =	ssyncadd.s32 $0xFFFFFF80  }
0x2da: {  	_ =	swait.ge [sflag:s12], $0x80  }
0x2db: {  	[sflag:s12] =	ssyncset.done $0x0  }
0x2dc: {  	[sflag:s12] =	ssyncadd.s32 $0xFFFFFF80  }
0x2dd: {  	_ =	swait.ge [sflag:s12], $0x80  }
0x2de: {  	[sflag:s12] =	ssyncset.done $0x0  }
0x2df: {  	[sflag:s12] =	ssyncadd.s32 $0xFFFFFF80  }
0x2e0: {  	_ =	swait.ge [sflag:s12], $0x80  }
0x2e1: {  	[sflag:s12] =	ssyncset.done $0x0  }
0x2e2: {  	[sflag:s12] =	ssyncadd.s32 $0xFFFFFF80  }
0x2e3: {  	_ =	swait.ge [sflag:s12], $0x80  }
0x2e4: {  	[sflag:s12] =	ssyncset.done $0x0  }
0x2e5: {  	[sflag:s12] =	ssyncadd.s32 $0xFFFFFF80  }
0x2e6: {  	_ =	swait.ge [sflag:s12], $0x80  }
0x2e7: {  	[sflag:s12] =	ssyncset.done $0x0  }
0x2e8: {  	[sflag:s12] =	ssyncadd.s32 $0xFFFFFF80  }
0x2e9: {  	_ =	swait.ge [sflag:s12], $0x80  }
0x2ea: {  	[sflag:s12] =	ssyncset.done $0x0  }
0x2eb: {  	[sflag:s12] =	ssyncadd.s32 $0xFFFFFF80  }
0x2ec: {  	_ =	swait.ge [sflag:s12], $0x80  }
0x2ed: {  	[sflag:s12] =	ssyncset.done $0x0  }
0x2ee: {  	[sflag:s12] =	ssyncadd.s32 $0xFFFFFF80  }
0x2ef: {  	_ =	swait.ge [sflag:s12], $0x80  }
0x2f0: {  	[sflag:s12] =	ssyncset.done $0x0  }
0x2f1: {  	[sflag:s12] =	ssyncadd.s32 $0xFFFFFF80  }
0x2f2: {  	_ =	swait.ge [sflag:s12], $0x80  }
0x2f3: {  	[sflag:s12] =	ssyncset.done $0x0  }
0x2f4: {  	[sflag:s12] =	ssyncadd.s32 $0xFFFFFF80  }
0x2f5: {  	_ =	swait.ge [sflag:s12], $0x80  }
0x2f6: {  	[sflag:s12] =	ssyncset.done $0x0  }
0x2f7: {  	[sflag:s12] =	ssyncadd.s32 $0xFFFFFF80  }
0x2f8: {  	_ =	swait.ge [sflag:s12], $0x80  }
0x2f9: {  	[sflag:s12] =	ssyncset.done $0x0  }
0x2fa: {  	[sflag:s12] =	ssyncadd.s32 $0xFFFFFF80  }
0x2fb: {  	_ =	swait.ge [sflag:s12], $0x80  }
0x2fc: {  	[sflag:s12] =	ssyncset.done $0x0  }
0x2fd: {  	[sflag:s12] =	ssyncadd.s32 $0xFFFFFF80  }
0x2fe: {  	_ =	swait.ge [sflag:s12], $0x80  }
0x2ff: {  	[sflag:s12] =	ssyncset.done $0x0  }
0x300: {  	[sflag:s12] =	ssyncadd.s32 $0xFFFFFF80  }
0x301: {  	_ =	swait.ge [sflag:s12], $0x80  }
0x302: {  	[sflag:s12] =	ssyncset.done $0x0  }
0x303: {  	[sflag:s12] =	ssyncadd.s32 $0xFFFFFF80  }
0x304: {  	_ =	swait.ge [sflag:s12], $0x80  }
0x305: {  	[sflag:s12] =	ssyncset.done $0x0  }
0x306: {  	[sflag:s12] =	ssyncadd.s32 $0xFFFFFF80  }
0x307: {  	_ =	swait.ge [sflag:s12], $0x80  }
0x308: {  	[sflag:s12] =	ssyncset.done $0x0  }
0x309: {  	[sflag:s12] =	ssyncadd.s32 $0xFFFFFF80  }
0x30a: {  	_ =	swait.ge [sflag:s12], $0x80  }
0x30b: {  	[sflag:s12] =	ssyncset.done $0x0  }
0x30c: {  	[sflag:s12] =	ssyncadd.s32 $0xFFFFFF80  }
0x30d: {  	_ =	swait.ge [sflag:s12], $0x80  }
0x30e: {  	[sflag:s12] =	ssyncset.done $0x0  }
0x30f: {  	[sflag:s12] =	ssyncadd.s32 $0xFFFFFF80  }
0x310: {  	_ =	swait.ge [sflag:s12], $0x80  }
0x311: {  	[sflag:s12] =	ssyncset.done $0x0  }
0x312: {  	[sflag:s12] =	ssyncadd.s32 $0xFFFFFF80  }
0x313: {  	_ =	swait.ge [sflag:s12], $0x80  }
0x314: {  	[sflag:s12] =	ssyncset.done $0x0  }
0x315: {  	[sflag:s12] =	ssyncadd.s32 $0xFFFFFF80  }
0x316: {  	_ =	swait.ge [sflag:s12], $0x80  }
0x317: {  	[sflag:s12] =	ssyncset.done $0x0  }
0x318: {  	[sflag:s12] =	ssyncadd.s32 $0xFFFFFF80  }
0x319: {  	_ =	swait.ge [sflag:s12], $0x80  }
0x31a: {  	[sflag:s12] =	ssyncset.done $0x0  }
0x31b: {  	[sflag:s12] =	ssyncadd.s32 $0xFFFFFF80  }
0x31c: {  	_ =	swait.ge [sflag:s12], $0x80  }
0x31d: {  	[sflag:s12] =	ssyncset.done $0x0  }
0x31e: {  	[sflag:s12] =	ssyncadd.s32 $0xFFFFFF80  }
0x31f: {  	_ =	swait.ge [sflag:s12], $0x80  }
0x320: {  	[sflag:s12] =	ssyncset.done $0x0  }
0x321: {  	[sflag:s12] =	ssyncadd.s32 $0xFFFFFF80  }
0x322: {  	_ =	swait.ge [sflag:s12], $0x80  }
0x323: {  	[sflag:s12] =	ssyncset.done $0x0  }
0x324: {  	[sflag:s12] =	ssyncadd.s32 $0xFFFFFF80  }
0x325: {  	_ =	swait.ge [sflag:s12], $0x80  }
0x326: {  	[sflag:s12] =	ssyncset.done $0x0  }
0x327: {  	[sflag:s12] =	ssyncadd.s32 $0xFFFFFF80  }
0x328: {  	_ =	swait.ge [sflag:s12], $0x80  }
0x329: {  	[sflag:s12] =	ssyncset.done $0x0  }
0x32a: {  	[sflag:s12] =	ssyncadd.s32 $0xFFFFFF80  }
0x32b: {  	_ =	swait.ge [sflag:s12], $0x80  }
0x32c: {  	[sflag:s12] =	ssyncset.done $0x0  }
0x32d: {  	[sflag:s12] =	ssyncadd.s32 $0xFFFFFF80  }
0x32e: {  	_ =	swait.ge [sflag:s12], $0x80  }
0x32f: {  	[sflag:s12] =	ssyncset.done $0x0  }
0x330: {  	[sflag:s12] =	ssyncadd.s32 $0xFFFFFF80  }
0x331: {  	_ =	swait.ge [sflag:s12], $0x80  }
0x332: {  	[sflag:s12] =	ssyncset.done $0x0  }
0x333: {  	[sflag:s12] =	ssyncadd.s32 $0xFFFFFF80  }
0x334: {  	_ =	swait.ge [sflag:s12], $0x80  }
0x335: {  	[sflag:s12] =	ssyncset.done $0x0  }
0x336: {  	[sflag:s12] =	ssyncadd.s32 $0xFFFFFF80  }
0x337: {  	_ =	swait.ge [sflag:s12], $0x80  }
0x338: {  	[sflag:s12] =	ssyncset.done $0x0  }
0x339: {  	[sflag:s12] =	ssyncadd.s32 $0xFFFFFF80  }
0x33a: {  	_ =	swait.ge [sflag:s12], $0x80  }
0x33b: {  	[sflag:s12] =	ssyncset.done $0x0  }
0x33c: {  	[sflag:s12] =	ssyncadd.s32 $0xFFFFFF80  }
0x33d: {  	_ =	swait.ge [sflag:s12], $0x80  }
0x33e: {  	[sflag:s12] =	ssyncset.done $0x0  }
0x33f: {  	[sflag:s12] =	ssyncadd.s32 $0xFFFFFF80  }
0x340: {  	_ =	swait.ge [sflag:s12], $0x80  }
0x341: {  	s30 =	rddreg [dreg:$0x4];
	[sflag:s12] =	ssyncset.done $0x0  }
0x342: {  	[sflag:s12] =	ssyncadd.s32 $0xFFFFFF80;
	s18 =	sadd.s32 s17, s30  }
0x343: {  	[hbm4b:s18+s2] =	stream.linear.scatter [tilespmem:s10], [sflag:$0x3], $0x2000, $0x38;
	[tilespmem:$0x4400] =	vst v63  }
0x344: {  	_ =	swait.ge [sflag:s8], $0x2000  }
0x345: {  	[sflag:s8] =	ssyncset.done $0x0  }
0x346: {  	[sflag:s8] =	ssyncadd.s32 $0xFFFFE000  }
0x347: {  	_ =	swait.ge [sflag:s13], $0x80  }
0x348: {  	[sflag:s13] =	ssyncset.done $0x0  }
0x349: {  	[sflag:s13] =	ssyncadd.s32 $0xFFFFFF80  }
0x34a: {  	_ =	swait.ge [sflag:s13], $0x80  }
0x34b: {  	[sflag:s13] =	ssyncset.done $0x0  }
0x34c: {  	[sflag:s13] =	ssyncadd.s32 $0xFFFFFF80  }
0x34d: {  	_ =	swait.ge [sflag:s13], $0x80  }
0x34e: {  	[sflag:s13] =	ssyncset.done $0x0  }
0x34f: {  	[sflag:s13] =	ssyncadd.s32 $0xFFFFFF80  }
0x350: {  	_ =	swait.ge [sflag:s13], $0x80  }
0x351: {  	[sflag:s13] =	ssyncset.done $0x0  }
0x352: {  	[sflag:s13] =	ssyncadd.s32 $0xFFFFFF80  }
0x353: {  	_ =	swait.ge [sflag:s13], $0x80  }
0x354: {  	[sflag:s13] =	ssyncset.done $0x0  }
0x355: {  	[sflag:s13] =	ssyncadd.s32 $0xFFFFFF80  }
0x356: {  	_ =	swait.ge [sflag:s13], $0x80  }
0x357: {  	[sflag:s13] =	ssyncset.done $0x0  }
0x358: {  	[sflag:s13] =	ssyncadd.s32 $0xFFFFFF80  }
0x359: {  	_ =	swait.ge [sflag:s13], $0x80  }
0x35a: {  	[sflag:s13] =	ssyncset.done $0x0  }
0x35b: {  	[sflag:s13] =	ssyncadd.s32 $0xFFFFFF80  }
0x35c: {  	_ =	swait.ge [sflag:s13], $0x80  }
0x35d: {  	[sflag:s13] =	ssyncset.done $0x0  }
0x35e: {  	[sflag:s13] =	ssyncadd.s32 $0xFFFFFF80  }
0x35f: {  	_ =	swait.ge [sflag:s13], $0x80  }
0x360: {  	[sflag:s13] =	ssyncset.done $0x0  }
0x361: {  	[sflag:s13] =	ssyncadd.s32 $0xFFFFFF80  }
0x362: {  	_ =	swait.ge [sflag:s13], $0x80  }
0x363: {  	[sflag:s13] =	ssyncset.done $0x0  }
0x364: {  	[sflag:s13] =	ssyncadd.s32 $0xFFFFFF80  }
0x365: {  	_ =	swait.ge [sflag:s13], $0x80  }
0x366: {  	[sflag:s13] =	ssyncset.done $0x0  }
0x367: {  	[sflag:s13] =	ssyncadd.s32 $0xFFFFFF80  }
0x368: {  	_ =	swait.ge [sflag:s13], $0x80  }
0x369: {  	[sflag:s13] =	ssyncset.done $0x0  }
0x36a: {  	[sflag:s13] =	ssyncadd.s32 $0xFFFFFF80  }
0x36b: {  	_ =	swait.ge [sflag:s13], $0x80  }
0x36c: {  	[sflag:s13] =	ssyncset.done $0x0  }
0x36d: {  	[sflag:s13] =	ssyncadd.s32 $0xFFFFFF80  }
0x36e: {  	_ =	swait.ge [sflag:s13], $0x80  }
0x36f: {  	[sflag:s13] =	ssyncset.done $0x0  }
0x370: {  	[sflag:s13] =	ssyncadd.s32 $0xFFFFFF80  }
0x371: {  	_ =	swait.ge [sflag:s13], $0x80  }
0x372: {  	[sflag:s13] =	ssyncset.done $0x0  }
0x373: {  	[sflag:s13] =	ssyncadd.s32 $0xFFFFFF80  }
0x374: {  	_ =	swait.ge [sflag:s13], $0x80  }
0x375: {  	[sflag:s13] =	ssyncset.done $0x0  }
0x376: {  	[sflag:s13] =	ssyncadd.s32 $0xFFFFFF80  }
0x377: {  	_ =	swait.ge [sflag:s13], $0x80  }
0x378: {  	[sflag:s13] =	ssyncset.done $0x0  }
0x379: {  	[sflag:s13] =	ssyncadd.s32 $0xFFFFFF80  }
0x37a: {  	_ =	swait.ge [sflag:s13], $0x80  }
0x37b: {  	[sflag:s13] =	ssyncset.done $0x0  }
0x37c: {  	[sflag:s13] =	ssyncadd.s32 $0xFFFFFF80  }
0x37d: {  	_ =	swait.ge [sflag:s13], $0x80  }
0x37e: {  	[sflag:s13] =	ssyncset.done $0x0  }
0x37f: {  	[sflag:s13] =	ssyncadd.s32 $0xFFFFFF80  }
0x380: {  	_ =	swait.ge [sflag:s13], $0x80  }
0x381: {  	[sflag:s13] =	ssyncset.done $0x0  }
0x382: {  	[sflag:s13] =	ssyncadd.s32 $0xFFFFFF80  }
0x383: {  	_ =	swait.ge [sflag:s13], $0x80  }
0x384: {  	[sflag:s13] =	ssyncset.done $0x0  }
0x385: {  	[sflag:s13] =	ssyncadd.s32 $0xFFFFFF80  }
0x386: {  	_ =	swait.ge [sflag:s13], $0x80  }
0x387: {  	[sflag:s13] =	ssyncset.done $0x0  }
0x388: {  	[sflag:s13] =	ssyncadd.s32 $0xFFFFFF80  }
0x389: {  	_ =	swait.ge [sflag:s13], $0x80  }
0x38a: {  	[sflag:s13] =	ssyncset.done $0x0  }
0x38b: {  	[sflag:s13] =	ssyncadd.s32 $0xFFFFFF80  }
0x38c: {  	_ =	swait.ge [sflag:s13], $0x80  }
0x38d: {  	[sflag:s13] =	ssyncset.done $0x0  }
0x38e: {  	[sflag:s13] =	ssyncadd.s32 $0xFFFFFF80  }
0x38f: {  	_ =	swait.ge [sflag:s13], $0x80  }
0x390: {  	[sflag:s13] =	ssyncset.done $0x0  }
0x391: {  	[sflag:s13] =	ssyncadd.s32 $0xFFFFFF80  }
0x392: {  	_ =	swait.ge [sflag:s13], $0x80  }
0x393: {  	[sflag:s13] =	ssyncset.done $0x0  }
0x394: {  	[sflag:s13] =	ssyncadd.s32 $0xFFFFFF80  }
0x395: {  	_ =	swait.ge [sflag:s13], $0x80  }
0x396: {  	[sflag:s13] =	ssyncset.done $0x0  }
0x397: {  	[sflag:s13] =	ssyncadd.s32 $0xFFFFFF80  }
0x398: {  	_ =	swait.ge [sflag:s13], $0x80  }
0x399: {  	[sflag:s13] =	ssyncset.done $0x0  }
0x39a: {  	[sflag:s13] =	ssyncadd.s32 $0xFFFFFF80  }
0x39b: {  	_ =	swait.ge [sflag:s13], $0x80  }
0x39c: {  	[sflag:s13] =	ssyncset.done $0x0  }
0x39d: {  	[sflag:s13] =	ssyncadd.s32 $0xFFFFFF80  }
0x39e: {  	_ =	swait.ge [sflag:s13], $0x80  }
0x39f: {  	[sflag:s13] =	ssyncset.done $0x0  }
0x3a0: {  	[sflag:s13] =	ssyncadd.s32 $0xFFFFFF80  }
0x3a1: {  	_ =	swait.ge [sflag:s13], $0x80  }
0x3a2: {  	[sflag:s13] =	ssyncset.done $0x0  }
0x3a3: {  	[sflag:s13] =	ssyncadd.s32 $0xFFFFFF80  }
0x3a4: {  	_ =	swait.ge [sflag:s13], $0x80  }
0x3a5: {  	[sflag:s13] =	ssyncset.done $0x0  }
0x3a6: {  	[sflag:s13] =	ssyncadd.s32 $0xFFFFFF80  }
0x3a7: {  	_ =	swait.ge [sflag:s13], $0x80  }
0x3a8: {  	[sflag:s13] =	ssyncset.done $0x0  }
0x3a9: {  	[sflag:s13] =	ssyncadd.s32 $0xFFFFFF80  }
0x3aa: {  	_ =	swait.ge [sflag:s13], $0x80  }
0x3ab: {  	[sflag:s13] =	ssyncset.done $0x0  }
0x3ac: {  	[sflag:s13] =	ssyncadd.s32 $0xFFFFFF80  }
0x3ad: {  	_ =	swait.ge [sflag:s13], $0x80  }
0x3ae: {  	[sflag:s13] =	ssyncset.done $0x0  }
0x3af: {  	[sflag:s13] =	ssyncadd.s32 $0xFFFFFF80  }
0x3b0: {  	_ =	swait.ge [sflag:s13], $0x80  }
0x3b1: {  	[sflag:s13] =	ssyncset.done $0x0  }
0x3b2: {  	[sflag:s13] =	ssyncadd.s32 $0xFFFFFF80  }
0x3b3: {  	_ =	swait.ge [sflag:s13], $0x80  }
0x3b4: {  	[sflag:s13] =	ssyncset.done $0x0  }
0x3b5: {  	[sflag:s13] =	ssyncadd.s32 $0xFFFFFF80  }
0x3b6: {  	_ =	swait.ge [sflag:s13], $0x80  }
0x3b7: {  	[sflag:s13] =	ssyncset.done $0x0  }
0x3b8: {  	[sflag:s13] =	ssyncadd.s32 $0xFFFFFF80  }
0x3b9: {  	_ =	swait.ge [sflag:s13], $0x80  }
0x3ba: {  	[sflag:s13] =	ssyncset.done $0x0  }
0x3bb: {  	[sflag:s13] =	ssyncadd.s32 $0xFFFFFF80  }
0x3bc: {  	_ =	swait.ge [sflag:s13], $0x80  }
0x3bd: {  	[sflag:s13] =	ssyncset.done $0x0  }
0x3be: {  	[sflag:s13] =	ssyncadd.s32 $0xFFFFFF80  }
0x3bf: {  	_ =	swait.ge [sflag:s13], $0x80  }
0x3c0: {  	[sflag:s13] =	ssyncset.done $0x0  }
0x3c1: {  	[sflag:s13] =	ssyncadd.s32 $0xFFFFFF80  }
0x3c2: {  	_ =	swait.ge [sflag:s13], $0x80  }
0x3c3: {  	[sflag:s13] =	ssyncset.done $0x0  }
0x3c4: {  	[sflag:s13] =	ssyncadd.s32 $0xFFFFFF80  }
0x3c5: {  	_ =	swait.ge [sflag:s13], $0x80  }
0x3c6: {  	[sflag:s13] =	ssyncset.done $0x0  }
0x3c7: {  	[sflag:s13] =	ssyncadd.s32 $0xFFFFFF80  }
0x3c8: {  	_ =	swait.ge [sflag:s13], $0x80  }
0x3c9: {  	[sflag:s13] =	ssyncset.done $0x0  }
0x3ca: {  	[sflag:s13] =	ssyncadd.s32 $0xFFFFFF80  }
0x3cb: {  	_ =	swait.ge [sflag:s13], $0x80  }
0x3cc: {  	[sflag:s13] =	ssyncset.done $0x0  }
0x3cd: {  	[sflag:s13] =	ssyncadd.s32 $0xFFFFFF80  }
0x3ce: {  	_ =	swait.ge [sflag:s13], $0x80  }
0x3cf: {  	[sflag:s13] =	ssyncset.done $0x0  }
0x3d0: {  	[sflag:s13] =	ssyncadd.s32 $0xFFFFFF80  }
0x3d1: {  	_ =	swait.ge [sflag:s13], $0x80  }
0x3d2: {  	[sflag:s13] =	ssyncset.done $0x0  }
0x3d3: {  	[sflag:s13] =	ssyncadd.s32 $0xFFFFFF80  }
0x3d4: {  	_ =	swait.ge [sflag:s13], $0x80  }
0x3d5: {  	[sflag:s13] =	ssyncset.done $0x0  }
0x3d6: {  	[sflag:s13] =	ssyncadd.s32 $0xFFFFFF80  }
0x3d7: {  	_ =	swait.ge [sflag:s13], $0x80  }
0x3d8: {  	[sflag:s13] =	ssyncset.done $0x0  }
0x3d9: {  	[sflag:s13] =	ssyncadd.s32 $0xFFFFFF80  }
0x3da: {  	_ =	swait.ge [sflag:s13], $0x80  }
0x3db: {  	[sflag:s13] =	ssyncset.done $0x0  }
0x3dc: {  	[sflag:s13] =	ssyncadd.s32 $0xFFFFFF80  }
0x3dd: {  	_ =	swait.ge [sflag:s13], $0x80  }
0x3de: {  	[sflag:s13] =	ssyncset.done $0x0  }
0x3df: {  	[sflag:s13] =	ssyncadd.s32 $0xFFFFFF80  }
0x3e0: {  	_ =	swait.ge [sflag:s13], $0x80  }
0x3e1: {  	[sflag:s13] =	ssyncset.done $0x0  }
0x3e2: {  	[sflag:s13] =	ssyncadd.s32 $0xFFFFFF80  }
0x3e3: {  	_ =	swait.ge [sflag:s13], $0x80  }
0x3e4: {  	[sflag:s13] =	ssyncset.done $0x0  }
0x3e5: {  	[sflag:s13] =	ssyncadd.s32 $0xFFFFFF80  }
0x3e6: {  	_ =	swait.ge [sflag:s13], $0x80  }
0x3e7: {  	[sflag:s13] =	ssyncset.done $0x0  }
0x3e8: {  	[sflag:s13] =	ssyncadd.s32 $0xFFFFFF80  }
0x3e9: {  	_ =	swait.ge [sflag:s13], $0x80  }
0x3ea: {  	[sflag:s13] =	ssyncset.done $0x0  }
0x3eb: {  	[sflag:s13] =	ssyncadd.s32 $0xFFFFFF80  }
0x3ec: {  	_ =	swait.ge [sflag:s13], $0x80  }
0x3ed: {  	[sflag:s13] =	ssyncset.done $0x0  }
0x3ee: {  	[sflag:s13] =	ssyncadd.s32 $0xFFFFFF80  }
0x3ef: {  	_ =	swait.ge [sflag:s13], $0x80  }
0x3f0: {  	[sflag:s13] =	ssyncset.done $0x0  }
0x3f1: {  	[sflag:s13] =	ssyncadd.s32 $0xFFFFFF80  }
0x3f2: {  	_ =	swait.ge [sflag:s13], $0x80  }
0x3f3: {  	[sflag:s13] =	ssyncset.done $0x0  }
0x3f4: {  	[sflag:s13] =	ssyncadd.s32 $0xFFFFFF80  }
0x3f5: {  	_ =	swait.ge [sflag:s13], $0x80  }
0x3f6: {  	[sflag:s13] =	ssyncset.done $0x0  }
0x3f7: {  	[sflag:s13] =	ssyncadd.s32 $0xFFFFFF80  }
0x3f8: {  	_ =	swait.ge [sflag:s13], $0x80  }
0x3f9: {  	[sflag:s13] =	ssyncset.done $0x0  }
0x3fa: {  	[sflag:s13] =	ssyncadd.s32 $0xFFFFFF80  }
0x3fb: {  	_ =	swait.ge [sflag:s13], $0x80  }
0x3fc: {  	[sflag:s13] =	ssyncset.done $0x0  }
0x3fd: {  	[sflag:s13] =	ssyncadd.s32 $0xFFFFFF80  }
0x3fe: {  	_ =	swait.ge [sflag:s13], $0x80  }
0x3ff: {  	[sflag:s13] =	ssyncset.done $0x0  }
0x400: {  	[sflag:s13] =	ssyncadd.s32 $0xFFFFFF80  }
0x401: {  	_ =	swait.ge [sflag:s13], $0x80  }
0x402: {  	[sflag:s13] =	ssyncset.done $0x0  }
0x403: {  	[sflag:s13] =	ssyncadd.s32 $0xFFFFFF80  }
0x404: {  	_ =	swait.ge [sflag:s13], $0x80  }
0x405: {  	p0 =	sne.s32 s17, $0x1C00;
	s31 =	rddreg [dreg:$0x5];
	[sflag:s13] =	ssyncset.done $0x0  }
.Ltmp0:
0x406: {  	[sflag:s13] =	ssyncadd.s32 $0xFFFFFF80;
	s18 =	sadd.s32 s17, s31;
	(pc) =	sbr.rel @p0 .LBB2_2-.Ltmp0, $4  }
0x407: {  	[hbm4b:s18+s2] =	stream.linear.scatter [tilespmem:s11], [sflag:$0x3], $0x2000, $0x38;
	[tilespmem:$0x4400] =	vst v63  }
0x408: {  	_ =	swait.ge [sflag:s8], $0x2000  }
0x409: {  	s16 =	sadd.s32 $0x40, s16;
	[sflag:s8] =	ssyncset.done $0x0  }
0x40a: {  	s15 =	sadd.s32 $0x40, s15;
	s17 =	sadd.s32 $0x400, s17;
	[sflag:s8] =	ssyncadd.s32 $0xFFFFE000  }
0x40b: {  	s14 =	sadd.s32 $0x1, s14  }
0x40c: {  	p0 =	sne.s32 s14, s7  }
.Ltmp1:
0x40d: {  	_ = 	snop;
	(pc) =	sbr.rel @p0 .LBB2_1-.Ltmp1, $1  }
0x40e: {  	_ =	sdelay $0x3  }
0x40f: {  	_ =	sfence.sel $0x180000  }
0x410: {  	[bflag:$0x0] =	sbarrier.arrive $0xFFFF  }
0x411: {  	p0 =	sne.s32 s1, $0x0;
	_ =	strace $0x90000047  }
0x412: {  	s0 =	sadd.s32 @!p0 $0x100000, s0;
	[bflag:$0x2] =	sbarrier.arrive $0xFFFF  }
0x413: {  	[sflag:s0] =	ssyncadd.tile.s32 @!p0 $0x1;
	_ =	shalt  }
.Lfunc_end2:
_tile_overlayer_lowered:
.L_overlay_start_2:
0x414: {  	(tag) =	ssettag $0x2  }
0x415: {  	s0 =	rddreg [dreg:$0x0];
	s2 =	stileid.u32  }
0x416: {  	s1 =	rddreg [dreg:$0x1];
	p0 =	sne.s32 s2, $0x0  }
0x417: {  	s3 =	rddreg [dreg:$0x2];
	[bflag:$0x3] =	sbarrier.arrive $0xFFFF;
	s2 =	simm.s32 @!p0 $0x1C03  }
0x418: {  	[timem:s3], [sflag:s2] =	dma.local @!p0 [hbm:s0], s1  }
0x419: {  	s0 =	simm.s32 @!p0 $0x3  }
0x41a: {  	_ =	swait.ge @!p0 [sflag:s0], s1  }
0x41b: {  	s1 =	ssub.s32 @!p0 $0x0, s1;
	[sflag:s0] =	ssyncset.done @!p0 $0x0  }
0x41c: {  	[sflag:s0] =	ssyncadd.s32 @!p0 s1  }
0x41d: {  	[bflag:$0x3] =	sbarrier.arrive $0xFFFF  }
0x41e: {  	_ =	shalt  }

</sc_bundles>
